<compile_context>
chip_gen: v7x
topology: tpu7x:2x2x1
jax: 0.10.2.dev20260603
libtpu: 0.0.44.dev20260713+nightly
codegen_flags: <defaults>
</compile_context>

<pallas_src>
import functools

import jax
import jax.numpy as jnp
from jax import lax
from jax.experimental import pallas as pl
from jax.experimental.pallas import tpu as pltpu
from jax.experimental.pallas import tpu_sc as plsc

N = 10000
E = 320000
D = 128
NC = 2
NS = 16
NW = NC * NS
EPW = E // NW
K = 80
CH = EPW // K
SROW = 624
ZC = 16
DW = 128
RB = 1000
_F32 = jnp.float32
_PREC = lax.Precision.DEFAULT


def _zero_rows(sh_ref, zbuf_v, row0, last):
  def _zchunk(t, carry):
    pltpu.sync_copy(zbuf_v, sh_ref.at[pl.ds(row0 + t * ZC, ZC)])
    return carry

  lax.fori_loop(0, SROW // ZC, _zchunk, 0)

  @pl.when(last)
  def _():
    pltpu.sync_copy(zbuf_v, sh_ref.at[pl.ds(NS * SROW, N - NS * SROW)])


def _write_rows(sh_ref, out_hbm, cid, row0, last):
  pltpu.sync_copy(sh_ref.at[pl.ds(row0, SROW)], out_hbm.at[cid, pl.ds(row0, SROW)])

  @pl.when(last)
  def _():
    tail0 = NS * SROW
    tail = N - NS * SROW
    pltpu.sync_copy(sh_ref.at[pl.ds(tail0, tail)], out_hbm.at[cid, pl.ds(tail0, tail)])


def _deg_body(src_hbm, dst_hbm, dout_hbm, din_hbm,
              idx_v, idx2_v, ones_v, zbuf_v, acc_sh, sem0, sem1):
  cid = lax.axis_index("c")
  sid = lax.axis_index("s")
  row0 = pl.multiple_of(sid * SROW, 8)
  last = sid == NS - 1
  eps = E // NS
  ch = eps // K

  def _init(i, carry):
    for c in range(DW // 16):
      ones_v[i, pl.ds(c * 16, 16)] = jnp.ones((16,), _F32)
      zbuf_v[i, pl.ds(c * 16, 16)] = jnp.zeros((16,), _F32)
    return carry

  lax.fori_loop(0, ZC, _init, 0)

  def _ones(i, carry):
    for c in range(DW // 16):
      ones_v[ZC + i, pl.ds(c * 16, 16)] = jnp.ones((16,), _F32)
    return carry

  lax.fori_loop(0, K - ZC, _ones, 0)

  _zero_rows(acc_sh, zbuf_v, row0, last)
  plsc.subcore_barrier()

  for core, idx_hbm in ((0, src_hbm), (1, dst_hbm)):
    @pl.when(cid == core)
    def _():
      def _chunk(j):
        return pl.ds(pl.multiple_of(sid * eps + j * K, 8), K)

      def _pair(jj, carry):
        j = jj * 2

        @pl.when(jj > 0)
        def _():
          pltpu.make_async_copy(ones_v, acc_sh.at[idx_v], sem0).wait()

        pltpu.sync_copy(idx_hbm.at[_chunk(j)], idx_v)
        pltpu.async_copy(ones_v, acc_sh.at[idx_v], sem0, add=True)

        @pl.when(jj > 0)
        def _():
          pltpu.make_async_copy(ones_v, acc_sh.at[idx2_v], sem1).wait()

        pltpu.sync_copy(idx_hbm.at[_chunk(j + 1)], idx2_v)
        pltpu.async_copy(ones_v, acc_sh.at[idx2_v], sem1, add=True)
        return carry

      lax.fori_loop(0, ch // 2, _pair, 0)
      pltpu.make_async_copy(ones_v, acc_sh.at[idx_v], sem0).wait()
      pltpu.make_async_copy(ones_v, acc_sh.at[idx2_v], sem1).wait()

  plsc.subcore_barrier()

  for core, out_hbm in ((0, dout_hbm), (1, din_hbm)):
    @pl.when(cid == core)
    def _():
      pltpu.sync_copy(acc_sh.at[pl.ds(row0, SROW)], out_hbm.at[pl.ds(row0, SROW)])

      @pl.when(last)
      def _():
        tail0 = NS * SROW
        tail = N - NS * SROW
        pltpu.sync_copy(acc_sh.at[pl.ds(tail0, tail)], out_hbm.at[pl.ds(tail0, tail)])


def _agg_body(hs_hbm, src_hbm, dst_hbm, out_hbm,
              sidx0, sidx1, didx0, didx1, rows0, rows1, zbuf_v, agg_sh,
              sem0, sem1):
  cid = lax.axis_index("c")
  sid = lax.axis_index("s")
  wid = sid * NC + cid
  row0 = pl.multiple_of(sid * SROW, 8)
  last = sid == NS - 1
  e0 = wid * EPW

  def _zrow(i, carry):
    for c in range(D // 16):
      zbuf_v[i, pl.ds(c * 16, 16)] = jnp.zeros((16,), _F32)
    return carry

  lax.fori_loop(0, ZC, _zrow, 0)
  _zero_rows(agg_sh, zbuf_v, row0, last)
  plsc.subcore_barrier()

  def _chunk(j):
    return pl.ds(pl.multiple_of(e0 + j * K, 8), K)

  pltpu.sync_copy(src_hbm.at[_chunk(0)], sidx0)
  pltpu.async_copy(hs_hbm.at[sidx0], rows0, sem0)

  def _pair(jj, carry):
    j = jj * 2
    pltpu.sync_copy(src_hbm.at[_chunk(j + 1)], sidx1)
    pltpu.async_copy(hs_hbm.at[sidx1], rows1, sem1)
    pltpu.sync_copy(dst_hbm.at[_chunk(j)], didx0)
    pltpu.make_async_copy(hs_hbm.at[sidx0], rows0, sem0).wait()
    pltpu.sync_copy(rows0, agg_sh.at[didx0], add=True)

    pltpu.sync_copy(src_hbm.at[_chunk(j + 2)], sidx0)
    pltpu.async_copy(hs_hbm.at[sidx0], rows0, sem0)
    pltpu.sync_copy(dst_hbm.at[_chunk(j + 1)], didx1)
    pltpu.make_async_copy(hs_hbm.at[sidx1], rows1, sem1).wait()
    pltpu.sync_copy(rows1, agg_sh.at[didx1], add=True)
    return carry

  lax.fori_loop(0, (CH - 1) // 2, _pair, 0)

  pltpu.sync_copy(dst_hbm.at[_chunk(CH - 1)], didx0)
  pltpu.make_async_copy(hs_hbm.at[sidx0], rows0, sem0).wait()
  pltpu.sync_copy(rows0, agg_sh.at[didx0], add=True)

  plsc.subcore_barrier()
  _write_rows(agg_sh, out_hbm, cid, row0, last)


def _sc_mesh():
  return plsc.VectorSubcoreMesh(core_axis_name="c", subcore_axis_name="s",
                                num_cores=NC, num_subcores=NS)


def _sc_degree(src, dst):
  fn = pl.kernel(
      _deg_body,
      out_type=[jax.ShapeDtypeStruct((N, DW), _F32),
                jax.ShapeDtypeStruct((N, DW), _F32)],
      mesh=_sc_mesh(),
      scratch_types=[
          pltpu.VMEM((K,), jnp.int32),
          pltpu.VMEM((K,), jnp.int32),
          pltpu.VMEM((K, DW), _F32),
          pltpu.VMEM((ZC, DW), _F32),
          pltpu.VMEM_SHARED((N, DW), _F32),
          pltpu.SemaphoreType.DMA,
          pltpu.SemaphoreType.DMA,
      ],
  )
  return fn(src, dst)


def _sc_agg(hs, src, dst):
  fn = pl.kernel(
      _agg_body,
      out_type=jax.ShapeDtypeStruct((NC, N, D), _F32),
      mesh=_sc_mesh(),
      scratch_types=[
          pltpu.VMEM((K,), jnp.int32),
          pltpu.VMEM((K,), jnp.int32),
          pltpu.VMEM((K,), jnp.int32),
          pltpu.VMEM((K,), jnp.int32),
          pltpu.VMEM((K, D), _F32),
          pltpu.VMEM((K, D), _F32),
          pltpu.VMEM((ZC, D), _F32),
          pltpu.VMEM_SHARED((N, D), _F32),
          pltpu.SemaphoreType.DMA,
          pltpu.SemaphoreType.DMA,
      ],
  )
  return fn(hs, src, dst)


def _scale_in(dp_ref):
  return lax.rsqrt(jnp.maximum(dp_ref[:, 0:1], 1.0))


def _tc_first_body(x_ref, w_ref, dop_ref, o_ref):
  h = jnp.dot(x_ref[...], w_ref[...], preferred_element_type=_F32,
              precision=_PREC)
  o_ref[...] = h * _scale_in(dop_ref)


def _tc_mid_body(a_ref, dip_ref, dop_ref, b_ref, w_ref, o_ref):
  a = (a_ref[0] + a_ref[1]) * _scale_in(dip_ref)
  x = jnp.maximum(a + b_ref[...], 0.0)
  h = jnp.dot(x, w_ref[...], preferred_element_type=_F32, precision=_PREC)
  o_ref[...] = h * _scale_in(dop_ref)


def _tc_final_body(a_ref, dip_ref, b_ref, wp_ref, bp_ref, o_ref, acc_ref):
  i = pl.program_id(0)
  a = (a_ref[0] + a_ref[1]) * _scale_in(dip_ref)
  x = jnp.maximum(a + b_ref[...], 0.0)
  part = jnp.dot(jnp.ones((1, RB), _F32), x, preferred_element_type=_F32,
                 precision=_PREC)

  @pl.when(i == 0)
  def _():
    acc_ref[...] = part

  @pl.when(i > 0)
  def _():
    acc_ref[...] = acc_ref[...] + part

  @pl.when(i == pl.num_programs(0) - 1)
  def _():
    hg = acc_ref[...] * (1.0 / N)
    o_ref[...] = jnp.sum(hg * wp_ref[...], axis=1, keepdims=True) + bp_ref[...]


def _row_spec(width):
  return pl.BlockSpec((RB, width), lambda i: (i, 0))


def _part_spec(width):
  return pl.BlockSpec((NC, RB, width), lambda i: (0, i, 0))


def _full_spec(shape):
  return pl.BlockSpec(shape, lambda i: tuple(0 for _ in shape))


def _tc_first(x, w, dout_p):
  return pl.pallas_call(
      _tc_first_body,
      grid=(N // RB,),
      in_specs=[_row_spec(D), _full_spec((D, D)), _row_spec(DW)],
      out_specs=_row_spec(D),
      out_shape=jax.ShapeDtypeStruct((N, D), _F32),
  )(x, w, dout_p)


def _tc_mid(agg_p, din_p, dout_p, b, w):
  return pl.pallas_call(
      _tc_mid_body,
      grid=(N // RB,),
      in_specs=[_part_spec(D), _row_spec(DW), _row_spec(DW),
                _full_spec((1, D)), _full_spec((D, D))],
      out_specs=_row_spec(D),
      out_shape=jax.ShapeDtypeStruct((N, D), _F32),
  )(agg_p, din_p, dout_p, b, w)


def _tc_final(agg_p, din_p, b, wp, bp):
  return pl.pallas_call(
      _tc_final_body,
      grid=(N // RB,),
      in_specs=[_part_spec(D), _row_spec(DW), _full_spec((1, D)),
                _full_spec((1, D)), _full_spec((1, 1))],
      out_specs=_full_spec((1, 1)),
      out_shape=jax.ShapeDtypeStruct((1, 1), _F32),
      scratch_shapes=[pltpu.VMEM((1, D), _F32)],
  )(agg_p, din_p, b, wp.reshape(1, D), bp)


@jax.jit
def _run(features, src, dst, W1, b1, W2, b2, W3, b3, W4, b4, Wp, bp):
  dout_p, din_p = _sc_degree(src, dst)
  hs = _tc_first(features, W1, dout_p)
  for b, w in ((b1, W2), (b2, W3), (b3, W4)):
    agg_p = _sc_agg(hs, src, dst)
    hs = _tc_mid(agg_p, din_p, dout_p, b.reshape(1, D), w)
  agg_p = _sc_agg(hs, src, dst)
  return _tc_final(agg_p, din_p, b4.reshape(1, D), Wp, bp.reshape(1, 1))


def kernel(features, edge_index, W1, b1, W2, b2, W3, b3, W4, b4, Wp, bp):
  src = edge_index[0]
  dst = edge_index[1]
  return _run(features, src, dst, W1, b1, W2, b2, W3, b3, W4, b4, Wp, bp)

# --- scband reference (transcript-rebuilt; emitter-appended) ---
"""Pipeline reference for scband-basic-gcnregressor-66425964200347 (READ-ONLY COPY).

The authoritative reference and input builder live on the scoring server;
editing this copy changes nothing except your own understanding.
"""

import jax, jax.numpy as jnp
import numpy as np

N_NODES = 10000
N_EDGES = 320000
IN_DIM = 128
HIDDEN_DIM = 128
N_CLASSES = 1


def gcn_conv(x, src, dst, W, b):
    # DGL GraphConv with norm='both': D_dst^{-1/2} A D_src^{-1/2} X W + b, then ReLU activation
    n = x.shape[0]
    ones = jnp.ones((src.shape[0],), dtype=x.dtype)
    deg_out = jnp.zeros((n,), dtype=x.dtype).at[src].add(ones)
    deg_in = jnp.zeros((n,), dtype=x.dtype).at[dst].add(ones)
    deg_out = jnp.clip(deg_out, 1.0, None)
    deg_in = jnp.clip(deg_in, 1.0, None)
    h = x @ W
    h = h * (deg_out ** -0.5)[:, None]
    msg = jnp.take(h, src, axis=0)
    agg = jnp.zeros((n, W.shape[1]), dtype=x.dtype).at[dst].add(msg)
    agg = agg * (deg_in ** -0.5)[:, None]
    return jax.nn.relu(agg + b)


def setup_inputs(seed: int = 0) -> dict:
    key = jax.random.key(seed)
    ks = jax.random.split(key, 12)
    features = jax.random.normal(ks[0], (N_NODES, IN_DIM), dtype=jnp.float32)
    edge_index = jax.random.randint(ks[1], (2, N_EDGES), 0, N_NODES, dtype=jnp.int32)
    W1 = jax.random.normal(ks[2], (IN_DIM, HIDDEN_DIM), dtype=jnp.float32) * 0.05
    b1 = jnp.zeros((HIDDEN_DIM,), dtype=jnp.float32)
    W2 = jax.random.normal(ks[3], (HIDDEN_DIM, HIDDEN_DIM), dtype=jnp.float32) * 0.05
    b2 = jnp.zeros((HIDDEN_DIM,), dtype=jnp.float32)
    W3 = jax.random.normal(ks[4], (HIDDEN_DIM, HIDDEN_DIM), dtype=jnp.float32) * 0.05
    b3 = jnp.zeros((HIDDEN_DIM,), dtype=jnp.float32)
    W4 = jax.random.normal(ks[5], (HIDDEN_DIM, HIDDEN_DIM), dtype=jnp.float32) * 0.05
    b4 = jnp.zeros((HIDDEN_DIM,), dtype=jnp.float32)
    Wp = jax.random.normal(ks[6], (HIDDEN_DIM, N_CLASSES), dtype=jnp.float32) * 0.05
    bp = jnp.zeros((N_CLASSES,), dtype=jnp.float32)
    return {"features": features, "edge_index": edge_index, "W1": W1, "b1": b1, "W2": W2, "b2": b2, "W3": W3, "b3": b3, "W4": W4, "b4": b4, "Wp": Wp, "bp": bp}


def reference(features, edge_index, W1, b1, W2, b2, W3, b3, W4, b4, Wp, bp):
    src = edge_index[0]
    dst = edge_index[1]
    h = gcn_conv(features, src, dst, W1, b1)
    h = gcn_conv(h, src, dst, W2, b2)
    h = gcn_conv(h, src, dst, W3, b3)
    h = gcn_conv(h, src, dst, W4, b4)
    hg = jnp.mean(h, axis=0, keepdims=True)  # dgl.mean_nodes over single graph -> [1, hidden]
    return hg @ Wp + bp  # [1, n_classes]

if __name__ == "__main__":
    import jax
    _d = setup_inputs()
    print(jax.jit(kernel)(*tuple(_d.values())))

</pallas_src>

<mosaic_0001>
#map = affine_map<(d0, d1) -> (0, 0)>
#map1 = affine_map<(d0, d1) -> (0)>
#map2 = affine_map<(d0, d1) -> (0, 0, 0)>
module attributes {stable_mosaic.version = 14 : i64} {
  func.func @_agg_body(%arg0: i32, %arg1: i32, %arg2: memref<10000x128xf32, #tpu.memory_space<hbm>>, %arg3: memref<320000xi32, #tpu.memory_space<hbm>>, %arg4: memref<320000xi32, #tpu.memory_space<hbm>>, %arg5: memref<2x10000x128xf32, #tpu.memory_space<hbm>>, %arg6: memref<80xi32, #tpu.memory_space<vmem>>, %arg7: memref<80xi32, #tpu.memory_space<vmem>>, %arg8: memref<80xi32, #tpu.memory_space<vmem>>, %arg9: memref<80xi32, #tpu.memory_space<vmem>>, %arg10: memref<80x128xf32, #tpu.memory_space<vmem>>, %arg11: memref<80x128xf32, #tpu.memory_space<vmem>>, %arg12: memref<16x128xf32, #tpu.memory_space<vmem>>, %arg13: memref<10000x128xf32, #tpu.memory_space<vmem_shared>>, %arg14: memref<!tpu.dma_semaphore, #tpu.memory_space<semaphore_mem>>, %arg15: memref<!tpu.dma_semaphore, #tpu.memory_space<semaphore_mem>>) attributes {dimension_semantics = [#tpu.dimension_semantics<core_parallel>, #tpu.dimension_semantics<subcore_parallel>], iteration_bounds = array<i64: 2, 16>, scalar_prefetch = 0 : i64, scratch_operands = 10 : i64, tpu.core_type = #tpu.core_type<sc_vector_subcore>, window_params = [{transform_indices = #map}, {transform_indices = #map1}, {transform_indices = #map1}, {transform_indices = #map2}]} {
    %mul3A = arith.constant 2 : i32
    %mul3A_0 = arith.muli %arg1, %mul3A : i32
    %add3A = arith.addi %mul3A_0, %arg0 : i32
    %mul3A_1 = arith.constant 624 : i32
    %mul3A_2 = arith.muli %arg1, %mul3A_1 : i32
    %multiple_of3A = tpu.assume_multiple %mul3A_2, 8 : i32
    %eq3A = arith.constant 15 : i32
    %eq3A_3 = arith.cmpi eq, %arg1, %eq3A : i32
    %mul3A_4 = arith.constant 10000 : i32
    %mul3A_5 = arith.muli %add3A, %mul3A_4 : i32
    %scan3A = arith.constant 0 : i32
    %scan3A_6 = arith.constant 0 : i32
    %scan3A_7 = arith.constant 16 : i32
    %scan3A_8 = arith.addi %scan3A_6, %scan3A_7 : i32
    %scan3A_9 = arith.constant 1 : i32
    scf.for %scan3A_38 = %scan3A_6 to %scan3A_8 step %scan3A_9  : i32 {
      %broadcast_in_dim3A = arith.constant 0.000000e+00 : f32
      %broadcast_in_dim3A_39 = vector.broadcast %broadcast_in_dim3A : f32 to vector<16xf32>
      %swap3A = arith.index_cast %scan3A_38 : i32 to index
      %swap3A_40 = arith.constant 0 : index
      %swap3A_41 = tpu.vector_load %arg12[%swap3A, %swap3A_40] {strides = array<i32>} : memref<16x128xf32, #tpu.memory_space<vmem>>, vector<1x16xf32>,
      %swap3A_42 = vector.shape_cast %swap3A_41 : vector<1x16xf32> to vector<16xf32>
      %swap3A_43 = vector.shape_cast %broadcast_in_dim3A_39 : vector<16xf32> to vector<1x16xf32>
      tpu.vector_store %arg12[%swap3A, %swap3A_40], %swap3A_43 {strides = array<i32>} : memref<16x128xf32, #tpu.memory_space<vmem>>, vector<1x16xf32>,
      %broadcast_in_dim3A_44 = arith.constant 0.000000e+00 : f32
      %broadcast_in_dim3A_45 = vector.broadcast %broadcast_in_dim3A_44 : f32 to vector<16xf32>
      %swap3A_46 = arith.index_cast %scan3A_38 : i32 to index
      %swap3A_47 = arith.constant 16 : index
      %swap3A_48 = tpu.vector_load %arg12[%swap3A_46, %swap3A_47] {strides = array<i32>} : memref<16x128xf32, #tpu.memory_space<vmem>>, vector<1x16xf32>,
      %swap3A_49 = vector.shape_cast %swap3A_48 : vector<1x16xf32> to vector<16xf32>
      %swap3A_50 = vector.shape_cast %broadcast_in_dim3A_45 : vector<16xf32> to vector<1x16xf32>
      tpu.vector_store %arg12[%swap3A_46, %swap3A_47], %swap3A_50 {strides = array<i32>} : memref<16x128xf32, #tpu.memory_space<vmem>>, vector<1x16xf32>,
      %broadcast_in_dim3A_51 = arith.constant 0.000000e+00 : f32
      %broadcast_in_dim3A_52 = vector.broadcast %broadcast_in_dim3A_51 : f32 to vector<16xf32>
      %swap3A_53 = arith.index_cast %scan3A_38 : i32 to index
      %swap3A_54 = arith.constant 32 : index
      %swap3A_55 = tpu.vector_load %arg12[%swap3A_53, %swap3A_54] {strides = array<i32>} : memref<16x128xf32, #tpu.memory_space<vmem>>, vector<1x16xf32>,
      %swap3A_56 = vector.shape_cast %swap3A_55 : vector<1x16xf32> to vector<16xf32>
      %swap3A_57 = vector.shape_cast %broadcast_in_dim3A_52 : vector<16xf32> to vector<1x16xf32>
      tpu.vector_store %arg12[%swap3A_53, %swap3A_54], %swap3A_57 {strides = array<i32>} : memref<16x128xf32, #tpu.memory_space<vmem>>, vector<1x16xf32>,
      %broadcast_in_dim3A_58 = arith.constant 0.000000e+00 : f32
      %broadcast_in_dim3A_59 = vector.broadcast %broadcast_in_dim3A_58 : f32 to vector<16xf32>
      %swap3A_60 = arith.index_cast %scan3A_38 : i32 to index
      %swap3A_61 = arith.constant 48 : index
      %swap3A_62 = tpu.vector_load %arg12[%swap3A_60, %swap3A_61] {strides = array<i32>} : memref<16x128xf32, #tpu.memory_space<vmem>>, vector<1x16xf32>,
      %swap3A_63 = vector.shape_cast %swap3A_62 : vector<1x16xf32> to vector<16xf32>
      %swap3A_64 = vector.shape_cast %broadcast_in_dim3A_59 : vector<16xf32> to vector<1x16xf32>
      tpu.vector_store %arg12[%swap3A_60, %swap3A_61], %swap3A_64 {strides = array<i32>} : memref<16x128xf32, #tpu.memory_space<vmem>>, vector<1x16xf32>,
      %broadcast_in_dim3A_65 = arith.constant 0.000000e+00 : f32
      %broadcast_in_dim3A_66 = vector.broadcast %broadcast_in_dim3A_65 : f32 to vector<16xf32>
      %swap3A_67 = arith.index_cast %scan3A_38 : i32 to index
      %swap3A_68 = arith.constant 64 : index
      %swap3A_69 = tpu.vector_load %arg12[%swap3A_67, %swap3A_68] {strides = array<i32>} : memref<16x128xf32, #tpu.memory_space<vmem>>, vector<1x16xf32>,
      %swap3A_70 = vector.shape_cast %swap3A_69 : vector<1x16xf32> to vector<16xf32>
      %swap3A_71 = vector.shape_cast %broadcast_in_dim3A_66 : vector<16xf32> to vector<1x16xf32>
      tpu.vector_store %arg12[%swap3A_67, %swap3A_68], %swap3A_71 {strides = array<i32>} : memref<16x128xf32, #tpu.memory_space<vmem>>, vector<1x16xf32>,
      %broadcast_in_dim3A_72 = arith.constant 0.000000e+00 : f32
      %broadcast_in_dim3A_73 = vector.broadcast %broadcast_in_dim3A_72 : f32 to vector<16xf32>
      %swap3A_74 = arith.index_cast %scan3A_38 : i32 to index
      %swap3A_75 = arith.constant 80 : index
      %swap3A_76 = tpu.vector_load %arg12[%swap3A_74, %swap3A_75] {strides = array<i32>} : memref<16x128xf32, #tpu.memory_space<vmem>>, vector<1x16xf32>,
      %swap3A_77 = vector.shape_cast %swap3A_76 : vector<1x16xf32> to vector<16xf32>
      %swap3A_78 = vector.shape_cast %broadcast_in_dim3A_73 : vector<16xf32> to vector<1x16xf32>
      tpu.vector_store %arg12[%swap3A_74, %swap3A_75], %swap3A_78 {strides = array<i32>} : memref<16x128xf32, #tpu.memory_space<vmem>>, vector<1x16xf32>,
      %broadcast_in_dim3A_79 = arith.constant 0.000000e+00 : f32
      %broadcast_in_dim3A_80 = vector.broadcast %broadcast_in_dim3A_79 : f32 to vector<16xf32>
      %swap3A_81 = arith.index_cast %scan3A_38 : i32 to index
      %swap3A_82 = arith.constant 96 : index
      %swap3A_83 = tpu.vector_load %arg12[%swap3A_81, %swap3A_82] {strides = array<i32>} : memref<16x128xf32, #tpu.memory_space<vmem>>, vector<1x16xf32>,
      %swap3A_84 = vector.shape_cast %swap3A_83 : vector<1x16xf32> to vector<16xf32>
      %swap3A_85 = vector.shape_cast %broadcast_in_dim3A_80 : vector<16xf32> to vector<1x16xf32>
      tpu.vector_store %arg12[%swap3A_81, %swap3A_82], %swap3A_85 {strides = array<i32>} : memref<16x128xf32, #tpu.memory_space<vmem>>, vector<1x16xf32>,
      %broadcast_in_dim3A_86 = arith.constant 0.000000e+00 : f32
      %broadcast_in_dim3A_87 = vector.broadcast %broadcast_in_dim3A_86 : f32 to vector<16xf32>
      %swap3A_88 = arith.index_cast %scan3A_38 : i32 to index
      %swap3A_89 = arith.constant 112 : index
      %swap3A_90 = tpu.vector_load %arg12[%swap3A_88, %swap3A_89] {strides = array<i32>} : memref<16x128xf32, #tpu.memory_space<vmem>>, vector<1x16xf32>,
      %swap3A_91 = vector.shape_cast %swap3A_90 : vector<1x16xf32> to vector<16xf32>
      %swap3A_92 = vector.shape_cast %broadcast_in_dim3A_87 : vector<16xf32> to vector<1x16xf32>
      tpu.vector_store %arg12[%swap3A_88, %swap3A_89], %swap3A_92 {strides = array<i32>} : memref<16x128xf32, #tpu.memory_space<vmem>>, vector<1x16xf32>,
    }
    %scan3A_10 = arith.constant 16 : i32
    %scan3A_11 = arith.constant 0 : i32
    %scan3A_12 = arith.constant 0 : i32
    %scan3A_13 = arith.constant 39 : i32
    %scan3A_14 = arith.addi %scan3A_12, %scan3A_13 : i32
    %scan3A_15 = arith.constant 1 : i32
    scf.for %scan3A_38 = %scan3A_12 to %scan3A_14 step %scan3A_15  : i32 {
      %mul3A_39 = arith.constant 16 : i32
      %mul3A_40 = arith.muli %scan3A_38, %mul3A_39 : i32
      %add3A_41 = arith.addi %multiple_of3A, %mul3A_40 : i32
      "tpu.region"() ({
        %run_scoped3A = tpu.sem_alloc : memref<!tpu.dma_semaphore, #tpu.memory_space<semaphore_mem>>
        %dma_start3A_42 = arith.constant 0 : i32
        %dma_start3A_43 = tpu.memref_slice %arg13[%add3A_41, %dma_start3A_42] : memref<10000x128xf32, #tpu.memory_space<vmem_shared>> -> memref<16x128xf32, #tpu.memory_space<vmem_shared>>
        %dma_start3A_44 = arith.constant 0 : i32
        %dma_start3A_45 = tpu.memref_slice %arg13[%add3A_41, %dma_start3A_44] : memref<10000x128xf32, #tpu.memory_space<vmem_shared>> -> memref<16x128xf32, #tpu.memory_space<vmem_shared>>
        tpu.enqueue_dma source(%arg12 : memref<16x128xf32, #tpu.memory_space<vmem>>) target(%dma_start3A_45 : memref<16x128xf32, #tpu.memory_space<vmem_shared>>) target_semaphore(%run_scoped3A : memref<!tpu.dma_semaphore, #tpu.memory_space<semaphore_mem>>)
        %dma_wait3A_46 = arith.constant 0 : i32
        %dma_wait3A_47 = tpu.memref_slice %arg13[%add3A_41, %dma_wait3A_46] : memref<10000x128xf32, #tpu.memory_space<vmem_shared>> -> memref<16x128xf32, #tpu.memory_space<vmem_shared>>
        %dma_wait3A_48 = arith.constant 0 : i32
        %dma_wait3A_49 = tpu.memref_slice %arg13[%add3A_41, %dma_wait3A_48] : memref<10000x128xf32, #tpu.memory_space<vmem_shared>> -> memref<16x128xf32, #tpu.memory_space<vmem_shared>>
        tpu.wait_dma2 semaphore(%run_scoped3A : memref<!tpu.dma_semaphore, #tpu.memory_space<semaphore_mem>>) src(%arg12 : memref<16x128xf32, #tpu.memory_space<vmem>>) dst(%dma_wait3A_49 : memref<16x128xf32, #tpu.memory_space<vmem_shared>>)
        tpu.yield
      }) : () -> ()
    }
    %scan3A_16 = arith.constant 39 : i32
    %convert_element_type3A = arith.extui %eq3A_3 : i1 to i32
    %cond3A = arith.constant 0 : i32
    %cond3A_17 = arith.cmpi ne, %convert_element_type3A, %cond3A : i32
    scf.if %cond3A_17 {
      "tpu.region"() ({
        %run_scoped3A = tpu.sem_alloc : memref<!tpu.dma_semaphore, #tpu.memory_space<semaphore_mem>>
        %dma_start3A_38 = arith.constant 9984 : i32
        %dma_start3A_39 = arith.constant 0 : i32
        %dma_start3A_40 = tpu.memref_slice %arg13[%dma_start3A_38, %dma_start3A_39] : memref<10000x128xf32, #tpu.memory_space<vmem_shared>> -> memref<16x128xf32, #tpu.memory_space<vmem_shared>>
        %dma_start3A_41 = arith.constant 9984 : i32
        %dma_start3A_42 = arith.constant 0 : i32
        %dma_start3A_43 = tpu.memref_slice %arg13[%dma_start3A_41, %dma_start3A_42] : memref<10000x128xf32, #tpu.memory_space<vmem_shared>> -> memref<16x128xf32, #tpu.memory_space<vmem_shared>>
        tpu.enqueue_dma source(%arg12 : memref<16x128xf32, #tpu.memory_space<vmem>>) target(%dma_start3A_43 : memref<16x128xf32, #tpu.memory_space<vmem_shared>>) target_semaphore(%run_scoped3A : memref<!tpu.dma_semaphore, #tpu.memory_space<semaphore_mem>>)
        %dma_wait3A_44 = arith.constant 9984 : i32
        %dma_wait3A_45 = arith.constant 0 : i32
        %dma_wait3A_46 = tpu.memref_slice %arg13[%dma_wait3A_44, %dma_wait3A_45] : memref<10000x128xf32, #tpu.memory_space<vmem_shared>> -> memref<16x128xf32, #tpu.memory_space<vmem_shared>>
        %dma_wait3A_47 = arith.constant 9984 : i32
        %dma_wait3A_48 = arith.constant 0 : i32
        %dma_wait3A_49 = tpu.memref_slice %arg13[%dma_wait3A_47, %dma_wait3A_48] : memref<10000x128xf32, #tpu.memory_space<vmem_shared>> -> memref<16x128xf32, #tpu.memory_space<vmem_shared>>
        tpu.wait_dma2 semaphore(%run_scoped3A : memref<!tpu.dma_semaphore, #tpu.memory_space<semaphore_mem>>) src(%arg12 : memref<16x128xf32, #tpu.memory_space<vmem>>) dst(%dma_wait3A_49 : memref<16x128xf32, #tpu.memory_space<vmem_shared>>)
        tpu.yield
      }) : () -> ()
    } else {
    }
    %barrier3A = arith.constant 0 : index
    tpu.barrier barrier_id(%barrier3A)
    %add3A_18 = arith.constant 0 : i32
    %add3A_19 = arith.addi %mul3A_5, %add3A_18 : i32
    %multiple_of3A_20 = tpu.assume_multiple %add3A_19, 8 : i32
    "tpu.region"() ({
      %run_scoped3A = tpu.sem_alloc : memref<!tpu.dma_semaphore, #tpu.memory_space<semaphore_mem>>
      %dma_start3A_38 = tpu.memref_slice %arg3[%multiple_of3A_20] : memref<320000xi32, #tpu.memory_space<hbm>> -> memref<80xi32, #tpu.memory_space<hbm>>
      %dma_start3A_39 = tpu.memref_slice %arg3[%multiple_of3A_20] : memref<320000xi32, #tpu.memory_space<hbm>> -> memref<80xi32, #tpu.memory_space<hbm>>
      tpu.enqueue_dma source(%dma_start3A_39 : memref<80xi32, #tpu.memory_space<hbm>>) target(%arg6 : memref<80xi32, #tpu.memory_space<vmem>>) target_semaphore(%run_scoped3A : memref<!tpu.dma_semaphore, #tpu.memory_space<semaphore_mem>>)
      %dma_wait3A_40 = tpu.memref_slice %arg3[%multiple_of3A_20] : memref<320000xi32, #tpu.memory_space<hbm>> -> memref<80xi32, #tpu.memory_space<hbm>>
      %dma_wait3A_41 = tpu.memref_slice %arg3[%multiple_of3A_20] : memref<320000xi32, #tpu.memory_space<hbm>> -> memref<80xi32, #tpu.memory_space<hbm>>
      tpu.wait_dma2 semaphore(%run_scoped3A : memref<!tpu.dma_semaphore, #tpu.memory_space<semaphore_mem>>) src(%dma_wait3A_41 : memref<80xi32, #tpu.memory_space<hbm>>) dst(%arg6 : memref<80xi32, #tpu.memory_space<vmem>>)
      tpu.yield
    }) : () -> ()
    %dma_start3A = arith.constant 0 : i32
    %dma_start3A_21 = arith.constant 0 : i32
    %dma_start3A_22 = tpu.memref_slice %arg2[%dma_start3A, %dma_start3A_21] : memref<10000x128xf32, #tpu.memory_space<hbm>> -> memref<10000x128xf32, #tpu.memory_space<hbm>>
    tpu.enqueue_indirect_dma source(%dma_start3A_22 : memref<10000x128xf32, #tpu.memory_space<hbm>>) target(%arg10 : memref<80x128xf32, #tpu.memory_space<vmem>>) offsets(%arg6 : memref<80xi32, #tpu.memory_space<vmem>>) semaphore(%arg14 : memref<!tpu.dma_semaphore, #tpu.memory_space<semaphore_mem>>)
    %scan3A_23 = arith.constant 0 : i32
    %scan3A_24 = arith.constant 0 : i32
    %scan3A_25 = arith.constant 62 : i32
    %scan3A_26 = arith.addi %scan3A_24, %scan3A_25 : i32
    %scan3A_27 = arith.constant 1 : i32
    scf.for %scan3A_38 = %scan3A_24 to %scan3A_26 step %scan3A_27  : i32 {
      %mul3A_39 = arith.constant 2 : i32
      %mul3A_40 = arith.muli %scan3A_38, %mul3A_39 : i32
      %add3A_41 = arith.constant 1 : i32
      %add3A_42 = arith.addi %mul3A_40, %add3A_41 : i32
      %mul3A_43 = arith.constant 80 : i32
      %mul3A_44 = arith.muli %add3A_42, %mul3A_43 : i32
      %add3A_45 = arith.addi %mul3A_5, %mul3A_44 : i32
      %multiple_of3A_46 = tpu.assume_multiple %add3A_45, 8 : i32
      "tpu.region"() ({
        %run_scoped3A = tpu.sem_alloc : memref<!tpu.dma_semaphore, #tpu.memory_space<semaphore_mem>>
        %dma_start3A_75 = tpu.memref_slice %arg3[%multiple_of3A_46] : memref<320000xi32, #tpu.memory_space<hbm>> -> memref<80xi32, #tpu.memory_space<hbm>>
        %dma_start3A_76 = tpu.memref_slice %arg3[%multiple_of3A_46] : memref<320000xi32, #tpu.memory_space<hbm>> -> memref<80xi32, #tpu.memory_space<hbm>>
        tpu.enqueue_dma source(%dma_start3A_76 : memref<80xi32, #tpu.memory_space<hbm>>) target(%arg7 : memref<80xi32, #tpu.memory_space<vmem>>) target_semaphore(%run_scoped3A : memref<!tpu.dma_semaphore, #tpu.memory_space<semaphore_mem>>)
        %dma_wait3A_77 = tpu.memref_slice %arg3[%multiple_of3A_46] : memref<320000xi32, #tpu.memory_space<hbm>> -> memref<80xi32, #tpu.memory_space<hbm>>
        %dma_wait3A_78 = tpu.memref_slice %arg3[%multiple_of3A_46] : memref<320000xi32, #tpu.memory_space<hbm>> -> memref<80xi32, #tpu.memory_space<hbm>>
        tpu.wait_dma2 semaphore(%run_scoped3A : memref<!tpu.dma_semaphore, #tpu.memory_space<semaphore_mem>>) src(%dma_wait3A_78 : memref<80xi32, #tpu.memory_space<hbm>>) dst(%arg7 : memref<80xi32, #tpu.memory_space<vmem>>)
        tpu.yield
      }) : () -> ()
      %dma_start3A_47 = arith.constant 0 : i32
      %dma_start3A_48 = arith.constant 0 : i32
      %dma_start3A_49 = tpu.memref_slice %arg2[%dma_start3A_47, %dma_start3A_48] : memref<10000x128xf32, #tpu.memory_space<hbm>> -> memref<10000x128xf32, #tpu.memory_space<hbm>>
      tpu.enqueue_indirect_dma source(%dma_start3A_49 : memref<10000x128xf32, #tpu.memory_space<hbm>>) target(%arg11 : memref<80x128xf32, #tpu.memory_space<vmem>>) offsets(%arg7 : memref<80xi32, #tpu.memory_space<vmem>>) semaphore(%arg15 : memref<!tpu.dma_semaphore, #tpu.memory_space<semaphore_mem>>)
      %mul3A_50 = arith.constant 80 : i32
      %mul3A_51 = arith.muli %mul3A_40, %mul3A_50 : i32
      %add3A_52 = arith.addi %mul3A_5, %mul3A_51 : i32
      %multiple_of3A_53 = tpu.assume_multiple %add3A_52, 8 : i32
      "tpu.region"() ({
        %run_scoped3A = tpu.sem_alloc : memref<!tpu.dma_semaphore, #tpu.memory_space<semaphore_mem>>
        %dma_start3A_75 = tpu.memref_slice %arg4[%multiple_of3A_53] : memref<320000xi32, #tpu.memory_space<hbm>> -> memref<80xi32, #tpu.memory_space<hbm>>
        %dma_start3A_76 = tpu.memref_slice %arg4[%multiple_of3A_53] : memref<320000xi32, #tpu.memory_space<hbm>> -> memref<80xi32, #tpu.memory_space<hbm>>
        tpu.enqueue_dma source(%dma_start3A_76 : memref<80xi32, #tpu.memory_space<hbm>>) target(%arg8 : memref<80xi32, #tpu.memory_space<vmem>>) target_semaphore(%run_scoped3A : memref<!tpu.dma_semaphore, #tpu.memory_space<semaphore_mem>>)
        %dma_wait3A_77 = tpu.memref_slice %arg4[%multiple_of3A_53] : memref<320000xi32, #tpu.memory_space<hbm>> -> memref<80xi32, #tpu.memory_space<hbm>>
        %dma_wait3A_78 = tpu.memref_slice %arg4[%multiple_of3A_53] : memref<320000xi32, #tpu.memory_space<hbm>> -> memref<80xi32, #tpu.memory_space<hbm>>
        tpu.wait_dma2 semaphore(%run_scoped3A : memref<!tpu.dma_semaphore, #tpu.memory_space<semaphore_mem>>) src(%dma_wait3A_78 : memref<80xi32, #tpu.memory_space<hbm>>) dst(%arg8 : memref<80xi32, #tpu.memory_space<vmem>>)
        tpu.yield
      }) : () -> ()
      %dma_wait3A_54 = arith.constant 0 : i32
      %dma_wait3A_55 = arith.constant 0 : i32
      %dma_wait3A_56 = tpu.memref_slice %arg2[%dma_wait3A_54, %dma_wait3A_55] : memref<10000x128xf32, #tpu.memory_space<hbm>> -> memref<10000x128xf32, #tpu.memory_space<hbm>>
      tpu.wait_indirect_dma semaphore(%arg14 : memref<!tpu.dma_semaphore, #tpu.memory_space<semaphore_mem>>) src(%dma_wait3A_56 : memref<10000x128xf32, #tpu.memory_space<hbm>>) dst(%arg10 : memref<80x128xf32, #tpu.memory_space<vmem>>)
      "tpu.region"() ({
        %run_scoped3A = tpu.sem_alloc : memref<!tpu.dma_semaphore, #tpu.memory_space<semaphore_mem>>
        %dma_start3A_75 = arith.constant 0 : i32
        %dma_start3A_76 = arith.constant 0 : i32
        %dma_start3A_77 = tpu.memref_slice %arg13[%dma_start3A_75, %dma_start3A_76] : memref<10000x128xf32, #tpu.memory_space<vmem_shared>> -> memref<10000x128xf32, #tpu.memory_space<vmem_shared>>
        tpu.enqueue_indirect_dma source(%arg10 : memref<80x128xf32, #tpu.memory_space<vmem>>) target(%dma_start3A_77 : memref<10000x128xf32, #tpu.memory_space<vmem_shared>>) offsets(%arg8 : memref<80xi32, #tpu.memory_space<vmem>>) semaphore(%run_scoped3A : memref<!tpu.dma_semaphore, #tpu.memory_space<semaphore_mem>>) {add = true}
        %dma_wait3A_78 = arith.constant 0 : i32
        %dma_wait3A_79 = arith.constant 0 : i32
        %dma_wait3A_80 = tpu.memref_slice %arg13[%dma_wait3A_78, %dma_wait3A_79] : memref<10000x128xf32, #tpu.memory_space<vmem_shared>> -> memref<10000x128xf32, #tpu.memory_space<vmem_shared>>
        tpu.wait_indirect_dma semaphore(%run_scoped3A : memref<!tpu.dma_semaphore, #tpu.memory_space<semaphore_mem>>) src(%arg10 : memref<80x128xf32, #tpu.memory_space<vmem>>) dst(%dma_wait3A_80 : memref<10000x128xf32, #tpu.memory_space<vmem_shared>>)
        tpu.yield
      }) : () -> ()
      %add3A_57 = arith.constant 2 : i32
      %add3A_58 = arith.addi %mul3A_40, %add3A_57 : i32
      %mul3A_59 = arith.constant 80 : i32
      %mul3A_60 = arith.muli %add3A_58, %mul3A_59 : i32
      %add3A_61 = arith.addi %mul3A_5, %mul3A_60 : i32
      %multiple_of3A_62 = tpu.assume_multiple %add3A_61, 8 : i32
      "tpu.region"() ({
        %run_scoped3A = tpu.sem_alloc : memref<!tpu.dma_semaphore, #tpu.memory_space<semaphore_mem>>
        %dma_start3A_75 = tpu.memref_slice %arg3[%multiple_of3A_62] : memref<320000xi32, #tpu.memory_space<hbm>> -> memref<80xi32, #tpu.memory_space<hbm>>
        %dma_start3A_76 = tpu.memref_slice %arg3[%multiple_of3A_62] : memref<320000xi32, #tpu.memory_space<hbm>> -> memref<80xi32, #tpu.memory_space<hbm>>
        tpu.enqueue_dma source(%dma_start3A_76 : memref<80xi32, #tpu.memory_space<hbm>>) target(%arg6 : memref<80xi32, #tpu.memory_space<vmem>>) target_semaphore(%run_scoped3A : memref<!tpu.dma_semaphore, #tpu.memory_space<semaphore_mem>>)
        %dma_wait3A_77 = tpu.memref_slice %arg3[%multiple_of3A_62] : memref<320000xi32, #tpu.memory_space<hbm>> -> memref<80xi32, #tpu.memory_space<hbm>>
        %dma_wait3A_78 = tpu.memref_slice %arg3[%multiple_of3A_62] : memref<320000xi32, #tpu.memory_space<hbm>> -> memref<80xi32, #tpu.memory_space<hbm>>
        tpu.wait_dma2 semaphore(%run_scoped3A : memref<!tpu.dma_semaphore, #tpu.memory_space<semaphore_mem>>) src(%dma_wait3A_78 : memref<80xi32, #tpu.memory_space<hbm>>) dst(%arg6 : memref<80xi32, #tpu.memory_space<vmem>>)
        tpu.yield
      }) : () -> ()
      %dma_start3A_63 = arith.constant 0 : i32
      %dma_start3A_64 = arith.constant 0 : i32
      %dma_start3A_65 = tpu.memref_slice %arg2[%dma_start3A_63, %dma_start3A_64] : memref<10000x128xf32, #tpu.memory_space<hbm>> -> memref<10000x128xf32, #tpu.memory_space<hbm>>
      tpu.enqueue_indirect_dma source(%dma_start3A_65 : memref<10000x128xf32, #tpu.memory_space<hbm>>) target(%arg10 : memref<80x128xf32, #tpu.memory_space<vmem>>) offsets(%arg6 : memref<80xi32, #tpu.memory_space<vmem>>) semaphore(%arg14 : memref<!tpu.dma_semaphore, #tpu.memory_space<semaphore_mem>>)
      %add3A_66 = arith.constant 1 : i32
      %add3A_67 = arith.addi %mul3A_40, %add3A_66 : i32
      %mul3A_68 = arith.constant 80 : i32
      %mul3A_69 = arith.muli %add3A_67, %mul3A_68 : i32
      %add3A_70 = arith.addi %mul3A_5, %mul3A_69 : i32
      %multiple_of3A_71 = tpu.assume_multiple %add3A_70, 8 : i32
      "tpu.region"() ({
        %run_scoped3A = tpu.sem_alloc : memref<!tpu.dma_semaphore, #tpu.memory_space<semaphore_mem>>
        %dma_start3A_75 = tpu.memref_slice %arg4[%multiple_of3A_71] : memref<320000xi32, #tpu.memory_space<hbm>> -> memref<80xi32, #tpu.memory_space<hbm>>
        %dma_start3A_76 = tpu.memref_slice %arg4[%multiple_of3A_71] : memref<320000xi32, #tpu.memory_space<hbm>> -> memref<80xi32, #tpu.memory_space<hbm>>
        tpu.enqueue_dma source(%dma_start3A_76 : memref<80xi32, #tpu.memory_space<hbm>>) target(%arg9 : memref<80xi32, #tpu.memory_space<vmem>>) target_semaphore(%run_scoped3A : memref<!tpu.dma_semaphore, #tpu.memory_space<semaphore_mem>>)
        %dma_wait3A_77 = tpu.memref_slice %arg4[%multiple_of3A_71] : memref<320000xi32, #tpu.memory_space<hbm>> -> memref<80xi32, #tpu.memory_space<hbm>>
        %dma_wait3A_78 = tpu.memref_slice %arg4[%multiple_of3A_71] : memref<320000xi32, #tpu.memory_space<hbm>> -> memref<80xi32, #tpu.memory_space<hbm>>
        tpu.wait_dma2 semaphore(%run_scoped3A : memref<!tpu.dma_semaphore, #tpu.memory_space<semaphore_mem>>) src(%dma_wait3A_78 : memref<80xi32, #tpu.memory_space<hbm>>) dst(%arg9 : memref<80xi32, #tpu.memory_space<vmem>>)
        tpu.yield
      }) : () -> ()
      %dma_wait3A_72 = arith.constant 0 : i32
      %dma_wait3A_73 = arith.constant 0 : i32
      %dma_wait3A_74 = tpu.memref_slice %arg2[%dma_wait3A_72, %dma_wait3A_73] : memref<10000x128xf32, #tpu.memory_space<hbm>> -> memref<10000x128xf32, #tpu.memory_space<hbm>>
      tpu.wait_indirect_dma semaphore(%arg15 : memref<!tpu.dma_semaphore, #tpu.memory_space<semaphore_mem>>) src(%dma_wait3A_74 : memref<10000x128xf32, #tpu.memory_space<hbm>>) dst(%arg11 : memref<80x128xf32, #tpu.memory_space<vmem>>)
      "tpu.region"() ({
        %run_scoped3A = tpu.sem_alloc : memref<!tpu.dma_semaphore, #tpu.memory_space<semaphore_mem>>
        %dma_start3A_75 = arith.constant 0 : i32
        %dma_start3A_76 = arith.constant 0 : i32
        %dma_start3A_77 = tpu.memref_slice %arg13[%dma_start3A_75, %dma_start3A_76] : memref<10000x128xf32, #tpu.memory_space<vmem_shared>> -> memref<10000x128xf32, #tpu.memory_space<vmem_shared>>
        tpu.enqueue_indirect_dma source(%arg11 : memref<80x128xf32, #tpu.memory_space<vmem>>) target(%dma_start3A_77 : memref<10000x128xf32, #tpu.memory_space<vmem_shared>>) offsets(%arg9 : memref<80xi32, #tpu.memory_space<vmem>>) semaphore(%run_scoped3A : memref<!tpu.dma_semaphore, #tpu.memory_space<semaphore_mem>>) {add = true}
        %dma_wait3A_78 = arith.constant 0 : i32
        %dma_wait3A_79 = arith.constant 0 : i32
        %dma_wait3A_80 = tpu.memref_slice %arg13[%dma_wait3A_78, %dma_wait3A_79] : memref<10000x128xf32, #tpu.memory_space<vmem_shared>> -> memref<10000x128xf32, #tpu.memory_space<vmem_shared>>
        tpu.wait_indirect_dma semaphore(%run_scoped3A : memref<!tpu.dma_semaphore, #tpu.memory_space<semaphore_mem>>) src(%arg11 : memref<80x128xf32, #tpu.memory_space<vmem>>) dst(%dma_wait3A_80 : memref<10000x128xf32, #tpu.memory_space<vmem_shared>>)
        tpu.yield
      }) : () -> ()
    }
    %scan3A_28 = arith.constant 62 : i32
    %add3A_29 = arith.constant 9920 : i32
    %add3A_30 = arith.addi %mul3A_5, %add3A_29 : i32
    %multiple_of3A_31 = tpu.assume_multiple %add3A_30, 8 : i32
    "tpu.region"() ({
      %run_scoped3A = tpu.sem_alloc : memref<!tpu.dma_semaphore, #tpu.memory_space<semaphore_mem>>
      %dma_start3A_38 = tpu.memref_slice %arg4[%multiple_of3A_31] : memref<320000xi32, #tpu.memory_space<hbm>> -> memref<80xi32, #tpu.memory_space<hbm>>
      %dma_start3A_39 = tpu.memref_slice %arg4[%multiple_of3A_31] : memref<320000xi32, #tpu.memory_space<hbm>> -> memref<80xi32, #tpu.memory_space<hbm>>
      tpu.enqueue_dma source(%dma_start3A_39 : memref<80xi32, #tpu.memory_space<hbm>>) target(%arg8 : memref<80xi32, #tpu.memory_space<vmem>>) target_semaphore(%run_scoped3A : memref<!tpu.dma_semaphore, #tpu.memory_space<semaphore_mem>>)
      %dma_wait3A_40 = tpu.memref_slice %arg4[%multiple_of3A_31] : memref<320000xi32, #tpu.memory_space<hbm>> -> memref<80xi32, #tpu.memory_space<hbm>>
      %dma_wait3A_41 = tpu.memref_slice %arg4[%multiple_of3A_31] : memref<320000xi32, #tpu.memory_space<hbm>> -> memref<80xi32, #tpu.memory_space<hbm>>
      tpu.wait_dma2 semaphore(%run_scoped3A : memref<!tpu.dma_semaphore, #tpu.memory_space<semaphore_mem>>) src(%dma_wait3A_41 : memref<80xi32, #tpu.memory_space<hbm>>) dst(%arg8 : memref<80xi32, #tpu.memory_space<vmem>>)
      tpu.yield
    }) : () -> ()
    %dma_wait3A = arith.constant 0 : i32
    %dma_wait3A_32 = arith.constant 0 : i32
    %dma_wait3A_33 = tpu.memref_slice %arg2[%dma_wait3A, %dma_wait3A_32] : memref<10000x128xf32, #tpu.memory_space<hbm>> -> memref<10000x128xf32, #tpu.memory_space<hbm>>
    tpu.wait_indirect_dma semaphore(%arg14 : memref<!tpu.dma_semaphore, #tpu.memory_space<semaphore_mem>>) src(%dma_wait3A_33 : memref<10000x128xf32, #tpu.memory_space<hbm>>) dst(%arg10 : memref<80x128xf32, #tpu.memory_space<vmem>>)
    "tpu.region"() ({
      %run_scoped3A = tpu.sem_alloc : memref<!tpu.dma_semaphore, #tpu.memory_space<semaphore_mem>>
      %dma_start3A_38 = arith.constant 0 : i32
      %dma_start3A_39 = arith.constant 0 : i32
      %dma_start3A_40 = tpu.memref_slice %arg13[%dma_start3A_38, %dma_start3A_39] : memref<10000x128xf32, #tpu.memory_space<vmem_shared>> -> memref<10000x128xf32, #tpu.memory_space<vmem_shared>>
      tpu.enqueue_indirect_dma source(%arg10 : memref<80x128xf32, #tpu.memory_space<vmem>>) target(%dma_start3A_40 : memref<10000x128xf32, #tpu.memory_space<vmem_shared>>) offsets(%arg8 : memref<80xi32, #tpu.memory_space<vmem>>) semaphore(%run_scoped3A : memref<!tpu.dma_semaphore, #tpu.memory_space<semaphore_mem>>) {add = true}
      %dma_wait3A_41 = arith.constant 0 : i32
      %dma_wait3A_42 = arith.constant 0 : i32
      %dma_wait3A_43 = tpu.memref_slice %arg13[%dma_wait3A_41, %dma_wait3A_42] : memref<10000x128xf32, #tpu.memory_space<vmem_shared>> -> memref<10000x128xf32, #tpu.memory_space<vmem_shared>>
      tpu.wait_indirect_dma semaphore(%run_scoped3A : memref<!tpu.dma_semaphore, #tpu.memory_space<semaphore_mem>>) src(%arg10 : memref<80x128xf32, #tpu.memory_space<vmem>>) dst(%dma_wait3A_43 : memref<10000x128xf32, #tpu.memory_space<vmem_shared>>)
      tpu.yield
    }) : () -> ()
    %barrier3A_34 = arith.constant 0 : index
    tpu.barrier barrier_id(%barrier3A_34)
    "tpu.region"() ({
      %run_scoped3A = tpu.sem_alloc : memref<!tpu.dma_semaphore, #tpu.memory_space<semaphore_mem>>
      %dma_start3A_38 = arith.constant 0 : i32
      %dma_start3A_39 = tpu.memref_slice %arg5[%arg0, %multiple_of3A, %dma_start3A_38] : memref<2x10000x128xf32, #tpu.memory_space<hbm>> -> memref<1x624x128xf32, #tpu.memory_space<hbm>>
      %dma_start3A_40 = tpu.memref_squeeze %dma_start3A_39 : memref<1x624x128xf32, #tpu.memory_space<hbm>> -> memref<624x128xf32, #tpu.memory_space<hbm>>
      %dma_start3A_41 = arith.constant 0 : i32
      %dma_start3A_42 = tpu.memref_slice %arg13[%multiple_of3A, %dma_start3A_41] : memref<10000x128xf32, #tpu.memory_space<vmem_shared>> -> memref<624x128xf32, #tpu.memory_space<vmem_shared>>
      tpu.enqueue_dma source(%dma_start3A_42 : memref<624x128xf32, #tpu.memory_space<vmem_shared>>) target(%dma_start3A_40 : memref<624x128xf32, #tpu.memory_space<hbm>>) target_semaphore(%run_scoped3A : memref<!tpu.dma_semaphore, #tpu.memory_space<semaphore_mem>>)
      %dma_wait3A_43 = arith.constant 0 : i32
      %dma_wait3A_44 = tpu.memref_slice %arg5[%arg0, %multiple_of3A, %dma_wait3A_43] : memref<2x10000x128xf32, #tpu.memory_space<hbm>> -> memref<1x624x128xf32, #tpu.memory_space<hbm>>
      %dma_wait3A_45 = tpu.memref_squeeze %dma_wait3A_44 : memref<1x624x128xf32, #tpu.memory_space<hbm>> -> memref<624x128xf32, #tpu.memory_space<hbm>>
      %dma_wait3A_46 = arith.constant 0 : i32
      %dma_wait3A_47 = tpu.memref_slice %arg13[%multiple_of3A, %dma_wait3A_46] : memref<10000x128xf32, #tpu.memory_space<vmem_shared>> -> memref<624x128xf32, #tpu.memory_space<vmem_shared>>
      tpu.wait_dma2 semaphore(%run_scoped3A : memref<!tpu.dma_semaphore, #tpu.memory_space<semaphore_mem>>) src(%dma_wait3A_47 : memref<624x128xf32, #tpu.memory_space<vmem_shared>>) dst(%dma_wait3A_45 : memref<624x128xf32, #tpu.memory_space<hbm>>)
      tpu.yield
    }) : () -> ()
    %convert_element_type3A_35 = arith.extui %eq3A_3 : i1 to i32
    %cond3A_36 = arith.constant 0 : i32
    %cond3A_37 = arith.cmpi ne, %convert_element_type3A_35, %cond3A_36 : i32
    scf.if %cond3A_37 {
      "tpu.region"() ({
        %run_scoped3A = tpu.sem_alloc : memref<!tpu.dma_semaphore, #tpu.memory_space<semaphore_mem>>
        %dma_start3A_38 = arith.constant 9984 : i32
        %dma_start3A_39 = arith.constant 0 : i32
        %dma_start3A_40 = tpu.memref_slice %arg5[%arg0, %dma_start3A_38, %dma_start3A_39] : memref<2x10000x128xf32, #tpu.memory_space<hbm>> -> memref<1x16x128xf32, #tpu.memory_space<hbm>>
        %dma_start3A_41 = tpu.memref_squeeze %dma_start3A_40 : memref<1x16x128xf32, #tpu.memory_space<hbm>> -> memref<16x128xf32, #tpu.memory_space<hbm>>
        %dma_start3A_42 = arith.constant 9984 : i32
        %dma_start3A_43 = arith.constant 0 : i32
        %dma_start3A_44 = tpu.memref_slice %arg13[%dma_start3A_42, %dma_start3A_43] : memref<10000x128xf32, #tpu.memory_space<vmem_shared>> -> memref<16x128xf32, #tpu.memory_space<vmem_shared>>
        tpu.enqueue_dma source(%dma_start3A_44 : memref<16x128xf32, #tpu.memory_space<vmem_shared>>) target(%dma_start3A_41 : memref<16x128xf32, #tpu.memory_space<hbm>>) target_semaphore(%run_scoped3A : memref<!tpu.dma_semaphore, #tpu.memory_space<semaphore_mem>>)
        %dma_wait3A_45 = arith.constant 9984 : i32
        %dma_wait3A_46 = arith.constant 0 : i32
        %dma_wait3A_47 = tpu.memref_slice %arg5[%arg0, %dma_wait3A_45, %dma_wait3A_46] : memref<2x10000x128xf32, #tpu.memory_space<hbm>> -> memref<1x16x128xf32, #tpu.memory_space<hbm>>
        %dma_wait3A_48 = tpu.memref_squeeze %dma_wait3A_47 : memref<1x16x128xf32, #tpu.memory_space<hbm>> -> memref<16x128xf32, #tpu.memory_space<hbm>>
        %dma_wait3A_49 = arith.constant 9984 : i32
        %dma_wait3A_50 = arith.constant 0 : i32
        %dma_wait3A_51 = tpu.memref_slice %arg13[%dma_wait3A_49, %dma_wait3A_50] : memref<10000x128xf32, #tpu.memory_space<vmem_shared>> -> memref<16x128xf32, #tpu.memory_space<vmem_shared>>
        tpu.wait_dma2 semaphore(%run_scoped3A : memref<!tpu.dma_semaphore, #tpu.memory_space<semaphore_mem>>) src(%dma_wait3A_51 : memref<16x128xf32, #tpu.memory_space<vmem_shared>>) dst(%dma_wait3A_48 : memref<16x128xf32, #tpu.memory_space<hbm>>)
        tpu.yield
      }) : () -> ()
    } else {
    }
    return
  }
}

#map = affine_map<(d0, d1) -> (0, 0)>
#map1 = affine_map<(d0, d1) -> (0)>
#map2 = affine_map<(d0, d1) -> (0, 0, 0)>
module attributes {stable_mosaic.version = 14 : i64} {
  func.func @_agg_body(%arg0: i32, %arg1: i32, %arg2: memref<10000x128xf32, #tpu.memory_space<hbm>>, %arg3: memref<320000xi32, #tpu.memory_space<hbm>>, %arg4: memref<320000xi32, #tpu.memory_space<hbm>>, %arg5: memref<2x10000x128xf32, #tpu.memory_space<hbm>>, %arg6: memref<80xi32, #tpu.memory_space<vmem>>, %arg7: memref<80xi32, #tpu.memory_space<vmem>>, %arg8: memref<80xi32, #tpu.memory_space<vmem>>, %arg9: memref<80xi32, #tpu.memory_space<vmem>>, %arg10: memref<80x128xf32, #tpu.memory_space<vmem>>, %arg11: memref<80x128xf32, #tpu.memory_space<vmem>>, %arg12: memref<16x128xf32, #tpu.memory_space<vmem>>, %arg13: memref<10000x128xf32, #tpu.memory_space<vmem_shared>>, %arg14: memref<!tpu.dma_semaphore, #tpu.memory_space<semaphore_mem>>, %arg15: memref<!tpu.dma_semaphore, #tpu.memory_space<semaphore_mem>>) attributes {dimension_semantics = [#tpu.dimension_semantics<core_parallel>, #tpu.dimension_semantics<subcore_parallel>], iteration_bounds = array<i64: 2, 16>, scalar_prefetch = 0 : i64, scratch_operands = 10 : i64, tpu.core_type = #tpu.core_type<sc_vector_subcore>, window_params = [{transform_indices = #map}, {transform_indices = #map1}, {transform_indices = #map1}, {transform_indices = #map2}]} {
    %mul3A = arith.constant 2 : i32
    %mul3A_0 = arith.muli %arg1, %mul3A : i32
    %add3A = arith.addi %mul3A_0, %arg0 : i32
    %mul3A_1 = arith.constant 624 : i32
    %mul3A_2 = arith.muli %arg1, %mul3A_1 : i32
    %multiple_of3A = tpu.assume_multiple %mul3A_2, 8 : i32
    %eq3A = arith.constant 15 : i32
    %eq3A_3 = arith.cmpi eq, %arg1, %eq3A : i32
    %mul3A_4 = arith.constant 10000 : i32
    %mul3A_5 = arith.muli %add3A, %mul3A_4 : i32
    %scan3A = arith.constant 0 : i32
    %scan3A_6 = arith.constant 0 : i32
    %scan3A_7 = arith.constant 16 : i32
    %scan3A_8 = arith.addi %scan3A_6, %scan3A_7 : i32
    %scan3A_9 = arith.constant 1 : i32
    scf.for %scan3A_38 = %scan3A_6 to %scan3A_8 step %scan3A_9  : i32 {
      %broadcast_in_dim3A = arith.constant 0.000000e+00 : f32
      %broadcast_in_dim3A_39 = vector.broadcast %broadcast_in_dim3A : f32 to vector<16xf32>
      %swap3A = arith.index_cast %scan3A_38 : i32 to index
      %swap3A_40 = arith.constant 0 : index
      %swap3A_41 = tpu.vector_load %arg12[%swap3A, %swap3A_40] {strides = array<i32>} : memref<16x128xf32, #tpu.memory_space<vmem>>, vector<1x16xf32>,
      %swap3A_42 = vector.shape_cast %swap3A_41 : vector<1x16xf32> to vector<16xf32>
      %swap3A_43 = vector.shape_cast %broadcast_in_dim3A_39 : vector<16xf32> to vector<1x16xf32>
      tpu.vector_store %arg12[%swap3A, %swap3A_40], %swap3A_43 {strides = array<i32>} : memref<16x128xf32, #tpu.memory_space<vmem>>, vector<1x16xf32>,
      %broadcast_in_dim3A_44 = arith.constant 0.000000e+00 : f32
      %broadcast_in_dim3A_45 = vector.broadcast %broadcast_in_dim3A_44 : f32 to vector<16xf32>
      %swap3A_46 = arith.index_cast %scan3A_38 : i32 to index
      %swap3A_47 = arith.constant 16 : index
      %swap3A_48 = tpu.vector_load %arg12[%swap3A_46, %swap3A_47] {strides = array<i32>} : memref<16x128xf32, #tpu.memory_space<vmem>>, vector<1x16xf32>,
      %swap3A_49 = vector.shape_cast %swap3A_48 : vector<1x16xf32> to vector<16xf32>
      %swap3A_50 = vector.shape_cast %broadcast_in_dim3A_45 : vector<16xf32> to vector<1x16xf32>
      tpu.vector_store %arg12[%swap3A_46, %swap3A_47], %swap3A_50 {strides = array<i32>} : memref<16x128xf32, #tpu.memory_space<vmem>>, vector<1x16xf32>,
      %broadcast_in_dim3A_51 = arith.constant 0.000000e+00 : f32
      %broadcast_in_dim3A_52 = vector.broadcast %broadcast_in_dim3A_51 : f32 to vector<16xf32>
      %swap3A_53 = arith.index_cast %scan3A_38 : i32 to index
      %swap3A_54 = arith.constant 32 : index
      %swap3A_55 = tpu.vector_load %arg12[%swap3A_53, %swap3A_54] {strides = array<i32>} : memref<16x128xf32, #tpu.memory_space<vmem>>, vector<1x16xf32>,
      %swap3A_56 = vector.shape_cast %swap3A_55 : vector<1x16xf32> to vector<16xf32>
      %swap3A_57 = vector.shape_cast %broadcast_in_dim3A_52 : vector<16xf32> to vector<1x16xf32>
      tpu.vector_store %arg12[%swap3A_53, %swap3A_54], %swap3A_57 {strides = array<i32>} : memref<16x128xf32, #tpu.memory_space<vmem>>, vector<1x16xf32>,
      %broadcast_in_dim3A_58 = arith.constant 0.000000e+00 : f32
      %broadcast_in_dim3A_59 = vector.broadcast %broadcast_in_dim3A_58 : f32 to vector<16xf32>
      %swap3A_60 = arith.index_cast %scan3A_38 : i32 to index
      %swap3A_61 = arith.constant 48 : index
      %swap3A_62 = tpu.vector_load %arg12[%swap3A_60, %swap3A_61] {strides = array<i32>} : memref<16x128xf32, #tpu.memory_space<vmem>>, vector<1x16xf32>,
      %swap3A_63 = vector.shape_cast %swap3A_62 : vector<1x16xf32> to vector<16xf32>
      %swap3A_64 = vector.shape_cast %broadcast_in_dim3A_59 : vector<16xf32> to vector<1x16xf32>
      tpu.vector_store %arg12[%swap3A_60, %swap3A_61], %swap3A_64 {strides = array<i32>} : memref<16x128xf32, #tpu.memory_space<vmem>>, vector<1x16xf32>,
      %broadcast_in_dim3A_65 = arith.constant 0.000000e+00 : f32
      %broadcast_in_dim3A_66 = vector.broadcast %broadcast_in_dim3A_65 : f32 to vector<16xf32>
      %swap3A_67 = arith.index_cast %scan3A_38 : i32 to index
      %swap3A_68 = arith.constant 64 : index
      %swap3A_69 = tpu.vector_load %arg12[%swap3A_67, %swap3A_68] {strides = array<i32>} : memref<16x128xf32, #tpu.memory_space<vmem>>, vector<1x16xf32>,
      %swap3A_70 = vector.shape_cast %swap3A_69 : vector<1x16xf32> to vector<16xf32>
      %swap3A_71 = vector.shape_cast %broadcast_in_dim3A_66 : vector<16xf32> to vector<1x16xf32>
      tpu.vector_store %arg12[%swap3A_67, %swap3A_68], %swap3A_71 {strides = array<i32>} : memref<16x128xf32, #tpu.memory_space<vmem>>, vector<1x16xf32>,
      %broadcast_in_dim3A_72 = arith.constant 0.000000e+00 : f32
      %broadcast_in_dim3A_73 = vector.broadcast %broadcast_in_dim3A_72 : f32 to vector<16xf32>
      %swap3A_74 = arith.index_cast %scan3A_38 : i32 to index
      %swap3A_75 = arith.constant 80 : index
      %swap3A_76 = tpu.vector_load %arg12[%swap3A_74, %swap3A_75] {strides = array<i32>} : memref<16x128xf32, #tpu.memory_space<vmem>>, vector<1x16xf32>,
      %swap3A_77 = vector.shape_cast %swap3A_76 : vector<1x16xf32> to vector<16xf32>
      %swap3A_78 = vector.shape_cast %broadcast_in_dim3A_73 : vector<16xf32> to vector<1x16xf32>
      tpu.vector_store %arg12[%swap3A_74, %swap3A_75], %swap3A_78 {strides = array<i32>} : memref<16x128xf32, #tpu.memory_space<vmem>>, vector<1x16xf32>,
      %broadcast_in_dim3A_79 = arith.constant 0.000000e+00 : f32
      %broadcast_in_dim3A_80 = vector.broadcast %broadcast_in_dim3A_79 : f32 to vector<16xf32>
      %swap3A_81 = arith.index_cast %scan3A_38 : i32 to index
      %swap3A_82 = arith.constant 96 : index
      %swap3A_83 = tpu.vector_load %arg12[%swap3A_81, %swap3A_82] {strides = array<i32>} : memref<16x128xf32, #tpu.memory_space<vmem>>, vector<1x16xf32>,
      %swap3A_84 = vector.shape_cast %swap3A_83 : vector<1x16xf32> to vector<16xf32>
      %swap3A_85 = vector.shape_cast %broadcast_in_dim3A_80 : vector<16xf32> to vector<1x16xf32>
      tpu.vector_store %arg12[%swap3A_81, %swap3A_82], %swap3A_85 {strides = array<i32>} : memref<16x128xf32, #tpu.memory_space<vmem>>, vector<1x16xf32>,
      %broadcast_in_dim3A_86 = arith.constant 0.000000e+00 : f32
      %broadcast_in_dim3A_87 = vector.broadcast %broadcast_in_dim3A_86 : f32 to vector<16xf32>
      %swap3A_88 = arith.index_cast %scan3A_38 : i32 to index
      %swap3A_89 = arith.constant 112 : index
      %swap3A_90 = tpu.vector_load %arg12[%swap3A_88, %swap3A_89] {strides = array<i32>} : memref<16x128xf32, #tpu.memory_space<vmem>>, vector<1x16xf32>,
      %swap3A_91 = vector.shape_cast %swap3A_90 : vector<1x16xf32> to vector<16xf32>
      %swap3A_92 = vector.shape_cast %broadcast_in_dim3A_87 : vector<16xf32> to vector<1x16xf32>
      tpu.vector_store %arg12[%swap3A_88, %swap3A_89], %swap3A_92 {strides = array<i32>} : memref<16x128xf32, #tpu.memory_space<vmem>>, vector<1x16xf32>,
    }
    %scan3A_10 = arith.constant 16 : i32
    %scan3A_11 = arith.constant 0 : i32
    %scan3A_12 = arith.constant 0 : i32
    %scan3A_13 = arith.constant 39 : i32
    %scan3A_14 = arith.addi %scan3A_12, %scan3A_13 : i32
    %scan3A_15 = arith.constant 1 : i32
    scf.for %scan3A_38 = %scan3A_12 to %scan3A_14 step %scan3A_15  : i32 {
      %mul3A_39 = arith.constant 16 : i32
      %mul3A_40 = arith.muli %scan3A_38, %mul3A_39 : i32
      %add3A_41 = arith.addi %multiple_of3A, %mul3A_40 : i32
      "tpu.region"() ({
        %run_scoped3A = tpu.sem_alloc : memref<!tpu.dma_semaphore, #tpu.memory_space<semaphore_mem>>
        %dma_start3A_42 = arith.constant 0 : i32
        %dma_start3A_43 = tpu.memref_slice %arg13[%add3A_41, %dma_start3A_42] : memref<10000x128xf32, #tpu.memory_space<vmem_shared>> -> memref<16x128xf32, #tpu.memory_space<vmem_shared>>
        %dma_start3A_44 = arith.constant 0 : i32
        %dma_start3A_45 = tpu.memref_slice %arg13[%add3A_41, %dma_start3A_44] : memref<10000x128xf32, #tpu.memory_space<vmem_shared>> -> memref<16x128xf32, #tpu.memory_space<vmem_shared>>
        tpu.enqueue_dma source(%arg12 : memref<16x128xf32, #tpu.memory_space<vmem>>) target(%dma_start3A_45 : memref<16x128xf32, #tpu.memory_space<vmem_shared>>) target_semaphore(%run_scoped3A : memref<!tpu.dma_semaphore, #tpu.memory_space<semaphore_mem>>)
        %dma_wait3A_46 = arith.constant 0 : i32
        %dma_wait3A_47 = tpu.memref_slice %arg13[%add3A_41, %dma_wait3A_46] : memref<10000x128xf32, #tpu.memory_space<vmem_shared>> -> memref<16x128xf32, #tpu.memory_space<vmem_shared>>
        %dma_wait3A_48 = arith.constant 0 : i32
        %dma_wait3A_49 = tpu.memref_slice %arg13[%add3A_41, %dma_wait3A_48] : memref<10000x128xf32, #tpu.memory_space<vmem_shared>> -> memref<16x128xf32, #tpu.memory_space<vmem_shared>>
        tpu.wait_dma2 semaphore(%run_scoped3A : memref<!tpu.dma_semaphore, #tpu.memory_space<semaphore_mem>>) src(%arg12 : memref<16x128xf32, #tpu.memory_space<vmem>>) dst(%dma_wait3A_49 : memref<16x128xf32, #tpu.memory_space<vmem_shared>>)
        tpu.yield
      }) : () -> ()
    }
    %scan3A_16 = arith.constant 39 : i32
    %convert_element_type3A = arith.extui %eq3A_3 : i1 to i32
    %cond3A = arith.constant 0 : i32
    %cond3A_17 = arith.cmpi ne, %convert_element_type3A, %cond3A : i32
    scf.if %cond3A_17 {
      "tpu.region"() ({
        %run_scoped3A = tpu.sem_alloc : memref<!tpu.dma_semaphore, #tpu.memory_space<semaphore_mem>>
        %dma_start3A_38 = arith.constant 9984 : i32
        %dma_start3A_39 = arith.constant 0 : i32
        %dma_start3A_40 = tpu.memref_slice %arg13[%dma_start3A_38, %dma_start3A_39] : memref<10000x128xf32, #tpu.memory_space<vmem_shared>> -> memref<16x128xf32, #tpu.memory_space<vmem_shared>>
        %dma_start3A_41 = arith.constant 9984 : i32
        %dma_start3A_42 = arith.constant 0 : i32
        %dma_start3A_43 = tpu.memref_slice %arg13[%dma_start3A_41, %dma_start3A_42] : memref<10000x128xf32, #tpu.memory_space<vmem_shared>> -> memref<16x128xf32, #tpu.memory_space<vmem_shared>>
        tpu.enqueue_dma source(%arg12 : memref<16x128xf32, #tpu.memory_space<vmem>>) target(%dma_start3A_43 : memref<16x128xf32, #tpu.memory_space<vmem_shared>>) target_semaphore(%run_scoped3A : memref<!tpu.dma_semaphore, #tpu.memory_space<semaphore_mem>>)
        %dma_wait3A_44 = arith.constant 9984 : i32
        %dma_wait3A_45 = arith.constant 0 : i32
        %dma_wait3A_46 = tpu.memref_slice %arg13[%dma_wait3A_44, %dma_wait3A_45] : memref<10000x128xf32, #tpu.memory_space<vmem_shared>> -> memref<16x128xf32, #tpu.memory_space<vmem_shared>>
        %dma_wait3A_47 = arith.constant 9984 : i32
        %dma_wait3A_48 = arith.constant 0 : i32
        %dma_wait3A_49 = tpu.memref_slice %arg13[%dma_wait3A_47, %dma_wait3A_48] : memref<10000x128xf32, #tpu.memory_space<vmem_shared>> -> memref<16x128xf32, #tpu.memory_space<vmem_shared>>
        tpu.wait_dma2 semaphore(%run_scoped3A : memref<!tpu.dma_semaphore, #tpu.memory_space<semaphore_mem>>) src(%arg12 : memref<16x128xf32, #tpu.memory_space<vmem>>) dst(%dma_wait3A_49 : memref<16x128xf32, #tpu.memory_space<vmem_shared>>)
        tpu.yield
      }) : () -> ()
    } else {
    }
    %barrier3A = arith.constant 0 : index
    tpu.barrier barrier_id(%barrier3A)
    %add3A_18 = arith.constant 0 : i32
    %add3A_19 = arith.addi %mul3A_5, %add3A_18 : i32
    %multiple_of3A_20 = tpu.assume_multiple %add3A_19, 8 : i32
    "tpu.region"() ({
      %run_scoped3A = tpu.sem_alloc : memref<!tpu.dma_semaphore, #tpu.memory_space<semaphore_mem>>
      %dma_start3A_38 = tpu.memref_slice %arg3[%multiple_of3A_20] : memref<320000xi32, #tpu.memory_space<hbm>> -> memref<80xi32, #tpu.memory_space<hbm>>
      %dma_start3A_39 = tpu.memref_slice %arg3[%multiple_of3A_20] : memref<320000xi32, #tpu.memory_space<hbm>> -> memref<80xi32, #tpu.memory_space<hbm>>
      tpu.enqueue_dma source(%dma_start3A_39 : memref<80xi32, #tpu.memory_space<hbm>>) target(%arg6 : memref<80xi32, #tpu.memory_space<vmem>>) target_semaphore(%run_scoped3A : memref<!tpu.dma_semaphore, #tpu.memory_space<semaphore_mem>>)
      %dma_wait3A_40 = tpu.memref_slice %arg3[%multiple_of3A_20] : memref<320000xi32, #tpu.memory_space<hbm>> -> memref<80xi32, #tpu.memory_space<hbm>>
      %dma_wait3A_41 = tpu.memref_slice %arg3[%multiple_of3A_20] : memref<320000xi32, #tpu.memory_space<hbm>> -> memref<80xi32, #tpu.memory_space<hbm>>
      tpu.wait_dma2 semaphore(%run_scoped3A : memref<!tpu.dma_semaphore, #tpu.memory_space<semaphore_mem>>) src(%dma_wait3A_41 : memref<80xi32, #tpu.memory_space<hbm>>) dst(%arg6 : memref<80xi32, #tpu.memory_space<vmem>>)
      tpu.yield
    }) : () -> ()
    %dma_start3A = arith.constant 0 : i32
    %dma_start3A_21 = arith.constant 0 : i32
    %dma_start3A_22 = tpu.memref_slice %arg2[%dma_start3A, %dma_start3A_21] : memref<10000x128xf32, #tpu.memory_space<hbm>> -> memref<10000x128xf32, #tpu.memory_space<hbm>>
    tpu.enqueue_indirect_dma source(%dma_start3A_22 : memref<10000x128xf32, #tpu.memory_space<hbm>>) target(%arg10 : memref<80x128xf32, #tpu.memory_space<vmem>>) offsets(%arg6 : memref<80xi32, #tpu.memory_space<vmem>>) semaphore(%arg14 : memref<!tpu.dma_semaphore, #tpu.memory_space<semaphore_mem>>)
    %scan3A_23 = arith.constant 0 : i32
    %scan3A_24 = arith.constant 0 : i32
    %scan3A_25 = arith.constant 62 : i32
    %scan3A_26 = arith.addi %scan3A_24, %scan3A_25 : i32
    %scan3A_27 = arith.constant 1 : i32
    scf.for %scan3A_38 = %scan3A_24 to %scan3A_26 step %scan3A_27  : i32 {
      %mul3A_39 = arith.constant 2 : i32
      %mul3A_40 = arith.muli %scan3A_38, %mul3A_39 : i32
      %add3A_41 = arith.constant 1 : i32
      %add3A_42 = arith.addi %mul3A_40, %add3A_41 : i32
      %mul3A_43 = arith.constant 80 : i32
      %mul3A_44 = arith.muli %add3A_42, %mul3A_43 : i32
      %add3A_45 = arith.addi %mul3A_5, %mul3A_44 : i32
      %multiple_of3A_46 = tpu.assume_multiple %add3A_45, 8 : i32
      "tpu.region"() ({
        %run_scoped3A = tpu.sem_alloc : memref<!tpu.dma_semaphore, #tpu.memory_space<semaphore_mem>>
        %dma_start3A_75 = tpu.memref_slice %arg3[%multiple_of3A_46] : memref<320000xi32, #tpu.memory_space<hbm>> -> memref<80xi32, #tpu.memory_space<hbm>>
        %dma_start3A_76 = tpu.memref_slice %arg3[%multiple_of3A_46] : memref<320000xi32, #tpu.memory_space<hbm>> -> memref<80xi32, #tpu.memory_space<hbm>>
        tpu.enqueue_dma source(%dma_start3A_76 : memref<80xi32, #tpu.memory_space<hbm>>) target(%arg7 : memref<80xi32, #tpu.memory_space<vmem>>) target_semaphore(%run_scoped3A : memref<!tpu.dma_semaphore, #tpu.memory_space<semaphore_mem>>)
        %dma_wait3A_77 = tpu.memref_slice %arg3[%multiple_of3A_46] : memref<320000xi32, #tpu.memory_space<hbm>> -> memref<80xi32, #tpu.memory_space<hbm>>
        %dma_wait3A_78 = tpu.memref_slice %arg3[%multiple_of3A_46] : memref<320000xi32, #tpu.memory_space<hbm>> -> memref<80xi32, #tpu.memory_space<hbm>>
        tpu.wait_dma2 semaphore(%run_scoped3A : memref<!tpu.dma_semaphore, #tpu.memory_space<semaphore_mem>>) src(%dma_wait3A_78 : memref<80xi32, #tpu.memory_space<hbm>>) dst(%arg7 : memref<80xi32, #tpu.memory_space<vmem>>)
        tpu.yield
      }) : () -> ()
      %dma_start3A_47 = arith.constant 0 : i32
      %dma_start3A_48 = arith.constant 0 : i32
      %dma_start3A_49 = tpu.memref_slice %arg2[%dma_start3A_47, %dma_start3A_48] : memref<10000x128xf32, #tpu.memory_space<hbm>> -> memref<10000x128xf32, #tpu.memory_space<hbm>>
      tpu.enqueue_indirect_dma source(%dma_start3A_49 : memref<10000x128xf32, #tpu.memory_space<hbm>>) target(%arg11 : memref<80x128xf32, #tpu.memory_space<vmem>>) offsets(%arg7 : memref<80xi32, #tpu.memory_space<vmem>>) semaphore(%arg15 : memref<!tpu.dma_semaphore, #tpu.memory_space<semaphore_mem>>)
      %mul3A_50 = arith.constant 80 : i32
      %mul3A_51 = arith.muli %mul3A_40, %mul3A_50 : i32
      %add3A_52 = arith.addi %mul3A_5, %mul3A_51 : i32
      %multiple_of3A_53 = tpu.assume_multiple %add3A_52, 8 : i32
      "tpu.region"() ({
        %run_scoped3A = tpu.sem_alloc : memref<!tpu.dma_semaphore, #tpu.memory_space<semaphore_mem>>
        %dma_start3A_75 = tpu.memref_slice %arg4[%multiple_of3A_53] : memref<320000xi32, #tpu.memory_space<hbm>> -> memref<80xi32, #tpu.memory_space<hbm>>
        %dma_start3A_76 = tpu.memref_slice %arg4[%multiple_of3A_53] : memref<320000xi32, #tpu.memory_space<hbm>> -> memref<80xi32, #tpu.memory_space<hbm>>
        tpu.enqueue_dma source(%dma_start3A_76 : memref<80xi32, #tpu.memory_space<hbm>>) target(%arg8 : memref<80xi32, #tpu.memory_space<vmem>>) target_semaphore(%run_scoped3A : memref<!tpu.dma_semaphore, #tpu.memory_space<semaphore_mem>>)
        %dma_wait3A_77 = tpu.memref_slice %arg4[%multiple_of3A_53] : memref<320000xi32, #tpu.memory_space<hbm>> -> memref<80xi32, #tpu.memory_space<hbm>>
        %dma_wait3A_78 = tpu.memref_slice %arg4[%multiple_of3A_53] : memref<320000xi32, #tpu.memory_space<hbm>> -> memref<80xi32, #tpu.memory_space<hbm>>
        tpu.wait_dma2 semaphore(%run_scoped3A : memref<!tpu.dma_semaphore, #tpu.memory_space<semaphore_mem>>) src(%dma_wait3A_78 : memref<80xi32, #tpu.memory_space<hbm>>) dst(%arg8 : memref<80xi32, #tpu.memory_space<vmem>>)
        tpu.yield
      }) : () -> ()
      %dma_wait3A_54 = arith.constant 0 : i32
      %dma_wait3A_55 = arith.constant 0 : i32
      %dma_wait3A_56 = tpu.memref_slice %arg2[%dma_wait3A_54, %dma_wait3A_55] : memref<10000x128xf32, #tpu.memory_space<hbm>> -> memref<10000x128xf32, #tpu.memory_space<hbm>>
      tpu.wait_indirect_dma semaphore(%arg14 : memref<!tpu.dma_semaphore, #tpu.memory_space<semaphore_mem>>) src(%dma_wait3A_56 : memref<10000x128xf32, #tpu.memory_space<hbm>>) dst(%arg10 : memref<80x128xf32, #tpu.memory_space<vmem>>)
      "tpu.region"() ({
        %run_scoped3A = tpu.sem_alloc : memref<!tpu.dma_semaphore, #tpu.memory_space<semaphore_mem>>
        %dma_start3A_75 = arith.constant 0 : i32
        %dma_start3A_76 = arith.constant 0 : i32
        %dma_start3A_77 = tpu.memref_slice %arg13[%dma_start3A_75, %dma_start3A_76] : memref<10000x128xf32, #tpu.memory_space<vmem_shared>> -> memref<10000x128xf32, #tpu.memory_space<vmem_shared>>
        tpu.enqueue_indirect_dma source(%arg10 : memref<80x128xf32, #tpu.memory_space<vmem>>) target(%dma_start3A_77 : memref<10000x128xf32, #tpu.memory_space<vmem_shared>>) offsets(%arg8 : memref<80xi32, #tpu.memory_space<vmem>>) semaphore(%run_scoped3A : memref<!tpu.dma_semaphore, #tpu.memory_space<semaphore_mem>>) {add = true}
        %dma_wait3A_78 = arith.constant 0 : i32
        %dma_wait3A_79 = arith.constant 0 : i32
        %dma_wait3A_80 = tpu.memref_slice %arg13[%dma_wait3A_78, %dma_wait3A_79] : memref<10000x128xf32, #tpu.memory_space<vmem_shared>> -> memref<10000x128xf32, #tpu.memory_space<vmem_shared>>
        tpu.wait_indirect_dma semaphore(%run_scoped3A : memref<!tpu.dma_semaphore, #tpu.memory_space<semaphore_mem>>) src(%arg10 : memref<80x128xf32, #tpu.memory_space<vmem>>) dst(%dma_wait3A_80 : memref<10000x128xf32, #tpu.memory_space<vmem_shared>>)
        tpu.yield
      }) : () -> ()
      %add3A_57 = arith.constant 2 : i32
      %add3A_58 = arith.addi %mul3A_40, %add3A_57 : i32
      %mul3A_59 = arith.constant 80 : i32
      %mul3A_60 = arith.muli %add3A_58, %mul3A_59 : i32
      %add3A_61 = arith.addi %mul3A_5, %mul3A_60 : i32
      %multiple_of3A_62 = tpu.assume_multiple %add3A_61, 8 : i32
      "tpu.region"() ({
        %run_scoped3A = tpu.sem_alloc : memref<!tpu.dma_semaphore, #tpu.memory_space<semaphore_mem>>
        %dma_start3A_75 = tpu.memref_slice %arg3[%multiple_of3A_62] : memref<320000xi32, #tpu.memory_space<hbm>> -> memref<80xi32, #tpu.memory_space<hbm>>
        %dma_start3A_76 = tpu.memref_slice %arg3[%multiple_of3A_62] : memref<320000xi32, #tpu.memory_space<hbm>> -> memref<80xi32, #tpu.memory_space<hbm>>
        tpu.enqueue_dma source(%dma_start3A_76 : memref<80xi32, #tpu.memory_space<hbm>>) target(%arg6 : memref<80xi32, #tpu.memory_space<vmem>>) target_semaphore(%run_scoped3A : memref<!tpu.dma_semaphore, #tpu.memory_space<semaphore_mem>>)
        %dma_wait3A_77 = tpu.memref_slice %arg3[%multiple_of3A_62] : memref<320000xi32, #tpu.memory_space<hbm>> -> memref<80xi32, #tpu.memory_space<hbm>>
        %dma_wait3A_78 = tpu.memref_slice %arg3[%multiple_of3A_62] : memref<320000xi32, #tpu.memory_space<hbm>> -> memref<80xi32, #tpu.memory_space<hbm>>
        tpu.wait_dma2 semaphore(%run_scoped3A : memref<!tpu.dma_semaphore, #tpu.memory_space<semaphore_mem>>) src(%dma_wait3A_78 : memref<80xi32, #tpu.memory_space<hbm>>) dst(%arg6 : memref<80xi32, #tpu.memory_space<vmem>>)
        tpu.yield
      }) : () -> ()
      %dma_start3A_63 = arith.constant 0 : i32
      %dma_start3A_64 = arith.constant 0 : i32
      %dma_start3A_65 = tpu.memref_slice %arg2[%dma_start3A_63, %dma_start3A_64] : memref<10000x128xf32, #tpu.memory_space<hbm>> -> memref<10000x128xf32, #tpu.memory_space<hbm>>
      tpu.enqueue_indirect_dma source(%dma_start3A_65 : memref<10000x128xf32, #tpu.memory_space<hbm>>) target(%arg10 : memref<80x128xf32, #tpu.memory_space<vmem>>) offsets(%arg6 : memref<80xi32, #tpu.memory_space<vmem>>) semaphore(%arg14 : memref<!tpu.dma_semaphore, #tpu.memory_space<semaphore_mem>>)
      %add3A_66 = arith.constant 1 : i32
      %add3A_67 = arith.addi %mul3A_40, %add3A_66 : i32
      %mul3A_68 = arith.constant 80 : i32
      %mul3A_69 = arith.muli %add3A_67, %mul3A_68 : i32
      %add3A_70 = arith.addi %mul3A_5, %mul3A_69 : i32
      %multiple_of3A_71 = tpu.assume_multiple %add3A_70, 8 : i32
      "tpu.region"() ({
        %run_scoped3A = tpu.sem_alloc : memref<!tpu.dma_semaphore, #tpu.memory_space<semaphore_mem>>
        %dma_start3A_75 = tpu.memref_slice %arg4[%multiple_of3A_71] : memref<320000xi32, #tpu.memory_space<hbm>> -> memref<80xi32, #tpu.memory_space<hbm>>
        %dma_start3A_76 = tpu.memref_slice %arg4[%multiple_of3A_71] : memref<320000xi32, #tpu.memory_space<hbm>> -> memref<80xi32, #tpu.memory_space<hbm>>
        tpu.enqueue_dma source(%dma_start3A_76 : memref<80xi32, #tpu.memory_space<hbm>>) target(%arg9 : memref<80xi32, #tpu.memory_space<vmem>>) target_semaphore(%run_scoped3A : memref<!tpu.dma_semaphore, #tpu.memory_space<semaphore_mem>>)
        %dma_wait3A_77 = tpu.memref_slice %arg4[%multiple_of3A_71] : memref<320000xi32, #tpu.memory_space<hbm>> -> memref<80xi32, #tpu.memory_space<hbm>>
        %dma_wait3A_78 = tpu.memref_slice %arg4[%multiple_of3A_71] : memref<320000xi32, #tpu.memory_space<hbm>> -> memref<80xi32, #tpu.memory_space<hbm>>
        tpu.wait_dma2 semaphore(%run_scoped3A : memref<!tpu.dma_semaphore, #tpu.memory_space<semaphore_mem>>) src(%dma_wait3A_78 : memref<80xi32, #tpu.memory_space<hbm>>) dst(%arg9 : memref<80xi32, #tpu.memory_space<vmem>>)
        tpu.yield
      }) : () -> ()
      %dma_wait3A_72 = arith.constant 0 : i32
      %dma_wait3A_73 = arith.constant 0 : i32
      %dma_wait3A_74 = tpu.memref_slice %arg2[%dma_wait3A_72, %dma_wait3A_73] : memref<10000x128xf32, #tpu.memory_space<hbm>> -> memref<10000x128xf32, #tpu.memory_space<hbm>>
      tpu.wait_indirect_dma semaphore(%arg15 : memref<!tpu.dma_semaphore, #tpu.memory_space<semaphore_mem>>) src(%dma_wait3A_74 : memref<10000x128xf32, #tpu.memory_space<hbm>>) dst(%arg11 : memref<80x128xf32, #tpu.memory_space<vmem>>)
      "tpu.region"() ({
        %run_scoped3A = tpu.sem_alloc : memref<!tpu.dma_semaphore, #tpu.memory_space<semaphore_mem>>
        %dma_start3A_75 = arith.constant 0 : i32
        %dma_start3A_76 = arith.constant 0 : i32
        %dma_start3A_77 = tpu.memref_slice %arg13[%dma_start3A_75, %dma_start3A_76] : memref<10000x128xf32, #tpu.memory_space<vmem_shared>> -> memref<10000x128xf32, #tpu.memory_space<vmem_shared>>
        tpu.enqueue_indirect_dma source(%arg11 : memref<80x128xf32, #tpu.memory_space<vmem>>) target(%dma_start3A_77 : memref<10000x128xf32, #tpu.memory_space<vmem_shared>>) offsets(%arg9 : memref<80xi32, #tpu.memory_space<vmem>>) semaphore(%run_scoped3A : memref<!tpu.dma_semaphore, #tpu.memory_space<semaphore_mem>>) {add = true}
        %dma_wait3A_78 = arith.constant 0 : i32
        %dma_wait3A_79 = arith.constant 0 : i32
        %dma_wait3A_80 = tpu.memref_slice %arg13[%dma_wait3A_78, %dma_wait3A_79] : memref<10000x128xf32, #tpu.memory_space<vmem_shared>> -> memref<10000x128xf32, #tpu.memory_space<vmem_shared>>
        tpu.wait_indirect_dma semaphore(%run_scoped3A : memref<!tpu.dma_semaphore, #tpu.memory_space<semaphore_mem>>) src(%arg11 : memref<80x128xf32, #tpu.memory_space<vmem>>) dst(%dma_wait3A_80 : memref<10000x128xf32, #tpu.memory_space<vmem_shared>>)
        tpu.yield
      }) : () -> ()
    }
    %scan3A_28 = arith.constant 62 : i32
    %add3A_29 = arith.constant 9920 : i32
    %add3A_30 = arith.addi %mul3A_5, %add3A_29 : i32
    %multiple_of3A_31 = tpu.assume_multiple %add3A_30, 8 : i32
    "tpu.region"() ({
      %run_scoped3A = tpu.sem_alloc : memref<!tpu.dma_semaphore, #tpu.memory_space<semaphore_mem>>
      %dma_start3A_38 = tpu.memref_slice %arg4[%multiple_of3A_31] : memref<320000xi32, #tpu.memory_space<hbm>> -> memref<80xi32, #tpu.memory_space<hbm>>
      %dma_start3A_39 = tpu.memref_slice %arg4[%multiple_of3A_31] : memref<320000xi32, #tpu.memory_space<hbm>> -> memref<80xi32, #tpu.memory_space<hbm>>
      tpu.enqueue_dma source(%dma_start3A_39 : memref<80xi32, #tpu.memory_space<hbm>>) target(%arg8 : memref<80xi32, #tpu.memory_space<vmem>>) target_semaphore(%run_scoped3A : memref<!tpu.dma_semaphore, #tpu.memory_space<semaphore_mem>>)
      %dma_wait3A_40 = tpu.memref_slice %arg4[%multiple_of3A_31] : memref<320000xi32, #tpu.memory_space<hbm>> -> memref<80xi32, #tpu.memory_space<hbm>>
      %dma_wait3A_41 = tpu.memref_slice %arg4[%multiple_of3A_31] : memref<320000xi32, #tpu.memory_space<hbm>> -> memref<80xi32, #tpu.memory_space<hbm>>
      tpu.wait_dma2 semaphore(%run_scoped3A : memref<!tpu.dma_semaphore, #tpu.memory_space<semaphore_mem>>) src(%dma_wait3A_41 : memref<80xi32, #tpu.memory_space<hbm>>) dst(%arg8 : memref<80xi32, #tpu.memory_space<vmem>>)
      tpu.yield
    }) : () -> ()
    %dma_wait3A = arith.constant 0 : i32
    %dma_wait3A_32 = arith.constant 0 : i32
    %dma_wait3A_33 = tpu.memref_slice %arg2[%dma_wait3A, %dma_wait3A_32] : memref<10000x128xf32, #tpu.memory_space<hbm>> -> memref<10000x128xf32, #tpu.memory_space<hbm>>
    tpu.wait_indirect_dma semaphore(%arg14 : memref<!tpu.dma_semaphore, #tpu.memory_space<semaphore_mem>>) src(%dma_wait3A_33 : memref<10000x128xf32, #tpu.memory_space<hbm>>) dst(%arg10 : memref<80x128xf32, #tpu.memory_space<vmem>>)
    "tpu.region"() ({
      %run_scoped3A = tpu.sem_alloc : memref<!tpu.dma_semaphore, #tpu.memory_space<semaphore_mem>>
      %dma_start3A_38 = arith.constant 0 : i32
      %dma_start3A_39 = arith.constant 0 : i32
      %dma_start3A_40 = tpu.memref_slice %arg13[%dma_start3A_38, %dma_start3A_39] : memref<10000x128xf32, #tpu.memory_space<vmem_shared>> -> memref<10000x128xf32, #tpu.memory_space<vmem_shared>>
      tpu.enqueue_indirect_dma source(%arg10 : memref<80x128xf32, #tpu.memory_space<vmem>>) target(%dma_start3A_40 : memref<10000x128xf32, #tpu.memory_space<vmem_shared>>) offsets(%arg8 : memref<80xi32, #tpu.memory_space<vmem>>) semaphore(%run_scoped3A : memref<!tpu.dma_semaphore, #tpu.memory_space<semaphore_mem>>) {add = true}
      %dma_wait3A_41 = arith.constant 0 : i32
      %dma_wait3A_42 = arith.constant 0 : i32
      %dma_wait3A_43 = tpu.memref_slice %arg13[%dma_wait3A_41, %dma_wait3A_42] : memref<10000x128xf32, #tpu.memory_space<vmem_shared>> -> memref<10000x128xf32, #tpu.memory_space<vmem_shared>>
      tpu.wait_indirect_dma semaphore(%run_scoped3A : memref<!tpu.dma_semaphore, #tpu.memory_space<semaphore_mem>>) src(%arg10 : memref<80x128xf32, #tpu.memory_space<vmem>>) dst(%dma_wait3A_43 : memref<10000x128xf32, #tpu.memory_space<vmem_shared>>)
      tpu.yield
    }) : () -> ()
    %barrier3A_34 = arith.constant 0 : index
    tpu.barrier barrier_id(%barrier3A_34)
    "tpu.region"() ({
      %run_scoped3A = tpu.sem_alloc : memref<!tpu.dma_semaphore, #tpu.memory_space<semaphore_mem>>
      %dma_start3A_38 = arith.constant 0 : i32
      %dma_start3A_39 = tpu.memref_slice %arg5[%arg0, %multiple_of3A, %dma_start3A_38] : memref<2x10000x128xf32, #tpu.memory_space<hbm>> -> memref<1x624x128xf32, #tpu.memory_space<hbm>>
      %dma_start3A_40 = tpu.memref_squeeze %dma_start3A_39 : memref<1x624x128xf32, #tpu.memory_space<hbm>> -> memref<624x128xf32, #tpu.memory_space<hbm>>
      %dma_start3A_41 = arith.constant 0 : i32
      %dma_start3A_42 = tpu.memref_slice %arg13[%multiple_of3A, %dma_start3A_41] : memref<10000x128xf32, #tpu.memory_space<vmem_shared>> -> memref<624x128xf32, #tpu.memory_space<vmem_shared>>
      tpu.enqueue_dma source(%dma_start3A_42 : memref<624x128xf32, #tpu.memory_space<vmem_shared>>) target(%dma_start3A_40 : memref<624x128xf32, #tpu.memory_space<hbm>>) target_semaphore(%run_scoped3A : memref<!tpu.dma_semaphore, #tpu.memory_space<semaphore_mem>>)
      %dma_wait3A_43 = arith.constant 0 : i32
      %dma_wait3A_44 = tpu.memref_slice %arg5[%arg0, %multiple_of3A, %dma_wait3A_43] : memref<2x10000x128xf32, #tpu.memory_space<hbm>> -> memref<1x624x128xf32, #tpu.memory_space<hbm>>
      %dma_wait3A_45 = tpu.memref_squeeze %dma_wait3A_44 : memref<1x624x128xf32, #tpu.memory_space<hbm>> -> memref<624x128xf32, #tpu.memory_space<hbm>>
      %dma_wait3A_46 = arith.constant 0 : i32
      %dma_wait3A_47 = tpu.memref_slice %arg13[%multiple_of3A, %dma_wait3A_46] : memref<10000x128xf32, #tpu.memory_space<vmem_shared>> -> memref<624x128xf32, #tpu.memory_space<vmem_shared>>
      tpu.wait_dma2 semaphore(%run_scoped3A : memref<!tpu.dma_semaphore, #tpu.memory_space<semaphore_mem>>) src(%dma_wait3A_47 : memref<624x128xf32, #tpu.memory_space<vmem_shared>>) dst(%dma_wait3A_45 : memref<624x128xf32, #tpu.memory_space<hbm>>)
      tpu.yield
    }) : () -> ()
    %convert_element_type3A_35 = arith.extui %eq3A_3 : i1 to i32
    %cond3A_36 = arith.constant 0 : i32
    %cond3A_37 = arith.cmpi ne, %convert_element_type3A_35, %cond3A_36 : i32
    scf.if %cond3A_37 {
      "tpu.region"() ({
        %run_scoped3A = tpu.sem_alloc : memref<!tpu.dma_semaphore, #tpu.memory_space<semaphore_mem>>
        %dma_start3A_38 = arith.constant 9984 : i32
        %dma_start3A_39 = arith.constant 0 : i32
        %dma_start3A_40 = tpu.memref_slice %arg5[%arg0, %dma_start3A_38, %dma_start3A_39] : memref<2x10000x128xf32, #tpu.memory_space<hbm>> -> memref<1x16x128xf32, #tpu.memory_space<hbm>>
        %dma_start3A_41 = tpu.memref_squeeze %dma_start3A_40 : memref<1x16x128xf32, #tpu.memory_space<hbm>> -> memref<16x128xf32, #tpu.memory_space<hbm>>
        %dma_start3A_42 = arith.constant 9984 : i32
        %dma_start3A_43 = arith.constant 0 : i32
        %dma_start3A_44 = tpu.memref_slice %arg13[%dma_start3A_42, %dma_start3A_43] : memref<10000x128xf32, #tpu.memory_space<vmem_shared>> -> memref<16x128xf32, #tpu.memory_space<vmem_shared>>
        tpu.enqueue_dma source(%dma_start3A_44 : memref<16x128xf32, #tpu.memory_space<vmem_shared>>) target(%dma_start3A_41 : memref<16x128xf32, #tpu.memory_space<hbm>>) target_semaphore(%run_scoped3A : memref<!tpu.dma_semaphore, #tpu.memory_space<semaphore_mem>>)
        %dma_wait3A_45 = arith.constant 9984 : i32
        %dma_wait3A_46 = arith.constant 0 : i32
        %dma_wait3A_47 = tpu.memref_slice %arg5[%arg0, %dma_wait3A_45, %dma_wait3A_46] : memref<2x10000x128xf32, #tpu.memory_space<hbm>> -> memref<1x16x128xf32, #tpu.memory_space<hbm>>
        %dma_wait3A_48 = tpu.memref_squeeze %dma_wait3A_47 : memref<1x16x128xf32, #tpu.memory_space<hbm>> -> memref<16x128xf32, #tpu.memory_space<hbm>>
        %dma_wait3A_49 = arith.constant 9984 : i32
        %dma_wait3A_50 = arith.constant 0 : i32
        %dma_wait3A_51 = tpu.memref_slice %arg13[%dma_wait3A_49, %dma_wait3A_50] : memref<10000x128xf32, #tpu.memory_space<vmem_shared>> -> memref<16x128xf32, #tpu.memory_space<vmem_shared>>
        tpu.wait_dma2 semaphore(%run_scoped3A : memref<!tpu.dma_semaphore, #tpu.memory_space<semaphore_mem>>) src(%dma_wait3A_51 : memref<16x128xf32, #tpu.memory_space<vmem_shared>>) dst(%dma_wait3A_48 : memref<16x128xf32, #tpu.memory_space<hbm>>)
        tpu.yield
      }) : () -> ()
    } else {
    }
    return
  }
}

#map = affine_map<(d0, d1) -> (0)>
#map1 = affine_map<(d0, d1) -> (0, 0)>
module attributes {stable_mosaic.version = 14 : i64} {
  func.func @_deg_body(%arg0: i32, %arg1: i32, %arg2: memref<320000xi32, #tpu.memory_space<hbm>>, %arg3: memref<320000xi32, #tpu.memory_space<hbm>>, %arg4: memref<10000x128xf32, #tpu.memory_space<hbm>>, %arg5: memref<10000x128xf32, #tpu.memory_space<hbm>>, %arg6: memref<80xi32, #tpu.memory_space<vmem>>, %arg7: memref<80xi32, #tpu.memory_space<vmem>>, %arg8: memref<80x128xf32, #tpu.memory_space<vmem>>, %arg9: memref<16x128xf32, #tpu.memory_space<vmem>>, %arg10: memref<10000x128xf32, #tpu.memory_space<vmem_shared>>, %arg11: memref<!tpu.dma_semaphore, #tpu.memory_space<semaphore_mem>>, %arg12: memref<!tpu.dma_semaphore, #tpu.memory_space<semaphore_mem>>) attributes {dimension_semantics = [#tpu.dimension_semantics<core_parallel>, #tpu.dimension_semantics<subcore_parallel>], iteration_bounds = array<i64: 2, 16>, scalar_prefetch = 0 : i64, scratch_operands = 7 : i64, tpu.core_type = #tpu.core_type<sc_vector_subcore>, window_params = [{transform_indices = #map}, {transform_indices = #map}, {transform_indices = #map1}, {transform_indices = #map1}]} {
    %mul3A = arith.constant 624 : i32
    %mul3A_0 = arith.muli %arg1, %mul3A : i32
    %multiple_of3A = tpu.assume_multiple %mul3A_0, 8 : i32
    %eq3A = arith.constant 15 : i32
    %eq3A_1 = arith.cmpi eq, %arg1, %eq3A : i32
    %scan3A = arith.constant 0 : i32
    %scan3A_2 = arith.constant 0 : i32
    %scan3A_3 = arith.constant 16 : i32
    %scan3A_4 = arith.addi %scan3A_2, %scan3A_3 : i32
    %scan3A_5 = arith.constant 1 : i32
    scf.for %scan3A_41 = %scan3A_2 to %scan3A_4 step %scan3A_5  : i32 {
      %broadcast_in_dim3A = arith.constant 1.000000e+00 : f32
      %broadcast_in_dim3A_42 = vector.broadcast %broadcast_in_dim3A : f32 to vector<16xf32>
      %swap3A = arith.index_cast %scan3A_41 : i32 to index
      %swap3A_43 = arith.constant 0 : index
      %swap3A_44 = tpu.vector_load %arg8[%swap3A, %swap3A_43] {strides = array<i32>} : memref<80x128xf32, #tpu.memory_space<vmem>>, vector<1x16xf32>,
      %swap3A_45 = vector.shape_cast %swap3A_44 : vector<1x16xf32> to vector<16xf32>
      %swap3A_46 = vector.shape_cast %broadcast_in_dim3A_42 : vector<16xf32> to vector<1x16xf32>
      tpu.vector_store %arg8[%swap3A, %swap3A_43], %swap3A_46 {strides = array<i32>} : memref<80x128xf32, #tpu.memory_space<vmem>>, vector<1x16xf32>,
      %broadcast_in_dim3A_47 = arith.constant 0.000000e+00 : f32
      %broadcast_in_dim3A_48 = vector.broadcast %broadcast_in_dim3A_47 : f32 to vector<16xf32>
      %swap3A_49 = arith.index_cast %scan3A_41 : i32 to index
      %swap3A_50 = arith.constant 0 : index
      %swap3A_51 = tpu.vector_load %arg9[%swap3A_49, %swap3A_50] {strides = array<i32>} : memref<16x128xf32, #tpu.memory_space<vmem>>, vector<1x16xf32>,
      %swap3A_52 = vector.shape_cast %swap3A_51 : vector<1x16xf32> to vector<16xf32>
      %swap3A_53 = vector.shape_cast %broadcast_in_dim3A_48 : vector<16xf32> to vector<1x16xf32>
      tpu.vector_store %arg9[%swap3A_49, %swap3A_50], %swap3A_53 {strides = array<i32>} : memref<16x128xf32, #tpu.memory_space<vmem>>, vector<1x16xf32>,
      %broadcast_in_dim3A_54 = arith.constant 1.000000e+00 : f32
      %broadcast_in_dim3A_55 = vector.broadcast %broadcast_in_dim3A_54 : f32 to vector<16xf32>
      %swap3A_56 = arith.index_cast %scan3A_41 : i32 to index
      %swap3A_57 = arith.constant 16 : index
      %swap3A_58 = tpu.vector_load %arg8[%swap3A_56, %swap3A_57] {strides = array<i32>} : memref<80x128xf32, #tpu.memory_space<vmem>>, vector<1x16xf32>,
      %swap3A_59 = vector.shape_cast %swap3A_58 : vector<1x16xf32> to vector<16xf32>
      %swap3A_60 = vector.shape_cast %broadcast_in_dim3A_55 : vector<16xf32> to vector<1x16xf32>
      tpu.vector_store %arg8[%swap3A_56, %swap3A_57], %swap3A_60 {strides = array<i32>} : memref<80x128xf32, #tpu.memory_space<vmem>>, vector<1x16xf32>,
      %broadcast_in_dim3A_61 = arith.constant 0.000000e+00 : f32
      %broadcast_in_dim3A_62 = vector.broadcast %broadcast_in_dim3A_61 : f32 to vector<16xf32>
      %swap3A_63 = arith.index_cast %scan3A_41 : i32 to index
      %swap3A_64 = arith.constant 16 : index
      %swap3A_65 = tpu.vector_load %arg9[%swap3A_63, %swap3A_64] {strides = array<i32>} : memref<16x128xf32, #tpu.memory_space<vmem>>, vector<1x16xf32>,
      %swap3A_66 = vector.shape_cast %swap3A_65 : vector<1x16xf32> to vector<16xf32>
      %swap3A_67 = vector.shape_cast %broadcast_in_dim3A_62 : vector<16xf32> to vector<1x16xf32>
      tpu.vector_store %arg9[%swap3A_63, %swap3A_64], %swap3A_67 {strides = array<i32>} : memref<16x128xf32, #tpu.memory_space<vmem>>, vector<1x16xf32>,
      %broadcast_in_dim3A_68 = arith.constant 1.000000e+00 : f32
      %broadcast_in_dim3A_69 = vector.broadcast %broadcast_in_dim3A_68 : f32 to vector<16xf32>
      %swap3A_70 = arith.index_cast %scan3A_41 : i32 to index
      %swap3A_71 = arith.constant 32 : index
      %swap3A_72 = tpu.vector_load %arg8[%swap3A_70, %swap3A_71] {strides = array<i32>} : memref<80x128xf32, #tpu.memory_space<vmem>>, vector<1x16xf32>,
      %swap3A_73 = vector.shape_cast %swap3A_72 : vector<1x16xf32> to vector<16xf32>
      %swap3A_74 = vector.shape_cast %broadcast_in_dim3A_69 : vector<16xf32> to vector<1x16xf32>
      tpu.vector_store %arg8[%swap3A_70, %swap3A_71], %swap3A_74 {strides = array<i32>} : memref<80x128xf32, #tpu.memory_space<vmem>>, vector<1x16xf32>,
      %broadcast_in_dim3A_75 = arith.constant 0.000000e+00 : f32
      %broadcast_in_dim3A_76 = vector.broadcast %broadcast_in_dim3A_75 : f32 to vector<16xf32>
      %swap3A_77 = arith.index_cast %scan3A_41 : i32 to index
      %swap3A_78 = arith.constant 32 : index
      %swap3A_79 = tpu.vector_load %arg9[%swap3A_77, %swap3A_78] {strides = array<i32>} : memref<16x128xf32, #tpu.memory_space<vmem>>, vector<1x16xf32>,
      %swap3A_80 = vector.shape_cast %swap3A_79 : vector<1x16xf32> to vector<16xf32>
      %swap3A_81 = vector.shape_cast %broadcast_in_dim3A_76 : vector<16xf32> to vector<1x16xf32>
      tpu.vector_store %arg9[%swap3A_77, %swap3A_78], %swap3A_81 {strides = array<i32>} : memref<16x128xf32, #tpu.memory_space<vmem>>, vector<1x16xf32>,
      %broadcast_in_dim3A_82 = arith.constant 1.000000e+00 : f32
      %broadcast_in_dim3A_83 = vector.broadcast %broadcast_in_dim3A_82 : f32 to vector<16xf32>
      %swap3A_84 = arith.index_cast %scan3A_41 : i32 to index
      %swap3A_85 = arith.constant 48 : index
      %swap3A_86 = tpu.vector_load %arg8[%swap3A_84, %swap3A_85] {strides = array<i32>} : memref<80x128xf32, #tpu.memory_space<vmem>>, vector<1x16xf32>,
      %swap3A_87 = vector.shape_cast %swap3A_86 : vector<1x16xf32> to vector<16xf32>
      %swap3A_88 = vector.shape_cast %broadcast_in_dim3A_83 : vector<16xf32> to vector<1x16xf32>
      tpu.vector_store %arg8[%swap3A_84, %swap3A_85], %swap3A_88 {strides = array<i32>} : memref<80x128xf32, #tpu.memory_space<vmem>>, vector<1x16xf32>,
      %broadcast_in_dim3A_89 = arith.constant 0.000000e+00 : f32
      %broadcast_in_dim3A_90 = vector.broadcast %broadcast_in_dim3A_89 : f32 to vector<16xf32>
      %swap3A_91 = arith.index_cast %scan3A_41 : i32 to index
      %swap3A_92 = arith.constant 48 : index
      %swap3A_93 = tpu.vector_load %arg9[%swap3A_91, %swap3A_92] {strides = array<i32>} : memref<16x128xf32, #tpu.memory_space<vmem>>, vector<1x16xf32>,
      %swap3A_94 = vector.shape_cast %swap3A_93 : vector<1x16xf32> to vector<16xf32>
      %swap3A_95 = vector.shape_cast %broadcast_in_dim3A_90 : vector<16xf32> to vector<1x16xf32>
      tpu.vector_store %arg9[%swap3A_91, %swap3A_92], %swap3A_95 {strides = array<i32>} : memref<16x128xf32, #tpu.memory_space<vmem>>, vector<1x16xf32>,
      %broadcast_in_dim3A_96 = arith.constant 1.000000e+00 : f32
      %broadcast_in_dim3A_97 = vector.broadcast %broadcast_in_dim3A_96 : f32 to vector<16xf32>
      %swap3A_98 = arith.index_cast %scan3A_41 : i32 to index
      %swap3A_99 = arith.constant 64 : index
      %swap3A_100 = tpu.vector_load %arg8[%swap3A_98, %swap3A_99] {strides = array<i32>} : memref<80x128xf32, #tpu.memory_space<vmem>>, vector<1x16xf32>,
      %swap3A_101 = vector.shape_cast %swap3A_100 : vector<1x16xf32> to vector<16xf32>
      %swap3A_102 = vector.shape_cast %broadcast_in_dim3A_97 : vector<16xf32> to vector<1x16xf32>
      tpu.vector_store %arg8[%swap3A_98, %swap3A_99], %swap3A_102 {strides = array<i32>} : memref<80x128xf32, #tpu.memory_space<vmem>>, vector<1x16xf32>,
      %broadcast_in_dim3A_103 = arith.constant 0.000000e+00 : f32
      %broadcast_in_dim3A_104 = vector.broadcast %broadcast_in_dim3A_103 : f32 to vector<16xf32>
      %swap3A_105 = arith.index_cast %scan3A_41 : i32 to index
      %swap3A_106 = arith.constant 64 : index
      %swap3A_107 = tpu.vector_load %arg9[%swap3A_105, %swap3A_106] {strides = array<i32>} : memref<16x128xf32, #tpu.memory_space<vmem>>, vector<1x16xf32>,
      %swap3A_108 = vector.shape_cast %swap3A_107 : vector<1x16xf32> to vector<16xf32>
      %swap3A_109 = vector.shape_cast %broadcast_in_dim3A_104 : vector<16xf32> to vector<1x16xf32>
      tpu.vector_store %arg9[%swap3A_105, %swap3A_106], %swap3A_109 {strides = array<i32>} : memref<16x128xf32, #tpu.memory_space<vmem>>, vector<1x16xf32>,
      %broadcast_in_dim3A_110 = arith.constant 1.000000e+00 : f32
      %broadcast_in_dim3A_111 = vector.broadcast %broadcast_in_dim3A_110 : f32 to vector<16xf32>
      %swap3A_112 = arith.index_cast %scan3A_41 : i32 to index
      %swap3A_113 = arith.constant 80 : index
      %swap3A_114 = tpu.vector_load %arg8[%swap3A_112, %swap3A_113] {strides = array<i32>} : memref<80x128xf32, #tpu.memory_space<vmem>>, vector<1x16xf32>,
      %swap3A_115 = vector.shape_cast %swap3A_114 : vector<1x16xf32> to vector<16xf32>
      %swap3A_116 = vector.shape_cast %broadcast_in_dim3A_111 : vector<16xf32> to vector<1x16xf32>
      tpu.vector_store %arg8[%swap3A_112, %swap3A_113], %swap3A_116 {strides = array<i32>} : memref<80x128xf32, #tpu.memory_space<vmem>>, vector<1x16xf32>,
      %broadcast_in_dim3A_117 = arith.constant 0.000000e+00 : f32
      %broadcast_in_dim3A_118 = vector.broadcast %broadcast_in_dim3A_117 : f32 to vector<16xf32>
      %swap3A_119 = arith.index_cast %scan3A_41 : i32 to index
      %swap3A_120 = arith.constant 80 : index
      %swap3A_121 = tpu.vector_load %arg9[%swap3A_119, %swap3A_120] {strides = array<i32>} : memref<16x128xf32, #tpu.memory_space<vmem>>, vector<1x16xf32>,
      %swap3A_122 = vector.shape_cast %swap3A_121 : vector<1x16xf32> to vector<16xf32>
      %swap3A_123 = vector.shape_cast %broadcast_in_dim3A_118 : vector<16xf32> to vector<1x16xf32>
      tpu.vector_store %arg9[%swap3A_119, %swap3A_120], %swap3A_123 {strides = array<i32>} : memref<16x128xf32, #tpu.memory_space<vmem>>, vector<1x16xf32>,
      %broadcast_in_dim3A_124 = arith.constant 1.000000e+00 : f32
      %broadcast_in_dim3A_125 = vector.broadcast %broadcast_in_dim3A_124 : f32 to vector<16xf32>
      %swap3A_126 = arith.index_cast %scan3A_41 : i32 to index
      %swap3A_127 = arith.constant 96 : index
      %swap3A_128 = tpu.vector_load %arg8[%swap3A_126, %swap3A_127] {strides = array<i32>} : memref<80x128xf32, #tpu.memory_space<vmem>>, vector<1x16xf32>,
      %swap3A_129 = vector.shape_cast %swap3A_128 : vector<1x16xf32> to vector<16xf32>
      %swap3A_130 = vector.shape_cast %broadcast_in_dim3A_125 : vector<16xf32> to vector<1x16xf32>
      tpu.vector_store %arg8[%swap3A_126, %swap3A_127], %swap3A_130 {strides = array<i32>} : memref<80x128xf32, #tpu.memory_space<vmem>>, vector<1x16xf32>,
      %broadcast_in_dim3A_131 = arith.constant 0.000000e+00 : f32
      %broadcast_in_dim3A_132 = vector.broadcast %broadcast_in_dim3A_131 : f32 to vector<16xf32>
      %swap3A_133 = arith.index_cast %scan3A_41 : i32 to index
      %swap3A_134 = arith.constant 96 : index
      %swap3A_135 = tpu.vector_load %arg9[%swap3A_133, %swap3A_134] {strides = array<i32>} : memref<16x128xf32, #tpu.memory_space<vmem>>, vector<1x16xf32>,
      %swap3A_136 = vector.shape_cast %swap3A_135 : vector<1x16xf32> to vector<16xf32>
      %swap3A_137 = vector.shape_cast %broadcast_in_dim3A_132 : vector<16xf32> to vector<1x16xf32>
      tpu.vector_store %arg9[%swap3A_133, %swap3A_134], %swap3A_137 {strides = array<i32>} : memref<16x128xf32, #tpu.memory_space<vmem>>, vector<1x16xf32>,
      %broadcast_in_dim3A_138 = arith.constant 1.000000e+00 : f32
      %broadcast_in_dim3A_139 = vector.broadcast %broadcast_in_dim3A_138 : f32 to vector<16xf32>
      %swap3A_140 = arith.index_cast %scan3A_41 : i32 to index
      %swap3A_141 = arith.constant 112 : index
      %swap3A_142 = tpu.vector_load %arg8[%swap3A_140, %swap3A_141] {strides = array<i32>} : memref<80x128xf32, #tpu.memory_space<vmem>>, vector<1x16xf32>,
      %swap3A_143 = vector.shape_cast %swap3A_142 : vector<1x16xf32> to vector<16xf32>
      %swap3A_144 = vector.shape_cast %broadcast_in_dim3A_139 : vector<16xf32> to vector<1x16xf32>
      tpu.vector_store %arg8[%swap3A_140, %swap3A_141], %swap3A_144 {strides = array<i32>} : memref<80x128xf32, #tpu.memory_space<vmem>>, vector<1x16xf32>,
      %broadcast_in_dim3A_145 = arith.constant 0.000000e+00 : f32
      %broadcast_in_dim3A_146 = vector.broadcast %broadcast_in_dim3A_145 : f32 to vector<16xf32>
      %swap3A_147 = arith.index_cast %scan3A_41 : i32 to index
      %swap3A_148 = arith.constant 112 : index
      %swap3A_149 = tpu.vector_load %arg9[%swap3A_147, %swap3A_148] {strides = array<i32>} : memref<16x128xf32, #tpu.memory_space<vmem>>, vector<1x16xf32>,
      %swap3A_150 = vector.shape_cast %swap3A_149 : vector<1x16xf32> to vector<16xf32>
      %swap3A_151 = vector.shape_cast %broadcast_in_dim3A_146 : vector<16xf32> to vector<1x16xf32>
      tpu.vector_store %arg9[%swap3A_147, %swap3A_148], %swap3A_151 {strides = array<i32>} : memref<16x128xf32, #tpu.memory_space<vmem>>, vector<1x16xf32>,
    }
    %scan3A_6 = arith.constant 16 : i32
    %scan3A_7 = arith.constant 0 : i32
    %scan3A_8 = arith.constant 0 : i32
    %scan3A_9 = arith.constant 64 : i32
    %scan3A_10 = arith.addi %scan3A_8, %scan3A_9 : i32
    %scan3A_11 = arith.constant 1 : i32
    scf.for %scan3A_41 = %scan3A_8 to %scan3A_10 step %scan3A_11  : i32 {
      %broadcast_in_dim3A = arith.constant 1.000000e+00 : f32
      %broadcast_in_dim3A_42 = vector.broadcast %broadcast_in_dim3A : f32 to vector<16xf32>
      %add3A = arith.constant 16 : i32
      %add3A_43 = arith.addi %add3A, %scan3A_41 : i32
      %swap3A = arith.index_cast %add3A_43 : i32 to index
      %swap3A_44 = arith.constant 0 : index
      %swap3A_45 = tpu.vector_load %arg8[%swap3A, %swap3A_44] {strides = array<i32>} : memref<80x128xf32, #tpu.memory_space<vmem>>, vector<1x16xf32>,
      %swap3A_46 = vector.shape_cast %swap3A_45 : vector<1x16xf32> to vector<16xf32>
      %swap3A_47 = vector.shape_cast %broadcast_in_dim3A_42 : vector<16xf32> to vector<1x16xf32>
      tpu.vector_store %arg8[%swap3A, %swap3A_44], %swap3A_47 {strides = array<i32>} : memref<80x128xf32, #tpu.memory_space<vmem>>, vector<1x16xf32>,
      %broadcast_in_dim3A_48 = arith.constant 1.000000e+00 : f32
      %broadcast_in_dim3A_49 = vector.broadcast %broadcast_in_dim3A_48 : f32 to vector<16xf32>
      %add3A_50 = arith.constant 16 : i32
      %add3A_51 = arith.addi %add3A_50, %scan3A_41 : i32
      %swap3A_52 = arith.index_cast %add3A_51 : i32 to index
      %swap3A_53 = arith.constant 16 : index
      %swap3A_54 = tpu.vector_load %arg8[%swap3A_52, %swap3A_53] {strides = array<i32>} : memref<80x128xf32, #tpu.memory_space<vmem>>, vector<1x16xf32>,
      %swap3A_55 = vector.shape_cast %swap3A_54 : vector<1x16xf32> to vector<16xf32>
      %swap3A_56 = vector.shape_cast %broadcast_in_dim3A_49 : vector<16xf32> to vector<1x16xf32>
      tpu.vector_store %arg8[%swap3A_52, %swap3A_53], %swap3A_56 {strides = array<i32>} : memref<80x128xf32, #tpu.memory_space<vmem>>, vector<1x16xf32>,
      %broadcast_in_dim3A_57 = arith.constant 1.000000e+00 : f32
      %broadcast_in_dim3A_58 = vector.broadcast %broadcast_in_dim3A_57 : f32 to vector<16xf32>
      %add3A_59 = arith.constant 16 : i32
      %add3A_60 = arith.addi %add3A_59, %scan3A_41 : i32
      %swap3A_61 = arith.index_cast %add3A_60 : i32 to index
      %swap3A_62 = arith.constant 32 : index
      %swap3A_63 = tpu.vector_load %arg8[%swap3A_61, %swap3A_62] {strides = array<i32>} : memref<80x128xf32, #tpu.memory_space<vmem>>, vector<1x16xf32>,
      %swap3A_64 = vector.shape_cast %swap3A_63 : vector<1x16xf32> to vector<16xf32>
      %swap3A_65 = vector.shape_cast %broadcast_in_dim3A_58 : vector<16xf32> to vector<1x16xf32>
      tpu.vector_store %arg8[%swap3A_61, %swap3A_62], %swap3A_65 {strides = array<i32>} : memref<80x128xf32, #tpu.memory_space<vmem>>, vector<1x16xf32>,
      %broadcast_in_dim3A_66 = arith.constant 1.000000e+00 : f32
      %broadcast_in_dim3A_67 = vector.broadcast %broadcast_in_dim3A_66 : f32 to vector<16xf32>
      %add3A_68 = arith.constant 16 : i32
      %add3A_69 = arith.addi %add3A_68, %scan3A_41 : i32
      %swap3A_70 = arith.index_cast %add3A_69 : i32 to index
      %swap3A_71 = arith.constant 48 : index
      %swap3A_72 = tpu.vector_load %arg8[%swap3A_70, %swap3A_71] {strides = array<i32>} : memref<80x128xf32, #tpu.memory_space<vmem>>, vector<1x16xf32>,
      %swap3A_73 = vector.shape_cast %swap3A_72 : vector<1x16xf32> to vector<16xf32>
      %swap3A_74 = vector.shape_cast %broadcast_in_dim3A_67 : vector<16xf32> to vector<1x16xf32>
      tpu.vector_store %arg8[%swap3A_70, %swap3A_71], %swap3A_74 {strides = array<i32>} : memref<80x128xf32, #tpu.memory_space<vmem>>, vector<1x16xf32>,
      %broadcast_in_dim3A_75 = arith.constant 1.000000e+00 : f32
      %broadcast_in_dim3A_76 = vector.broadcast %broadcast_in_dim3A_75 : f32 to vector<16xf32>
      %add3A_77 = arith.constant 16 : i32
      %add3A_78 = arith.addi %add3A_77, %scan3A_41 : i32
      %swap3A_79 = arith.index_cast %add3A_78 : i32 to index
      %swap3A_80 = arith.constant 64 : index
      %swap3A_81 = tpu.vector_load %arg8[%swap3A_79, %swap3A_80] {strides = array<i32>} : memref<80x128xf32, #tpu.memory_space<vmem>>, vector<1x16xf32>,
      %swap3A_82 = vector.shape_cast %swap3A_81 : vector<1x16xf32> to vector<16xf32>
      %swap3A_83 = vector.shape_cast %broadcast_in_dim3A_76 : vector<16xf32> to vector<1x16xf32>
      tpu.vector_store %arg8[%swap3A_79, %swap3A_80], %swap3A_83 {strides = array<i32>} : memref<80x128xf32, #tpu.memory_space<vmem>>, vector<1x16xf32>,
      %broadcast_in_dim3A_84 = arith.constant 1.000000e+00 : f32
      %broadcast_in_dim3A_85 = vector.broadcast %broadcast_in_dim3A_84 : f32 to vector<16xf32>
      %add3A_86 = arith.constant 16 : i32
      %add3A_87 = arith.addi %add3A_86, %scan3A_41 : i32
      %swap3A_88 = arith.index_cast %add3A_87 : i32 to index
      %swap3A_89 = arith.constant 80 : index
      %swap3A_90 = tpu.vector_load %arg8[%swap3A_88, %swap3A_89] {strides = array<i32>} : memref<80x128xf32, #tpu.memory_space<vmem>>, vector<1x16xf32>,
      %swap3A_91 = vector.shape_cast %swap3A_90 : vector<1x16xf32> to vector<16xf32>
      %swap3A_92 = vector.shape_cast %broadcast_in_dim3A_85 : vector<16xf32> to vector<1x16xf32>
      tpu.vector_store %arg8[%swap3A_88, %swap3A_89], %swap3A_92 {strides = array<i32>} : memref<80x128xf32, #tpu.memory_space<vmem>>, vector<1x16xf32>,
      %broadcast_in_dim3A_93 = arith.constant 1.000000e+00 : f32
      %broadcast_in_dim3A_94 = vector.broadcast %broadcast_in_dim3A_93 : f32 to vector<16xf32>
      %add3A_95 = arith.constant 16 : i32
      %add3A_96 = arith.addi %add3A_95, %scan3A_41 : i32
      %swap3A_97 = arith.index_cast %add3A_96 : i32 to index
      %swap3A_98 = arith.constant 96 : index
      %swap3A_99 = tpu.vector_load %arg8[%swap3A_97, %swap3A_98] {strides = array<i32>} : memref<80x128xf32, #tpu.memory_space<vmem>>, vector<1x16xf32>,
      %swap3A_100 = vector.shape_cast %swap3A_99 : vector<1x16xf32> to vector<16xf32>
      %swap3A_101 = vector.shape_cast %broadcast_in_dim3A_94 : vector<16xf32> to vector<1x16xf32>
      tpu.vector_store %arg8[%swap3A_97, %swap3A_98], %swap3A_101 {strides = array<i32>} : memref<80x128xf32, #tpu.memory_space<vmem>>, vector<1x16xf32>,
      %broadcast_in_dim3A_102 = arith.constant 1.000000e+00 : f32
      %broadcast_in_dim3A_103 = vector.broadcast %broadcast_in_dim3A_102 : f32 to vector<16xf32>
      %add3A_104 = arith.constant 16 : i32
      %add3A_105 = arith.addi %add3A_104, %scan3A_41 : i32
      %swap3A_106 = arith.index_cast %add3A_105 : i32 to index
      %swap3A_107 = arith.constant 112 : index
      %swap3A_108 = tpu.vector_load %arg8[%swap3A_106, %swap3A_107] {strides = array<i32>} : memref<80x128xf32, #tpu.memory_space<vmem>>, vector<1x16xf32>,
      %swap3A_109 = vector.shape_cast %swap3A_108 : vector<1x16xf32> to vector<16xf32>
      %swap3A_110 = vector.shape_cast %broadcast_in_dim3A_103 : vector<16xf32> to vector<1x16xf32>
      tpu.vector_store %arg8[%swap3A_106, %swap3A_107], %swap3A_110 {strides = array<i32>} : memref<80x128xf32, #tpu.memory_space<vmem>>, vector<1x16xf32>,
    }
    %scan3A_12 = arith.constant 64 : i32
    %scan3A_13 = arith.constant 0 : i32
    %scan3A_14 = arith.constant 0 : i32
    %scan3A_15 = arith.constant 39 : i32
    %scan3A_16 = arith.addi %scan3A_14, %scan3A_15 : i32
    %scan3A_17 = arith.constant 1 : i32
    scf.for %scan3A_41 = %scan3A_14 to %scan3A_16 step %scan3A_17  : i32 {
      %mul3A_42 = arith.constant 16 : i32
      %mul3A_43 = arith.muli %scan3A_41, %mul3A_42 : i32
      %add3A = arith.addi %multiple_of3A, %mul3A_43 : i32
      "tpu.region"() ({
        %run_scoped3A = tpu.sem_alloc : memref<!tpu.dma_semaphore, #tpu.memory_space<semaphore_mem>>
        %dma_start3A = arith.constant 0 : i32
        %dma_start3A_44 = tpu.memref_slice %arg10[%add3A, %dma_start3A] : memref<10000x128xf32, #tpu.memory_space<vmem_shared>> -> memref<16x128xf32, #tpu.memory_space<vmem_shared>>
        %dma_start3A_45 = arith.constant 0 : i32
        %dma_start3A_46 = tpu.memref_slice %arg10[%add3A, %dma_start3A_45] : memref<10000x128xf32, #tpu.memory_space<vmem_shared>> -> memref<16x128xf32, #tpu.memory_space<vmem_shared>>
        tpu.enqueue_dma source(%arg9 : memref<16x128xf32, #tpu.memory_space<vmem>>) target(%dma_start3A_46 : memref<16x128xf32, #tpu.memory_space<vmem_shared>>) target_semaphore(%run_scoped3A : memref<!tpu.dma_semaphore, #tpu.memory_space<semaphore_mem>>)
        %dma_wait3A = arith.constant 0 : i32
        %dma_wait3A_47 = tpu.memref_slice %arg10[%add3A, %dma_wait3A] : memref<10000x128xf32, #tpu.memory_space<vmem_shared>> -> memref<16x128xf32, #tpu.memory_space<vmem_shared>>
        %dma_wait3A_48 = arith.constant 0 : i32
        %dma_wait3A_49 = tpu.memref_slice %arg10[%add3A, %dma_wait3A_48] : memref<10000x128xf32, #tpu.memory_space<vmem_shared>> -> memref<16x128xf32, #tpu.memory_space<vmem_shared>>
        tpu.wait_dma2 semaphore(%run_scoped3A : memref<!tpu.dma_semaphore, #tpu.memory_space<semaphore_mem>>) src(%arg9 : memref<16x128xf32, #tpu.memory_space<vmem>>) dst(%dma_wait3A_49 : memref<16x128xf32, #tpu.memory_space<vmem_shared>>)
        tpu.yield
      }) : () -> ()
    }
    %scan3A_18 = arith.constant 39 : i32
    %convert_element_type3A = arith.extui %eq3A_1 : i1 to i32
    %cond3A = arith.constant 0 : i32
    %cond3A_19 = arith.cmpi ne, %convert_element_type3A, %cond3A : i32
    scf.if %cond3A_19 {
      "tpu.region"() ({
        %run_scoped3A = tpu.sem_alloc : memref<!tpu.dma_semaphore, #tpu.memory_space<semaphore_mem>>
        %dma_start3A = arith.constant 9984 : i32
        %dma_start3A_41 = arith.constant 0 : i32
        %dma_start3A_42 = tpu.memref_slice %arg10[%dma_start3A, %dma_start3A_41] : memref<10000x128xf32, #tpu.memory_space<vmem_shared>> -> memref<16x128xf32, #tpu.memory_space<vmem_shared>>
        %dma_start3A_43 = arith.constant 9984 : i32
        %dma_start3A_44 = arith.constant 0 : i32
        %dma_start3A_45 = tpu.memref_slice %arg10[%dma_start3A_43, %dma_start3A_44] : memref<10000x128xf32, #tpu.memory_space<vmem_shared>> -> memref<16x128xf32, #tpu.memory_space<vmem_shared>>
        tpu.enqueue_dma source(%arg9 : memref<16x128xf32, #tpu.memory_space<vmem>>) target(%dma_start3A_45 : memref<16x128xf32, #tpu.memory_space<vmem_shared>>) target_semaphore(%run_scoped3A : memref<!tpu.dma_semaphore, #tpu.memory_space<semaphore_mem>>)
        %dma_wait3A = arith.constant 9984 : i32
        %dma_wait3A_46 = arith.constant 0 : i32
        %dma_wait3A_47 = tpu.memref_slice %arg10[%dma_wait3A, %dma_wait3A_46] : memref<10000x128xf32, #tpu.memory_space<vmem_shared>> -> memref<16x128xf32, #tpu.memory_space<vmem_shared>>
        %dma_wait3A_48 = arith.constant 9984 : i32
        %dma_wait3A_49 = arith.constant 0 : i32
        %dma_wait3A_50 = tpu.memref_slice %arg10[%dma_wait3A_48, %dma_wait3A_49] : memref<10000x128xf32, #tpu.memory_space<vmem_shared>> -> memref<16x128xf32, #tpu.memory_space<vmem_shared>>
        tpu.wait_dma2 semaphore(%run_scoped3A : memref<!tpu.dma_semaphore, #tpu.memory_space<semaphore_mem>>) src(%arg9 : memref<16x128xf32, #tpu.memory_space<vmem>>) dst(%dma_wait3A_50 : memref<16x128xf32, #tpu.memory_space<vmem_shared>>)
        tpu.yield
      }) : () -> ()
    } else {
    }
    %barrier3A = arith.constant 0 : index
    tpu.barrier barrier_id(%barrier3A)
    %eq3A_20 = arith.constant 0 : i32
    %eq3A_21 = arith.cmpi eq, %arg0, %eq3A_20 : i32
    %convert_element_type3A_22 = arith.extui %eq3A_21 : i1 to i32
    %cond3A_23 = arith.constant 0 : i32
    %cond3A_24 = arith.cmpi ne, %convert_element_type3A_22, %cond3A_23 : i32
    scf.if %cond3A_24 {
      %scan3A_41 = arith.constant 0 : i32
      %scan3A_42 = arith.constant 0 : i32
      %scan3A_43 = arith.constant 125 : i32
      %scan3A_44 = arith.addi %scan3A_42, %scan3A_43 : i32
      %scan3A_45 = arith.constant 1 : i32
      scf.for %scan3A_52 = %scan3A_42 to %scan3A_44 step %scan3A_45  : i32 {
        %mul3A_53 = arith.constant 2 : i32
        %mul3A_54 = arith.muli %scan3A_52, %mul3A_53 : i32
        %gt3A = arith.constant 0 : i32
        %gt3A_55 = arith.cmpi sgt, %scan3A_52, %gt3A : i32
        %convert_element_type3A_56 = arith.extui %gt3A_55 : i1 to i32
        %cond3A_57 = arith.constant 0 : i32
        %cond3A_58 = arith.cmpi ne, %convert_element_type3A_56, %cond3A_57 : i32
        scf.if %cond3A_58 {
          %dma_wait3A_82 = arith.constant 0 : i32
          %dma_wait3A_83 = arith.constant 0 : i32
          %dma_wait3A_84 = tpu.memref_slice %arg10[%dma_wait3A_82, %dma_wait3A_83] : memref<10000x128xf32, #tpu.memory_space<vmem_shared>> -> memref<10000x128xf32, #tpu.memory_space<vmem_shared>>
          tpu.wait_indirect_dma semaphore(%arg11 : memref<!tpu.dma_semaphore, #tpu.memory_space<semaphore_mem>>) src(%arg8 : memref<80x128xf32, #tpu.memory_space<vmem>>) dst(%dma_wait3A_84 : memref<10000x128xf32, #tpu.memory_space<vmem_shared>>)
        } else {
        }
        %mul3A_59 = arith.constant 20000 : i32
        %mul3A_60 = arith.muli %arg1, %mul3A_59 : i32
        %mul3A_61 = arith.constant 80 : i32
        %mul3A_62 = arith.muli %mul3A_54, %mul3A_61 : i32
        %add3A = arith.addi %mul3A_60, %mul3A_62 : i32
        %multiple_of3A_63 = tpu.assume_multiple %add3A, 8 : i32
        "tpu.region"() ({
          %run_scoped3A = tpu.sem_alloc : memref<!tpu.dma_semaphore, #tpu.memory_space<semaphore_mem>>
          %dma_start3A_82 = tpu.memref_slice %arg2[%multiple_of3A_63] : memref<320000xi32, #tpu.memory_space<hbm>> -> memref<80xi32, #tpu.memory_space<hbm>>
          %dma_start3A_83 = tpu.memref_slice %arg2[%multiple_of3A_63] : memref<320000xi32, #tpu.memory_space<hbm>> -> memref<80xi32, #tpu.memory_space<hbm>>
          tpu.enqueue_dma source(%dma_start3A_83 : memref<80xi32, #tpu.memory_space<hbm>>) target(%arg6 : memref<80xi32, #tpu.memory_space<vmem>>) target_semaphore(%run_scoped3A : memref<!tpu.dma_semaphore, #tpu.memory_space<semaphore_mem>>)
          %dma_wait3A_84 = tpu.memref_slice %arg2[%multiple_of3A_63] : memref<320000xi32, #tpu.memory_space<hbm>> -> memref<80xi32, #tpu.memory_space<hbm>>
          %dma_wait3A_85 = tpu.memref_slice %arg2[%multiple_of3A_63] : memref<320000xi32, #tpu.memory_space<hbm>> -> memref<80xi32, #tpu.memory_space<hbm>>
          tpu.wait_dma2 semaphore(%run_scoped3A : memref<!tpu.dma_semaphore, #tpu.memory_space<semaphore_mem>>) src(%dma_wait3A_85 : memref<80xi32, #tpu.memory_space<hbm>>) dst(%arg6 : memref<80xi32, #tpu.memory_space<vmem>>)
          tpu.yield
        }) : () -> ()
        %dma_start3A = arith.constant 0 : i32
        %dma_start3A_64 = arith.constant 0 : i32
        %dma_start3A_65 = tpu.memref_slice %arg10[%dma_start3A, %dma_start3A_64] : memref<10000x128xf32, #tpu.memory_space<vmem_shared>> -> memref<10000x128xf32, #tpu.memory_space<vmem_shared>>
        tpu.enqueue_indirect_dma source(%arg8 : memref<80x128xf32, #tpu.memory_space<vmem>>) target(%dma_start3A_65 : memref<10000x128xf32, #tpu.memory_space<vmem_shared>>) offsets(%arg6 : memref<80xi32, #tpu.memory_space<vmem>>) semaphore(%arg11 : memref<!tpu.dma_semaphore, #tpu.memory_space<semaphore_mem>>) {add = true}
        %gt3A_66 = arith.constant 0 : i32
        %gt3A_67 = arith.cmpi sgt, %scan3A_52, %gt3A_66 : i32
        %convert_element_type3A_68 = arith.extui %gt3A_67 : i1 to i32
        %cond3A_69 = arith.constant 0 : i32
        %cond3A_70 = arith.cmpi ne, %convert_element_type3A_68, %cond3A_69 : i32
        scf.if %cond3A_70 {
          %dma_wait3A_82 = arith.constant 0 : i32
          %dma_wait3A_83 = arith.constant 0 : i32
          %dma_wait3A_84 = tpu.memref_slice %arg10[%dma_wait3A_82, %dma_wait3A_83] : memref<10000x128xf32, #tpu.memory_space<vmem_shared>> -> memref<10000x128xf32, #tpu.memory_space<vmem_shared>>
          tpu.wait_indirect_dma semaphore(%arg12 : memref<!tpu.dma_semaphore, #tpu.memory_space<semaphore_mem>>) src(%arg8 : memref<80x128xf32, #tpu.memory_space<vmem>>) dst(%dma_wait3A_84 : memref<10000x128xf32, #tpu.memory_space<vmem_shared>>)
        } else {
        }
        %add3A_71 = arith.constant 1 : i32
        %add3A_72 = arith.addi %mul3A_54, %add3A_71 : i32
        %mul3A_73 = arith.constant 20000 : i32
        %mul3A_74 = arith.muli %arg1, %mul3A_73 : i32
        %mul3A_75 = arith.constant 80 : i32
        %mul3A_76 = arith.muli %add3A_72, %mul3A_75 : i32
        %add3A_77 = arith.addi %mul3A_74, %mul3A_76 : i32
        %multiple_of3A_78 = tpu.assume_multiple %add3A_77, 8 : i32
        "tpu.region"() ({
          %run_scoped3A = tpu.sem_alloc : memref<!tpu.dma_semaphore, #tpu.memory_space<semaphore_mem>>
          %dma_start3A_82 = tpu.memref_slice %arg2[%multiple_of3A_78] : memref<320000xi32, #tpu.memory_space<hbm>> -> memref<80xi32, #tpu.memory_space<hbm>>
          %dma_start3A_83 = tpu.memref_slice %arg2[%multiple_of3A_78] : memref<320000xi32, #tpu.memory_space<hbm>> -> memref<80xi32, #tpu.memory_space<hbm>>
          tpu.enqueue_dma source(%dma_start3A_83 : memref<80xi32, #tpu.memory_space<hbm>>) target(%arg7 : memref<80xi32, #tpu.memory_space<vmem>>) target_semaphore(%run_scoped3A : memref<!tpu.dma_semaphore, #tpu.memory_space<semaphore_mem>>)
          %dma_wait3A_84 = tpu.memref_slice %arg2[%multiple_of3A_78] : memref<320000xi32, #tpu.memory_space<hbm>> -> memref<80xi32, #tpu.memory_space<hbm>>
          %dma_wait3A_85 = tpu.memref_slice %arg2[%multiple_of3A_78] : memref<320000xi32, #tpu.memory_space<hbm>> -> memref<80xi32, #tpu.memory_space<hbm>>
          tpu.wait_dma2 semaphore(%run_scoped3A : memref<!tpu.dma_semaphore, #tpu.memory_space<semaphore_mem>>) src(%dma_wait3A_85 : memref<80xi32, #tpu.memory_space<hbm>>) dst(%arg7 : memref<80xi32, #tpu.memory_space<vmem>>)
          tpu.yield
        }) : () -> ()
        %dma_start3A_79 = arith.constant 0 : i32
        %dma_start3A_80 = arith.constant 0 : i32
        %dma_start3A_81 = tpu.memref_slice %arg10[%dma_start3A_79, %dma_start3A_80] : memref<10000x128xf32, #tpu.memory_space<vmem_shared>> -> memref<10000x128xf32, #tpu.memory_space<vmem_shared>>
        tpu.enqueue_indirect_dma source(%arg8 : memref<80x128xf32, #tpu.memory_space<vmem>>) target(%dma_start3A_81 : memref<10000x128xf32, #tpu.memory_space<vmem_shared>>) offsets(%arg7 : memref<80xi32, #tpu.memory_space<vmem>>) semaphore(%arg12 : memref<!tpu.dma_semaphore, #tpu.memory_space<semaphore_mem>>) {add = true}
      }
      %scan3A_46 = arith.constant 125 : i32
      %dma_wait3A = arith.constant 0 : i32
      %dma_wait3A_47 = arith.constant 0 : i32
      %dma_wait3A_48 = tpu.memref_slice %arg10[%dma_wait3A, %dma_wait3A_47] : memref<10000x128xf32, #tpu.memory_space<vmem_shared>> -> memref<10000x128xf32, #tpu.memory_space<vmem_shared>>
      tpu.wait_indirect_dma semaphore(%arg11 : memref<!tpu.dma_semaphore, #tpu.memory_space<semaphore_mem>>) src(%arg8 : memref<80x128xf32, #tpu.memory_space<vmem>>) dst(%dma_wait3A_48 : memref<10000x128xf32, #tpu.memory_space<vmem_shared>>)
      %dma_wait3A_49 = arith.constant 0 : i32
      %dma_wait3A_50 = arith.constant 0 : i32
      %dma_wait3A_51 = tpu.memref_slice %arg10[%dma_wait3A_49, %dma_wait3A_50] : memref<10000x128xf32, #tpu.memory_space<vmem_shared>> -> memref<10000x128xf32, #tpu.memory_space<vmem_shared>>
      tpu.wait_indirect_dma semaphore(%arg12 : memref<!tpu.dma_semaphore, #tpu.memory_space<semaphore_mem>>) src(%arg8 : memref<80x128xf32, #tpu.memory_space<vmem>>) dst(%dma_wait3A_51 : memref<10000x128xf32, #tpu.memory_space<vmem_shared>>)
    } else {
    }
    %eq3A_25 = arith.constant 1 : i32
    %eq3A_26 = arith.cmpi eq, %arg0, %eq3A_25 : i32
    %convert_element_type3A_27 = arith.extui %eq3A_26 : i1 to i32
    %cond3A_28 = arith.constant 0 : i32
    %cond3A_29 = arith.cmpi ne, %convert_element_type3A_27, %cond3A_28 : i32
    scf.if %cond3A_29 {
      %scan3A_41 = arith.constant 0 : i32
      %scan3A_42 = arith.constant 0 : i32
      %scan3A_43 = arith.constant 125 : i32
      %scan3A_44 = arith.addi %scan3A_42, %scan3A_43 : i32
      %scan3A_45 = arith.constant 1 : i32
      scf.for %scan3A_52 = %scan3A_42 to %scan3A_44 step %scan3A_45  : i32 {
        %mul3A_53 = arith.constant 2 : i32
        %mul3A_54 = arith.muli %scan3A_52, %mul3A_53 : i32
        %gt3A = arith.constant 0 : i32
        %gt3A_55 = arith.cmpi sgt, %scan3A_52, %gt3A : i32
        %convert_element_type3A_56 = arith.extui %gt3A_55 : i1 to i32
        %cond3A_57 = arith.constant 0 : i32
        %cond3A_58 = arith.cmpi ne, %convert_element_type3A_56, %cond3A_57 : i32
        scf.if %cond3A_58 {
          %dma_wait3A_82 = arith.constant 0 : i32
          %dma_wait3A_83 = arith.constant 0 : i32
          %dma_wait3A_84 = tpu.memref_slice %arg10[%dma_wait3A_82, %dma_wait3A_83] : memref<10000x128xf32, #tpu.memory_space<vmem_shared>> -> memref<10000x128xf32, #tpu.memory_space<vmem_shared>>
          tpu.wait_indirect_dma semaphore(%arg11 : memref<!tpu.dma_semaphore, #tpu.memory_space<semaphore_mem>>) src(%arg8 : memref<80x128xf32, #tpu.memory_space<vmem>>) dst(%dma_wait3A_84 : memref<10000x128xf32, #tpu.memory_space<vmem_shared>>)
        } else {
        }
        %mul3A_59 = arith.constant 20000 : i32
        %mul3A_60 = arith.muli %arg1, %mul3A_59 : i32
        %mul3A_61 = arith.constant 80 : i32
        %mul3A_62 = arith.muli %mul3A_54, %mul3A_61 : i32
        %add3A = arith.addi %mul3A_60, %mul3A_62 : i32
        %multiple_of3A_63 = tpu.assume_multiple %add3A, 8 : i32
        "tpu.region"() ({
          %run_scoped3A = tpu.sem_alloc : memref<!tpu.dma_semaphore, #tpu.memory_space<semaphore_mem>>
          %dma_start3A_82 = tpu.memref_slice %arg3[%multiple_of3A_63] : memref<320000xi32, #tpu.memory_space<hbm>> -> memref<80xi32, #tpu.memory_space<hbm>>
          %dma_start3A_83 = tpu.memref_slice %arg3[%multiple_of3A_63] : memref<320000xi32, #tpu.memory_space<hbm>> -> memref<80xi32, #tpu.memory_space<hbm>>
          tpu.enqueue_dma source(%dma_start3A_83 : memref<80xi32, #tpu.memory_space<hbm>>) target(%arg6 : memref<80xi32, #tpu.memory_space<vmem>>) target_semaphore(%run_scoped3A : memref<!tpu.dma_semaphore, #tpu.memory_space<semaphore_mem>>)
          %dma_wait3A_84 = tpu.memref_slice %arg3[%multiple_of3A_63] : memref<320000xi32, #tpu.memory_space<hbm>> -> memref<80xi32, #tpu.memory_space<hbm>>
          %dma_wait3A_85 = tpu.memref_slice %arg3[%multiple_of3A_63] : memref<320000xi32, #tpu.memory_space<hbm>> -> memref<80xi32, #tpu.memory_space<hbm>>
          tpu.wait_dma2 semaphore(%run_scoped3A : memref<!tpu.dma_semaphore, #tpu.memory_space<semaphore_mem>>) src(%dma_wait3A_85 : memref<80xi32, #tpu.memory_space<hbm>>) dst(%arg6 : memref<80xi32, #tpu.memory_space<vmem>>)
          tpu.yield
        }) : () -> ()
        %dma_start3A = arith.constant 0 : i32
        %dma_start3A_64 = arith.constant 0 : i32
        %dma_start3A_65 = tpu.memref_slice %arg10[%dma_start3A, %dma_start3A_64] : memref<10000x128xf32, #tpu.memory_space<vmem_shared>> -> memref<10000x128xf32, #tpu.memory_space<vmem_shared>>
        tpu.enqueue_indirect_dma source(%arg8 : memref<80x128xf32, #tpu.memory_space<vmem>>) target(%dma_start3A_65 : memref<10000x128xf32, #tpu.memory_space<vmem_shared>>) offsets(%arg6 : memref<80xi32, #tpu.memory_space<vmem>>) semaphore(%arg11 : memref<!tpu.dma_semaphore, #tpu.memory_space<semaphore_mem>>) {add = true}
        %gt3A_66 = arith.constant 0 : i32
        %gt3A_67 = arith.cmpi sgt, %scan3A_52, %gt3A_66 : i32
        %convert_element_type3A_68 = arith.extui %gt3A_67 : i1 to i32
        %cond3A_69 = arith.constant 0 : i32
        %cond3A_70 = arith.cmpi ne, %convert_element_type3A_68, %cond3A_69 : i32
        scf.if %cond3A_70 {
          %dma_wait3A_82 = arith.constant 0 : i32
          %dma_wait3A_83 = arith.constant 0 : i32
          %dma_wait3A_84 = tpu.memref_slice %arg10[%dma_wait3A_82, %dma_wait3A_83] : memref<10000x128xf32, #tpu.memory_space<vmem_shared>> -> memref<10000x128xf32, #tpu.memory_space<vmem_shared>>
          tpu.wait_indirect_dma semaphore(%arg12 : memref<!tpu.dma_semaphore, #tpu.memory_space<semaphore_mem>>) src(%arg8 : memref<80x128xf32, #tpu.memory_space<vmem>>) dst(%dma_wait3A_84 : memref<10000x128xf32, #tpu.memory_space<vmem_shared>>)
        } else {
        }
        %add3A_71 = arith.constant 1 : i32
        %add3A_72 = arith.addi %mul3A_54, %add3A_71 : i32
        %mul3A_73 = arith.constant 20000 : i32
        %mul3A_74 = arith.muli %arg1, %mul3A_73 : i32
        %mul3A_75 = arith.constant 80 : i32
        %mul3A_76 = arith.muli %add3A_72, %mul3A_75 : i32
        %add3A_77 = arith.addi %mul3A_74, %mul3A_76 : i32
        %multiple_of3A_78 = tpu.assume_multiple %add3A_77, 8 : i32
        "tpu.region"() ({
          %run_scoped3A = tpu.sem_alloc : memref<!tpu.dma_semaphore, #tpu.memory_space<semaphore_mem>>
          %dma_start3A_82 = tpu.memref_slice %arg3[%multiple_of3A_78] : memref<320000xi32, #tpu.memory_space<hbm>> -> memref<80xi32, #tpu.memory_space<hbm>>
          %dma_start3A_83 = tpu.memref_slice %arg3[%multiple_of3A_78] : memref<320000xi32, #tpu.memory_space<hbm>> -> memref<80xi32, #tpu.memory_space<hbm>>
          tpu.enqueue_dma source(%dma_start3A_83 : memref<80xi32, #tpu.memory_space<hbm>>) target(%arg7 : memref<80xi32, #tpu.memory_space<vmem>>) target_semaphore(%run_scoped3A : memref<!tpu.dma_semaphore, #tpu.memory_space<semaphore_mem>>)
          %dma_wait3A_84 = tpu.memref_slice %arg3[%multiple_of3A_78] : memref<320000xi32, #tpu.memory_space<hbm>> -> memref<80xi32, #tpu.memory_space<hbm>>
          %dma_wait3A_85 = tpu.memref_slice %arg3[%multiple_of3A_78] : memref<320000xi32, #tpu.memory_space<hbm>> -> memref<80xi32, #tpu.memory_space<hbm>>
          tpu.wait_dma2 semaphore(%run_scoped3A : memref<!tpu.dma_semaphore, #tpu.memory_space<semaphore_mem>>) src(%dma_wait3A_85 : memref<80xi32, #tpu.memory_space<hbm>>) dst(%arg7 : memref<80xi32, #tpu.memory_space<vmem>>)
          tpu.yield
        }) : () -> ()
        %dma_start3A_79 = arith.constant 0 : i32
        %dma_start3A_80 = arith.constant 0 : i32
        %dma_start3A_81 = tpu.memref_slice %arg10[%dma_start3A_79, %dma_start3A_80] : memref<10000x128xf32, #tpu.memory_space<vmem_shared>> -> memref<10000x128xf32, #tpu.memory_space<vmem_shared>>
        tpu.enqueue_indirect_dma source(%arg8 : memref<80x128xf32, #tpu.memory_space<vmem>>) target(%dma_start3A_81 : memref<10000x128xf32, #tpu.memory_space<vmem_shared>>) offsets(%arg7 : memref<80xi32, #tpu.memory_space<vmem>>) semaphore(%arg12 : memref<!tpu.dma_semaphore, #tpu.memory_space<semaphore_mem>>) {add = true}
      }
      %scan3A_46 = arith.constant 125 : i32
      %dma_wait3A = arith.constant 0 : i32
      %dma_wait3A_47 = arith.constant 0 : i32
      %dma_wait3A_48 = tpu.memref_slice %arg10[%dma_wait3A, %dma_wait3A_47] : memref<10000x128xf32, #tpu.memory_space<vmem_shared>> -> memref<10000x128xf32, #tpu.memory_space<vmem_shared>>
      tpu.wait_indirect_dma semaphore(%arg11 : memref<!tpu.dma_semaphore, #tpu.memory_space<semaphore_mem>>) src(%arg8 : memref<80x128xf32, #tpu.memory_space<vmem>>) dst(%dma_wait3A_48 : memref<10000x128xf32, #tpu.memory_space<vmem_shared>>)
      %dma_wait3A_49 = arith.constant 0 : i32
      %dma_wait3A_50 = arith.constant 0 : i32
      %dma_wait3A_51 = tpu.memref_slice %arg10[%dma_wait3A_49, %dma_wait3A_50] : memref<10000x128xf32, #tpu.memory_space<vmem_shared>> -> memref<10000x128xf32, #tpu.memory_space<vmem_shared>>
      tpu.wait_indirect_dma semaphore(%arg12 : memref<!tpu.dma_semaphore, #tpu.memory_space<semaphore_mem>>) src(%arg8 : memref<80x128xf32, #tpu.memory_space<vmem>>) dst(%dma_wait3A_51 : memref<10000x128xf32, #tpu.memory_space<vmem_shared>>)
    } else {
    }
    %barrier3A_30 = arith.constant 0 : index
    tpu.barrier barrier_id(%barrier3A_30)
    %eq3A_31 = arith.constant 0 : i32
    %eq3A_32 = arith.cmpi eq, %arg0, %eq3A_31 : i32
    %convert_element_type3A_33 = arith.extui %eq3A_32 : i1 to i32
    %cond3A_34 = arith.constant 0 : i32
    %cond3A_35 = arith.cmpi ne, %convert_element_type3A_33, %cond3A_34 : i32
    scf.if %cond3A_35 {
      "tpu.region"() ({
        %run_scoped3A = tpu.sem_alloc : memref<!tpu.dma_semaphore, #tpu.memory_space<semaphore_mem>>
        %dma_start3A = arith.constant 0 : i32
        %dma_start3A_44 = tpu.memref_slice %arg4[%multiple_of3A, %dma_start3A] : memref<10000x128xf32, #tpu.memory_space<hbm>> -> memref<624x128xf32, #tpu.memory_space<hbm>>
        %dma_start3A_45 = arith.constant 0 : i32
        %dma_start3A_46 = tpu.memref_slice %arg10[%multiple_of3A, %dma_start3A_45] : memref<10000x128xf32, #tpu.memory_space<vmem_shared>> -> memref<624x128xf32, #tpu.memory_space<vmem_shared>>
        tpu.enqueue_dma source(%dma_start3A_46 : memref<624x128xf32, #tpu.memory_space<vmem_shared>>) target(%dma_start3A_44 : memref<624x128xf32, #tpu.memory_space<hbm>>) target_semaphore(%run_scoped3A : memref<!tpu.dma_semaphore, #tpu.memory_space<semaphore_mem>>)
        %dma_wait3A = arith.constant 0 : i32
        %dma_wait3A_47 = tpu.memref_slice %arg4[%multiple_of3A, %dma_wait3A] : memref<10000x128xf32, #tpu.memory_space<hbm>> -> memref<624x128xf32, #tpu.memory_space<hbm>>
        %dma_wait3A_48 = arith.constant 0 : i32
        %dma_wait3A_49 = tpu.memref_slice %arg10[%multiple_of3A, %dma_wait3A_48] : memref<10000x128xf32, #tpu.memory_space<vmem_shared>> -> memref<624x128xf32, #tpu.memory_space<vmem_shared>>
        tpu.wait_dma2 semaphore(%run_scoped3A : memref<!tpu.dma_semaphore, #tpu.memory_space<semaphore_mem>>) src(%dma_wait3A_49 : memref<624x128xf32, #tpu.memory_space<vmem_shared>>) dst(%dma_wait3A_47 : memref<624x128xf32, #tpu.memory_space<hbm>>)
        tpu.yield
      }) : () -> ()
      %convert_element_type3A_41 = arith.extui %eq3A_1 : i1 to i32
      %cond3A_42 = arith.constant 0 : i32
      %cond3A_43 = arith.cmpi ne, %convert_element_type3A_41, %cond3A_42 : i32
      scf.if %cond3A_43 {
        "tpu.region"() ({
          %run_scoped3A = tpu.sem_alloc : memref<!tpu.dma_semaphore, #tpu.memory_space<semaphore_mem>>
          %dma_start3A = arith.constant 9984 : i32
          %dma_start3A_44 = arith.constant 0 : i32
          %dma_start3A_45 = tpu.memref_slice %arg4[%dma_start3A, %dma_start3A_44] : memref<10000x128xf32, #tpu.memory_space<hbm>> -> memref<16x128xf32, #tpu.memory_space<hbm>>
          %dma_start3A_46 = arith.constant 9984 : i32
          %dma_start3A_47 = arith.constant 0 : i32
          %dma_start3A_48 = tpu.memref_slice %arg10[%dma_start3A_46, %dma_start3A_47] : memref<10000x128xf32, #tpu.memory_space<vmem_shared>> -> memref<16x128xf32, #tpu.memory_space<vmem_shared>>
          tpu.enqueue_dma source(%dma_start3A_48 : memref<16x128xf32, #tpu.memory_space<vmem_shared>>) target(%dma_start3A_45 : memref<16x128xf32, #tpu.memory_space<hbm>>) target_semaphore(%run_scoped3A : memref<!tpu.dma_semaphore, #tpu.memory_space<semaphore_mem>>)
          %dma_wait3A = arith.constant 9984 : i32
          %dma_wait3A_49 = arith.constant 0 : i32
          %dma_wait3A_50 = tpu.memref_slice %arg4[%dma_wait3A, %dma_wait3A_49] : memref<10000x128xf32, #tpu.memory_space<hbm>> -> memref<16x128xf32, #tpu.memory_space<hbm>>
          %dma_wait3A_51 = arith.constant 9984 : i32
          %dma_wait3A_52 = arith.constant 0 : i32
          %dma_wait3A_53 = tpu.memref_slice %arg10[%dma_wait3A_51, %dma_wait3A_52] : memref<10000x128xf32, #tpu.memory_space<vmem_shared>> -> memref<16x128xf32, #tpu.memory_space<vmem_shared>>
          tpu.wait_dma2 semaphore(%run_scoped3A : memref<!tpu.dma_semaphore, #tpu.memory_space<semaphore_mem>>) src(%dma_wait3A_53 : memref<16x128xf32, #tpu.memory_space<vmem_shared>>) dst(%dma_wait3A_50 : memref<16x128xf32, #tpu.memory_space<hbm>>)
          tpu.yield
        }) : () -> ()
      } else {
      }
    } else {
    }
    %eq3A_36 = arith.constant 1 : i32
    %eq3A_37 = arith.cmpi eq, %arg0, %eq3A_36 : i32
    %convert_element_type3A_38 = arith.extui %eq3A_37 : i1 to i32
    %cond3A_39 = arith.constant 0 : i32
    %cond3A_40 = arith.cmpi ne, %convert_element_type3A_38, %cond3A_39 : i32
    scf.if %cond3A_40 {
      "tpu.region"() ({
        %run_scoped3A = tpu.sem_alloc : memref<!tpu.dma_semaphore, #tpu.memory_space<semaphore_mem>>
        %dma_start3A = arith.constant 0 : i32
        %dma_start3A_44 = tpu.memref_slice %arg5[%multiple_of3A, %dma_start3A] : memref<10000x128xf32, #tpu.memory_space<hbm>> -> memref<624x128xf32, #tpu.memory_space<hbm>>
        %dma_start3A_45 = arith.constant 0 : i32
        %dma_start3A_46 = tpu.memref_slice %arg10[%multiple_of3A, %dma_start3A_45] : memref<10000x128xf32, #tpu.memory_space<vmem_shared>> -> memref<624x128xf32, #tpu.memory_space<vmem_shared>>
        tpu.enqueue_dma source(%dma_start3A_46 : memref<624x128xf32, #tpu.memory_space<vmem_shared>>) target(%dma_start3A_44 : memref<624x128xf32, #tpu.memory_space<hbm>>) target_semaphore(%run_scoped3A : memref<!tpu.dma_semaphore, #tpu.memory_space<semaphore_mem>>)
        %dma_wait3A = arith.constant 0 : i32
        %dma_wait3A_47 = tpu.memref_slice %arg5[%multiple_of3A, %dma_wait3A] : memref<10000x128xf32, #tpu.memory_space<hbm>> -> memref<624x128xf32, #tpu.memory_space<hbm>>
        %dma_wait3A_48 = arith.constant 0 : i32
        %dma_wait3A_49 = tpu.memref_slice %arg10[%multiple_of3A, %dma_wait3A_48] : memref<10000x128xf32, #tpu.memory_space<vmem_shared>> -> memref<624x128xf32, #tpu.memory_space<vmem_shared>>
        tpu.wait_dma2 semaphore(%run_scoped3A : memref<!tpu.dma_semaphore, #tpu.memory_space<semaphore_mem>>) src(%dma_wait3A_49 : memref<624x128xf32, #tpu.memory_space<vmem_shared>>) dst(%dma_wait3A_47 : memref<624x128xf32, #tpu.memory_space<hbm>>)
        tpu.yield
      }) : () -> ()
      %convert_element_type3A_41 = arith.extui %eq3A_1 : i1 to i32
      %cond3A_42 = arith.constant 0 : i32
      %cond3A_43 = arith.cmpi ne, %convert_element_type3A_41, %cond3A_42 : i32
      scf.if %cond3A_43 {
        "tpu.region"() ({
          %run_scoped3A = tpu.sem_alloc : memref<!tpu.dma_semaphore, #tpu.memory_space<semaphore_mem>>
          %dma_start3A = arith.constant 9984 : i32
          %dma_start3A_44 = arith.constant 0 : i32
          %dma_start3A_45 = tpu.memref_slice %arg5[%dma_start3A, %dma_start3A_44] : memref<10000x128xf32, #tpu.memory_space<hbm>> -> memref<16x128xf32, #tpu.memory_space<hbm>>
          %dma_start3A_46 = arith.constant 9984 : i32
          %dma_start3A_47 = arith.constant 0 : i32
          %dma_start3A_48 = tpu.memref_slice %arg10[%dma_start3A_46, %dma_start3A_47] : memref<10000x128xf32, #tpu.memory_space<vmem_shared>> -> memref<16x128xf32, #tpu.memory_space<vmem_shared>>
          tpu.enqueue_dma source(%dma_start3A_48 : memref<16x128xf32, #tpu.memory_space<vmem_shared>>) target(%dma_start3A_45 : memref<16x128xf32, #tpu.memory_space<hbm>>) target_semaphore(%run_scoped3A : memref<!tpu.dma_semaphore, #tpu.memory_space<semaphore_mem>>)
          %dma_wait3A = arith.constant 9984 : i32
          %dma_wait3A_49 = arith.constant 0 : i32
          %dma_wait3A_50 = tpu.memref_slice %arg5[%dma_wait3A, %dma_wait3A_49] : memref<10000x128xf32, #tpu.memory_space<hbm>> -> memref<16x128xf32, #tpu.memory_space<hbm>>
          %dma_wait3A_51 = arith.constant 9984 : i32
          %dma_wait3A_52 = arith.constant 0 : i32
          %dma_wait3A_53 = tpu.memref_slice %arg10[%dma_wait3A_51, %dma_wait3A_52] : memref<10000x128xf32, #tpu.memory_space<vmem_shared>> -> memref<16x128xf32, #tpu.memory_space<vmem_shared>>
          tpu.wait_dma2 semaphore(%run_scoped3A : memref<!tpu.dma_semaphore, #tpu.memory_space<semaphore_mem>>) src(%dma_wait3A_53 : memref<16x128xf32, #tpu.memory_space<vmem_shared>>) dst(%dma_wait3A_50 : memref<16x128xf32, #tpu.memory_space<hbm>>)
          tpu.yield
        }) : () -> ()
      } else {
      }
    } else {
    }
    return
  }
}

#map = affine_map<(d0, d1) -> (0, 0)>
#map1 = affine_map<(d0, d1) -> (0)>
#map2 = affine_map<(d0, d1) -> (0, 0, 0)>
module attributes {stable_mosaic.version = 14 : i64} {
  func.func @_agg_body(%arg0: i32, %arg1: i32, %arg2: memref<10000x128xf32, #tpu.memory_space<hbm>>, %arg3: memref<320000xi32, #tpu.memory_space<hbm>>, %arg4: memref<320000xi32, #tpu.memory_space<hbm>>, %arg5: memref<2x10000x128xf32, #tpu.memory_space<hbm>>, %arg6: memref<80xi32, #tpu.memory_space<vmem>>, %arg7: memref<80xi32, #tpu.memory_space<vmem>>, %arg8: memref<80xi32, #tpu.memory_space<vmem>>, %arg9: memref<80xi32, #tpu.memory_space<vmem>>, %arg10: memref<80x128xf32, #tpu.memory_space<vmem>>, %arg11: memref<80x128xf32, #tpu.memory_space<vmem>>, %arg12: memref<16x128xf32, #tpu.memory_space<vmem>>, %arg13: memref<10000x128xf32, #tpu.memory_space<vmem_shared>>, %arg14: memref<!tpu.dma_semaphore, #tpu.memory_space<semaphore_mem>>, %arg15: memref<!tpu.dma_semaphore, #tpu.memory_space<semaphore_mem>>) attributes {dimension_semantics = [#tpu.dimension_semantics<core_parallel>, #tpu.dimension_semantics<subcore_parallel>], iteration_bounds = array<i64: 2, 16>, scalar_prefetch = 0 : i64, scratch_operands = 10 : i64, tpu.core_type = #tpu.core_type<sc_vector_subcore>, window_params = [{transform_indices = #map}, {transform_indices = #map1}, {transform_indices = #map1}, {transform_indices = #map2}]} {
    %mul3A = arith.constant 2 : i32
    %mul3A_0 = arith.muli %arg1, %mul3A : i32
    %add3A = arith.addi %mul3A_0, %arg0 : i32
    %mul3A_1 = arith.constant 624 : i32
    %mul3A_2 = arith.muli %arg1, %mul3A_1 : i32
    %multiple_of3A = tpu.assume_multiple %mul3A_2, 8 : i32
    %eq3A = arith.constant 15 : i32
    %eq3A_3 = arith.cmpi eq, %arg1, %eq3A : i32
    %mul3A_4 = arith.constant 10000 : i32
    %mul3A_5 = arith.muli %add3A, %mul3A_4 : i32
    %scan3A = arith.constant 0 : i32
    %scan3A_6 = arith.constant 0 : i32
    %scan3A_7 = arith.constant 16 : i32
    %scan3A_8 = arith.addi %scan3A_6, %scan3A_7 : i32
    %scan3A_9 = arith.constant 1 : i32
    scf.for %scan3A_38 = %scan3A_6 to %scan3A_8 step %scan3A_9  : i32 {
      %broadcast_in_dim3A = arith.constant 0.000000e+00 : f32
      %broadcast_in_dim3A_39 = vector.broadcast %broadcast_in_dim3A : f32 to vector<16xf32>
      %swap3A = arith.index_cast %scan3A_38 : i32 to index
      %swap3A_40 = arith.constant 0 : index
      %swap3A_41 = tpu.vector_load %arg12[%swap3A, %swap3A_40] {strides = array<i32>} : memref<16x128xf32, #tpu.memory_space<vmem>>, vector<1x16xf32>,
      %swap3A_42 = vector.shape_cast %swap3A_41 : vector<1x16xf32> to vector<16xf32>
      %swap3A_43 = vector.shape_cast %broadcast_in_dim3A_39 : vector<16xf32> to vector<1x16xf32>
      tpu.vector_store %arg12[%swap3A, %swap3A_40], %swap3A_43 {strides = array<i32>} : memref<16x128xf32, #tpu.memory_space<vmem>>, vector<1x16xf32>,
      %broadcast_in_dim3A_44 = arith.constant 0.000000e+00 : f32
      %broadcast_in_dim3A_45 = vector.broadcast %broadcast_in_dim3A_44 : f32 to vector<16xf32>
      %swap3A_46 = arith.index_cast %scan3A_38 : i32 to index
      %swap3A_47 = arith.constant 16 : index
      %swap3A_48 = tpu.vector_load %arg12[%swap3A_46, %swap3A_47] {strides = array<i32>} : memref<16x128xf32, #tpu.memory_space<vmem>>, vector<1x16xf32>,
      %swap3A_49 = vector.shape_cast %swap3A_48 : vector<1x16xf32> to vector<16xf32>
      %swap3A_50 = vector.shape_cast %broadcast_in_dim3A_45 : vector<16xf32> to vector<1x16xf32>
      tpu.vector_store %arg12[%swap3A_46, %swap3A_47], %swap3A_50 {strides = array<i32>} : memref<16x128xf32, #tpu.memory_space<vmem>>, vector<1x16xf32>,
      %broadcast_in_dim3A_51 = arith.constant 0.000000e+00 : f32
      %broadcast_in_dim3A_52 = vector.broadcast %broadcast_in_dim3A_51 : f32 to vector<16xf32>
      %swap3A_53 = arith.index_cast %scan3A_38 : i32 to index
      %swap3A_54 = arith.constant 32 : index
      %swap3A_55 = tpu.vector_load %arg12[%swap3A_53, %swap3A_54] {strides = array<i32>} : memref<16x128xf32, #tpu.memory_space<vmem>>, vector<1x16xf32>,
      %swap3A_56 = vector.shape_cast %swap3A_55 : vector<1x16xf32> to vector<16xf32>
      %swap3A_57 = vector.shape_cast %broadcast_in_dim3A_52 : vector<16xf32> to vector<1x16xf32>
      tpu.vector_store %arg12[%swap3A_53, %swap3A_54], %swap3A_57 {strides = array<i32>} : memref<16x128xf32, #tpu.memory_space<vmem>>, vector<1x16xf32>,
      %broadcast_in_dim3A_58 = arith.constant 0.000000e+00 : f32
      %broadcast_in_dim3A_59 = vector.broadcast %broadcast_in_dim3A_58 : f32 to vector<16xf32>
      %swap3A_60 = arith.index_cast %scan3A_38 : i32 to index
      %swap3A_61 = arith.constant 48 : index
      %swap3A_62 = tpu.vector_load %arg12[%swap3A_60, %swap3A_61] {strides = array<i32>} : memref<16x128xf32, #tpu.memory_space<vmem>>, vector<1x16xf32>,
      %swap3A_63 = vector.shape_cast %swap3A_62 : vector<1x16xf32> to vector<16xf32>
      %swap3A_64 = vector.shape_cast %broadcast_in_dim3A_59 : vector<16xf32> to vector<1x16xf32>
      tpu.vector_store %arg12[%swap3A_60, %swap3A_61], %swap3A_64 {strides = array<i32>} : memref<16x128xf32, #tpu.memory_space<vmem>>, vector<1x16xf32>,
      %broadcast_in_dim3A_65 = arith.constant 0.000000e+00 : f32
      %broadcast_in_dim3A_66 = vector.broadcast %broadcast_in_dim3A_65 : f32 to vector<16xf32>
      %swap3A_67 = arith.index_cast %scan3A_38 : i32 to index
      %swap3A_68 = arith.constant 64 : index
      %swap3A_69 = tpu.vector_load %arg12[%swap3A_67, %swap3A_68] {strides = array<i32>} : memref<16x128xf32, #tpu.memory_space<vmem>>, vector<1x16xf32>,
      %swap3A_70 = vector.shape_cast %swap3A_69 : vector<1x16xf32> to vector<16xf32>
      %swap3A_71 = vector.shape_cast %broadcast_in_dim3A_66 : vector<16xf32> to vector<1x16xf32>
      tpu.vector_store %arg12[%swap3A_67, %swap3A_68], %swap3A_71 {strides = array<i32>} : memref<16x128xf32, #tpu.memory_space<vmem>>, vector<1x16xf32>,
      %broadcast_in_dim3A_72 = arith.constant 0.000000e+00 : f32
      %broadcast_in_dim3A_73 = vector.broadcast %broadcast_in_dim3A_72 : f32 to vector<16xf32>
      %swap3A_74 = arith.index_cast %scan3A_38 : i32 to index
      %swap3A_75 = arith.constant 80 : index
      %swap3A_76 = tpu.vector_load %arg12[%swap3A_74, %swap3A_75] {strides = array<i32>} : memref<16x128xf32, #tpu.memory_space<vmem>>, vector<1x16xf32>,
      %swap3A_77 = vector.shape_cast %swap3A_76 : vector<1x16xf32> to vector<16xf32>
      %swap3A_78 = vector.shape_cast %broadcast_in_dim3A_73 : vector<16xf32> to vector<1x16xf32>
      tpu.vector_store %arg12[%swap3A_74, %swap3A_75], %swap3A_78 {strides = array<i32>} : memref<16x128xf32, #tpu.memory_space<vmem>>, vector<1x16xf32>,
      %broadcast_in_dim3A_79 = arith.constant 0.000000e+00 : f32
      %broadcast_in_dim3A_80 = vector.broadcast %broadcast_in_dim3A_79 : f32 to vector<16xf32>
      %swap3A_81 = arith.index_cast %scan3A_38 : i32 to index
      %swap3A_82 = arith.constant 96 : index
      %swap3A_83 = tpu.vector_load %arg12[%swap3A_81, %swap3A_82] {strides = array<i32>} : memref<16x128xf32, #tpu.memory_space<vmem>>, vector<1x16xf32>,
      %swap3A_84 = vector.shape_cast %swap3A_83 : vector<1x16xf32> to vector<16xf32>
      %swap3A_85 = vector.shape_cast %broadcast_in_dim3A_80 : vector<16xf32> to vector<1x16xf32>
      tpu.vector_store %arg12[%swap3A_81, %swap3A_82], %swap3A_85 {strides = array<i32>} : memref<16x128xf32, #tpu.memory_space<vmem>>, vector<1x16xf32>,
      %broadcast_in_dim3A_86 = arith.constant 0.000000e+00 : f32
      %broadcast_in_dim3A_87 = vector.broadcast %broadcast_in_dim3A_86 : f32 to vector<16xf32>
      %swap3A_88 = arith.index_cast %scan3A_38 : i32 to index
      %swap3A_89 = arith.constant 112 : index
      %swap3A_90 = tpu.vector_load %arg12[%swap3A_88, %swap3A_89] {strides = array<i32>} : memref<16x128xf32, #tpu.memory_space<vmem>>, vector<1x16xf32>,
      %swap3A_91 = vector.shape_cast %swap3A_90 : vector<1x16xf32> to vector<16xf32>
      %swap3A_92 = vector.shape_cast %broadcast_in_dim3A_87 : vector<16xf32> to vector<1x16xf32>
      tpu.vector_store %arg12[%swap3A_88, %swap3A_89], %swap3A_92 {strides = array<i32>} : memref<16x128xf32, #tpu.memory_space<vmem>>, vector<1x16xf32>,
    }
    %scan3A_10 = arith.constant 16 : i32
    %scan3A_11 = arith.constant 0 : i32
    %scan3A_12 = arith.constant 0 : i32
    %scan3A_13 = arith.constant 39 : i32
    %scan3A_14 = arith.addi %scan3A_12, %scan3A_13 : i32
    %scan3A_15 = arith.constant 1 : i32
    scf.for %scan3A_38 = %scan3A_12 to %scan3A_14 step %scan3A_15  : i32 {
      %mul3A_39 = arith.constant 16 : i32
      %mul3A_40 = arith.muli %scan3A_38, %mul3A_39 : i32
      %add3A_41 = arith.addi %multiple_of3A, %mul3A_40 : i32
      "tpu.region"() ({
        %run_scoped3A = tpu.sem_alloc : memref<!tpu.dma_semaphore, #tpu.memory_space<semaphore_mem>>
        %dma_start3A_42 = arith.constant 0 : i32
        %dma_start3A_43 = tpu.memref_slice %arg13[%add3A_41, %dma_start3A_42] : memref<10000x128xf32, #tpu.memory_space<vmem_shared>> -> memref<16x128xf32, #tpu.memory_space<vmem_shared>>
        %dma_start3A_44 = arith.constant 0 : i32
        %dma_start3A_45 = tpu.memref_slice %arg13[%add3A_41, %dma_start3A_44] : memref<10000x128xf32, #tpu.memory_space<vmem_shared>> -> memref<16x128xf32, #tpu.memory_space<vmem_shared>>
        tpu.enqueue_dma source(%arg12 : memref<16x128xf32, #tpu.memory_space<vmem>>) target(%dma_start3A_45 : memref<16x128xf32, #tpu.memory_space<vmem_shared>>) target_semaphore(%run_scoped3A : memref<!tpu.dma_semaphore, #tpu.memory_space<semaphore_mem>>)
        %dma_wait3A_46 = arith.constant 0 : i32
        %dma_wait3A_47 = tpu.memref_slice %arg13[%add3A_41, %dma_wait3A_46] : memref<10000x128xf32, #tpu.memory_space<vmem_shared>> -> memref<16x128xf32, #tpu.memory_space<vmem_shared>>
        %dma_wait3A_48 = arith.constant 0 : i32
        %dma_wait3A_49 = tpu.memref_slice %arg13[%add3A_41, %dma_wait3A_48] : memref<10000x128xf32, #tpu.memory_space<vmem_shared>> -> memref<16x128xf32, #tpu.memory_space<vmem_shared>>
        tpu.wait_dma2 semaphore(%run_scoped3A : memref<!tpu.dma_semaphore, #tpu.memory_space<semaphore_mem>>) src(%arg12 : memref<16x128xf32, #tpu.memory_space<vmem>>) dst(%dma_wait3A_49 : memref<16x128xf32, #tpu.memory_space<vmem_shared>>)
        tpu.yield
      }) : () -> ()
    }
    %scan3A_16 = arith.constant 39 : i32
    %convert_element_type3A = arith.extui %eq3A_3 : i1 to i32
    %cond3A = arith.constant 0 : i32
    %cond3A_17 = arith.cmpi ne, %convert_element_type3A, %cond3A : i32
    scf.if %cond3A_17 {
      "tpu.region"() ({
        %run_scoped3A = tpu.sem_alloc : memref<!tpu.dma_semaphore, #tpu.memory_space<semaphore_mem>>
        %dma_start3A_38 = arith.constant 9984 : i32
        %dma_start3A_39 = arith.constant 0 : i32
        %dma_start3A_40 = tpu.memref_slice %arg13[%dma_start3A_38, %dma_start3A_39] : memref<10000x128xf32, #tpu.memory_space<vmem_shared>> -> memref<16x128xf32, #tpu.memory_space<vmem_shared>>
        %dma_start3A_41 = arith.constant 9984 : i32
        %dma_start3A_42 = arith.constant 0 : i32
        %dma_start3A_43 = tpu.memref_slice %arg13[%dma_start3A_41, %dma_start3A_42] : memref<10000x128xf32, #tpu.memory_space<vmem_shared>> -> memref<16x128xf32, #tpu.memory_space<vmem_shared>>
        tpu.enqueue_dma source(%arg12 : memref<16x128xf32, #tpu.memory_space<vmem>>) target(%dma_start3A_43 : memref<16x128xf32, #tpu.memory_space<vmem_shared>>) target_semaphore(%run_scoped3A : memref<!tpu.dma_semaphore, #tpu.memory_space<semaphore_mem>>)
        %dma_wait3A_44 = arith.constant 9984 : i32
        %dma_wait3A_45 = arith.constant 0 : i32
        %dma_wait3A_46 = tpu.memref_slice %arg13[%dma_wait3A_44, %dma_wait3A_45] : memref<10000x128xf32, #tpu.memory_space<vmem_shared>> -> memref<16x128xf32, #tpu.memory_space<vmem_shared>>
        %dma_wait3A_47 = arith.constant 9984 : i32
        %dma_wait3A_48 = arith.constant 0 : i32
        %dma_wait3A_49 = tpu.memref_slice %arg13[%dma_wait3A_47, %dma_wait3A_48] : memref<10000x128xf32, #tpu.memory_space<vmem_shared>> -> memref<16x128xf32, #tpu.memory_space<vmem_shared>>
        tpu.wait_dma2 semaphore(%run_scoped3A : memref<!tpu.dma_semaphore, #tpu.memory_space<semaphore_mem>>) src(%arg12 : memref<16x128xf32, #tpu.memory_space<vmem>>) dst(%dma_wait3A_49 : memref<16x128xf32, #tpu.memory_space<vmem_shared>>)
        tpu.yield
      }) : () -> ()
    } else {
    }
    %barrier3A = arith.constant 0 : index
    tpu.barrier barrier_id(%barrier3A)
    %add3A_18 = arith.constant 0 : i32
    %add3A_19 = arith.addi %mul3A_5, %add3A_18 : i32
    %multiple_of3A_20 = tpu.assume_multiple %add3A_19, 8 : i32
    "tpu.region"() ({
      %run_scoped3A = tpu.sem_alloc : memref<!tpu.dma_semaphore, #tpu.memory_space<semaphore_mem>>
      %dma_start3A_38 = tpu.memref_slice %arg3[%multiple_of3A_20] : memref<320000xi32, #tpu.memory_space<hbm>> -> memref<80xi32, #tpu.memory_space<hbm>>
      %dma_start3A_39 = tpu.memref_slice %arg3[%multiple_of3A_20] : memref<320000xi32, #tpu.memory_space<hbm>> -> memref<80xi32, #tpu.memory_space<hbm>>
      tpu.enqueue_dma source(%dma_start3A_39 : memref<80xi32, #tpu.memory_space<hbm>>) target(%arg6 : memref<80xi32, #tpu.memory_space<vmem>>) target_semaphore(%run_scoped3A : memref<!tpu.dma_semaphore, #tpu.memory_space<semaphore_mem>>)
      %dma_wait3A_40 = tpu.memref_slice %arg3[%multiple_of3A_20] : memref<320000xi32, #tpu.memory_space<hbm>> -> memref<80xi32, #tpu.memory_space<hbm>>
      %dma_wait3A_41 = tpu.memref_slice %arg3[%multiple_of3A_20] : memref<320000xi32, #tpu.memory_space<hbm>> -> memref<80xi32, #tpu.memory_space<hbm>>
      tpu.wait_dma2 semaphore(%run_scoped3A : memref<!tpu.dma_semaphore, #tpu.memory_space<semaphore_mem>>) src(%dma_wait3A_41 : memref<80xi32, #tpu.memory_space<hbm>>) dst(%arg6 : memref<80xi32, #tpu.memory_space<vmem>>)
      tpu.yield
    }) : () -> ()
    %dma_start3A = arith.constant 0 : i32
    %dma_start3A_21 = arith.constant 0 : i32
    %dma_start3A_22 = tpu.memref_slice %arg2[%dma_start3A, %dma_start3A_21] : memref<10000x128xf32, #tpu.memory_space<hbm>> -> memref<10000x128xf32, #tpu.memory_space<hbm>>
    tpu.enqueue_indirect_dma source(%dma_start3A_22 : memref<10000x128xf32, #tpu.memory_space<hbm>>) target(%arg10 : memref<80x128xf32, #tpu.memory_space<vmem>>) offsets(%arg6 : memref<80xi32, #tpu.memory_space<vmem>>) semaphore(%arg14 : memref<!tpu.dma_semaphore, #tpu.memory_space<semaphore_mem>>)
    %scan3A_23 = arith.constant 0 : i32
    %scan3A_24 = arith.constant 0 : i32
    %scan3A_25 = arith.constant 62 : i32
    %scan3A_26 = arith.addi %scan3A_24, %scan3A_25 : i32
    %scan3A_27 = arith.constant 1 : i32
    scf.for %scan3A_38 = %scan3A_24 to %scan3A_26 step %scan3A_27  : i32 {
      %mul3A_39 = arith.constant 2 : i32
      %mul3A_40 = arith.muli %scan3A_38, %mul3A_39 : i32
      %add3A_41 = arith.constant 1 : i32
      %add3A_42 = arith.addi %mul3A_40, %add3A_41 : i32
      %mul3A_43 = arith.constant 80 : i32
      %mul3A_44 = arith.muli %add3A_42, %mul3A_43 : i32
      %add3A_45 = arith.addi %mul3A_5, %mul3A_44 : i32
      %multiple_of3A_46 = tpu.assume_multiple %add3A_45, 8 : i32
      "tpu.region"() ({
        %run_scoped3A = tpu.sem_alloc : memref<!tpu.dma_semaphore, #tpu.memory_space<semaphore_mem>>
        %dma_start3A_75 = tpu.memref_slice %arg3[%multiple_of3A_46] : memref<320000xi32, #tpu.memory_space<hbm>> -> memref<80xi32, #tpu.memory_space<hbm>>
        %dma_start3A_76 = tpu.memref_slice %arg3[%multiple_of3A_46] : memref<320000xi32, #tpu.memory_space<hbm>> -> memref<80xi32, #tpu.memory_space<hbm>>
        tpu.enqueue_dma source(%dma_start3A_76 : memref<80xi32, #tpu.memory_space<hbm>>) target(%arg7 : memref<80xi32, #tpu.memory_space<vmem>>) target_semaphore(%run_scoped3A : memref<!tpu.dma_semaphore, #tpu.memory_space<semaphore_mem>>)
        %dma_wait3A_77 = tpu.memref_slice %arg3[%multiple_of3A_46] : memref<320000xi32, #tpu.memory_space<hbm>> -> memref<80xi32, #tpu.memory_space<hbm>>
        %dma_wait3A_78 = tpu.memref_slice %arg3[%multiple_of3A_46] : memref<320000xi32, #tpu.memory_space<hbm>> -> memref<80xi32, #tpu.memory_space<hbm>>
        tpu.wait_dma2 semaphore(%run_scoped3A : memref<!tpu.dma_semaphore, #tpu.memory_space<semaphore_mem>>) src(%dma_wait3A_78 : memref<80xi32, #tpu.memory_space<hbm>>) dst(%arg7 : memref<80xi32, #tpu.memory_space<vmem>>)
        tpu.yield
      }) : () -> ()
      %dma_start3A_47 = arith.constant 0 : i32
      %dma_start3A_48 = arith.constant 0 : i32
      %dma_start3A_49 = tpu.memref_slice %arg2[%dma_start3A_47, %dma_start3A_48] : memref<10000x128xf32, #tpu.memory_space<hbm>> -> memref<10000x128xf32, #tpu.memory_space<hbm>>
      tpu.enqueue_indirect_dma source(%dma_start3A_49 : memref<10000x128xf32, #tpu.memory_space<hbm>>) target(%arg11 : memref<80x128xf32, #tpu.memory_space<vmem>>) offsets(%arg7 : memref<80xi32, #tpu.memory_space<vmem>>) semaphore(%arg15 : memref<!tpu.dma_semaphore, #tpu.memory_space<semaphore_mem>>)
      %mul3A_50 = arith.constant 80 : i32
      %mul3A_51 = arith.muli %mul3A_40, %mul3A_50 : i32
      %add3A_52 = arith.addi %mul3A_5, %mul3A_51 : i32
      %multiple_of3A_53 = tpu.assume_multiple %add3A_52, 8 : i32
      "tpu.region"() ({
        %run_scoped3A = tpu.sem_alloc : memref<!tpu.dma_semaphore, #tpu.memory_space<semaphore_mem>>
        %dma_start3A_75 = tpu.memref_slice %arg4[%multiple_of3A_53] : memref<320000xi32, #tpu.memory_space<hbm>> -> memref<80xi32, #tpu.memory_space<hbm>>
        %dma_start3A_76 = tpu.memref_slice %arg4[%multiple_of3A_53] : memref<320000xi32, #tpu.memory_space<hbm>> -> memref<80xi32, #tpu.memory_space<hbm>>
        tpu.enqueue_dma source(%dma_start3A_76 : memref<80xi32, #tpu.memory_space<hbm>>) target(%arg8 : memref<80xi32, #tpu.memory_space<vmem>>) target_semaphore(%run_scoped3A : memref<!tpu.dma_semaphore, #tpu.memory_space<semaphore_mem>>)
        %dma_wait3A_77 = tpu.memref_slice %arg4[%multiple_of3A_53] : memref<320000xi32, #tpu.memory_space<hbm>> -> memref<80xi32, #tpu.memory_space<hbm>>
        %dma_wait3A_78 = tpu.memref_slice %arg4[%multiple_of3A_53] : memref<320000xi32, #tpu.memory_space<hbm>> -> memref<80xi32, #tpu.memory_space<hbm>>
        tpu.wait_dma2 semaphore(%run_scoped3A : memref<!tpu.dma_semaphore, #tpu.memory_space<semaphore_mem>>) src(%dma_wait3A_78 : memref<80xi32, #tpu.memory_space<hbm>>) dst(%arg8 : memref<80xi32, #tpu.memory_space<vmem>>)
        tpu.yield
      }) : () -> ()
      %dma_wait3A_54 = arith.constant 0 : i32
      %dma_wait3A_55 = arith.constant 0 : i32
      %dma_wait3A_56 = tpu.memref_slice %arg2[%dma_wait3A_54, %dma_wait3A_55] : memref<10000x128xf32, #tpu.memory_space<hbm>> -> memref<10000x128xf32, #tpu.memory_space<hbm>>
      tpu.wait_indirect_dma semaphore(%arg14 : memref<!tpu.dma_semaphore, #tpu.memory_space<semaphore_mem>>) src(%dma_wait3A_56 : memref<10000x128xf32, #tpu.memory_space<hbm>>) dst(%arg10 : memref<80x128xf32, #tpu.memory_space<vmem>>)
      "tpu.region"() ({
        %run_scoped3A = tpu.sem_alloc : memref<!tpu.dma_semaphore, #tpu.memory_space<semaphore_mem>>
        %dma_start3A_75 = arith.constant 0 : i32
        %dma_start3A_76 = arith.constant 0 : i32
        %dma_start3A_77 = tpu.memref_slice %arg13[%dma_start3A_75, %dma_start3A_76] : memref<10000x128xf32, #tpu.memory_space<vmem_shared>> -> memref<10000x128xf32, #tpu.memory_space<vmem_shared>>
        tpu.enqueue_indirect_dma source(%arg10 : memref<80x128xf32, #tpu.memory_space<vmem>>) target(%dma_start3A_77 : memref<10000x128xf32, #tpu.memory_space<vmem_shared>>) offsets(%arg8 : memref<80xi32, #tpu.memory_space<vmem>>) semaphore(%run_scoped3A : memref<!tpu.dma_semaphore, #tpu.memory_space<semaphore_mem>>) {add = true}
        %dma_wait3A_78 = arith.constant 0 : i32
        %dma_wait3A_79 = arith.constant 0 : i32
        %dma_wait3A_80 = tpu.memref_slice %arg13[%dma_wait3A_78, %dma_wait3A_79] : memref<10000x128xf32, #tpu.memory_space<vmem_shared>> -> memref<10000x128xf32, #tpu.memory_space<vmem_shared>>
        tpu.wait_indirect_dma semaphore(%run_scoped3A : memref<!tpu.dma_semaphore, #tpu.memory_space<semaphore_mem>>) src(%arg10 : memref<80x128xf32, #tpu.memory_space<vmem>>) dst(%dma_wait3A_80 : memref<10000x128xf32, #tpu.memory_space<vmem_shared>>)
        tpu.yield
      }) : () -> ()
      %add3A_57 = arith.constant 2 : i32
      %add3A_58 = arith.addi %mul3A_40, %add3A_57 : i32
      %mul3A_59 = arith.constant 80 : i32
      %mul3A_60 = arith.muli %add3A_58, %mul3A_59 : i32
      %add3A_61 = arith.addi %mul3A_5, %mul3A_60 : i32
      %multiple_of3A_62 = tpu.assume_multiple %add3A_61, 8 : i32
      "tpu.region"() ({
        %run_scoped3A = tpu.sem_alloc : memref<!tpu.dma_semaphore, #tpu.memory_space<semaphore_mem>>
        %dma_start3A_75 = tpu.memref_slice %arg3[%multiple_of3A_62] : memref<320000xi32, #tpu.memory_space<hbm>> -> memref<80xi32, #tpu.memory_space<hbm>>
        %dma_start3A_76 = tpu.memref_slice %arg3[%multiple_of3A_62] : memref<320000xi32, #tpu.memory_space<hbm>> -> memref<80xi32, #tpu.memory_space<hbm>>
        tpu.enqueue_dma source(%dma_start3A_76 : memref<80xi32, #tpu.memory_space<hbm>>) target(%arg6 : memref<80xi32, #tpu.memory_space<vmem>>) target_semaphore(%run_scoped3A : memref<!tpu.dma_semaphore, #tpu.memory_space<semaphore_mem>>)
        %dma_wait3A_77 = tpu.memref_slice %arg3[%multiple_of3A_62] : memref<320000xi32, #tpu.memory_space<hbm>> -> memref<80xi32, #tpu.memory_space<hbm>>
        %dma_wait3A_78 = tpu.memref_slice %arg3[%multiple_of3A_62] : memref<320000xi32, #tpu.memory_space<hbm>> -> memref<80xi32, #tpu.memory_space<hbm>>
        tpu.wait_dma2 semaphore(%run_scoped3A : memref<!tpu.dma_semaphore, #tpu.memory_space<semaphore_mem>>) src(%dma_wait3A_78 : memref<80xi32, #tpu.memory_space<hbm>>) dst(%arg6 : memref<80xi32, #tpu.memory_space<vmem>>)
        tpu.yield
      }) : () -> ()
      %dma_start3A_63 = arith.constant 0 : i32
      %dma_start3A_64 = arith.constant 0 : i32
      %dma_start3A_65 = tpu.memref_slice %arg2[%dma_start3A_63, %dma_start3A_64] : memref<10000x128xf32, #tpu.memory_space<hbm>> -> memref<10000x128xf32, #tpu.memory_space<hbm>>
      tpu.enqueue_indirect_dma source(%dma_start3A_65 : memref<10000x128xf32, #tpu.memory_space<hbm>>) target(%arg10 : memref<80x128xf32, #tpu.memory_space<vmem>>) offsets(%arg6 : memref<80xi32, #tpu.memory_space<vmem>>) semaphore(%arg14 : memref<!tpu.dma_semaphore, #tpu.memory_space<semaphore_mem>>)
      %add3A_66 = arith.constant 1 : i32
      %add3A_67 = arith.addi %mul3A_40, %add3A_66 : i32
      %mul3A_68 = arith.constant 80 : i32
      %mul3A_69 = arith.muli %add3A_67, %mul3A_68 : i32
      %add3A_70 = arith.addi %mul3A_5, %mul3A_69 : i32
      %multiple_of3A_71 = tpu.assume_multiple %add3A_70, 8 : i32
      "tpu.region"() ({
        %run_scoped3A = tpu.sem_alloc : memref<!tpu.dma_semaphore, #tpu.memory_space<semaphore_mem>>
        %dma_start3A_75 = tpu.memref_slice %arg4[%multiple_of3A_71] : memref<320000xi32, #tpu.memory_space<hbm>> -> memref<80xi32, #tpu.memory_space<hbm>>
        %dma_start3A_76 = tpu.memref_slice %arg4[%multiple_of3A_71] : memref<320000xi32, #tpu.memory_space<hbm>> -> memref<80xi32, #tpu.memory_space<hbm>>
        tpu.enqueue_dma source(%dma_start3A_76 : memref<80xi32, #tpu.memory_space<hbm>>) target(%arg9 : memref<80xi32, #tpu.memory_space<vmem>>) target_semaphore(%run_scoped3A : memref<!tpu.dma_semaphore, #tpu.memory_space<semaphore_mem>>)
        %dma_wait3A_77 = tpu.memref_slice %arg4[%multiple_of3A_71] : memref<320000xi32, #tpu.memory_space<hbm>> -> memref<80xi32, #tpu.memory_space<hbm>>
        %dma_wait3A_78 = tpu.memref_slice %arg4[%multiple_of3A_71] : memref<320000xi32, #tpu.memory_space<hbm>> -> memref<80xi32, #tpu.memory_space<hbm>>
        tpu.wait_dma2 semaphore(%run_scoped3A : memref<!tpu.dma_semaphore, #tpu.memory_space<semaphore_mem>>) src(%dma_wait3A_78 : memref<80xi32, #tpu.memory_space<hbm>>) dst(%arg9 : memref<80xi32, #tpu.memory_space<vmem>>)
        tpu.yield
      }) : () -> ()
      %dma_wait3A_72 = arith.constant 0 : i32
      %dma_wait3A_73 = arith.constant 0 : i32
      %dma_wait3A_74 = tpu.memref_slice %arg2[%dma_wait3A_72, %dma_wait3A_73] : memref<10000x128xf32, #tpu.memory_space<hbm>> -> memref<10000x128xf32, #tpu.memory_space<hbm>>
      tpu.wait_indirect_dma semaphore(%arg15 : memref<!tpu.dma_semaphore, #tpu.memory_space<semaphore_mem>>) src(%dma_wait3A_74 : memref<10000x128xf32, #tpu.memory_space<hbm>>) dst(%arg11 : memref<80x128xf32, #tpu.memory_space<vmem>>)
      "tpu.region"() ({
        %run_scoped3A = tpu.sem_alloc : memref<!tpu.dma_semaphore, #tpu.memory_space<semaphore_mem>>
        %dma_start3A_75 = arith.constant 0 : i32
        %dma_start3A_76 = arith.constant 0 : i32
        %dma_start3A_77 = tpu.memref_slice %arg13[%dma_start3A_75, %dma_start3A_76] : memref<10000x128xf32, #tpu.memory_space<vmem_shared>> -> memref<10000x128xf32, #tpu.memory_space<vmem_shared>>
        tpu.enqueue_indirect_dma source(%arg11 : memref<80x128xf32, #tpu.memory_space<vmem>>) target(%dma_start3A_77 : memref<10000x128xf32, #tpu.memory_space<vmem_shared>>) offsets(%arg9 : memref<80xi32, #tpu.memory_space<vmem>>) semaphore(%run_scoped3A : memref<!tpu.dma_semaphore, #tpu.memory_space<semaphore_mem>>) {add = true}
        %dma_wait3A_78 = arith.constant 0 : i32
        %dma_wait3A_79 = arith.constant 0 : i32
        %dma_wait3A_80 = tpu.memref_slice %arg13[%dma_wait3A_78, %dma_wait3A_79] : memref<10000x128xf32, #tpu.memory_space<vmem_shared>> -> memref<10000x128xf32, #tpu.memory_space<vmem_shared>>
        tpu.wait_indirect_dma semaphore(%run_scoped3A : memref<!tpu.dma_semaphore, #tpu.memory_space<semaphore_mem>>) src(%arg11 : memref<80x128xf32, #tpu.memory_space<vmem>>) dst(%dma_wait3A_80 : memref<10000x128xf32, #tpu.memory_space<vmem_shared>>)
        tpu.yield
      }) : () -> ()
    }
    %scan3A_28 = arith.constant 62 : i32
    %add3A_29 = arith.constant 9920 : i32
    %add3A_30 = arith.addi %mul3A_5, %add3A_29 : i32
    %multiple_of3A_31 = tpu.assume_multiple %add3A_30, 8 : i32
    "tpu.region"() ({
      %run_scoped3A = tpu.sem_alloc : memref<!tpu.dma_semaphore, #tpu.memory_space<semaphore_mem>>
      %dma_start3A_38 = tpu.memref_slice %arg4[%multiple_of3A_31] : memref<320000xi32, #tpu.memory_space<hbm>> -> memref<80xi32, #tpu.memory_space<hbm>>
      %dma_start3A_39 = tpu.memref_slice %arg4[%multiple_of3A_31] : memref<320000xi32, #tpu.memory_space<hbm>> -> memref<80xi32, #tpu.memory_space<hbm>>
      tpu.enqueue_dma source(%dma_start3A_39 : memref<80xi32, #tpu.memory_space<hbm>>) target(%arg8 : memref<80xi32, #tpu.memory_space<vmem>>) target_semaphore(%run_scoped3A : memref<!tpu.dma_semaphore, #tpu.memory_space<semaphore_mem>>)
      %dma_wait3A_40 = tpu.memref_slice %arg4[%multiple_of3A_31] : memref<320000xi32, #tpu.memory_space<hbm>> -> memref<80xi32, #tpu.memory_space<hbm>>
      %dma_wait3A_41 = tpu.memref_slice %arg4[%multiple_of3A_31] : memref<320000xi32, #tpu.memory_space<hbm>> -> memref<80xi32, #tpu.memory_space<hbm>>
      tpu.wait_dma2 semaphore(%run_scoped3A : memref<!tpu.dma_semaphore, #tpu.memory_space<semaphore_mem>>) src(%dma_wait3A_41 : memref<80xi32, #tpu.memory_space<hbm>>) dst(%arg8 : memref<80xi32, #tpu.memory_space<vmem>>)
      tpu.yield
    }) : () -> ()
    %dma_wait3A = arith.constant 0 : i32
    %dma_wait3A_32 = arith.constant 0 : i32
    %dma_wait3A_33 = tpu.memref_slice %arg2[%dma_wait3A, %dma_wait3A_32] : memref<10000x128xf32, #tpu.memory_space<hbm>> -> memref<10000x128xf32, #tpu.memory_space<hbm>>
    tpu.wait_indirect_dma semaphore(%arg14 : memref<!tpu.dma_semaphore, #tpu.memory_space<semaphore_mem>>) src(%dma_wait3A_33 : memref<10000x128xf32, #tpu.memory_space<hbm>>) dst(%arg10 : memref<80x128xf32, #tpu.memory_space<vmem>>)
    "tpu.region"() ({
      %run_scoped3A = tpu.sem_alloc : memref<!tpu.dma_semaphore, #tpu.memory_space<semaphore_mem>>
      %dma_start3A_38 = arith.constant 0 : i32
      %dma_start3A_39 = arith.constant 0 : i32
      %dma_start3A_40 = tpu.memref_slice %arg13[%dma_start3A_38, %dma_start3A_39] : memref<10000x128xf32, #tpu.memory_space<vmem_shared>> -> memref<10000x128xf32, #tpu.memory_space<vmem_shared>>
      tpu.enqueue_indirect_dma source(%arg10 : memref<80x128xf32, #tpu.memory_space<vmem>>) target(%dma_start3A_40 : memref<10000x128xf32, #tpu.memory_space<vmem_shared>>) offsets(%arg8 : memref<80xi32, #tpu.memory_space<vmem>>) semaphore(%run_scoped3A : memref<!tpu.dma_semaphore, #tpu.memory_space<semaphore_mem>>) {add = true}
      %dma_wait3A_41 = arith.constant 0 : i32
      %dma_wait3A_42 = arith.constant 0 : i32
      %dma_wait3A_43 = tpu.memref_slice %arg13[%dma_wait3A_41, %dma_wait3A_42] : memref<10000x128xf32, #tpu.memory_space<vmem_shared>> -> memref<10000x128xf32, #tpu.memory_space<vmem_shared>>
      tpu.wait_indirect_dma semaphore(%run_scoped3A : memref<!tpu.dma_semaphore, #tpu.memory_space<semaphore_mem>>) src(%arg10 : memref<80x128xf32, #tpu.memory_space<vmem>>) dst(%dma_wait3A_43 : memref<10000x128xf32, #tpu.memory_space<vmem_shared>>)
      tpu.yield
    }) : () -> ()
    %barrier3A_34 = arith.constant 0 : index
    tpu.barrier barrier_id(%barrier3A_34)
    "tpu.region"() ({
      %run_scoped3A = tpu.sem_alloc : memref<!tpu.dma_semaphore, #tpu.memory_space<semaphore_mem>>
      %dma_start3A_38 = arith.constant 0 : i32
      %dma_start3A_39 = tpu.memref_slice %arg5[%arg0, %multiple_of3A, %dma_start3A_38] : memref<2x10000x128xf32, #tpu.memory_space<hbm>> -> memref<1x624x128xf32, #tpu.memory_space<hbm>>
      %dma_start3A_40 = tpu.memref_squeeze %dma_start3A_39 : memref<1x624x128xf32, #tpu.memory_space<hbm>> -> memref<624x128xf32, #tpu.memory_space<hbm>>
      %dma_start3A_41 = arith.constant 0 : i32
      %dma_start3A_42 = tpu.memref_slice %arg13[%multiple_of3A, %dma_start3A_41] : memref<10000x128xf32, #tpu.memory_space<vmem_shared>> -> memref<624x128xf32, #tpu.memory_space<vmem_shared>>
      tpu.enqueue_dma source(%dma_start3A_42 : memref<624x128xf32, #tpu.memory_space<vmem_shared>>) target(%dma_start3A_40 : memref<624x128xf32, #tpu.memory_space<hbm>>) target_semaphore(%run_scoped3A : memref<!tpu.dma_semaphore, #tpu.memory_space<semaphore_mem>>)
      %dma_wait3A_43 = arith.constant 0 : i32
      %dma_wait3A_44 = tpu.memref_slice %arg5[%arg0, %multiple_of3A, %dma_wait3A_43] : memref<2x10000x128xf32, #tpu.memory_space<hbm>> -> memref<1x624x128xf32, #tpu.memory_space<hbm>>
      %dma_wait3A_45 = tpu.memref_squeeze %dma_wait3A_44 : memref<1x624x128xf32, #tpu.memory_space<hbm>> -> memref<624x128xf32, #tpu.memory_space<hbm>>
      %dma_wait3A_46 = arith.constant 0 : i32
      %dma_wait3A_47 = tpu.memref_slice %arg13[%multiple_of3A, %dma_wait3A_46] : memref<10000x128xf32, #tpu.memory_space<vmem_shared>> -> memref<624x128xf32, #tpu.memory_space<vmem_shared>>
      tpu.wait_dma2 semaphore(%run_scoped3A : memref<!tpu.dma_semaphore, #tpu.memory_space<semaphore_mem>>) src(%dma_wait3A_47 : memref<624x128xf32, #tpu.memory_space<vmem_shared>>) dst(%dma_wait3A_45 : memref<624x128xf32, #tpu.memory_space<hbm>>)
      tpu.yield
    }) : () -> ()
    %convert_element_type3A_35 = arith.extui %eq3A_3 : i1 to i32
    %cond3A_36 = arith.constant 0 : i32
    %cond3A_37 = arith.cmpi ne, %convert_element_type3A_35, %cond3A_36 : i32
    scf.if %cond3A_37 {
      "tpu.region"() ({
        %run_scoped3A = tpu.sem_alloc : memref<!tpu.dma_semaphore, #tpu.memory_space<semaphore_mem>>
        %dma_start3A_38 = arith.constant 9984 : i32
        %dma_start3A_39 = arith.constant 0 : i32
        %dma_start3A_40 = tpu.memref_slice %arg5[%arg0, %dma_start3A_38, %dma_start3A_39] : memref<2x10000x128xf32, #tpu.memory_space<hbm>> -> memref<1x16x128xf32, #tpu.memory_space<hbm>>
        %dma_start3A_41 = tpu.memref_squeeze %dma_start3A_40 : memref<1x16x128xf32, #tpu.memory_space<hbm>> -> memref<16x128xf32, #tpu.memory_space<hbm>>
        %dma_start3A_42 = arith.constant 9984 : i32
        %dma_start3A_43 = arith.constant 0 : i32
        %dma_start3A_44 = tpu.memref_slice %arg13[%dma_start3A_42, %dma_start3A_43] : memref<10000x128xf32, #tpu.memory_space<vmem_shared>> -> memref<16x128xf32, #tpu.memory_space<vmem_shared>>
        tpu.enqueue_dma source(%dma_start3A_44 : memref<16x128xf32, #tpu.memory_space<vmem_shared>>) target(%dma_start3A_41 : memref<16x128xf32, #tpu.memory_space<hbm>>) target_semaphore(%run_scoped3A : memref<!tpu.dma_semaphore, #tpu.memory_space<semaphore_mem>>)
        %dma_wait3A_45 = arith.constant 9984 : i32
        %dma_wait3A_46 = arith.constant 0 : i32
        %dma_wait3A_47 = tpu.memref_slice %arg5[%arg0, %dma_wait3A_45, %dma_wait3A_46] : memref<2x10000x128xf32, #tpu.memory_space<hbm>> -> memref<1x16x128xf32, #tpu.memory_space<hbm>>
        %dma_wait3A_48 = tpu.memref_squeeze %dma_wait3A_47 : memref<1x16x128xf32, #tpu.memory_space<hbm>> -> memref<16x128xf32, #tpu.memory_space<hbm>>
        %dma_wait3A_49 = arith.constant 9984 : i32
        %dma_wait3A_50 = arith.constant 0 : i32
        %dma_wait3A_51 = tpu.memref_slice %arg13[%dma_wait3A_49, %dma_wait3A_50] : memref<10000x128xf32, #tpu.memory_space<vmem_shared>> -> memref<16x128xf32, #tpu.memory_space<vmem_shared>>
        tpu.wait_dma2 semaphore(%run_scoped3A : memref<!tpu.dma_semaphore, #tpu.memory_space<semaphore_mem>>) src(%dma_wait3A_51 : memref<16x128xf32, #tpu.memory_space<vmem_shared>>) dst(%dma_wait3A_48 : memref<16x128xf32, #tpu.memory_space<hbm>>)
        tpu.yield
      }) : () -> ()
    } else {
    }
    return
  }
}

#map = affine_map<(d0, d1) -> (0, 0)>
#map1 = affine_map<(d0, d1) -> (0)>
#map2 = affine_map<(d0, d1) -> (0, 0, 0)>
module attributes {stable_mosaic.version = 14 : i64} {
  func.func @_agg_body(%arg0: i32, %arg1: i32, %arg2: memref<10000x128xf32, #tpu.memory_space<hbm>>, %arg3: memref<320000xi32, #tpu.memory_space<hbm>>, %arg4: memref<320000xi32, #tpu.memory_space<hbm>>, %arg5: memref<2x10000x128xf32, #tpu.memory_space<hbm>>, %arg6: memref<80xi32, #tpu.memory_space<vmem>>, %arg7: memref<80xi32, #tpu.memory_space<vmem>>, %arg8: memref<80xi32, #tpu.memory_space<vmem>>, %arg9: memref<80xi32, #tpu.memory_space<vmem>>, %arg10: memref<80x128xf32, #tpu.memory_space<vmem>>, %arg11: memref<80x128xf32, #tpu.memory_space<vmem>>, %arg12: memref<16x128xf32, #tpu.memory_space<vmem>>, %arg13: memref<10000x128xf32, #tpu.memory_space<vmem_shared>>, %arg14: memref<!tpu.dma_semaphore, #tpu.memory_space<semaphore_mem>>, %arg15: memref<!tpu.dma_semaphore, #tpu.memory_space<semaphore_mem>>) attributes {dimension_semantics = [#tpu.dimension_semantics<core_parallel>, #tpu.dimension_semantics<subcore_parallel>], iteration_bounds = array<i64: 2, 16>, scalar_prefetch = 0 : i64, scratch_operands = 10 : i64, tpu.core_type = #tpu.core_type<sc_vector_subcore>, window_params = [{transform_indices = #map}, {transform_indices = #map1}, {transform_indices = #map1}, {transform_indices = #map2}]} {
    %mul3A = arith.constant 2 : i32
    %mul3A_0 = arith.muli %arg1, %mul3A : i32
    %add3A = arith.addi %mul3A_0, %arg0 : i32
    %mul3A_1 = arith.constant 624 : i32
    %mul3A_2 = arith.muli %arg1, %mul3A_1 : i32
    %multiple_of3A = tpu.assume_multiple %mul3A_2, 8 : i32
    %eq3A = arith.constant 15 : i32
    %eq3A_3 = arith.cmpi eq, %arg1, %eq3A : i32
    %mul3A_4 = arith.constant 10000 : i32
    %mul3A_5 = arith.muli %add3A, %mul3A_4 : i32
    %scan3A = arith.constant 0 : i32
    %scan3A_6 = arith.constant 0 : i32
    %scan3A_7 = arith.constant 16 : i32
    %scan3A_8 = arith.addi %scan3A_6, %scan3A_7 : i32
    %scan3A_9 = arith.constant 1 : i32
    scf.for %scan3A_38 = %scan3A_6 to %scan3A_8 step %scan3A_9  : i32 {
      %broadcast_in_dim3A = arith.constant 0.000000e+00 : f32
      %broadcast_in_dim3A_39 = vector.broadcast %broadcast_in_dim3A : f32 to vector<16xf32>
      %swap3A = arith.index_cast %scan3A_38 : i32 to index
      %swap3A_40 = arith.constant 0 : index
      %swap3A_41 = tpu.vector_load %arg12[%swap3A, %swap3A_40] {strides = array<i32>} : memref<16x128xf32, #tpu.memory_space<vmem>>, vector<1x16xf32>,
      %swap3A_42 = vector.shape_cast %swap3A_41 : vector<1x16xf32> to vector<16xf32>
      %swap3A_43 = vector.shape_cast %broadcast_in_dim3A_39 : vector<16xf32> to vector<1x16xf32>
      tpu.vector_store %arg12[%swap3A, %swap3A_40], %swap3A_43 {strides = array<i32>} : memref<16x128xf32, #tpu.memory_space<vmem>>, vector<1x16xf32>,
      %broadcast_in_dim3A_44 = arith.constant 0.000000e+00 : f32
      %broadcast_in_dim3A_45 = vector.broadcast %broadcast_in_dim3A_44 : f32 to vector<16xf32>
      %swap3A_46 = arith.index_cast %scan3A_38 : i32 to index
      %swap3A_47 = arith.constant 16 : index
      %swap3A_48 = tpu.vector_load %arg12[%swap3A_46, %swap3A_47] {strides = array<i32>} : memref<16x128xf32, #tpu.memory_space<vmem>>, vector<1x16xf32>,
      %swap3A_49 = vector.shape_cast %swap3A_48 : vector<1x16xf32> to vector<16xf32>
      %swap3A_50 = vector.shape_cast %broadcast_in_dim3A_45 : vector<16xf32> to vector<1x16xf32>
      tpu.vector_store %arg12[%swap3A_46, %swap3A_47], %swap3A_50 {strides = array<i32>} : memref<16x128xf32, #tpu.memory_space<vmem>>, vector<1x16xf32>,
      %broadcast_in_dim3A_51 = arith.constant 0.000000e+00 : f32
      %broadcast_in_dim3A_52 = vector.broadcast %broadcast_in_dim3A_51 : f32 to vector<16xf32>
      %swap3A_53 = arith.index_cast %scan3A_38 : i32 to index
      %swap3A_54 = arith.constant 32 : index
      %swap3A_55 = tpu.vector_load %arg12[%swap3A_53, %swap3A_54] {strides = array<i32>} : memref<16x128xf32, #tpu.memory_space<vmem>>, vector<1x16xf32>,
      %swap3A_56 = vector.shape_cast %swap3A_55 : vector<1x16xf32> to vector<16xf32>
      %swap3A_57 = vector.shape_cast %broadcast_in_dim3A_52 : vector<16xf32> to vector<1x16xf32>
      tpu.vector_store %arg12[%swap3A_53, %swap3A_54], %swap3A_57 {strides = array<i32>} : memref<16x128xf32, #tpu.memory_space<vmem>>, vector<1x16xf32>,
      %broadcast_in_dim3A_58 = arith.constant 0.000000e+00 : f32
      %broadcast_in_dim3A_59 = vector.broadcast %broadcast_in_dim3A_58 : f32 to vector<16xf32>
      %swap3A_60 = arith.index_cast %scan3A_38 : i32 to index
      %swap3A_61 = arith.constant 48 : index
      %swap3A_62 = tpu.vector_load %arg12[%swap3A_60, %swap3A_61] {strides = array<i32>} : memref<16x128xf32, #tpu.memory_space<vmem>>, vector<1x16xf32>,
      %swap3A_63 = vector.shape_cast %swap3A_62 : vector<1x16xf32> to vector<16xf32>
      %swap3A_64 = vector.shape_cast %broadcast_in_dim3A_59 : vector<16xf32> to vector<1x16xf32>
      tpu.vector_store %arg12[%swap3A_60, %swap3A_61], %swap3A_64 {strides = array<i32>} : memref<16x128xf32, #tpu.memory_space<vmem>>, vector<1x16xf32>,
      %broadcast_in_dim3A_65 = arith.constant 0.000000e+00 : f32
      %broadcast_in_dim3A_66 = vector.broadcast %broadcast_in_dim3A_65 : f32 to vector<16xf32>
      %swap3A_67 = arith.index_cast %scan3A_38 : i32 to index
      %swap3A_68 = arith.constant 64 : index
      %swap3A_69 = tpu.vector_load %arg12[%swap3A_67, %swap3A_68] {strides = array<i32>} : memref<16x128xf32, #tpu.memory_space<vmem>>, vector<1x16xf32>,
      %swap3A_70 = vector.shape_cast %swap3A_69 : vector<1x16xf32> to vector<16xf32>
      %swap3A_71 = vector.shape_cast %broadcast_in_dim3A_66 : vector<16xf32> to vector<1x16xf32>
      tpu.vector_store %arg12[%swap3A_67, %swap3A_68], %swap3A_71 {strides = array<i32>} : memref<16x128xf32, #tpu.memory_space<vmem>>, vector<1x16xf32>,
      %broadcast_in_dim3A_72 = arith.constant 0.000000e+00 : f32
      %broadcast_in_dim3A_73 = vector.broadcast %broadcast_in_dim3A_72 : f32 to vector<16xf32>
      %swap3A_74 = arith.index_cast %scan3A_38 : i32 to index
      %swap3A_75 = arith.constant 80 : index
      %swap3A_76 = tpu.vector_load %arg12[%swap3A_74, %swap3A_75] {strides = array<i32>} : memref<16x128xf32, #tpu.memory_space<vmem>>, vector<1x16xf32>,
      %swap3A_77 = vector.shape_cast %swap3A_76 : vector<1x16xf32> to vector<16xf32>
      %swap3A_78 = vector.shape_cast %broadcast_in_dim3A_73 : vector<16xf32> to vector<1x16xf32>
      tpu.vector_store %arg12[%swap3A_74, %swap3A_75], %swap3A_78 {strides = array<i32>} : memref<16x128xf32, #tpu.memory_space<vmem>>, vector<1x16xf32>,
      %broadcast_in_dim3A_79 = arith.constant 0.000000e+00 : f32
      %broadcast_in_dim3A_80 = vector.broadcast %broadcast_in_dim3A_79 : f32 to vector<16xf32>
      %swap3A_81 = arith.index_cast %scan3A_38 : i32 to index
      %swap3A_82 = arith.constant 96 : index
      %swap3A_83 = tpu.vector_load %arg12[%swap3A_81, %swap3A_82] {strides = array<i32>} : memref<16x128xf32, #tpu.memory_space<vmem>>, vector<1x16xf32>,
      %swap3A_84 = vector.shape_cast %swap3A_83 : vector<1x16xf32> to vector<16xf32>
      %swap3A_85 = vector.shape_cast %broadcast_in_dim3A_80 : vector<16xf32> to vector<1x16xf32>
      tpu.vector_store %arg12[%swap3A_81, %swap3A_82], %swap3A_85 {strides = array<i32>} : memref<16x128xf32, #tpu.memory_space<vmem>>, vector<1x16xf32>,
      %broadcast_in_dim3A_86 = arith.constant 0.000000e+00 : f32
      %broadcast_in_dim3A_87 = vector.broadcast %broadcast_in_dim3A_86 : f32 to vector<16xf32>
      %swap3A_88 = arith.index_cast %scan3A_38 : i32 to index
      %swap3A_89 = arith.constant 112 : index
      %swap3A_90 = tpu.vector_load %arg12[%swap3A_88, %swap3A_89] {strides = array<i32>} : memref<16x128xf32, #tpu.memory_space<vmem>>, vector<1x16xf32>,
      %swap3A_91 = vector.shape_cast %swap3A_90 : vector<1x16xf32> to vector<16xf32>
      %swap3A_92 = vector.shape_cast %broadcast_in_dim3A_87 : vector<16xf32> to vector<1x16xf32>
      tpu.vector_store %arg12[%swap3A_88, %swap3A_89], %swap3A_92 {strides = array<i32>} : memref<16x128xf32, #tpu.memory_space<vmem>>, vector<1x16xf32>,
    }
    %scan3A_10 = arith.constant 16 : i32
    %scan3A_11 = arith.constant 0 : i32
    %scan3A_12 = arith.constant 0 : i32
    %scan3A_13 = arith.constant 39 : i32
    %scan3A_14 = arith.addi %scan3A_12, %scan3A_13 : i32
    %scan3A_15 = arith.constant 1 : i32
    scf.for %scan3A_38 = %scan3A_12 to %scan3A_14 step %scan3A_15  : i32 {
      %mul3A_39 = arith.constant 16 : i32
      %mul3A_40 = arith.muli %scan3A_38, %mul3A_39 : i32
      %add3A_41 = arith.addi %multiple_of3A, %mul3A_40 : i32
      "tpu.region"() ({
        %run_scoped3A = tpu.sem_alloc : memref<!tpu.dma_semaphore, #tpu.memory_space<semaphore_mem>>
        %dma_start3A_42 = arith.constant 0 : i32
        %dma_start3A_43 = tpu.memref_slice %arg13[%add3A_41, %dma_start3A_42] : memref<10000x128xf32, #tpu.memory_space<vmem_shared>> -> memref<16x128xf32, #tpu.memory_space<vmem_shared>>
        %dma_start3A_44 = arith.constant 0 : i32
        %dma_start3A_45 = tpu.memref_slice %arg13[%add3A_41, %dma_start3A_44] : memref<10000x128xf32, #tpu.memory_space<vmem_shared>> -> memref<16x128xf32, #tpu.memory_space<vmem_shared>>
        tpu.enqueue_dma source(%arg12 : memref<16x128xf32, #tpu.memory_space<vmem>>) target(%dma_start3A_45 : memref<16x128xf32, #tpu.memory_space<vmem_shared>>) target_semaphore(%run_scoped3A : memref<!tpu.dma_semaphore, #tpu.memory_space<semaphore_mem>>)
        %dma_wait3A_46 = arith.constant 0 : i32
        %dma_wait3A_47 = tpu.memref_slice %arg13[%add3A_41, %dma_wait3A_46] : memref<10000x128xf32, #tpu.memory_space<vmem_shared>> -> memref<16x128xf32, #tpu.memory_space<vmem_shared>>
        %dma_wait3A_48 = arith.constant 0 : i32
        %dma_wait3A_49 = tpu.memref_slice %arg13[%add3A_41, %dma_wait3A_48] : memref<10000x128xf32, #tpu.memory_space<vmem_shared>> -> memref<16x128xf32, #tpu.memory_space<vmem_shared>>
        tpu.wait_dma2 semaphore(%run_scoped3A : memref<!tpu.dma_semaphore, #tpu.memory_space<semaphore_mem>>) src(%arg12 : memref<16x128xf32, #tpu.memory_space<vmem>>) dst(%dma_wait3A_49 : memref<16x128xf32, #tpu.memory_space<vmem_shared>>)
        tpu.yield
      }) : () -> ()
    }
    %scan3A_16 = arith.constant 39 : i32
    %convert_element_type3A = arith.extui %eq3A_3 : i1 to i32
    %cond3A = arith.constant 0 : i32
    %cond3A_17 = arith.cmpi ne, %convert_element_type3A, %cond3A : i32
    scf.if %cond3A_17 {
      "tpu.region"() ({
        %run_scoped3A = tpu.sem_alloc : memref<!tpu.dma_semaphore, #tpu.memory_space<semaphore_mem>>
        %dma_start3A_38 = arith.constant 9984 : i32
        %dma_start3A_39 = arith.constant 0 : i32
        %dma_start3A_40 = tpu.memref_slice %arg13[%dma_start3A_38, %dma_start3A_39] : memref<10000x128xf32, #tpu.memory_space<vmem_shared>> -> memref<16x128xf32, #tpu.memory_space<vmem_shared>>
        %dma_start3A_41 = arith.constant 9984 : i32
        %dma_start3A_42 = arith.constant 0 : i32
        %dma_start3A_43 = tpu.memref_slice %arg13[%dma_start3A_41, %dma_start3A_42] : memref<10000x128xf32, #tpu.memory_space<vmem_shared>> -> memref<16x128xf32, #tpu.memory_space<vmem_shared>>
        tpu.enqueue_dma source(%arg12 : memref<16x128xf32, #tpu.memory_space<vmem>>) target(%dma_start3A_43 : memref<16x128xf32, #tpu.memory_space<vmem_shared>>) target_semaphore(%run_scoped3A : memref<!tpu.dma_semaphore, #tpu.memory_space<semaphore_mem>>)
        %dma_wait3A_44 = arith.constant 9984 : i32
        %dma_wait3A_45 = arith.constant 0 : i32
        %dma_wait3A_46 = tpu.memref_slice %arg13[%dma_wait3A_44, %dma_wait3A_45] : memref<10000x128xf32, #tpu.memory_space<vmem_shared>> -> memref<16x128xf32, #tpu.memory_space<vmem_shared>>
        %dma_wait3A_47 = arith.constant 9984 : i32
        %dma_wait3A_48 = arith.constant 0 : i32
        %dma_wait3A_49 = tpu.memref_slice %arg13[%dma_wait3A_47, %dma_wait3A_48] : memref<10000x128xf32, #tpu.memory_space<vmem_shared>> -> memref<16x128xf32, #tpu.memory_space<vmem_shared>>
        tpu.wait_dma2 semaphore(%run_scoped3A : memref<!tpu.dma_semaphore, #tpu.memory_space<semaphore_mem>>) src(%arg12 : memref<16x128xf32, #tpu.memory_space<vmem>>) dst(%dma_wait3A_49 : memref<16x128xf32, #tpu.memory_space<vmem_shared>>)
        tpu.yield
      }) : () -> ()
    } else {
    }
    %barrier3A = arith.constant 0 : index
    tpu.barrier barrier_id(%barrier3A)
    %add3A_18 = arith.constant 0 : i32
    %add3A_19 = arith.addi %mul3A_5, %add3A_18 : i32
    %multiple_of3A_20 = tpu.assume_multiple %add3A_19, 8 : i32
    "tpu.region"() ({
      %run_scoped3A = tpu.sem_alloc : memref<!tpu.dma_semaphore, #tpu.memory_space<semaphore_mem>>
      %dma_start3A_38 = tpu.memref_slice %arg3[%multiple_of3A_20] : memref<320000xi32, #tpu.memory_space<hbm>> -> memref<80xi32, #tpu.memory_space<hbm>>
      %dma_start3A_39 = tpu.memref_slice %arg3[%multiple_of3A_20] : memref<320000xi32, #tpu.memory_space<hbm>> -> memref<80xi32, #tpu.memory_space<hbm>>
      tpu.enqueue_dma source(%dma_start3A_39 : memref<80xi32, #tpu.memory_space<hbm>>) target(%arg6 : memref<80xi32, #tpu.memory_space<vmem>>) target_semaphore(%run_scoped3A : memref<!tpu.dma_semaphore, #tpu.memory_space<semaphore_mem>>)
      %dma_wait3A_40 = tpu.memref_slice %arg3[%multiple_of3A_20] : memref<320000xi32, #tpu.memory_space<hbm>> -> memref<80xi32, #tpu.memory_space<hbm>>
      %dma_wait3A_41 = tpu.memref_slice %arg3[%multiple_of3A_20] : memref<320000xi32, #tpu.memory_space<hbm>> -> memref<80xi32, #tpu.memory_space<hbm>>
      tpu.wait_dma2 semaphore(%run_scoped3A : memref<!tpu.dma_semaphore, #tpu.memory_space<semaphore_mem>>) src(%dma_wait3A_41 : memref<80xi32, #tpu.memory_space<hbm>>) dst(%arg6 : memref<80xi32, #tpu.memory_space<vmem>>)
      tpu.yield
    }) : () -> ()
    %dma_start3A = arith.constant 0 : i32
    %dma_start3A_21 = arith.constant 0 : i32
    %dma_start3A_22 = tpu.memref_slice %arg2[%dma_start3A, %dma_start3A_21] : memref<10000x128xf32, #tpu.memory_space<hbm>> -> memref<10000x128xf32, #tpu.memory_space<hbm>>
    tpu.enqueue_indirect_dma source(%dma_start3A_22 : memref<10000x128xf32, #tpu.memory_space<hbm>>) target(%arg10 : memref<80x128xf32, #tpu.memory_space<vmem>>) offsets(%arg6 : memref<80xi32, #tpu.memory_space<vmem>>) semaphore(%arg14 : memref<!tpu.dma_semaphore, #tpu.memory_space<semaphore_mem>>)
    %scan3A_23 = arith.constant 0 : i32
    %scan3A_24 = arith.constant 0 : i32
    %scan3A_25 = arith.constant 62 : i32
    %scan3A_26 = arith.addi %scan3A_24, %scan3A_25 : i32
    %scan3A_27 = arith.constant 1 : i32
    scf.for %scan3A_38 = %scan3A_24 to %scan3A_26 step %scan3A_27  : i32 {
      %mul3A_39 = arith.constant 2 : i32
      %mul3A_40 = arith.muli %scan3A_38, %mul3A_39 : i32
      %add3A_41 = arith.constant 1 : i32
      %add3A_42 = arith.addi %mul3A_40, %add3A_41 : i32
      %mul3A_43 = arith.constant 80 : i32
      %mul3A_44 = arith.muli %add3A_42, %mul3A_43 : i32
      %add3A_45 = arith.addi %mul3A_5, %mul3A_44 : i32
      %multiple_of3A_46 = tpu.assume_multiple %add3A_45, 8 : i32
      "tpu.region"() ({
        %run_scoped3A = tpu.sem_alloc : memref<!tpu.dma_semaphore, #tpu.memory_space<semaphore_mem>>
        %dma_start3A_75 = tpu.memref_slice %arg3[%multiple_of3A_46] : memref<320000xi32, #tpu.memory_space<hbm>> -> memref<80xi32, #tpu.memory_space<hbm>>
        %dma_start3A_76 = tpu.memref_slice %arg3[%multiple_of3A_46] : memref<320000xi32, #tpu.memory_space<hbm>> -> memref<80xi32, #tpu.memory_space<hbm>>
        tpu.enqueue_dma source(%dma_start3A_76 : memref<80xi32, #tpu.memory_space<hbm>>) target(%arg7 : memref<80xi32, #tpu.memory_space<vmem>>) target_semaphore(%run_scoped3A : memref<!tpu.dma_semaphore, #tpu.memory_space<semaphore_mem>>)
        %dma_wait3A_77 = tpu.memref_slice %arg3[%multiple_of3A_46] : memref<320000xi32, #tpu.memory_space<hbm>> -> memref<80xi32, #tpu.memory_space<hbm>>
        %dma_wait3A_78 = tpu.memref_slice %arg3[%multiple_of3A_46] : memref<320000xi32, #tpu.memory_space<hbm>> -> memref<80xi32, #tpu.memory_space<hbm>>
        tpu.wait_dma2 semaphore(%run_scoped3A : memref<!tpu.dma_semaphore, #tpu.memory_space<semaphore_mem>>) src(%dma_wait3A_78 : memref<80xi32, #tpu.memory_space<hbm>>) dst(%arg7 : memref<80xi32, #tpu.memory_space<vmem>>)
        tpu.yield
      }) : () -> ()
      %dma_start3A_47 = arith.constant 0 : i32
      %dma_start3A_48 = arith.constant 0 : i32
      %dma_start3A_49 = tpu.memref_slice %arg2[%dma_start3A_47, %dma_start3A_48] : memref<10000x128xf32, #tpu.memory_space<hbm>> -> memref<10000x128xf32, #tpu.memory_space<hbm>>
      tpu.enqueue_indirect_dma source(%dma_start3A_49 : memref<10000x128xf32, #tpu.memory_space<hbm>>) target(%arg11 : memref<80x128xf32, #tpu.memory_space<vmem>>) offsets(%arg7 : memref<80xi32, #tpu.memory_space<vmem>>) semaphore(%arg15 : memref<!tpu.dma_semaphore, #tpu.memory_space<semaphore_mem>>)
      %mul3A_50 = arith.constant 80 : i32
      %mul3A_51 = arith.muli %mul3A_40, %mul3A_50 : i32
      %add3A_52 = arith.addi %mul3A_5, %mul3A_51 : i32
      %multiple_of3A_53 = tpu.assume_multiple %add3A_52, 8 : i32
      "tpu.region"() ({
        %run_scoped3A = tpu.sem_alloc : memref<!tpu.dma_semaphore, #tpu.memory_space<semaphore_mem>>
        %dma_start3A_75 = tpu.memref_slice %arg4[%multiple_of3A_53] : memref<320000xi32, #tpu.memory_space<hbm>> -> memref<80xi32, #tpu.memory_space<hbm>>
        %dma_start3A_76 = tpu.memref_slice %arg4[%multiple_of3A_53] : memref<320000xi32, #tpu.memory_space<hbm>> -> memref<80xi32, #tpu.memory_space<hbm>>
        tpu.enqueue_dma source(%dma_start3A_76 : memref<80xi32, #tpu.memory_space<hbm>>) target(%arg8 : memref<80xi32, #tpu.memory_space<vmem>>) target_semaphore(%run_scoped3A : memref<!tpu.dma_semaphore, #tpu.memory_space<semaphore_mem>>)
        %dma_wait3A_77 = tpu.memref_slice %arg4[%multiple_of3A_53] : memref<320000xi32, #tpu.memory_space<hbm>> -> memref<80xi32, #tpu.memory_space<hbm>>
        %dma_wait3A_78 = tpu.memref_slice %arg4[%multiple_of3A_53] : memref<320000xi32, #tpu.memory_space<hbm>> -> memref<80xi32, #tpu.memory_space<hbm>>
        tpu.wait_dma2 semaphore(%run_scoped3A : memref<!tpu.dma_semaphore, #tpu.memory_space<semaphore_mem>>) src(%dma_wait3A_78 : memref<80xi32, #tpu.memory_space<hbm>>) dst(%arg8 : memref<80xi32, #tpu.memory_space<vmem>>)
        tpu.yield
      }) : () -> ()
      %dma_wait3A_54 = arith.constant 0 : i32
      %dma_wait3A_55 = arith.constant 0 : i32
      %dma_wait3A_56 = tpu.memref_slice %arg2[%dma_wait3A_54, %dma_wait3A_55] : memref<10000x128xf32, #tpu.memory_space<hbm>> -> memref<10000x128xf32, #tpu.memory_space<hbm>>
      tpu.wait_indirect_dma semaphore(%arg14 : memref<!tpu.dma_semaphore, #tpu.memory_space<semaphore_mem>>) src(%dma_wait3A_56 : memref<10000x128xf32, #tpu.memory_space<hbm>>) dst(%arg10 : memref<80x128xf32, #tpu.memory_space<vmem>>)
      "tpu.region"() ({
        %run_scoped3A = tpu.sem_alloc : memref<!tpu.dma_semaphore, #tpu.memory_space<semaphore_mem>>
        %dma_start3A_75 = arith.constant 0 : i32
        %dma_start3A_76 = arith.constant 0 : i32
        %dma_start3A_77 = tpu.memref_slice %arg13[%dma_start3A_75, %dma_start3A_76] : memref<10000x128xf32, #tpu.memory_space<vmem_shared>> -> memref<10000x128xf32, #tpu.memory_space<vmem_shared>>
        tpu.enqueue_indirect_dma source(%arg10 : memref<80x128xf32, #tpu.memory_space<vmem>>) target(%dma_start3A_77 : memref<10000x128xf32, #tpu.memory_space<vmem_shared>>) offsets(%arg8 : memref<80xi32, #tpu.memory_space<vmem>>) semaphore(%run_scoped3A : memref<!tpu.dma_semaphore, #tpu.memory_space<semaphore_mem>>) {add = true}
        %dma_wait3A_78 = arith.constant 0 : i32
        %dma_wait3A_79 = arith.constant 0 : i32
        %dma_wait3A_80 = tpu.memref_slice %arg13[%dma_wait3A_78, %dma_wait3A_79] : memref<10000x128xf32, #tpu.memory_space<vmem_shared>> -> memref<10000x128xf32, #tpu.memory_space<vmem_shared>>
        tpu.wait_indirect_dma semaphore(%run_scoped3A : memref<!tpu.dma_semaphore, #tpu.memory_space<semaphore_mem>>) src(%arg10 : memref<80x128xf32, #tpu.memory_space<vmem>>) dst(%dma_wait3A_80 : memref<10000x128xf32, #tpu.memory_space<vmem_shared>>)
        tpu.yield
      }) : () -> ()
      %add3A_57 = arith.constant 2 : i32
      %add3A_58 = arith.addi %mul3A_40, %add3A_57 : i32
      %mul3A_59 = arith.constant 80 : i32
      %mul3A_60 = arith.muli %add3A_58, %mul3A_59 : i32
      %add3A_61 = arith.addi %mul3A_5, %mul3A_60 : i32
      %multiple_of3A_62 = tpu.assume_multiple %add3A_61, 8 : i32
      "tpu.region"() ({
        %run_scoped3A = tpu.sem_alloc : memref<!tpu.dma_semaphore, #tpu.memory_space<semaphore_mem>>
        %dma_start3A_75 = tpu.memref_slice %arg3[%multiple_of3A_62] : memref<320000xi32, #tpu.memory_space<hbm>> -> memref<80xi32, #tpu.memory_space<hbm>>
        %dma_start3A_76 = tpu.memref_slice %arg3[%multiple_of3A_62] : memref<320000xi32, #tpu.memory_space<hbm>> -> memref<80xi32, #tpu.memory_space<hbm>>
        tpu.enqueue_dma source(%dma_start3A_76 : memref<80xi32, #tpu.memory_space<hbm>>) target(%arg6 : memref<80xi32, #tpu.memory_space<vmem>>) target_semaphore(%run_scoped3A : memref<!tpu.dma_semaphore, #tpu.memory_space<semaphore_mem>>)
        %dma_wait3A_77 = tpu.memref_slice %arg3[%multiple_of3A_62] : memref<320000xi32, #tpu.memory_space<hbm>> -> memref<80xi32, #tpu.memory_space<hbm>>
        %dma_wait3A_78 = tpu.memref_slice %arg3[%multiple_of3A_62] : memref<320000xi32, #tpu.memory_space<hbm>> -> memref<80xi32, #tpu.memory_space<hbm>>
        tpu.wait_dma2 semaphore(%run_scoped3A : memref<!tpu.dma_semaphore, #tpu.memory_space<semaphore_mem>>) src(%dma_wait3A_78 : memref<80xi32, #tpu.memory_space<hbm>>) dst(%arg6 : memref<80xi32, #tpu.memory_space<vmem>>)
        tpu.yield
      }) : () -> ()
      %dma_start3A_63 = arith.constant 0 : i32
      %dma_start3A_64 = arith.constant 0 : i32
      %dma_start3A_65 = tpu.memref_slice %arg2[%dma_start3A_63, %dma_start3A_64] : memref<10000x128xf32, #tpu.memory_space<hbm>> -> memref<10000x128xf32, #tpu.memory_space<hbm>>
      tpu.enqueue_indirect_dma source(%dma_start3A_65 : memref<10000x128xf32, #tpu.memory_space<hbm>>) target(%arg10 : memref<80x128xf32, #tpu.memory_space<vmem>>) offsets(%arg6 : memref<80xi32, #tpu.memory_space<vmem>>) semaphore(%arg14 : memref<!tpu.dma_semaphore, #tpu.memory_space<semaphore_mem>>)
      %add3A_66 = arith.constant 1 : i32
      %add3A_67 = arith.addi %mul3A_40, %add3A_66 : i32
      %mul3A_68 = arith.constant 80 : i32
      %mul3A_69 = arith.muli %add3A_67, %mul3A_68 : i32
      %add3A_70 = arith.addi %mul3A_5, %mul3A_69 : i32
      %multiple_of3A_71 = tpu.assume_multiple %add3A_70, 8 : i32
      "tpu.region"() ({
        %run_scoped3A = tpu.sem_alloc : memref<!tpu.dma_semaphore, #tpu.memory_space<semaphore_mem>>
        %dma_start3A_75 = tpu.memref_slice %arg4[%multiple_of3A_71] : memref<320000xi32, #tpu.memory_space<hbm>> -> memref<80xi32, #tpu.memory_space<hbm>>
        %dma_start3A_76 = tpu.memref_slice %arg4[%multiple_of3A_71] : memref<320000xi32, #tpu.memory_space<hbm>> -> memref<80xi32, #tpu.memory_space<hbm>>
        tpu.enqueue_dma source(%dma_start3A_76 : memref<80xi32, #tpu.memory_space<hbm>>) target(%arg9 : memref<80xi32, #tpu.memory_space<vmem>>) target_semaphore(%run_scoped3A : memref<!tpu.dma_semaphore, #tpu.memory_space<semaphore_mem>>)
        %dma_wait3A_77 = tpu.memref_slice %arg4[%multiple_of3A_71] : memref<320000xi32, #tpu.memory_space<hbm>> -> memref<80xi32, #tpu.memory_space<hbm>>
        %dma_wait3A_78 = tpu.memref_slice %arg4[%multiple_of3A_71] : memref<320000xi32, #tpu.memory_space<hbm>> -> memref<80xi32, #tpu.memory_space<hbm>>
        tpu.wait_dma2 semaphore(%run_scoped3A : memref<!tpu.dma_semaphore, #tpu.memory_space<semaphore_mem>>) src(%dma_wait3A_78 : memref<80xi32, #tpu.memory_space<hbm>>) dst(%arg9 : memref<80xi32, #tpu.memory_space<vmem>>)
        tpu.yield
      }) : () -> ()
      %dma_wait3A_72 = arith.constant 0 : i32
      %dma_wait3A_73 = arith.constant 0 : i32
      %dma_wait3A_74 = tpu.memref_slice %arg2[%dma_wait3A_72, %dma_wait3A_73] : memref<10000x128xf32, #tpu.memory_space<hbm>> -> memref<10000x128xf32, #tpu.memory_space<hbm>>
      tpu.wait_indirect_dma semaphore(%arg15 : memref<!tpu.dma_semaphore, #tpu.memory_space<semaphore_mem>>) src(%dma_wait3A_74 : memref<10000x128xf32, #tpu.memory_space<hbm>>) dst(%arg11 : memref<80x128xf32, #tpu.memory_space<vmem>>)
      "tpu.region"() ({
        %run_scoped3A = tpu.sem_alloc : memref<!tpu.dma_semaphore, #tpu.memory_space<semaphore_mem>>
        %dma_start3A_75 = arith.constant 0 : i32
        %dma_start3A_76 = arith.constant 0 : i32
        %dma_start3A_77 = tpu.memref_slice %arg13[%dma_start3A_75, %dma_start3A_76] : memref<10000x128xf32, #tpu.memory_space<vmem_shared>> -> memref<10000x128xf32, #tpu.memory_space<vmem_shared>>
        tpu.enqueue_indirect_dma source(%arg11 : memref<80x128xf32, #tpu.memory_space<vmem>>) target(%dma_start3A_77 : memref<10000x128xf32, #tpu.memory_space<vmem_shared>>) offsets(%arg9 : memref<80xi32, #tpu.memory_space<vmem>>) semaphore(%run_scoped3A : memref<!tpu.dma_semaphore, #tpu.memory_space<semaphore_mem>>) {add = true}
        %dma_wait3A_78 = arith.constant 0 : i32
        %dma_wait3A_79 = arith.constant 0 : i32
        %dma_wait3A_80 = tpu.memref_slice %arg13[%dma_wait3A_78, %dma_wait3A_79] : memref<10000x128xf32, #tpu.memory_space<vmem_shared>> -> memref<10000x128xf32, #tpu.memory_space<vmem_shared>>
        tpu.wait_indirect_dma semaphore(%run_scoped3A : memref<!tpu.dma_semaphore, #tpu.memory_space<semaphore_mem>>) src(%arg11 : memref<80x128xf32, #tpu.memory_space<vmem>>) dst(%dma_wait3A_80 : memref<10000x128xf32, #tpu.memory_space<vmem_shared>>)
        tpu.yield
      }) : () -> ()
    }
    %scan3A_28 = arith.constant 62 : i32
    %add3A_29 = arith.constant 9920 : i32
    %add3A_30 = arith.addi %mul3A_5, %add3A_29 : i32
    %multiple_of3A_31 = tpu.assume_multiple %add3A_30, 8 : i32
    "tpu.region"() ({
      %run_scoped3A = tpu.sem_alloc : memref<!tpu.dma_semaphore, #tpu.memory_space<semaphore_mem>>
      %dma_start3A_38 = tpu.memref_slice %arg4[%multiple_of3A_31] : memref<320000xi32, #tpu.memory_space<hbm>> -> memref<80xi32, #tpu.memory_space<hbm>>
      %dma_start3A_39 = tpu.memref_slice %arg4[%multiple_of3A_31] : memref<320000xi32, #tpu.memory_space<hbm>> -> memref<80xi32, #tpu.memory_space<hbm>>
      tpu.enqueue_dma source(%dma_start3A_39 : memref<80xi32, #tpu.memory_space<hbm>>) target(%arg8 : memref<80xi32, #tpu.memory_space<vmem>>) target_semaphore(%run_scoped3A : memref<!tpu.dma_semaphore, #tpu.memory_space<semaphore_mem>>)
      %dma_wait3A_40 = tpu.memref_slice %arg4[%multiple_of3A_31] : memref<320000xi32, #tpu.memory_space<hbm>> -> memref<80xi32, #tpu.memory_space<hbm>>
      %dma_wait3A_41 = tpu.memref_slice %arg4[%multiple_of3A_31] : memref<320000xi32, #tpu.memory_space<hbm>> -> memref<80xi32, #tpu.memory_space<hbm>>
      tpu.wait_dma2 semaphore(%run_scoped3A : memref<!tpu.dma_semaphore, #tpu.memory_space<semaphore_mem>>) src(%dma_wait3A_41 : memref<80xi32, #tpu.memory_space<hbm>>) dst(%arg8 : memref<80xi32, #tpu.memory_space<vmem>>)
      tpu.yield
    }) : () -> ()
    %dma_wait3A = arith.constant 0 : i32
    %dma_wait3A_32 = arith.constant 0 : i32
    %dma_wait3A_33 = tpu.memref_slice %arg2[%dma_wait3A, %dma_wait3A_32] : memref<10000x128xf32, #tpu.memory_space<hbm>> -> memref<10000x128xf32, #tpu.memory_space<hbm>>
    tpu.wait_indirect_dma semaphore(%arg14 : memref<!tpu.dma_semaphore, #tpu.memory_space<semaphore_mem>>) src(%dma_wait3A_33 : memref<10000x128xf32, #tpu.memory_space<hbm>>) dst(%arg10 : memref<80x128xf32, #tpu.memory_space<vmem>>)
    "tpu.region"() ({
      %run_scoped3A = tpu.sem_alloc : memref<!tpu.dma_semaphore, #tpu.memory_space<semaphore_mem>>
      %dma_start3A_38 = arith.constant 0 : i32
      %dma_start3A_39 = arith.constant 0 : i32
      %dma_start3A_40 = tpu.memref_slice %arg13[%dma_start3A_38, %dma_start3A_39] : memref<10000x128xf32, #tpu.memory_space<vmem_shared>> -> memref<10000x128xf32, #tpu.memory_space<vmem_shared>>
      tpu.enqueue_indirect_dma source(%arg10 : memref<80x128xf32, #tpu.memory_space<vmem>>) target(%dma_start3A_40 : memref<10000x128xf32, #tpu.memory_space<vmem_shared>>) offsets(%arg8 : memref<80xi32, #tpu.memory_space<vmem>>) semaphore(%run_scoped3A : memref<!tpu.dma_semaphore, #tpu.memory_space<semaphore_mem>>) {add = true}
      %dma_wait3A_41 = arith.constant 0 : i32
      %dma_wait3A_42 = arith.constant 0 : i32
      %dma_wait3A_43 = tpu.memref_slice %arg13[%dma_wait3A_41, %dma_wait3A_42] : memref<10000x128xf32, #tpu.memory_space<vmem_shared>> -> memref<10000x128xf32, #tpu.memory_space<vmem_shared>>
      tpu.wait_indirect_dma semaphore(%run_scoped3A : memref<!tpu.dma_semaphore, #tpu.memory_space<semaphore_mem>>) src(%arg10 : memref<80x128xf32, #tpu.memory_space<vmem>>) dst(%dma_wait3A_43 : memref<10000x128xf32, #tpu.memory_space<vmem_shared>>)
      tpu.yield
    }) : () -> ()
    %barrier3A_34 = arith.constant 0 : index
    tpu.barrier barrier_id(%barrier3A_34)
    "tpu.region"() ({
      %run_scoped3A = tpu.sem_alloc : memref<!tpu.dma_semaphore, #tpu.memory_space<semaphore_mem>>
      %dma_start3A_38 = arith.constant 0 : i32
      %dma_start3A_39 = tpu.memref_slice %arg5[%arg0, %multiple_of3A, %dma_start3A_38] : memref<2x10000x128xf32, #tpu.memory_space<hbm>> -> memref<1x624x128xf32, #tpu.memory_space<hbm>>
      %dma_start3A_40 = tpu.memref_squeeze %dma_start3A_39 : memref<1x624x128xf32, #tpu.memory_space<hbm>> -> memref<624x128xf32, #tpu.memory_space<hbm>>
      %dma_start3A_41 = arith.constant 0 : i32
      %dma_start3A_42 = tpu.memref_slice %arg13[%multiple_of3A, %dma_start3A_41] : memref<10000x128xf32, #tpu.memory_space<vmem_shared>> -> memref<624x128xf32, #tpu.memory_space<vmem_shared>>
      tpu.enqueue_dma source(%dma_start3A_42 : memref<624x128xf32, #tpu.memory_space<vmem_shared>>) target(%dma_start3A_40 : memref<624x128xf32, #tpu.memory_space<hbm>>) target_semaphore(%run_scoped3A : memref<!tpu.dma_semaphore, #tpu.memory_space<semaphore_mem>>)
      %dma_wait3A_43 = arith.constant 0 : i32
      %dma_wait3A_44 = tpu.memref_slice %arg5[%arg0, %multiple_of3A, %dma_wait3A_43] : memref<2x10000x128xf32, #tpu.memory_space<hbm>> -> memref<1x624x128xf32, #tpu.memory_space<hbm>>
      %dma_wait3A_45 = tpu.memref_squeeze %dma_wait3A_44 : memref<1x624x128xf32, #tpu.memory_space<hbm>> -> memref<624x128xf32, #tpu.memory_space<hbm>>
      %dma_wait3A_46 = arith.constant 0 : i32
      %dma_wait3A_47 = tpu.memref_slice %arg13[%multiple_of3A, %dma_wait3A_46] : memref<10000x128xf32, #tpu.memory_space<vmem_shared>> -> memref<624x128xf32, #tpu.memory_space<vmem_shared>>
      tpu.wait_dma2 semaphore(%run_scoped3A : memref<!tpu.dma_semaphore, #tpu.memory_space<semaphore_mem>>) src(%dma_wait3A_47 : memref<624x128xf32, #tpu.memory_space<vmem_shared>>) dst(%dma_wait3A_45 : memref<624x128xf32, #tpu.memory_space<hbm>>)
      tpu.yield
    }) : () -> ()
    %convert_element_type3A_35 = arith.extui %eq3A_3 : i1 to i32
    %cond3A_36 = arith.constant 0 : i32
    %cond3A_37 = arith.cmpi ne, %convert_element_type3A_35, %cond3A_36 : i32
    scf.if %cond3A_37 {
      "tpu.region"() ({
        %run_scoped3A = tpu.sem_alloc : memref<!tpu.dma_semaphore, #tpu.memory_space<semaphore_mem>>
        %dma_start3A_38 = arith.constant 9984 : i32
        %dma_start3A_39 = arith.constant 0 : i32
        %dma_start3A_40 = tpu.memref_slice %arg5[%arg0, %dma_start3A_38, %dma_start3A_39] : memref<2x10000x128xf32, #tpu.memory_space<hbm>> -> memref<1x16x128xf32, #tpu.memory_space<hbm>>
        %dma_start3A_41 = tpu.memref_squeeze %dma_start3A_40 : memref<1x16x128xf32, #tpu.memory_space<hbm>> -> memref<16x128xf32, #tpu.memory_space<hbm>>
        %dma_start3A_42 = arith.constant 9984 : i32
        %dma_start3A_43 = arith.constant 0 : i32
        %dma_start3A_44 = tpu.memref_slice %arg13[%dma_start3A_42, %dma_start3A_43] : memref<10000x128xf32, #tpu.memory_space<vmem_shared>> -> memref<16x128xf32, #tpu.memory_space<vmem_shared>>
        tpu.enqueue_dma source(%dma_start3A_44 : memref<16x128xf32, #tpu.memory_space<vmem_shared>>) target(%dma_start3A_41 : memref<16x128xf32, #tpu.memory_space<hbm>>) target_semaphore(%run_scoped3A : memref<!tpu.dma_semaphore, #tpu.memory_space<semaphore_mem>>)
        %dma_wait3A_45 = arith.constant 9984 : i32
        %dma_wait3A_46 = arith.constant 0 : i32
        %dma_wait3A_47 = tpu.memref_slice %arg5[%arg0, %dma_wait3A_45, %dma_wait3A_46] : memref<2x10000x128xf32, #tpu.memory_space<hbm>> -> memref<1x16x128xf32, #tpu.memory_space<hbm>>
        %dma_wait3A_48 = tpu.memref_squeeze %dma_wait3A_47 : memref<1x16x128xf32, #tpu.memory_space<hbm>> -> memref<16x128xf32, #tpu.memory_space<hbm>>
        %dma_wait3A_49 = arith.constant 9984 : i32
        %dma_wait3A_50 = arith.constant 0 : i32
        %dma_wait3A_51 = tpu.memref_slice %arg13[%dma_wait3A_49, %dma_wait3A_50] : memref<10000x128xf32, #tpu.memory_space<vmem_shared>> -> memref<16x128xf32, #tpu.memory_space<vmem_shared>>
        tpu.wait_dma2 semaphore(%run_scoped3A : memref<!tpu.dma_semaphore, #tpu.memory_space<semaphore_mem>>) src(%dma_wait3A_51 : memref<16x128xf32, #tpu.memory_space<vmem_shared>>) dst(%dma_wait3A_48 : memref<16x128xf32, #tpu.memory_space<hbm>>)
        tpu.yield
      }) : () -> ()
    } else {
    }
    return
  }
}

module attributes {stable_mosaic.version = 14 : i64} {
  func.func @_tc_final_body(%arg0: i32, %arg1: memref<2x1000x128xf32, #tpu.memory_space<vmem>>, %arg2: memref<1000x128xf32, #tpu.memory_space<vmem>>, %arg3: memref<1x128xf32, #tpu.memory_space<vmem>>, %arg4: memref<1x128xf32, #tpu.memory_space<vmem>>, %arg5: memref<1x1xf32, #tpu.memory_space<vmem>>, %arg6: memref<1x1xf32, #tpu.memory_space<vmem>>, %arg7: memref<1x128xf32, #tpu.memory_space<vmem>>) attributes {dimension_semantics = [#tpu.dimension_semantics<arbitrary>], iteration_bounds = array<i64: 10>, scalar_prefetch = 0 : i64, scratch_operands = 1 : i64, tpu.core_type = #tpu.core_type<tc>, window_params = [{transform_indices = @transform_0, window_bounds = array<i64: 2, 1000, 128>}, {transform_indices = @transform_1, window_bounds = array<i64: 1000, 128>}, {pipeline_mode = #tpu.pipeline_mode<synchronous>, transform_indices = @transform_2, window_bounds = array<i64: 1, 128>}, {pipeline_mode = #tpu.pipeline_mode<synchronous>, transform_indices = @transform_3, window_bounds = array<i64: 1, 128>}, {pipeline_mode = #tpu.pipeline_mode<synchronous>, transform_indices = @transform_4, window_bounds = array<i64: 1, 1>}, {pipeline_mode = #tpu.pipeline_mode<synchronous>, transform_indices = @transform_5, window_bounds = array<i64: 1, 1>}]} {
    %get3A = arith.constant 0 : index
    %get3A_0 = arith.constant 0 : index
    %get3A_1 = arith.constant 0 : index
    %get3A_2 = vector.load %arg1[%get3A, %get3A_0, %get3A_1] : memref<2x1000x128xf32, #tpu.memory_space<vmem>>, vector<1x1000x128xf32>
    %get3A_3 = vector.shape_cast %get3A_2 : vector<1x1000x128xf32> to vector<1000x128xf32>
    %get3A_4 = arith.constant 1 : index
    %get3A_5 = arith.constant 0 : index
    %get3A_6 = arith.constant 0 : index
    %get3A_7 = vector.load %arg1[%get3A_4, %get3A_5, %get3A_6] : memref<2x1000x128xf32, #tpu.memory_space<vmem>>, vector<1x1000x128xf32>
    %get3A_8 = vector.shape_cast %get3A_7 : vector<1x1000x128xf32> to vector<1000x128xf32>
    %add3A = arith.addf %get3A_3, %get3A_8 : vector<1000x128xf32>
    %get3A_9 = arith.constant 0 : index
    %get3A_10 = arith.constant 0 : index
    %get3A_11 = vector.load %arg2[%get3A_9, %get3A_10] : memref<1000x128xf32, #tpu.memory_space<vmem>>, vector<1000x1xf32>
    %max3A = arith.constant 1.000000e+00 : f32
    %max3A_12 = vector.broadcast %max3A : f32 to vector<1000x1xf32>
    %max3A_13 = arith.maximumf %get3A_11, %max3A_12 : vector<1000x1xf32>
    %rsqrt3A = math.rsqrt %max3A_13 : vector<1000x1xf32>
    %mul3A = vector.broadcast %rsqrt3A : vector<1000x1xf32> to vector<1000x128xf32>
    %mul3A_14 = arith.mulf %add3A, %mul3A : vector<1000x128xf32>
    %get3A_15 = arith.constant 0 : index
    %get3A_16 = arith.constant 0 : index
    %get3A_17 = vector.load %arg3[%get3A_15, %get3A_16] : memref<1x128xf32, #tpu.memory_space<vmem>>, vector<1x128xf32>
    %add3A_18 = vector.broadcast %get3A_17 : vector<1x128xf32> to vector<1000x128xf32>
    %add3A_19 = arith.addf %mul3A_14, %add3A_18 : vector<1000x128xf32>
    %max3A_20 = arith.constant 0.000000e+00 : f32
    %max3A_21 = vector.broadcast %max3A_20 : f32 to vector<1000x128xf32>
    %max3A_22 = arith.maximumf %add3A_19, %max3A_21 : vector<1000x128xf32>
    %broadcast_in_dim3A = arith.constant 1.000000e+00 : f32
    %broadcast_in_dim3A_23 = vector.broadcast %broadcast_in_dim3A : f32 to vector<1x1000xf32>
    %dot_general3A = arith.constant dense<0.000000e+00> : vector<1x128xf32>
    %dot_general3A_24 = tpu.matmul %broadcast_in_dim3A_23, %max3A_22, %dot_general3A {dimension_numbers = #tpu.dot_dimension_numbers<[1], [0], [0], [1], [0, 0, 1, 1], [], []>, transpose_lhs_hint = false} : vector<1x1000xf32>, vector<1000x128xf32>, vector<1x128xf32> -> vector<1x128xf32>
    %eq3A = arith.constant 0 : i32
    %eq3A_25 = arith.cmpi eq, %arg0, %eq3A : i32
    %convert_element_type3A = arith.extui %eq3A_25 : i1 to i32
    %cond3A = arith.constant 0 : i32
    %cond3A_26 = arith.cmpi ne, %convert_element_type3A, %cond3A : i32
    scf.if %cond3A_26 {
      %swap3A = arith.constant 0 : index
      %swap3A_36 = arith.constant 0 : index
      %swap3A_37 = vector.load %arg7[%swap3A, %swap3A_36] : memref<1x128xf32, #tpu.memory_space<vmem>>, vector<1x128xf32>
      tpu.vector_store %arg7[%swap3A, %swap3A_36], %dot_general3A_24 {strides = array<i32>} : memref<1x128xf32, #tpu.memory_space<vmem>>, vector<1x128xf32>,
    } else {
    }
    %gt3A = arith.constant 0 : i32
    %gt3A_27 = arith.cmpi sgt, %arg0, %gt3A : i32
    %convert_element_type3A_28 = arith.extui %gt3A_27 : i1 to i32
    %cond3A_29 = arith.constant 0 : i32
    %cond3A_30 = arith.cmpi ne, %convert_element_type3A_28, %cond3A_29 : i32
    scf.if %cond3A_30 {
      %get3A_36 = arith.constant 0 : index
      %get3A_37 = arith.constant 0 : index
      %get3A_38 = vector.load %arg7[%get3A_36, %get3A_37] : memref<1x128xf32, #tpu.memory_space<vmem>>, vector<1x128xf32>
      %add3A_39 = arith.addf %get3A_38, %dot_general3A_24 : vector<1x128xf32>
      %swap3A = arith.constant 0 : index
      %swap3A_40 = arith.constant 0 : index
      %swap3A_41 = vector.load %arg7[%swap3A, %swap3A_40] : memref<1x128xf32, #tpu.memory_space<vmem>>, vector<1x128xf32>
      tpu.vector_store %arg7[%swap3A, %swap3A_40], %add3A_39 {strides = array<i32>} : memref<1x128xf32, #tpu.memory_space<vmem>>, vector<1x128xf32>,
    } else {
    }
    %eq3A_31 = arith.constant 9 : i32
    %eq3A_32 = arith.cmpi eq, %arg0, %eq3A_31 : i32
    %convert_element_type3A_33 = arith.extui %eq3A_32 : i1 to i32
    %cond3A_34 = arith.constant 0 : i32
    %cond3A_35 = arith.cmpi ne, %convert_element_type3A_33, %cond3A_34 : i32
    scf.if %cond3A_35 {
      %get3A_36 = arith.constant 0 : index
      %get3A_37 = arith.constant 0 : index
      %get3A_38 = vector.load %arg7[%get3A_36, %get3A_37] : memref<1x128xf32, #tpu.memory_space<vmem>>, vector<1x128xf32>
      %mul3A_39 = arith.constant 9.99999974E-5 : f32
      %mul3A_40 = vector.broadcast %mul3A_39 : f32 to vector<1x128xf32>
      %mul3A_41 = arith.mulf %get3A_38, %mul3A_40 : vector<1x128xf32>
      %get3A_42 = arith.constant 0 : index
      %get3A_43 = arith.constant 0 : index
      %get3A_44 = vector.load %arg4[%get3A_42, %get3A_43] : memref<1x128xf32, #tpu.memory_space<vmem>>, vector<1x128xf32>
      %mul3A_45 = arith.mulf %mul3A_41, %get3A_44 : vector<1x128xf32>
      %reduce_sum3A = arith.constant dense<0.000000e+00> : vector<1xf32>
      %reduce_sum3A_46 = vector.multi_reduction <add>, %mul3A_45, %reduce_sum3A [1] : vector<1x128xf32> to vector<1xf32>
      %broadcast_in_dim3A_47 = vector.shape_cast %reduce_sum3A_46 : vector<1xf32> to vector<1x1xf32>
      %get3A_48 = arith.constant 0 : index
      %get3A_49 = arith.constant 0 : index
      %get3A_50 = vector.load %arg5[%get3A_48, %get3A_49] : memref<1x1xf32, #tpu.memory_space<vmem>>, vector<1x1xf32>
      %add3A_51 = arith.addf %broadcast_in_dim3A_47, %get3A_50 : vector<1x1xf32>
      %swap3A = arith.constant 0 : index
      %swap3A_52 = arith.constant 0 : index
      %swap3A_53 = vector.load %arg6[%swap3A, %swap3A_52] : memref<1x1xf32, #tpu.memory_space<vmem>>, vector<1x1xf32>
      tpu.vector_store %arg6[%swap3A, %swap3A_52], %add3A_51 {strides = array<i32>} : memref<1x1xf32, #tpu.memory_space<vmem>>, vector<1x1xf32>,
    } else {
    }
    return
  }
  func.func @transform_0(%arg0: i32) -> (i32, i32, i32) {
    %c0_i32 = arith.constant 0 : i32
    %c0_i32_0 = arith.constant 0 : i32
    %c0_i32_1 = arith.constant 0 : i32
    return %c0_i32, %arg0, %c0_i32_0 : i32, i32, i32
  }
  func.func @transform_1(%arg0: i32) -> (i32, i32) {
    %c0_i32 = arith.constant 0 : i32
    %c0_i32_0 = arith.constant 0 : i32
    return %arg0, %c0_i32 : i32, i32
  }
  func.func @transform_2(%arg0: i32) -> (i32, i32) {
    %c0_i32 = arith.constant 0 : i32
    %c0_i32_0 = arith.constant 0 : i32
    %c0_i32_1 = arith.constant 0 : i32
    return %c0_i32, %c0_i32_0 : i32, i32
  }
  func.func @transform_3(%arg0: i32) -> (i32, i32) {
    %c0_i32 = arith.constant 0 : i32
    %c0_i32_0 = arith.constant 0 : i32
    %c0_i32_1 = arith.constant 0 : i32
    return %c0_i32, %c0_i32_0 : i32, i32
  }
  func.func @transform_4(%arg0: i32) -> (i32, i32) {
    %c0_i32 = arith.constant 0 : i32
    %c0_i32_0 = arith.constant 0 : i32
    %c0_i32_1 = arith.constant 0 : i32
    return %c0_i32, %c0_i32_0 : i32, i32
  }
  func.func @transform_5(%arg0: i32) -> (i32, i32) {
    %c0_i32 = arith.constant 0 : i32
    %c0_i32_0 = arith.constant 0 : i32
    %c0_i32_1 = arith.constant 0 : i32
    return %c0_i32, %c0_i32_0 : i32, i32
  }
}

module attributes {stable_mosaic.version = 14 : i64} {
  func.func @_tc_mid_body(%arg0: i32, %arg1: memref<2x1000x128xf32, #tpu.memory_space<vmem>>, %arg2: memref<1000x128xf32, #tpu.memory_space<vmem>>, %arg3: memref<1000x128xf32, #tpu.memory_space<vmem>>, %arg4: memref<1x128xf32, #tpu.memory_space<vmem>>, %arg5: memref<128x128xf32, #tpu.memory_space<vmem>>, %arg6: memref<1000x128xf32, #tpu.memory_space<vmem>>) attributes {dimension_semantics = [#tpu.dimension_semantics<arbitrary>], iteration_bounds = array<i64: 10>, scalar_prefetch = 0 : i64, scratch_operands = 0 : i64, tpu.core_type = #tpu.core_type<tc>, window_params = [{transform_indices = @transform_0, window_bounds = array<i64: 2, 1000, 128>}, {transform_indices = @transform_1, window_bounds = array<i64: 1000, 128>}, {transform_indices = @transform_2, window_bounds = array<i64: 1000, 128>}, {pipeline_mode = #tpu.pipeline_mode<synchronous>, transform_indices = @transform_3, window_bounds = array<i64: 1, 128>}, {pipeline_mode = #tpu.pipeline_mode<synchronous>, transform_indices = @transform_4, window_bounds = array<i64: 128, 128>}, {transform_indices = @transform_5, window_bounds = array<i64: 1000, 128>}]} {
    %get3A = arith.constant 0 : index
    %get3A_0 = arith.constant 0 : index
    %get3A_1 = arith.constant 0 : index
    %get3A_2 = vector.load %arg1[%get3A, %get3A_0, %get3A_1] : memref<2x1000x128xf32, #tpu.memory_space<vmem>>, vector<1x1000x128xf32>
    %get3A_3 = vector.shape_cast %get3A_2 : vector<1x1000x128xf32> to vector<1000x128xf32>
    %get3A_4 = arith.constant 1 : index
    %get3A_5 = arith.constant 0 : index
    %get3A_6 = arith.constant 0 : index
    %get3A_7 = vector.load %arg1[%get3A_4, %get3A_5, %get3A_6] : memref<2x1000x128xf32, #tpu.memory_space<vmem>>, vector<1x1000x128xf32>
    %get3A_8 = vector.shape_cast %get3A_7 : vector<1x1000x128xf32> to vector<1000x128xf32>
    %add3A = arith.addf %get3A_3, %get3A_8 : vector<1000x128xf32>
    %get3A_9 = arith.constant 0 : index
    %get3A_10 = arith.constant 0 : index
    %get3A_11 = vector.load %arg2[%get3A_9, %get3A_10] : memref<1000x128xf32, #tpu.memory_space<vmem>>, vector<1000x1xf32>
    %max3A = arith.constant 1.000000e+00 : f32
    %max3A_12 = vector.broadcast %max3A : f32 to vector<1000x1xf32>
    %max3A_13 = arith.maximumf %get3A_11, %max3A_12 : vector<1000x1xf32>
    %rsqrt3A = math.rsqrt %max3A_13 : vector<1000x1xf32>
    %mul3A = vector.broadcast %rsqrt3A : vector<1000x1xf32> to vector<1000x128xf32>
    %mul3A_14 = arith.mulf %add3A, %mul3A : vector<1000x128xf32>
    %get3A_15 = arith.constant 0 : index
    %get3A_16 = arith.constant 0 : index
    %get3A_17 = vector.load %arg4[%get3A_15, %get3A_16] : memref<1x128xf32, #tpu.memory_space<vmem>>, vector<1x128xf32>
    %add3A_18 = vector.broadcast %get3A_17 : vector<1x128xf32> to vector<1000x128xf32>
    %add3A_19 = arith.addf %mul3A_14, %add3A_18 : vector<1000x128xf32>
    %max3A_20 = arith.constant 0.000000e+00 : f32
    %max3A_21 = vector.broadcast %max3A_20 : f32 to vector<1000x128xf32>
    %max3A_22 = arith.maximumf %add3A_19, %max3A_21 : vector<1000x128xf32>
    %get3A_23 = arith.constant 0 : index
    %get3A_24 = arith.constant 0 : index
    %get3A_25 = vector.load %arg5[%get3A_23, %get3A_24] : memref<128x128xf32, #tpu.memory_space<vmem>>, vector<128x128xf32>
    %dot_general3A = arith.constant dense<0.000000e+00> : vector<1000x128xf32>
    %dot_general3A_26 = tpu.matmul %max3A_22, %get3A_25, %dot_general3A {dimension_numbers = #tpu.dot_dimension_numbers<[1], [0], [0], [1], [0, 0, 1, 1], [], []>, transpose_lhs_hint = false} : vector<1000x128xf32>, vector<128x128xf32>, vector<1000x128xf32> -> vector<1000x128xf32>
    %get3A_27 = arith.constant 0 : index
    %get3A_28 = arith.constant 0 : index
    %get3A_29 = vector.load %arg3[%get3A_27, %get3A_28] : memref<1000x128xf32, #tpu.memory_space<vmem>>, vector<1000x1xf32>
    %max3A_30 = arith.constant 1.000000e+00 : f32
    %max3A_31 = vector.broadcast %max3A_30 : f32 to vector<1000x1xf32>
    %max3A_32 = arith.maximumf %get3A_29, %max3A_31 : vector<1000x1xf32>
    %rsqrt3A_33 = math.rsqrt %max3A_32 : vector<1000x1xf32>
    %mul3A_34 = vector.broadcast %rsqrt3A_33 : vector<1000x1xf32> to vector<1000x128xf32>
    %mul3A_35 = arith.mulf %dot_general3A_26, %mul3A_34 : vector<1000x128xf32>
    %swap3A = arith.constant 0 : index
    %swap3A_36 = arith.constant 0 : index
    %swap3A_37 = vector.load %arg6[%swap3A, %swap3A_36] : memref<1000x128xf32, #tpu.memory_space<vmem>>, vector<1000x128xf32>
    tpu.vector_store %arg6[%swap3A, %swap3A_36], %mul3A_35 {strides = array<i32>} : memref<1000x128xf32, #tpu.memory_space<vmem>>, vector<1000x128xf32>,
    return
  }
  func.func @transform_0(%arg0: i32) -> (i32, i32, i32) {
    %c0_i32 = arith.constant 0 : i32
    %c0_i32_0 = arith.constant 0 : i32
    %c0_i32_1 = arith.constant 0 : i32
    return %c0_i32, %arg0, %c0_i32_0 : i32, i32, i32
  }
  func.func @transform_1(%arg0: i32) -> (i32, i32) {
    %c0_i32 = arith.constant 0 : i32
    %c0_i32_0 = arith.constant 0 : i32
    return %arg0, %c0_i32 : i32, i32
  }
  func.func @transform_2(%arg0: i32) -> (i32, i32) {
    %c0_i32 = arith.constant 0 : i32
    %c0_i32_0 = arith.constant 0 : i32
    return %arg0, %c0_i32 : i32, i32
  }
  func.func @transform_3(%arg0: i32) -> (i32, i32) {
    %c0_i32 = arith.constant 0 : i32
    %c0_i32_0 = arith.constant 0 : i32
    %c0_i32_1 = arith.constant 0 : i32
    return %c0_i32, %c0_i32_0 : i32, i32
  }
  func.func @transform_4(%arg0: i32) -> (i32, i32) {
    %c0_i32 = arith.constant 0 : i32
    %c0_i32_0 = arith.constant 0 : i32
    %c0_i32_1 = arith.constant 0 : i32
    return %c0_i32, %c0_i32_0 : i32, i32
  }
  func.func @transform_5(%arg0: i32) -> (i32, i32) {
    %c0_i32 = arith.constant 0 : i32
    %c0_i32_0 = arith.constant 0 : i32
    return %arg0, %c0_i32 : i32, i32
  }
}

module attributes {stable_mosaic.version = 14 : i64} {
  func.func @_tc_first_body(%arg0: i32, %arg1: memref<1000x128xf32, #tpu.memory_space<vmem>>, %arg2: memref<128x128xf32, #tpu.memory_space<vmem>>, %arg3: memref<1000x128xf32, #tpu.memory_space<vmem>>, %arg4: memref<1000x128xf32, #tpu.memory_space<vmem>>) attributes {dimension_semantics = [#tpu.dimension_semantics<arbitrary>], iteration_bounds = array<i64: 10>, scalar_prefetch = 0 : i64, scratch_operands = 0 : i64, tpu.core_type = #tpu.core_type<tc>, window_params = [{transform_indices = @transform_0, window_bounds = array<i64: 1000, 128>}, {pipeline_mode = #tpu.pipeline_mode<synchronous>, transform_indices = @transform_1, window_bounds = array<i64: 128, 128>}, {transform_indices = @transform_2, window_bounds = array<i64: 1000, 128>}, {transform_indices = @transform_3, window_bounds = array<i64: 1000, 128>}]} {
    %get3A = arith.constant 0 : index
    %get3A_0 = arith.constant 0 : index
    %get3A_1 = vector.load %arg1[%get3A, %get3A_0] : memref<1000x128xf32, #tpu.memory_space<vmem>>, vector<1000x128xf32>
    %get3A_2 = arith.constant 0 : index
    %get3A_3 = arith.constant 0 : index
    %get3A_4 = vector.load %arg2[%get3A_2, %get3A_3] : memref<128x128xf32, #tpu.memory_space<vmem>>, vector<128x128xf32>
    %dot_general3A = arith.constant dense<0.000000e+00> : vector<1000x128xf32>
    %dot_general3A_5 = tpu.matmul %get3A_1, %get3A_4, %dot_general3A {dimension_numbers = #tpu.dot_dimension_numbers<[1], [0], [0], [1], [0, 0, 1, 1], [], []>, transpose_lhs_hint = false} : vector<1000x128xf32>, vector<128x128xf32>, vector<1000x128xf32> -> vector<1000x128xf32>
    %get3A_6 = arith.constant 0 : index
    %get3A_7 = arith.constant 0 : index
    %get3A_8 = vector.load %arg3[%get3A_6, %get3A_7] : memref<1000x128xf32, #tpu.memory_space<vmem>>, vector<1000x1xf32>
    %max3A = arith.constant 1.000000e+00 : f32
    %max3A_9 = vector.broadcast %max3A : f32 to vector<1000x1xf32>
    %max3A_10 = arith.maximumf %get3A_8, %max3A_9 : vector<1000x1xf32>
    %rsqrt3A = math.rsqrt %max3A_10 : vector<1000x1xf32>
    %mul3A = vector.broadcast %rsqrt3A : vector<1000x1xf32> to vector<1000x128xf32>
    %mul3A_11 = arith.mulf %dot_general3A_5, %mul3A : vector<1000x128xf32>
    %swap3A = arith.constant 0 : index
    %swap3A_12 = arith.constant 0 : index
    %swap3A_13 = vector.load %arg4[%swap3A, %swap3A_12] : memref<1000x128xf32, #tpu.memory_space<vmem>>, vector<1000x128xf32>
    tpu.vector_store %arg4[%swap3A, %swap3A_12], %mul3A_11 {strides = array<i32>} : memref<1000x128xf32, #tpu.memory_space<vmem>>, vector<1000x128xf32>,
    return
  }
  func.func @transform_0(%arg0: i32) -> (i32, i32) {
    %c0_i32 = arith.constant 0 : i32
    %c0_i32_0 = arith.constant 0 : i32
    return %arg0, %c0_i32 : i32, i32
  }
  func.func @transform_1(%arg0: i32) -> (i32, i32) {
    %c0_i32 = arith.constant 0 : i32
    %c0_i32_0 = arith.constant 0 : i32
    %c0_i32_1 = arith.constant 0 : i32
    return %c0_i32, %c0_i32_0 : i32, i32
  }
  func.func @transform_2(%arg0: i32) -> (i32, i32) {
    %c0_i32 = arith.constant 0 : i32
    %c0_i32_0 = arith.constant 0 : i32
    return %arg0, %c0_i32 : i32, i32
  }
  func.func @transform_3(%arg0: i32) -> (i32, i32) {
    %c0_i32 = arith.constant 0 : i32
    %c0_i32_0 = arith.constant 0 : i32
    return %arg0, %c0_i32 : i32, i32
  }
}

</mosaic_0001>

<sc_bundles>
// kernel: _run.12.cloned.1.call-start
scs
__scs_entry_jumppad:
0x0: {  	(pc) =	sbr.rel $0x88, $3  }
0x1: {  	(tag) =	ssettag $0x0;
	lr =	simm.s32 $0x1  }
0x2: {  	[smem:$0x3F94] =	sst lr;
	_ =	strace $0xD0000000  }
0x3: {  	_ = 	snop  }
0x4: {  	_ = 	snop  }
0x5: {  	_ = 	snop  }
0x6: {  	_ = 	snop  }
0x7: {  	_ = 	snop  }
__scs_overlays_trampoline_lowered:
0x8: {  	[smem:$0x3FA3] =	sst s0  }
0x9: {  	[smem:$0x3FA4] =	sst s1  }
0xa: {  	[smem:$0x3FA5] =	sst s2  }
0xb: {  	[smem:$0x3FA6] =	sst s3  }
0xc: {  	[smem:$0x3FA7] =	sst s4  }
0xd: {  	[smem:$0x3FA8] =	sst s5  }
0xe: {  	[smem:$0x3FA9] =	sst s6  }
0xf: {  	[smem:$0x3FAA] =	sst s7  }
0x10: {  	[smem:$0x3FAB] =	sst s8  }
0x11: {  	[smem:$0x3FAC] =	sst s9;
	s0 =	simm.s32 @!p0 $0x0  }
0x12: {  	s1 =	sld [smem:$0x3F92];
	s0 =	simm.s32 @p0 $0x1  }
0x13: {  	[smem:$0x3FAD] =	sst s0;
	s0 =	simm.s32 @!p1 $0x0  }
0x14: {  	s2 =	sld [smem:$0x3F91];
	s0 =	simm.s32 @p1 $0x1  }
0x15: {  	[smem:$0x3FAE] =	sst s0;
	s0 =	simm.s32 @!p2 $0x0  }
0x16: {  	s3 =	sld [smem:$0x3FDB];
	s0 =	simm.s32 @p2 $0x1  }
0x17: {  	s4 =	simm.s32 $0x1BF5;
	[smem:$0x3FB0] =	sst s0  }
0x18: {  	s0 =	sld [smem:$0x3F93];
	_ =	swait.ge [sflag:s4], $0x0  }
0x19: {  	s7 =	sld [smem:$0x3F94]  }
0x1a: {  	s8 =	sadd.s32 $0xFFFFE003, lr  }
0x1b: {  	s9 =	sadd.s32 $0xFFFFFEF7, lr;
	s5 =	simm.s32 $0xFFFFFFFF;
	p2 =	slt.u32 s8, $0xFFFFF086  }
0x1c: {  	p1 =	slt.u32 s9, $0xF7A;
	s5 =	simm.s32 @!p2 $0x0  }
0x1d: {  	s5 =	simm.s32 @p1 $0x1;
	p0 =	seq.s32 s7, s2  }
0x1e: {  	s7 =	smul.u32 @!p0 $0xF7A, s2;
	p2 =	seq.s32 @!p0 s5, $0x0  }
0x1f: {  	s9 =	smul.u32 $0xF7A, s1;
	s8 =	simm.s32 @!p0 $0x1BF5;
	p2 =	por !p2, p0  }
0x20: {  	[sflag:s8] =	ssyncset.s32 @!p0 $0xFFFFF086;
	s6 =	sadd.s32 @!p0 s3, s7;
	s7 =	simm.s32 @!p0 $0x108  }
0x21: {  	s3 =	sadd.s32 s3, s9;
	s6 =	sadd.s32 @!p0 $0x88, s6;
	s7 =	simm.s32 @p2 $0x1082  }
0x22: {  	[simem:s7], [sflag:s8] =	dma.local @!p0 [hbm:s6], $0xF7A  }
0x23: {  	s9 =	sor.u32 $0xD0000000, s2;
	s6 =	simm.s32 $0x108;
	_ =	swait.ge @!p0 [sflag:s8], $0x0  }
0x24: {  	s3 =	sadd.s32 $0x88, s3;
	s6 =	simm.s32 @!p1 $0x1082;
	[sflag:s4] =	ssyncset.s32 $0xFFFFF086  }
0x25: {  	[simem:s6], [sflag:s4] =	dma.local [hbm:s3], $0xF7A  }
0x26: {  	[smem:$0x3F94] =	sst s1;
	(tag) =	ssettag s2;
	_ =	strace s9  }
0x27: {  	s1 =	sld [smem:$0x3FA4]  }
0x28: {  	s2 =	sld [smem:$0x3FA5]  }
0x29: {  	s4 =	sld [smem:$0x3FA7]  }
0x2a: {  	p0 =	seq.s32 s5, $0x0;
	s5 =	sld [smem:$0x3FA8]  }
0x2b: {  	s6 =	sld [smem:$0x3FA9]  }
0x2c: {  	s7 =	sld [smem:$0x3FAA]  }
0x2d: {  	s3 =	simm.s32 $0x108;
	s8 =	sld [smem:$0x3FAB]  }
0x2e: {  	s3 =	simm.s32 @!p0 $0x1082;
	s9 =	sld [smem:$0x3FAC]  }
0x2f: {  	lr =	sadd.s32 s0, s3;
	s0 =	sld [smem:$0x3FA3]  }
0x30: {  	s3 =	sld [smem:$0x3FA6]  }
0x31: {  	[smem:$0x3FAF] =	sst s10  }
0x32: {  	s10 =	sld [smem:$0x3FAD];
	_ =	sdelay $0x3  }
0x33: {  	p0 =	seq.s32 s10, $0x1;
	s10 =	sld [smem:$0x3FAF];
	_ =	sdelay $0x3  }
0x34: {  	[smem:$0x3FAF] =	sst s10  }
0x35: {  	s10 =	sld [smem:$0x3FAE];
	_ =	sdelay $0x3  }
0x36: {  	p1 =	seq.s32 s10, $0x1;
	s10 =	sld [smem:$0x3FAF];
	_ =	sdelay $0x3  }
0x37: {  	[smem:$0x3FAF] =	sst s10  }
0x38: {  	s10 =	sld [smem:$0x3FB0]  }
0x39: {  	_ = 	snop;
	(pc) =	sbr.ind lr, $3  }
0x3a: {  	_ = 	snop  }
0x3b: {  	_ = 	snop  }
0x3c: {  	p2 =	seq.s32 s10, $0x1;
	s10 =	sld [smem:$0x3FAF]  }
0x3d: {  	_ =	shalt  }
0x3e: {  	_ =	shalt  }
0x3f: {  	_ =	shalt  }
0x40: {  	_ =	shalt  }
0x41: {  	_ =	shalt  }
0x42: {  	_ =	shalt  }
0x43: {  	_ =	shalt  }
0x44: {  	_ =	shalt  }
0x45: {  	_ =	shalt  }
0x46: {  	_ =	shalt  }
0x47: {  	_ =	shalt  }
0x48: {  	_ =	shalt  }
0x49: {  	_ =	shalt  }
0x4a: {  	_ =	shalt  }
0x4b: {  	_ =	shalt  }
0x4c: {  	_ =	shalt  }
0x4d: {  	_ =	shalt  }
0x4e: {  	_ =	shalt  }
0x4f: {  	_ =	shalt  }
0x50: {  	_ =	shalt  }
0x51: {  	_ =	shalt  }
0x52: {  	_ =	shalt  }
0x53: {  	_ =	shalt  }
0x54: {  	_ =	shalt  }
0x55: {  	_ =	shalt  }
0x56: {  	_ =	shalt  }
0x57: {  	_ =	shalt  }
0x58: {  	_ =	shalt  }
0x59: {  	_ =	shalt  }
0x5a: {  	_ =	shalt  }
0x5b: {  	_ =	shalt  }
0x5c: {  	_ =	shalt  }
0x5d: {  	_ =	shalt  }
0x5e: {  	_ =	shalt  }
0x5f: {  	_ =	shalt  }
0x60: {  	_ =	shalt  }
0x61: {  	_ =	shalt  }
0x62: {  	_ =	shalt  }
0x63: {  	_ =	shalt  }
0x64: {  	_ =	shalt  }
0x65: {  	_ =	shalt  }
0x66: {  	_ =	shalt  }
0x67: {  	_ =	shalt  }
0x68: {  	_ =	shalt  }
0x69: {  	_ =	shalt  }
0x6a: {  	_ =	shalt  }
0x6b: {  	_ =	shalt  }
0x6c: {  	_ =	shalt  }
0x6d: {  	_ =	shalt  }
0x6e: {  	_ =	shalt  }
0x6f: {  	_ =	shalt  }
0x70: {  	_ =	shalt  }
0x71: {  	_ =	shalt  }
0x72: {  	_ =	shalt  }
0x73: {  	_ =	shalt  }
0x74: {  	_ =	shalt  }
0x75: {  	_ =	shalt  }
0x76: {  	_ =	shalt  }
0x77: {  	_ =	shalt  }
0x78: {  	_ =	shalt  }
0x79: {  	_ =	shalt  }
0x7a: {  	_ =	shalt  }
0x7b: {  	_ =	shalt  }
0x7c: {  	_ =	shalt  }
0x7d: {  	_ =	shalt  }
0x7e: {  	_ =	shalt  }
0x7f: {  	_ =	shalt  }
0x80: {  	_ =	shalt  }
0x81: {  	_ =	shalt  }
0x82: {  	_ =	shalt  }
0x83: {  	_ =	shalt  }
0x84: {  	_ =	shalt  }
0x85: {  	_ =	shalt  }
0x86: {  	_ =	shalt  }
0x87: {  	_ =	shalt  }
.Lfunc_end0:
.L_simem_size_0:
called_computation_lowered:
.L_overlay_start_0:
0x88: {  	s2 =	sld [smem:$0x3FD9]  }
0x89: {  	s3 =	sld [smem:$0x3FFE];
	_ =	sdelay $0x1  }
0x8a: {  	s1 =	srdreg.scid  }
0x8b: {  	s0 =	sand.u32 $0x1, s1  }
0x8c: {  	s17 =	sshll.u32 s0, $0xA;
	s2 =	sadd.s32 s3, s2  }
0x8d: {  	s2 =	sadd.s32 s2, s17  }
0x8e: {  	[smem:$0x3FBB] =	sst s2  }
0x8f: {  	_ = 	snop  }
0x90: {  	s2 =	sld [smem:$0x3FC8]  }
0x91: {  	s18 =	sld [smem:$0x3FC7];
	(tm) =	ssettm $0x1  }
0x92: {  	s4 =	sld [smem:$0x3FFB];
	_ =	sdelay $0x3  }
0x93: {  	_ =	strace s4  }
0x94: {  	s4 =	sld [smem:$0x3FFC];
	_ =	sdelay $0x3  }
0x95: {  	_ =	strace s4  }
0x96: {  	s4 =	sld [smem:$0x3FFD];
	_ =	sdelay $0x3  }
0x97: {  	_ =	strace s4  }
0x98: {  	_ =	strace $0x8FFFFFFF  }
0x99: {  	s19 =	sld [smem:$0x3FDB];
	_ =	sdelay $0x1  }
0x9a: {  	s5 =	simm.s32 $_scs_section_size  }
0x9b: {  	s6 =	simm.s32 $_size__tile_overlayer_lowered;
	s7 =	simm.s32 $_tile_overlayer_lowered  }
0x9c: {  	s22 =	simm.s32 $0x1BFF;
	s21 =	sshll.u32 s7, $0x1;
	s4 =	sadd.s32 s5, s19  }
0x9d: {  	s8 =	simm.s32 $0x0;
	s20 =	sshll.u32 s6, $0x1;
	s6 =	sadd.s32 s21, s4  }
0x9e: {  	[timem:s8], [sflag:s22] =	dma.local [hbm:s6], s20  }
0x9f: {  	_ =	swait.ge [sflag:s22], s20  }
0xa0: {  	s5 =	ssub.s32 $0x0, s20;
	[sflag:s22] =	ssyncset.done $0x0  }
0xa1: {  	[sflag:s22] =	ssyncadd.s32 s5;
	_ =	sdelay $0x1  }
0xa2: {  	s23 =	simm.s32 $0x1B8B  }
0xa3: {  	_ =	swait.ge [sflag:s23], $0x1  }
0xa4: {  	[sflag:s23] =	ssyncset.done $0x0  }
0xa5: {  	s25 =	simm.s32 $0x1B8E;
	s24 =	sld [smem:$0x3FFE];
	[sflag:s23] =	ssyncadd.s32 $0xFFFFFFFF  }
0xa6: {  	s26 =	simm.s32 $execute0_lowered;
	[smem:$0x3FD2] =	sst s25  }
0xa7: {  	s6 =	sshll.u32 s26, $0x1;
	_ =	strace $0x80000046;
	[dreg:$0x1] =	wrdreg $0xFFFFFFFF  }
0xa8: {  	s28 =	simm.s32 $_size_execute0_lowered;
	s4 =	sadd.s32 s4, s6;
	[dreg:$0x0] =	wrdreg $0x0  }
0xa9: {  	s6 =	sshll.u32 s28, $0x1;
	[dreg:$0x2] =	wrdreg s4  }
0xaa: {  	[dreg:$0x3] =	wrdreg s6  }
0xab: {  	[dreg:$0x4] =	wrdreg $0xC0  }
0xac: {  	_ =	task [dreg:s8], $0x5FFFF  }
0xad: {  	[dreg:$0x1] =	wrdreg $0xFFFFFFFF  }
0xae: {  	[dreg:$0x0] =	wrdreg $0x60  }
0xaf: {  	[dreg:$0x2] =	wrdreg s2  }
0xb0: {  	[dreg:$0x3] =	wrdreg s18  }
0xb1: {  	[dreg:$0x4] =	wrdreg s24  }
0xb2: {  	[dreg:$0x5] =	wrdreg $0x31000  }
0xb3: {  	[dreg:$0x6] =	wrdreg $0x9  }
0xb4: {  	_ =	task.clear_ibuf [dreg:s8], $0x7FFFF;
	_ =	strace $0x90000046  }
0xb5: {  	s29 =	simm.s32 $0x9;
	_ =	strace $0x80000048  }
0xb6: {  	_ =	swait.ge [sflag:s29], $0x1  }
0xb7: {  	[sflag:s29] =	ssyncadd.s32 $0xFFFFFFFF  }
0xb8: {  	_ =	strace $0x90000048  }
0xb9: {  	_ =	sfence  }
0xba: {  	s30 =	sld [smem:$0x0];
	_ =	sdelay $0x2  }
0xbb: {  	s31 =	sshll.u32 s1, $0xD;
	s1 =	sshrl.u32 s1, $0x2  }
0xbc: {  	s3 =	sand.u32 $0x4000, s31;
	s1 =	sadd.s32 s1, s30  }
0xbd: {  	s0 =	sor.u32 s3, s0;
	s1 =	sshll.u32 s1, $0x11  }
0xbe: {  	s0 =	sor.u32 s1, s0  }
0xbf: {  	s0 =	sadd.s32 $0x8F2B, s0  }
0xc0: {  	[sflag:s0] =	ssyncadd.remote.s32 $0x1  }
0xc1: {  	_ =	sfence.sel $0xFFFF  }
0xc2: {  	[dreg:$0x0] =	wrdreg $0xFFFFFFFF;
	(pc) =	sbr.abs _section_cstart, $3  }
0xc3: {  	[dreg:$0x1] =	wrdreg $0xFFFFFFFF  }
0xc4: {  	_ =	task.clear_ibuf [dreg:s8], $0x2FFFF;
	_ =	strace $0x9FFFFFFF  }
0xc5: {  	(tm) =	ssettm $0x7FFFFFFF  }
tec
execute0_lowered:
.L_overlay_start_1:
0x0: {  	(tag) =	ssettag $0x1  }
0x1: {  	s16 =	rddreg [dreg:$0x0]  }
0x2: {  	s15 =	rddreg [dreg:$0x1]  }
0x3: {  	s5 =	rddreg [dreg:$0x2]  }
0x4: {  	s1 =	rddreg [dreg:$0x3]  }
0x5: {  	s0 =	rddreg [dreg:$0x4];
	s3 =	simm.s32 $0x0;
	s4 =	srdreg.scid  }
0x6: {  	s2 =	stileid.u32;
	s18 =	simm.s32 $0x3;
	s20 =	simm.s32 $0x100  }
0x7: {  	s21 =	simm.s32 $0x80;
	s22 =	simm.s32 $0x1;
	s6 =	smul.u32 $0x4E000, s2  }
0x8: {  	s23 =	simm.s32 $0x2;
	s24 =	simm.s32 $0x0;
	s9 =	smul.u32 $0x4E20, s2  }
0x9: {  	[smem:$0x7FF] =	sst s3;
	s19 =	sand.u32 $0x1, s4;
	s10 =	smul.u32 $0x2700, s2  }
0xa: {  	s4 =	sadd.s32 $0x4000, s5;
	s5 =	sadd.s32 $0x2B200, s5;
	s17 =	smul.u32 $0x9C4, s2  }
0xb: {  	p0 =	sne.s32 s2, $0xF;
	p2 =	seq.s32 s2, $0xF;
	_ =	strace $0x80000047  }
0xc: {  	s7 =	ssub.s32 $0x2, s19;
	p1 =	seq.s32 s19, $0x0;
	s19 =	simm.s32 $0x50  }
0xd: {  	s8 =	sshrl.u32 s7, $0x1;
	s6 =	sshrl.u32 s6, $0x2;
	s13 =	sshrl.u32 s9, $0x3  }
.Ltmp0:
0xe: {  	s9 =	sadd.s32 s4, s10;
	s11 =	ssub.s32 s7, s8;
	(pc) =	sbr.rel .LBB2_1-.Ltmp0, $4  }
0xf: {  	s6 =	sadd.s32 s6, s1;
	s7 =	sadd.s32 $0x138000, s1;
	s8 =	sadd.s32 s5, s10  }
0x10: {  	s14 =	sadd.s32 $0xA, s13;
	s10 =	smax.u32 s11, $0x1;
	s11 =	sadd.s32 s15, s13  }
0x11: {  	s12 =	sadd.s32 s15, s14;
	s13 =	sadd.s32 s16, s13;
	s14 =	sadd.s32 s16, s14  }
0x12: {  	v0 =	vimm.f32 $1.000000000e+00;
	v1 =	vimm.f32 $0.0e+00;
	s15 =	sadd.s32 s17, s15;
	s16 =	sadd.s32 s17, s16;
	s17 =	simm.s32 $0x2900  }
.LBB2_14:
0x13: {  	s26 =	sadd.s32 $0x27000, s26;
	s28 =	sshrl.u32 s7, $0x3  }
0x14: {  	[hbm:s26], [sflag:s25] =	dma.local [spmem:s28], $0x100  }
0x15: {  	_ =	swait.ge [sflag:s18], $0x100  }
0x16: {  	[sflag:s18] =	ssyncset.done $0x0  }
0x17: {  	[sflag:s18] =	ssyncadd.s32 $0xFFFFFF00  }
.LBB2_15:
0x18: {  	s24 =	sadd.s32 $0x1, s24  }
0x19: {  	p3 =	sne.s32 s24, s10  }
.Ltmp1:
0x1a: {  	_ = 	snop;
	(pc) =	sbr.rel @!p3 .LBB2_16-.Ltmp1, $1  }
0x1b: {  	_ =	sdelay $0x3  }
.LBB2_1:
0x1c: {  	s25 =	simm.s32 $0x0;
	s26 =	simm.s32 $0x200  }
.LBB2_2:
0x1d: {  	p3 =	sne.s32 s26, $0x1E00;
	[tilespmem:s25+$0x2970] =	vst v1  }
0x1e: {  	[tilespmem:s25+$0x100] =	vst v0  }
0x1f: {  	[tilespmem:s25+$0x2900] =	vst v1  }
0x20: {  	[tilespmem:s25+$0x110] =	vst v0  }
0x21: {  	[tilespmem:s25+$0x2910] =	vst v1  }
0x22: {  	[tilespmem:s25+$0x120] =	vst v0  }
0x23: {  	[tilespmem:s25+$0x2920] =	vst v1  }
0x24: {  	[tilespmem:s25+$0x130] =	vst v0  }
0x25: {  	[tilespmem:s25+$0x2930] =	vst v1  }
0x26: {  	[tilespmem:s25+$0x140] =	vst v0  }
0x27: {  	[tilespmem:s25+$0x2940] =	vst v1  }
.Ltmp2:
0x28: {  	[tilespmem:s25+$0x150] =	vst v0;
	(pc) =	sbr.rel @p3 .LBB2_2-.Ltmp2, $4  }
0x29: {  	[tilespmem:s25+$0x2950] =	vst v1  }
0x2a: {  	[tilespmem:s25+$0x160] =	vst v0  }
0x2b: {  	[tilespmem:s25+$0x2960] =	vst v1  }
0x2c: {  	[tilespmem:s25+$0x170] =	vst v0;
	s25 =	sshra.s32 s26, $0x2;
	s26 =	sadd.s32 $0x200, s26  }
0x2d: {  	[tilespmem:s25+$0x2970] =	vst v1  }
0x2e: {  	[tilespmem:s25+$0x100] =	vst v0  }
0x2f: {  	[tilespmem:s25+$0x2900] =	vst v1  }
0x30: {  	[tilespmem:s25+$0x110] =	vst v0  }
0x31: {  	[tilespmem:s25+$0x2910] =	vst v1  }
0x32: {  	[tilespmem:s25+$0x120] =	vst v0  }
0x33: {  	[tilespmem:s25+$0x2920] =	vst v1  }
0x34: {  	[tilespmem:s25+$0x130] =	vst v0  }
0x35: {  	[tilespmem:s25+$0x2930] =	vst v1  }
0x36: {  	[tilespmem:s25+$0x140] =	vst v0  }
0x37: {  	[tilespmem:s25+$0x2940] =	vst v1  }
0x38: {  	[tilespmem:s25+$0x150] =	vst v0  }
0x39: {  	[tilespmem:s25+$0x2950] =	vst v1  }
0x3a: {  	[tilespmem:s25+$0x160] =	vst v0  }
0x3b: {  	[tilespmem:s25+$0x2960] =	vst v1  }
0x3c: {  	[tilespmem:s25+$0x170] =	vst v0;
	s25 =	simm.s32 $0x0;
	s26 =	simm.s32 $0x200  }
.LBB2_4:
0x3d: {  	p3 =	sne.s32 s26, $0x7E00;
	[tilespmem:s25+$0x970] =	vst v0  }
0x3e: {  	[tilespmem:s25+$0x900] =	vst v0  }
0x3f: {  	[tilespmem:s25+$0x910] =	vst v0  }
.Ltmp3:
0x40: {  	[tilespmem:s25+$0x920] =	vst v0;
	(pc) =	sbr.rel @p3 .LBB2_4-.Ltmp3, $4  }
0x41: {  	[tilespmem:s25+$0x930] =	vst v0  }
0x42: {  	[tilespmem:s25+$0x940] =	vst v0  }
0x43: {  	[tilespmem:s25+$0x950] =	vst v0  }
0x44: {  	[tilespmem:s25+$0x960] =	vst v0;
	s25 =	sshra.s32 s26, $0x2;
	s26 =	sadd.s32 $0x200, s26  }
0x45: {  	[tilespmem:s25+$0x970] =	vst v0  }
0x46: {  	[tilespmem:s25+$0x900] =	vst v0  }
0x47: {  	[tilespmem:s25+$0x910] =	vst v0  }
0x48: {  	[tilespmem:s25+$0x920] =	vst v0  }
0x49: {  	[tilespmem:s25+$0x930] =	vst v0  }
0x4a: {  	[tilespmem:s25+$0x940] =	vst v0  }
0x4b: {  	[tilespmem:s25+$0x950] =	vst v0  }
0x4c: {  	[tilespmem:s25+$0x960] =	vst v0;
	s31 =	sadd.s32 $0x0, s6  }
0x4d: {  	[spmem:s31] =	stream.linear.scatter [tilespmem:s17], [sflag:$0x3], $0x800, $0x38;
	[tilespmem:$0x16980] =	vst v63  }
0x4e: {  	s25 =	simm.s32 $0x2000;
	_ =	swait.ge [sflag:s18], $0x800  }
.LBB2_6:
0x4f: {  	s26 =	sshra.s32 s25, $0x2;
	[sflag:s18] =	ssyncset.done $0x0;
	p3 =	sne.s32 s25, $0x4C000  }
.Ltmp4:
0x50: {  	s26 =	sadd.s32 s26, s6;
	[sflag:s18] =	ssyncadd.s32 $0xFFFFF800;
	(pc) =	sbr.rel @p3 .LBB2_6-.Ltmp4, $3  }
0x51: {  	[spmem:s26] =	stream.linear.scatter [tilespmem:s17], [sflag:$0x3], $0x800, $0x38;
	[tilespmem:$0x16980] =	vst v63  }
0x52: {  	s25 =	sadd.s32 $0x2000, s25;
	_ =	sdelay $0x1  }
0x53: {  	_ =	swait.ge [sflag:s18], $0x800  }
0x54: {  	[sflag:s18] =	ssyncset.done $0x0  }
0x55: {  	s25 =	simm.s32 @!p0 $0x2900;
	[sflag:s18] =	ssyncadd.s32 $0xFFFFF800  }
0x56: {  	[spmem:s7] =	stream.linear.scatter @!p0 [tilespmem:s25], [sflag:$0x3], $0x800, $0x38;
	[tilespmem:$0x16980] =	vst v63  }
0x57: {  	s25 =	simm.s32 @!p0 $0x3  }
.Ltmp5:
0x58: {  	_ =	swait.ge @!p0 [sflag:s25], $0x800;
	(pc) =	sbr.rel @!p1 .LBB2_8-.Ltmp5, $3  }
0x59: {  	[sflag:s25] =	ssyncset.done @!p0 $0x0  }
0x5a: {  	[sflag:s25] =	ssyncadd.s32 @!p0 $0xFFFFF800  }
0x5b: {  	[bflag:$0x0] =	sbarrier.arrive $0xFFFF;
	_ =	sdelay $0x1  }
0x5c: {  	[tilespmem:s3], [sflag:$0x3] =	stream.linear.gather [hbm4b:s13+s3], $0x50, $0x38;
	[tilespmem:$0x16980] =	vst v63  }
0x5d: {  	_ =	swait.ge [sflag:s18], $0x50  }
0x5e: {  	[sflag:s18] =	ssyncset.done $0x0  }
0x5f: {  	[sflag:s18] =	ssyncadd.s32 $0xFFFFFFB0  }
0x60: {  	[spmem:s1] =	stream.indirect.scatter.add.f32 [tilespmem:s20], [sflag:$0x1], $0x80, s3, s19, $0xb8;
	[tilespmem:$0x16980] =	vst v63  }
0x61: {  	_ = 	snop  }
0x62: {  	[tilespmem:s21], [sflag:$0x3] =	stream.linear.gather [hbm4b:s14+s3], $0x50, $0x38;
	[tilespmem:$0x16980] =	vst v63  }
0x63: {  	_ =	swait.ge [sflag:s18], $0x50  }
0x64: {  	[sflag:s18] =	ssyncset.done $0x0  }
0x65: {  	[sflag:s18] =	ssyncadd.s32 $0xFFFFFFB0  }
0x66: {  	[spmem:s1] =	stream.indirect.scatter.add.f32 [tilespmem:s20], [sflag:$0x2], $0x80, s21, s19, $0xb8;
	[tilespmem:$0x16980] =	vst v63  }
0x67: {  	_ =	swait.ge [sflag:s22], $0x2800  }
0x68: {  	s25 =	sadd.s32 $0xFFFFF650, s16;
	[sflag:s22] =	ssyncset.done $0x0  }
0x69: {  	s26 =	sadd.s32 $0x9C4, s25;
	[sflag:s22] =	ssyncadd.s32 $0xFFFFD800  }
0x6a: {  	[tilespmem:s3], [sflag:$0x3] =	stream.linear.gather [hbm4b:s26+s3], $0x50, $0x38;
	[tilespmem:$0x16980] =	vst v63  }
0x6b: {  	_ =	swait.ge [sflag:s18], $0x50  }
0x6c: {  	[sflag:s18] =	ssyncset.done $0x0  }
0x6d: {  	[sflag:s18] =	ssyncadd.s32 $0xFFFFFFB0  }
0x6e: {  	[spmem:s1] =	stream.indirect.scatter.add.f32 [tilespmem:s20], [sflag:$0x1], $0x80, s3, s19, $0xb8;
	[tilespmem:$0x16980] =	vst v63  }
0x6f: {  	_ =	swait.ge [sflag:s23], $0x2800  }
0x70: {  	[sflag:s23] =	ssyncset.done $0x0  }
0x71: {  	s25 =	sadd.s32 $0x9CE, s25;
	[sflag:s23] =	ssyncadd.s32 $0xFFFFD800  }
0x72: {  	[tilespmem:s21], [sflag:$0x3] =	stream.linear.gather [hbm4b:s25+s3], $0x50, $0x38;
	[tilespmem:$0x16980] =	vst v63  }
0x73: {  	_ =	swait.ge [sflag:s18], $0x50  }
0x74: {  	[sflag:s18] =	ssyncset.done $0x0  }
0x75: {  	s25 =	simm.s32 $0xFFFFF664;
	[sflag:s18] =	ssyncadd.s32 $0xFFFFFFB0  }
.LBB2_12:
0x76: {  	[spmem:s1] =	stream.indirect.scatter.add.f32 [tilespmem:s20], [sflag:$0x2], $0x80, s21, s19, $0xb8;
	[tilespmem:$0x16980] =	vst v63  }
0x77: {  	s26 =	smov.u32 s25  }
0x78: {  	p3 =	sne.s32 s25, $0xFFFFFFEC;
	s25 =	sadd.s32 $0x14, s25;
	_ =	swait.ge [sflag:s22], $0x2800  }
0x79: {  	s26 =	sadd.s32 s26, s16;
	[sflag:s22] =	ssyncset.done $0x0  }
0x7a: {  	s28 =	sadd.s32 $0x9C4, s26;
	[sflag:s22] =	ssyncadd.s32 $0xFFFFD800  }
0x7b: {  	[tilespmem:s3], [sflag:$0x3] =	stream.linear.gather [hbm4b:s28+s3], $0x50, $0x38;
	[tilespmem:$0x16980] =	vst v63  }
0x7c: {  	_ =	swait.ge [sflag:s18], $0x50  }
0x7d: {  	[sflag:s18] =	ssyncset.done $0x0  }
0x7e: {  	[sflag:s18] =	ssyncadd.s32 $0xFFFFFFB0  }
0x7f: {  	[spmem:s1] =	stream.indirect.scatter.add.f32 [tilespmem:s20], [sflag:$0x1], $0x80, s3, s19, $0xb8;
	[tilespmem:$0x16980] =	vst v63  }
0x80: {  	_ =	swait.ge [sflag:s23], $0x2800  }
0x81: {  	[sflag:s23] =	ssyncset.done $0x0  }
.Ltmp6:
0x82: {  	s26 =	sadd.s32 $0x9CE, s26;
	[sflag:s23] =	ssyncadd.s32 $0xFFFFD800;
	(pc) =	sbr.rel @p3 .LBB2_12-.Ltmp6, $4  }
0x83: {  	[tilespmem:s21], [sflag:$0x3] =	stream.linear.gather [hbm4b:s26+s3], $0x50, $0x38;
	[tilespmem:$0x16980] =	vst v63  }
0x84: {  	_ =	swait.ge [sflag:s18], $0x50  }
0x85: {  	[sflag:s18] =	ssyncset.done $0x0  }
0x86: {  	[sflag:s18] =	ssyncadd.s32 $0xFFFFFFB0  }
0x87: {  	[spmem:s1] =	stream.indirect.scatter.add.f32 [tilespmem:s20], [sflag:$0x2], $0x80, s21, s19, $0xb8;
	[tilespmem:$0x16980] =	vst v63  }
0x88: {  	_ =	swait.ge [sflag:s22], $0x2800  }
0x89: {  	[sflag:s22] =	ssyncset.done $0x0  }
0x8a: {  	[sflag:s22] =	ssyncadd.s32 $0xFFFFD800  }
0x8b: {  	_ =	swait.ge [sflag:s23], $0x2800  }
0x8c: {  	[sflag:s23] =	ssyncset.done $0x0  }
0x8d: {  	s25 =	sshll.u32 s2, $0x6;
	[sflag:s23] =	ssyncadd.s32 $0xFFFFD800  }
0x8e: {  	s26 =	sshrl.u32 s6, $0x3;
	s25 =	sor.u32 $0x1C03, s25;
	[bflag:$0x0] =	sbarrier.arrive $0xFFFF  }
0x8f: {  	[hbm:s9], [sflag:s25] =	dma.local [spmem:s26], $0x2700  }
.Ltmp7:
0x90: {  	_ = 	snop;
	(pc) =	sbr.rel @!p2 .LBB2_15-.Ltmp7, $4  }
.Ltmp8:
0x91: {  	_ = 	snop;
	(pc) =	sbr.rel @p2 .LBB2_14-.Ltmp8, $4  }
0x92: {  	_ =	swait.ge [sflag:s18], $0x2700  }
0x93: {  	[sflag:s18] =	ssyncset.done $0x0  }
0x94: {  	s26 =	smov.u32 s4;
	[sflag:s18] =	ssyncadd.s32 $0xFFFFD900  }
0x95: {  	_ = 	snop  }
.LBB2_8:
0x96: {  	[tilespmem:s3], [sflag:$0x3] =	stream.linear.gather [hbm4b:s11+s3], $0x50, $0x38;
	[tilespmem:$0x16980] =	vst v63  }
0x97: {  	_ =	swait.ge [sflag:s18], $0x50  }
0x98: {  	[sflag:s18] =	ssyncset.done $0x0  }
0x99: {  	[sflag:s18] =	ssyncadd.s32 $0xFFFFFFB0  }
0x9a: {  	[spmem:s1] =	stream.indirect.scatter.add.f32 [tilespmem:s20], [sflag:$0x1], $0x80, s3, s19, $0xb8;
	[tilespmem:$0x16980] =	vst v63  }
0x9b: {  	_ = 	snop  }
0x9c: {  	[tilespmem:s21], [sflag:$0x3] =	stream.linear.gather [hbm4b:s12+s3], $0x50, $0x38;
	[tilespmem:$0x16980] =	vst v63  }
0x9d: {  	_ =	swait.ge [sflag:s18], $0x50  }
0x9e: {  	[sflag:s18] =	ssyncset.done $0x0  }
0x9f: {  	[sflag:s18] =	ssyncadd.s32 $0xFFFFFFB0  }
0xa0: {  	[spmem:s1] =	stream.indirect.scatter.add.f32 [tilespmem:s20], [sflag:$0x2], $0x80, s21, s19, $0xb8;
	[tilespmem:$0x16980] =	vst v63  }
0xa1: {  	_ =	swait.ge [sflag:s22], $0x2800  }
0xa2: {  	s25 =	sadd.s32 $0xFFFFF650, s15;
	[sflag:s22] =	ssyncset.done $0x0  }
0xa3: {  	s26 =	sadd.s32 $0x9C4, s25;
	[sflag:s22] =	ssyncadd.s32 $0xFFFFD800  }
0xa4: {  	[tilespmem:s3], [sflag:$0x3] =	stream.linear.gather [hbm4b:s26+s3], $0x50, $0x38;
	[tilespmem:$0x16980] =	vst v63  }
0xa5: {  	_ =	swait.ge [sflag:s18], $0x50  }
0xa6: {  	[sflag:s18] =	ssyncset.done $0x0  }
0xa7: {  	[sflag:s18] =	ssyncadd.s32 $0xFFFFFFB0  }
0xa8: {  	[spmem:s1] =	stream.indirect.scatter.add.f32 [tilespmem:s20], [sflag:$0x1], $0x80, s3, s19, $0xb8;
	[tilespmem:$0x16980] =	vst v63  }
0xa9: {  	_ =	swait.ge [sflag:s23], $0x2800  }
0xaa: {  	[sflag:s23] =	ssyncset.done $0x0  }
0xab: {  	s25 =	sadd.s32 $0x9CE, s25;
	[sflag:s23] =	ssyncadd.s32 $0xFFFFD800  }
0xac: {  	[tilespmem:s21], [sflag:$0x3] =	stream.linear.gather [hbm4b:s25+s3], $0x50, $0x38;
	[tilespmem:$0x16980] =	vst v63  }
0xad: {  	_ =	swait.ge [sflag:s18], $0x50  }
0xae: {  	[sflag:s18] =	ssyncset.done $0x0  }
0xaf: {  	s25 =	simm.s32 $0xFFFFF664;
	[sflag:s18] =	ssyncadd.s32 $0xFFFFFFB0  }
.LBB2_9:
0xb0: {  	[spmem:s1] =	stream.indirect.scatter.add.f32 [tilespmem:s20], [sflag:$0x2], $0x80, s21, s19, $0xb8;
	[tilespmem:$0x16980] =	vst v63  }
0xb1: {  	s26 =	smov.u32 s25  }
0xb2: {  	p3 =	sne.s32 s25, $0xFFFFFFEC;
	s25 =	sadd.s32 $0x14, s25;
	_ =	swait.ge [sflag:s22], $0x2800  }
0xb3: {  	s26 =	sadd.s32 s26, s15;
	[sflag:s22] =	ssyncset.done $0x0  }
0xb4: {  	s28 =	sadd.s32 $0x9C4, s26;
	[sflag:s22] =	ssyncadd.s32 $0xFFFFD800  }
0xb5: {  	[tilespmem:s3], [sflag:$0x3] =	stream.linear.gather [hbm4b:s28+s3], $0x50, $0x38;
	[tilespmem:$0x16980] =	vst v63  }
0xb6: {  	_ =	swait.ge [sflag:s18], $0x50  }
0xb7: {  	[sflag:s18] =	ssyncset.done $0x0  }
0xb8: {  	[sflag:s18] =	ssyncadd.s32 $0xFFFFFFB0  }
0xb9: {  	[spmem:s1] =	stream.indirect.scatter.add.f32 [tilespmem:s20], [sflag:$0x1], $0x80, s3, s19, $0xb8;
	[tilespmem:$0x16980] =	vst v63  }
0xba: {  	_ =	swait.ge [sflag:s23], $0x2800  }
0xbb: {  	[sflag:s23] =	ssyncset.done $0x0  }
.Ltmp9:
0xbc: {  	s26 =	sadd.s32 $0x9CE, s26;
	[sflag:s23] =	ssyncadd.s32 $0xFFFFD800;
	(pc) =	sbr.rel @p3 .LBB2_9-.Ltmp9, $4  }
0xbd: {  	[tilespmem:s21], [sflag:$0x3] =	stream.linear.gather [hbm4b:s26+s3], $0x50, $0x38;
	[tilespmem:$0x16980] =	vst v63  }
0xbe: {  	_ =	swait.ge [sflag:s18], $0x50  }
0xbf: {  	[sflag:s18] =	ssyncset.done $0x0  }
0xc0: {  	[sflag:s18] =	ssyncadd.s32 $0xFFFFFFB0  }
0xc1: {  	[spmem:s1] =	stream.indirect.scatter.add.f32 [tilespmem:s20], [sflag:$0x2], $0x80, s21, s19, $0xb8;
	[tilespmem:$0x16980] =	vst v63  }
0xc2: {  	_ =	swait.ge [sflag:s22], $0x2800  }
0xc3: {  	[sflag:s22] =	ssyncset.done $0x0  }
0xc4: {  	[sflag:s22] =	ssyncadd.s32 $0xFFFFD800  }
0xc5: {  	_ =	swait.ge [sflag:s23], $0x2800  }
0xc6: {  	[sflag:s23] =	ssyncset.done $0x0  }
0xc7: {  	s25 =	sshll.u32 s2, $0x6;
	[sflag:s23] =	ssyncadd.s32 $0xFFFFD800  }
0xc8: {  	s26 =	sshrl.u32 s6, $0x3;
	s25 =	sor.u32 $0x1C03, s25;
	[bflag:$0x0] =	sbarrier.arrive $0xFFFF  }
0xc9: {  	[hbm:s8], [sflag:s25] =	dma.local [spmem:s26], $0x2700  }
.Ltmp10:
0xca: {  	_ = 	snop;
	(pc) =	sbr.rel @p0 .LBB2_15-.Ltmp10, $4  }
.Ltmp11:
0xcb: {  	_ = 	snop;
	(pc) =	sbr.rel @!p0 .LBB2_14-.Ltmp11, $4  }
0xcc: {  	_ =	swait.ge [sflag:s18], $0x2700  }
0xcd: {  	[sflag:s18] =	ssyncset.done $0x0  }
0xce: {  	s26 =	smov.u32 s5;
	[sflag:s18] =	ssyncadd.s32 $0xFFFFD900  }
0xcf: {  	_ = 	snop  }
.LBB2_16:
0xd0: {  	_ =	sfence.sel $0x180000  }
0xd1: {  	[bflag:$0x0] =	sbarrier.arrive $0xFFFF  }
0xd2: {  	p0 =	sne.s32 s2, $0x0;
	_ =	strace $0x90000047  }
0xd3: {  	s0 =	sadd.s32 @!p0 $0x100000, s0;
	[bflag:$0x2] =	sbarrier.arrive $0xFFFF  }
0xd4: {  	[sflag:s0] =	ssyncadd.tile.s32 @!p0 $0x1;
	_ =	shalt  }
.Lfunc_end2:
_tile_overlayer_lowered:
.L_overlay_start_2:
0xd5: {  	(tag) =	ssettag $0x2  }
0xd6: {  	s0 =	rddreg [dreg:$0x0];
	s2 =	stileid.u32  }
0xd7: {  	s1 =	rddreg [dreg:$0x1];
	p0 =	sne.s32 s2, $0x0  }
0xd8: {  	s3 =	rddreg [dreg:$0x2];
	[bflag:$0x3] =	sbarrier.arrive $0xFFFF;
	s2 =	simm.s32 @!p0 $0x1C03  }
0xd9: {  	[timem:s3], [sflag:s2] =	dma.local @!p0 [hbm:s0], s1  }
0xda: {  	s0 =	simm.s32 @!p0 $0x3  }
0xdb: {  	_ =	swait.ge @!p0 [sflag:s0], s1  }
0xdc: {  	s1 =	ssub.s32 @!p0 $0x0, s1;
	[sflag:s0] =	ssyncset.done @!p0 $0x0  }
0xdd: {  	[sflag:s0] =	ssyncadd.s32 @!p0 s1  }
0xde: {  	[bflag:$0x3] =	sbarrier.arrive $0xFFFF  }
0xdf: {  	_ =	shalt  }

// kernel: _run.15.cloned.1.call-start
scs
__scs_entry_jumppad:
0x0: {  	(pc) =	sbr.rel $0x88, $3  }
0x1: {  	(tag) =	ssettag $0x0;
	lr =	simm.s32 $0x1  }
0x2: {  	[smem:$0x3F94] =	sst lr;
	_ =	strace $0xD0000000  }
0x3: {  	_ = 	snop  }
0x4: {  	_ = 	snop  }
0x5: {  	_ = 	snop  }
0x6: {  	_ = 	snop  }
0x7: {  	_ = 	snop  }
__scs_overlays_trampoline_lowered:
0x8: {  	[smem:$0x3FA3] =	sst s0  }
0x9: {  	[smem:$0x3FA4] =	sst s1  }
0xa: {  	[smem:$0x3FA5] =	sst s2  }
0xb: {  	[smem:$0x3FA6] =	sst s3  }
0xc: {  	[smem:$0x3FA7] =	sst s4  }
0xd: {  	[smem:$0x3FA8] =	sst s5  }
0xe: {  	[smem:$0x3FA9] =	sst s6  }
0xf: {  	[smem:$0x3FAA] =	sst s7  }
0x10: {  	[smem:$0x3FAB] =	sst s8  }
0x11: {  	[smem:$0x3FAC] =	sst s9;
	s0 =	simm.s32 @!p0 $0x0  }
0x12: {  	s1 =	sld [smem:$0x3F92];
	s0 =	simm.s32 @p0 $0x1  }
0x13: {  	[smem:$0x3FAD] =	sst s0;
	s0 =	simm.s32 @!p1 $0x0  }
0x14: {  	s2 =	sld [smem:$0x3F91];
	s0 =	simm.s32 @p1 $0x1  }
0x15: {  	[smem:$0x3FAE] =	sst s0;
	s0 =	simm.s32 @!p2 $0x0  }
0x16: {  	s3 =	sld [smem:$0x3FDB];
	s0 =	simm.s32 @p2 $0x1  }
0x17: {  	s4 =	simm.s32 $0x1BF5;
	[smem:$0x3FB0] =	sst s0  }
0x18: {  	s0 =	sld [smem:$0x3F93];
	_ =	swait.ge [sflag:s4], $0x0  }
0x19: {  	s7 =	sld [smem:$0x3F94]  }
0x1a: {  	s8 =	sadd.s32 $0xFFFFE003, lr  }
0x1b: {  	s9 =	sadd.s32 $0xFFFFFEF7, lr;
	s5 =	simm.s32 $0xFFFFFFFF;
	p2 =	slt.u32 s8, $0xFFFFF086  }
0x1c: {  	p1 =	slt.u32 s9, $0xF7A;
	s5 =	simm.s32 @!p2 $0x0  }
0x1d: {  	s5 =	simm.s32 @p1 $0x1;
	p0 =	seq.s32 s7, s2  }
0x1e: {  	s7 =	smul.u32 @!p0 $0xF7A, s2;
	p2 =	seq.s32 @!p0 s5, $0x0  }
0x1f: {  	s9 =	smul.u32 $0xF7A, s1;
	s8 =	simm.s32 @!p0 $0x1BF5;
	p2 =	por !p2, p0  }
0x20: {  	[sflag:s8] =	ssyncset.s32 @!p0 $0xFFFFF086;
	s6 =	sadd.s32 @!p0 s3, s7;
	s7 =	simm.s32 @!p0 $0x108  }
0x21: {  	s3 =	sadd.s32 s3, s9;
	s6 =	sadd.s32 @!p0 $0x88, s6;
	s7 =	simm.s32 @p2 $0x1082  }
0x22: {  	[simem:s7], [sflag:s8] =	dma.local @!p0 [hbm:s6], $0xF7A  }
0x23: {  	s9 =	sor.u32 $0xD0000000, s2;
	s6 =	simm.s32 $0x108;
	_ =	swait.ge @!p0 [sflag:s8], $0x0  }
0x24: {  	s3 =	sadd.s32 $0x88, s3;
	s6 =	simm.s32 @!p1 $0x1082;
	[sflag:s4] =	ssyncset.s32 $0xFFFFF086  }
0x25: {  	[simem:s6], [sflag:s4] =	dma.local [hbm:s3], $0xF7A  }
0x26: {  	[smem:$0x3F94] =	sst s1;
	(tag) =	ssettag s2;
	_ =	strace s9  }
0x27: {  	s1 =	sld [smem:$0x3FA4]  }
0x28: {  	s2 =	sld [smem:$0x3FA5]  }
0x29: {  	s4 =	sld [smem:$0x3FA7]  }
0x2a: {  	p0 =	seq.s32 s5, $0x0;
	s5 =	sld [smem:$0x3FA8]  }
0x2b: {  	s6 =	sld [smem:$0x3FA9]  }
0x2c: {  	s7 =	sld [smem:$0x3FAA]  }
0x2d: {  	s3 =	simm.s32 $0x108;
	s8 =	sld [smem:$0x3FAB]  }
0x2e: {  	s3 =	simm.s32 @!p0 $0x1082;
	s9 =	sld [smem:$0x3FAC]  }
0x2f: {  	lr =	sadd.s32 s0, s3;
	s0 =	sld [smem:$0x3FA3]  }
0x30: {  	s3 =	sld [smem:$0x3FA6]  }
0x31: {  	[smem:$0x3FAF] =	sst s10  }
0x32: {  	s10 =	sld [smem:$0x3FAD];
	_ =	sdelay $0x3  }
0x33: {  	p0 =	seq.s32 s10, $0x1;
	s10 =	sld [smem:$0x3FAF];
	_ =	sdelay $0x3  }
0x34: {  	[smem:$0x3FAF] =	sst s10  }
0x35: {  	s10 =	sld [smem:$0x3FAE];
	_ =	sdelay $0x3  }
0x36: {  	p1 =	seq.s32 s10, $0x1;
	s10 =	sld [smem:$0x3FAF];
	_ =	sdelay $0x3  }
0x37: {  	[smem:$0x3FAF] =	sst s10  }
0x38: {  	s10 =	sld [smem:$0x3FB0]  }
0x39: {  	_ = 	snop;
	(pc) =	sbr.ind lr, $3  }
0x3a: {  	_ = 	snop  }
0x3b: {  	_ = 	snop  }
0x3c: {  	p2 =	seq.s32 s10, $0x1;
	s10 =	sld [smem:$0x3FAF]  }
0x3d: {  	_ =	shalt  }
0x3e: {  	_ =	shalt  }
0x3f: {  	_ =	shalt  }
0x40: {  	_ =	shalt  }
0x41: {  	_ =	shalt  }
0x42: {  	_ =	shalt  }
0x43: {  	_ =	shalt  }
0x44: {  	_ =	shalt  }
0x45: {  	_ =	shalt  }
0x46: {  	_ =	shalt  }
0x47: {  	_ =	shalt  }
0x48: {  	_ =	shalt  }
0x49: {  	_ =	shalt  }
0x4a: {  	_ =	shalt  }
0x4b: {  	_ =	shalt  }
0x4c: {  	_ =	shalt  }
0x4d: {  	_ =	shalt  }
0x4e: {  	_ =	shalt  }
0x4f: {  	_ =	shalt  }
0x50: {  	_ =	shalt  }
0x51: {  	_ =	shalt  }
0x52: {  	_ =	shalt  }
0x53: {  	_ =	shalt  }
0x54: {  	_ =	shalt  }
0x55: {  	_ =	shalt  }
0x56: {  	_ =	shalt  }
0x57: {  	_ =	shalt  }
0x58: {  	_ =	shalt  }
0x59: {  	_ =	shalt  }
0x5a: {  	_ =	shalt  }
0x5b: {  	_ =	shalt  }
0x5c: {  	_ =	shalt  }
0x5d: {  	_ =	shalt  }
0x5e: {  	_ =	shalt  }
0x5f: {  	_ =	shalt  }
0x60: {  	_ =	shalt  }
0x61: {  	_ =	shalt  }
0x62: {  	_ =	shalt  }
0x63: {  	_ =	shalt  }
0x64: {  	_ =	shalt  }
0x65: {  	_ =	shalt  }
0x66: {  	_ =	shalt  }
0x67: {  	_ =	shalt  }
0x68: {  	_ =	shalt  }
0x69: {  	_ =	shalt  }
0x6a: {  	_ =	shalt  }
0x6b: {  	_ =	shalt  }
0x6c: {  	_ =	shalt  }
0x6d: {  	_ =	shalt  }
0x6e: {  	_ =	shalt  }
0x6f: {  	_ =	shalt  }
0x70: {  	_ =	shalt  }
0x71: {  	_ =	shalt  }
0x72: {  	_ =	shalt  }
0x73: {  	_ =	shalt  }
0x74: {  	_ =	shalt  }
0x75: {  	_ =	shalt  }
0x76: {  	_ =	shalt  }
0x77: {  	_ =	shalt  }
0x78: {  	_ =	shalt  }
0x79: {  	_ =	shalt  }
0x7a: {  	_ =	shalt  }
0x7b: {  	_ =	shalt  }
0x7c: {  	_ =	shalt  }
0x7d: {  	_ =	shalt  }
0x7e: {  	_ =	shalt  }
0x7f: {  	_ =	shalt  }
0x80: {  	_ =	shalt  }
0x81: {  	_ =	shalt  }
0x82: {  	_ =	shalt  }
0x83: {  	_ =	shalt  }
0x84: {  	_ =	shalt  }
0x85: {  	_ =	shalt  }
0x86: {  	_ =	shalt  }
0x87: {  	_ =	shalt  }
.Lfunc_end0:
.L_simem_size_0:
called_computation.1_lowered:
.L_overlay_start_0:
0x88: {  	s2 =	sld [smem:$0x3FD9]  }
0x89: {  	s3 =	sld [smem:$0x3FFE];
	_ =	sdelay $0x1  }
0x8a: {  	s1 =	srdreg.scid  }
0x8b: {  	s0 =	sand.u32 $0x1, s1  }
0x8c: {  	s17 =	sshll.u32 s0, $0xA;
	s2 =	sadd.s32 s3, s2  }
0x8d: {  	s2 =	sadd.s32 s2, s17  }
0x8e: {  	[smem:$0x3FBB] =	sst s2  }
0x8f: {  	_ = 	snop  }
0x90: {  	s2 =	sld [smem:$0x3FC8]  }
0x91: {  	s18 =	sld [smem:$0x3FC7];
	(tm) =	ssettm $0x1  }
0x92: {  	s4 =	sld [smem:$0x3FFB];
	_ =	sdelay $0x3  }
0x93: {  	_ =	strace s4  }
0x94: {  	s4 =	sld [smem:$0x3FFC];
	_ =	sdelay $0x3  }
0x95: {  	_ =	strace s4  }
0x96: {  	s4 =	sld [smem:$0x3FFD];
	_ =	sdelay $0x3  }
0x97: {  	_ =	strace s4  }
0x98: {  	_ =	strace $0x8FFFFFFF  }
0x99: {  	s19 =	sld [smem:$0x3FDB];
	_ =	sdelay $0x1  }
0x9a: {  	s5 =	simm.s32 $_scs_section_size  }
0x9b: {  	s6 =	simm.s32 $_size__tile_overlayer_lowered;
	s7 =	simm.s32 $_tile_overlayer_lowered  }
0x9c: {  	s22 =	simm.s32 $0x1BFF;
	s21 =	sshll.u32 s7, $0x1;
	s4 =	sadd.s32 s5, s19  }
0x9d: {  	s8 =	simm.s32 $0x0;
	s20 =	sshll.u32 s6, $0x1;
	s6 =	sadd.s32 s21, s4  }
0x9e: {  	[timem:s8], [sflag:s22] =	dma.local [hbm:s6], s20  }
0x9f: {  	_ =	swait.ge [sflag:s22], s20  }
0xa0: {  	s5 =	ssub.s32 $0x0, s20;
	[sflag:s22] =	ssyncset.done $0x0  }
0xa1: {  	[sflag:s22] =	ssyncadd.s32 s5;
	_ =	sdelay $0x1  }
0xa2: {  	s23 =	simm.s32 $0x1B8B  }
0xa3: {  	_ =	swait.ge [sflag:s23], $0x1  }
0xa4: {  	[sflag:s23] =	ssyncset.done $0x0  }
0xa5: {  	s25 =	simm.s32 $0x1B8E;
	s24 =	sld [smem:$0x3FFE];
	[sflag:s23] =	ssyncadd.s32 $0xFFFFFFFF  }
0xa6: {  	s26 =	simm.s32 $execute0_lowered;
	[smem:$0x3FD2] =	sst s25  }
0xa7: {  	s6 =	sshll.u32 s26, $0x1;
	_ =	strace $0x80000049;
	[dreg:$0x1] =	wrdreg $0xFFFFFFFF  }
0xa8: {  	s28 =	simm.s32 $_size_execute0_lowered;
	s4 =	sadd.s32 s4, s6;
	[dreg:$0x0] =	wrdreg $0x0  }
0xa9: {  	s6 =	sshll.u32 s28, $0x1;
	[dreg:$0x2] =	wrdreg s4  }
0xaa: {  	[dreg:$0x3] =	wrdreg s6  }
0xab: {  	[dreg:$0x4] =	wrdreg $0xC0  }
0xac: {  	_ =	task [dreg:s8], $0x5FFFF  }
0xad: {  	[dreg:$0x1] =	wrdreg $0xFFFFFFFF  }
0xae: {  	[dreg:$0x0] =	wrdreg $0x60  }
0xaf: {  	[dreg:$0x2] =	wrdreg s24  }
0xb0: {  	[dreg:$0x3] =	wrdreg s2  }
0xb1: {  	[dreg:$0x4] =	wrdreg s18  }
0xb2: {  	[dreg:$0x5] =	wrdreg $0x5A000  }
0xb3: {  	[dreg:$0x6] =	wrdreg $0x9  }
0xb4: {  	_ =	task.clear_ibuf [dreg:s8], $0x7FFFF;
	_ =	strace $0x90000049  }
0xb5: {  	s29 =	simm.s32 $0x9;
	_ =	strace $0x8000004B  }
0xb6: {  	_ =	swait.ge [sflag:s29], $0x1  }
0xb7: {  	[sflag:s29] =	ssyncadd.s32 $0xFFFFFFFF  }
0xb8: {  	_ =	strace $0x9000004B  }
0xb9: {  	_ =	sfence  }
0xba: {  	s30 =	sld [smem:$0x0];
	_ =	sdelay $0x2  }
0xbb: {  	s31 =	sshll.u32 s1, $0xD;
	s1 =	sshrl.u32 s1, $0x2  }
0xbc: {  	s3 =	sand.u32 $0x4000, s31;
	s1 =	sadd.s32 s1, s30  }
0xbd: {  	s0 =	sor.u32 s3, s0;
	s1 =	sshll.u32 s1, $0x11  }
0xbe: {  	s0 =	sor.u32 s1, s0  }
0xbf: {  	s0 =	sadd.s32 $0x8F2B, s0  }
0xc0: {  	[sflag:s0] =	ssyncadd.remote.s32 $0x1  }
0xc1: {  	_ =	sfence.sel $0xFFFF  }
0xc2: {  	[dreg:$0x0] =	wrdreg $0xFFFFFFFF;
	(pc) =	sbr.abs _section_cstart, $3  }
0xc3: {  	[dreg:$0x1] =	wrdreg $0xFFFFFFFF  }
0xc4: {  	_ =	task.clear_ibuf [dreg:s8], $0x2FFFF;
	_ =	strace $0x9FFFFFFF  }
0xc5: {  	(tm) =	ssettm $0x7FFFFFFF  }
tec
execute0_lowered:
.L_overlay_start_1:
0x0: {  	(tag) =	ssettag $0x1  }
0x1: {  	s0 =	rddreg [dreg:$0x0]  }
0x2: {  	s1 =	rddreg [dreg:$0x1]  }
0x3: {  	s16 =	rddreg [dreg:$0x2]  }
0x4: {  	s2 =	rddreg [dreg:$0x3]  }
0x5: {  	s4 =	simm.s32 $0x0;
	s6 =	srdreg.scid;
	s3 =	stileid.u32  }
0x6: {  	s18 =	simm.s32 $0x3;
	s19 =	simm.s32 $0x50;
	s20 =	simm.s32 $0x200  }
0x7: {  	s21 =	simm.s32 $0x80;
	s22 =	simm.s32 $0x2A00;
	s28 =	simm.s32 $0x0  }
0x8: {  	[smem:$0x7FF] =	sst s4;
	s5 =	sadd.s32 $0x4000, s0;
	s8 =	smul.u32 $0x4E000, s3  }
0x9: {  	s9 =	sand.u32 $0x1, s6;
	s23 =	sshll.u32 s3, $0x1;
	s13 =	smul.u32 $0x13800, s3  }
0xa: {  	s0 =	sadd.s32 $0x52400, s0;
	s14 =	smul.u32 $0x4E20, s3;
	p0 =	sne.s32 s3, $0xF  }
0xb: {  	_ =	strace $0x8000004A;
	s7 =	ssub.s32 $0x2, s9;
	s25 =	smul.u32 $0x138800, s9  }
0xc: {  	s6 =	sor.u32 s9, s23;
	s15 =	smul.u32 $0x2710, s9;
	s23 =	simm.s32 $0x100  }
0xd: {  	s10 =	sshrl.u32 s7, $0x1;
	s11 =	smul.u32 $0x2710, s6;
	s24 =	sshrl.u32 s8, $0x2  }
0xe: {  	s12 =	ssub.s32 s7, s10;
	s6 =	sadd.s32 s24, s2;
	s7 =	sadd.s32 $0x138000, s2  }
0xf: {  	s13 =	sadd.s32 s13, s25;
	s30 =	sshrl.u32 s25, $0x3;
	s14 =	sadd.s32 s15, s14  }
0x10: {  	s24 =	simm.s32 $0x1;
	s25 =	simm.s32 $0x180;
	s11 =	sshrl.u32 s11, $0x3  }
0x11: {  	s29 =	sshrl.u32 s13, $0x3;
	s12 =	smax.u32 s12, $0x1;
	s31 =	sadd.s32 $0x50, s14  }
0x12: {  	s13 =	sadd.s32 $0xA0, s14;
	s17 =	sshrl.u32 s14, $0x3;
	s26 =	sadd.s32 s1, s11  }
0x13: {  	s11 =	sadd.s32 s16, s11;
	s10 =	sadd.s32 s0, s29;
	s0 =	sadd.s32 s0, s30  }
0x14: {  	s9 =	sadd.s32 $0x4D8, s11;
	s11 =	sadd.s32 $0x27000, s0;
	s0 =	sshrl.u32 s31, $0x3  }
0x15: {  	[dreg:$0x5] =	wrdreg s26;
	s26 =	simm.s32 $0x2;
	s14 =	sadd.s32 s0, s16  }
0x16: {  	v0 =	vimm.f32 $0.0e+00;
	s15 =	sadd.s32 s0, s1;
	s16 =	sadd.s32 s17, s16;
	s17 =	simm.s32 $0x5200  }
.LBB2_1:
0x17: {  	s29 =	simm.s32 $0x0;
	s30 =	simm.s32 $0x200  }
.LBB2_2:
0x18: {  	p1 =	sne.s32 s30, $0x1E00;
	[tilespmem:s29+$0x5270] =	vst v0  }
0x19: {  	[tilespmem:s29+$0x5200] =	vst v0  }
0x1a: {  	[tilespmem:s29+$0x5210] =	vst v0  }
.Ltmp0:
0x1b: {  	[tilespmem:s29+$0x5220] =	vst v0;
	(pc) =	sbr.rel @p1 .LBB2_2-.Ltmp0, $4  }
0x1c: {  	[tilespmem:s29+$0x5230] =	vst v0  }
0x1d: {  	[tilespmem:s29+$0x5240] =	vst v0  }
0x1e: {  	[tilespmem:s29+$0x5250] =	vst v0  }
0x1f: {  	[tilespmem:s29+$0x5260] =	vst v0;
	s29 =	sshra.s32 s30, $0x2;
	s30 =	sadd.s32 $0x200, s30  }
0x20: {  	[tilespmem:s29+$0x5270] =	vst v0  }
0x21: {  	[tilespmem:s29+$0x5200] =	vst v0  }
0x22: {  	[tilespmem:s29+$0x5210] =	vst v0  }
0x23: {  	[tilespmem:s29+$0x5220] =	vst v0  }
0x24: {  	[tilespmem:s29+$0x5230] =	vst v0  }
0x25: {  	[tilespmem:s29+$0x5240] =	vst v0  }
0x26: {  	[tilespmem:s29+$0x5250] =	vst v0  }
0x27: {  	[tilespmem:s29+$0x5260] =	vst v0;
	s0 =	sadd.s32 $0x0, s6  }
0x28: {  	[spmem:s0] =	stream.linear.scatter [tilespmem:s17], [sflag:$0x3], $0x800, $0x38;
	[tilespmem:$0x19280] =	vst v63  }
0x29: {  	s29 =	simm.s32 $0x2000;
	_ =	swait.ge [sflag:s18], $0x800  }
.LBB2_4:
0x2a: {  	s0 =	sshra.s32 s29, $0x2;
	[sflag:s18] =	ssyncset.done $0x0;
	p1 =	sne.s32 s29, $0x4C000  }
.Ltmp1:
0x2b: {  	s0 =	sadd.s32 s0, s6;
	[sflag:s18] =	ssyncadd.s32 $0xFFFFF800;
	(pc) =	sbr.rel @p1 .LBB2_4-.Ltmp1, $3  }
0x2c: {  	[spmem:s0] =	stream.linear.scatter [tilespmem:s17], [sflag:$0x3], $0x800, $0x38;
	[tilespmem:$0x19280] =	vst v63  }
0x2d: {  	s29 =	sadd.s32 $0x2000, s29;
	_ =	sdelay $0x1  }
0x2e: {  	_ =	swait.ge [sflag:s18], $0x800  }
0x2f: {  	[sflag:s18] =	ssyncset.done $0x0  }
0x30: {  	s0 =	simm.s32 @!p0 $0x5200;
	[sflag:s18] =	ssyncadd.s32 $0xFFFFF800  }
0x31: {  	[spmem:s7] =	stream.linear.scatter @!p0 [tilespmem:s0], [sflag:$0x3], $0x800, $0x38;
	[tilespmem:$0x19280] =	vst v63  }
0x32: {  	s0 =	simm.s32 @!p0 $0x3  }
0x33: {  	_ =	swait.ge @!p0 [sflag:s0], $0x800  }
0x34: {  	[sflag:s0] =	ssyncset.done @!p0 $0x0  }
0x35: {  	[sflag:s0] =	ssyncadd.s32 @!p0 $0xFFFFF800  }
0x36: {  	[bflag:$0x0] =	sbarrier.arrive $0xFFFF  }
0x37: {  	s8 =	simm.s32 $0x0;
	s3 =	rddreg [dreg:$0x5]  }
0x38: {  	[tilespmem:s8], [sflag:$0x3] =	stream.linear.gather [hbm4b:s3+s8], $0x50, $0x38;
	[tilespmem:$0x19280] =	vst v63  }
0x39: {  	_ =	swait.ge [sflag:s18], $0x50  }
0x3a: {  	[sflag:s18] =	ssyncset.done $0x0  }
0x3b: {  	[sflag:s18] =	ssyncadd.s32 $0xFFFFFFB0  }
0x3c: {  	[tilespmem:s20], [sflag:$0x1] =	stream.indirect.gather [hbm4b:s5+s19], $0x80, s8, s19, $0xb8;
	[tilespmem:$0x19280] =	vst v63  }
0x3d: {  	s3 =	sadd.s32 $0x0, s15  }
0x3e: {  	[tilespmem:s21], [sflag:$0x3] =	stream.linear.gather [hbm4b:s3+s4], $0x50, $0x38;
	[tilespmem:$0x19280] =	vst v63  }
0x3f: {  	_ =	swait.ge [sflag:s18], $0x50  }
0x40: {  	[sflag:s18] =	ssyncset.done $0x0  }
0x41: {  	[sflag:s18] =	ssyncadd.s32 $0xFFFFFFB0  }
0x42: {  	[tilespmem:s22], [sflag:$0x2] =	stream.indirect.gather [hbm4b:s5+s19], $0x80, s21, s19, $0xb8;
	[tilespmem:$0x19280] =	vst v63  }
0x43: {  	s8 =	sadd.s32 $0x0, s16  }
0x44: {  	[tilespmem:s23], [sflag:$0x3] =	stream.linear.gather [hbm4b:s8+s4], $0x50, $0x38;
	[tilespmem:$0x19280] =	vst v63  }
0x45: {  	_ =	swait.ge [sflag:s18], $0x50  }
0x46: {  	[sflag:s18] =	ssyncset.done $0x0  }
0x47: {  	[sflag:s18] =	ssyncadd.s32 $0xFFFFFFB0  }
0x48: {  	_ =	swait.ge [sflag:s24], $0x2800  }
0x49: {  	[sflag:s24] =	ssyncset.done $0x0  }
0x4a: {  	[sflag:s24] =	ssyncadd.s32 $0xFFFFD800  }
0x4b: {  	[spmem:s2] =	stream.indirect.scatter.add.f32 [tilespmem:s20], [sflag:$0x3], $0x80, s23, s19, $0xb8;
	[tilespmem:$0x19280] =	vst v63  }
0x4c: {  	_ =	swait.ge [sflag:s18], $0x2800  }
0x4d: {  	s3 =	sshrl.u32 s13, $0x3;
	[sflag:s18] =	ssyncset.done $0x0  }
0x4e: {  	s0 =	sadd.s32 s1, s3;
	[sflag:s18] =	ssyncadd.s32 $0xFFFFD800  }
0x4f: {  	[tilespmem:s4], [sflag:$0x3] =	stream.linear.gather [hbm4b:s0+s4], $0x50, $0x38;
	[tilespmem:$0x19280] =	vst v63  }
0x50: {  	_ =	swait.ge [sflag:s18], $0x50  }
0x51: {  	[sflag:s18] =	ssyncset.done $0x0  }
0x52: {  	[sflag:s18] =	ssyncadd.s32 $0xFFFFFFB0  }
0x53: {  	[tilespmem:s20], [sflag:$0x1] =	stream.indirect.gather [hbm4b:s5+s19], $0x80, s4, s19, $0xb8;
	[tilespmem:$0x19280] =	vst v63  }
0x54: {  	s8 =	sadd.s32 $0x0, s14  }
0x55: {  	[tilespmem:s25], [sflag:$0x3] =	stream.linear.gather [hbm4b:s8+s4], $0x50, $0x38;
	[tilespmem:$0x19280] =	vst v63  }
0x56: {  	_ =	swait.ge [sflag:s18], $0x50  }
0x57: {  	[sflag:s18] =	ssyncset.done $0x0  }
0x58: {  	[sflag:s18] =	ssyncadd.s32 $0xFFFFFFB0  }
0x59: {  	_ =	swait.ge [sflag:s26], $0x2800  }
0x5a: {  	[sflag:s26] =	ssyncset.done $0x0  }
0x5b: {  	[sflag:s26] =	ssyncadd.s32 $0xFFFFD800  }
0x5c: {  	[spmem:s2] =	stream.indirect.scatter.add.f32 [tilespmem:s22], [sflag:$0x3], $0x80, s25, s19, $0xb8;
	[tilespmem:$0x19280] =	vst v63  }
0x5d: {  	s29 =	simm.s32 $0x14;
	_ =	swait.ge [sflag:s18], $0x2800  }
0x5e: {  	s31 =	simm.s32 $0x28;
	s30 =	sadd.s32 $0xA0, s13;
	[sflag:s18] =	ssyncset.done $0x0  }
.LBB2_6:
0x5f: {  	s3 =	sadd.s32 s29, s15  }
0x60: {  	[sflag:s18] =	ssyncadd.s32 $0xFFFFD800;
	s8 =	smov.u32 s31;
	s0 =	sadd.s32 $0x14, s31  }
0x61: {  	[tilespmem:s21], [sflag:$0x3] =	stream.linear.gather [hbm4b:s3+s4], $0x50, $0x38;
	[tilespmem:$0x19280] =	vst v63  }
0x62: {  	p1 =	sne.s32 s31, $0x4C4;
	_ =	swait.ge [sflag:s18], $0x50  }
0x63: {  	[sflag:s18] =	ssyncset.done $0x0  }
0x64: {  	[sflag:s18] =	ssyncadd.s32 $0xFFFFFFB0  }
0x65: {  	[tilespmem:s22], [sflag:$0x2] =	stream.indirect.gather [hbm4b:s5+s19], $0x80, s21, s19, $0xb8;
	[tilespmem:$0x19280] =	vst v63  }
0x66: {  	s3 =	sadd.s32 s29, s16  }
0x67: {  	[tilespmem:s23], [sflag:$0x3] =	stream.linear.gather [hbm4b:s3+s4], $0x50, $0x38;
	[tilespmem:$0x19280] =	vst v63  }
0x68: {  	_ =	swait.ge [sflag:s18], $0x50  }
0x69: {  	[sflag:s18] =	ssyncset.done $0x0  }
0x6a: {  	[sflag:s18] =	ssyncadd.s32 $0xFFFFFFB0  }
0x6b: {  	_ =	swait.ge [sflag:s24], $0x2800  }
0x6c: {  	[sflag:s24] =	ssyncset.done $0x0  }
0x6d: {  	[sflag:s24] =	ssyncadd.s32 $0xFFFFD800  }
0x6e: {  	[spmem:s2] =	stream.indirect.scatter.add.f32 [tilespmem:s20], [sflag:$0x3], $0x80, s23, s19, $0xb8;
	[tilespmem:$0x19280] =	vst v63  }
0x6f: {  	_ =	swait.ge [sflag:s18], $0x2800  }
0x70: {  	s3 =	sshrl.u32 s30, $0x3;
	[sflag:s18] =	ssyncset.done $0x0  }
0x71: {  	s3 =	sadd.s32 s1, s3;
	[sflag:s18] =	ssyncadd.s32 $0xFFFFD800  }
0x72: {  	[tilespmem:s4], [sflag:$0x3] =	stream.linear.gather [hbm4b:s3+s4], $0x50, $0x38;
	[tilespmem:$0x19280] =	vst v63  }
0x73: {  	_ =	swait.ge [sflag:s18], $0x50  }
0x74: {  	[sflag:s18] =	ssyncset.done $0x0  }
0x75: {  	[sflag:s18] =	ssyncadd.s32 $0xFFFFFFB0  }
0x76: {  	[tilespmem:s20], [sflag:$0x1] =	stream.indirect.gather [hbm4b:s5+s19], $0x80, s4, s19, $0xb8;
	[tilespmem:$0x19280] =	vst v63  }
0x77: {  	s3 =	sadd.s32 s29, s14;
	s29 =	smov.u32 s8  }
0x78: {  	[tilespmem:s25], [sflag:$0x3] =	stream.linear.gather [hbm4b:s3+s4], $0x50, $0x38;
	[tilespmem:$0x19280] =	vst v63  }
0x79: {  	_ =	swait.ge [sflag:s18], $0x50  }
0x7a: {  	[sflag:s18] =	ssyncset.done $0x0  }
0x7b: {  	[sflag:s18] =	ssyncadd.s32 $0xFFFFFFB0  }
0x7c: {  	_ =	swait.ge [sflag:s26], $0x2800  }
.Ltmp2:
0x7d: {  	[sflag:s26] =	ssyncset.done $0x0;
	(pc) =	sbr.rel @p1 .LBB2_6-.Ltmp2, $4  }
0x7e: {  	[sflag:s26] =	ssyncadd.s32 $0xFFFFD800  }
0x7f: {  	[spmem:s2] =	stream.indirect.scatter.add.f32 [tilespmem:s22], [sflag:$0x3], $0x80, s25, s19, $0xb8;
	[tilespmem:$0x19280] =	vst v63  }
0x80: {  	_ =	swait.ge [sflag:s18], $0x2800  }
0x81: {  	s31 =	smov.u32 s0;
	s30 =	sadd.s32 $0xA0, s30;
	[sflag:s18] =	ssyncset.done $0x0  }
0x82: {  	s0 =	sadd.s32 s29, s15;
	[sflag:s18] =	ssyncadd.s32 $0xFFFFD800  }
0x83: {  	[tilespmem:s21], [sflag:$0x3] =	stream.linear.gather [hbm4b:s0+s4], $0x50, $0x38;
	[tilespmem:$0x19280] =	vst v63  }
0x84: {  	_ =	swait.ge [sflag:s18], $0x50  }
0x85: {  	[sflag:s18] =	ssyncset.done $0x0  }
0x86: {  	[sflag:s18] =	ssyncadd.s32 $0xFFFFFFB0  }
0x87: {  	[tilespmem:s22], [sflag:$0x2] =	stream.indirect.gather [hbm4b:s5+s19], $0x80, s21, s19, $0xb8;
	[tilespmem:$0x19280] =	vst v63  }
0x88: {  	s3 =	sadd.s32 s29, s16  }
0x89: {  	[tilespmem:s23], [sflag:$0x3] =	stream.linear.gather [hbm4b:s3+s4], $0x50, $0x38;
	[tilespmem:$0x19280] =	vst v63  }
0x8a: {  	_ =	swait.ge [sflag:s18], $0x50  }
0x8b: {  	[sflag:s18] =	ssyncset.done $0x0  }
0x8c: {  	[sflag:s18] =	ssyncadd.s32 $0xFFFFFFB0  }
0x8d: {  	_ =	swait.ge [sflag:s24], $0x2800  }
0x8e: {  	[sflag:s24] =	ssyncset.done $0x0  }
0x8f: {  	[sflag:s24] =	ssyncadd.s32 $0xFFFFD800  }
0x90: {  	[spmem:s2] =	stream.indirect.scatter.add.f32 [tilespmem:s20], [sflag:$0x3], $0x80, s23, s19, $0xb8;
	[tilespmem:$0x19280] =	vst v63  }
0x91: {  	_ =	swait.ge [sflag:s18], $0x2800  }
0x92: {  	s8 =	sshrl.u32 s30, $0x3;
	[sflag:s18] =	ssyncset.done $0x0  }
0x93: {  	s0 =	sadd.s32 s1, s8;
	[sflag:s18] =	ssyncadd.s32 $0xFFFFD800  }
0x94: {  	[tilespmem:s4], [sflag:$0x3] =	stream.linear.gather [hbm4b:s0+s4], $0x50, $0x38;
	[tilespmem:$0x19280] =	vst v63  }
0x95: {  	_ =	swait.ge [sflag:s18], $0x50  }
0x96: {  	[sflag:s18] =	ssyncset.done $0x0  }
0x97: {  	[sflag:s18] =	ssyncadd.s32 $0xFFFFFFB0  }
0x98: {  	[tilespmem:s20], [sflag:$0x1] =	stream.indirect.gather [hbm4b:s5+s19], $0x80, s4, s19, $0xb8;
	[tilespmem:$0x19280] =	vst v63  }
0x99: {  	s30 =	sadd.s32 s29, s14  }
0x9a: {  	[tilespmem:s25], [sflag:$0x3] =	stream.linear.gather [hbm4b:s30+s4], $0x50, $0x38;
	[tilespmem:$0x19280] =	vst v63  }
0x9b: {  	_ =	swait.ge [sflag:s18], $0x50  }
0x9c: {  	[sflag:s18] =	ssyncset.done $0x0  }
0x9d: {  	[sflag:s18] =	ssyncadd.s32 $0xFFFFFFB0  }
0x9e: {  	_ =	swait.ge [sflag:s26], $0x2800  }
0x9f: {  	[sflag:s26] =	ssyncset.done $0x0  }
0xa0: {  	[sflag:s26] =	ssyncadd.s32 $0xFFFFD800  }
0xa1: {  	[spmem:s2] =	stream.indirect.scatter.add.f32 [tilespmem:s22], [sflag:$0x3], $0x80, s25, s19, $0xb8;
	[tilespmem:$0x19280] =	vst v63  }
0xa2: {  	_ =	swait.ge [sflag:s18], $0x2800  }
0xa3: {  	[sflag:s18] =	ssyncset.done $0x0  }
0xa4: {  	[sflag:s18] =	ssyncadd.s32 $0xFFFFD800  }
0xa5: {  	[tilespmem:s23], [sflag:$0x3] =	stream.linear.gather [hbm4b:s9+s4], $0x50, $0x38;
	[tilespmem:$0x19280] =	vst v63  }
0xa6: {  	_ =	swait.ge [sflag:s18], $0x50  }
0xa7: {  	[sflag:s18] =	ssyncset.done $0x0  }
0xa8: {  	[sflag:s18] =	ssyncadd.s32 $0xFFFFFFB0  }
0xa9: {  	_ =	swait.ge [sflag:s24], $0x2800  }
0xaa: {  	[sflag:s24] =	ssyncset.done $0x0  }
0xab: {  	[sflag:s24] =	ssyncadd.s32 $0xFFFFD800  }
0xac: {  	[spmem:s2] =	stream.indirect.scatter.add.f32 [tilespmem:s20], [sflag:$0x3], $0x80, s23, s19, $0xb8;
	[tilespmem:$0x19280] =	vst v63  }
0xad: {  	_ =	swait.ge [sflag:s18], $0x2800  }
0xae: {  	s31 =	stileid.u32;
	[sflag:s18] =	ssyncset.done $0x0  }
0xaf: {  	s0 =	sshll.u32 s31, $0x6;
	[sflag:s18] =	ssyncadd.s32 $0xFFFFD800  }
0xb0: {  	s3 =	sshrl.u32 s6, $0x3;
	s0 =	sor.u32 $0x1C03, s0;
	[bflag:$0x0] =	sbarrier.arrive $0xFFFF  }
0xb1: {  	[hbm:s10], [sflag:s0] =	dma.local [spmem:s3], $0x2700  }
0xb2: {  	_ =	swait.ge [sflag:s18], $0x2700  }
0xb3: {  	s28 =	sadd.s32 $0x1, s28;
	[sflag:s18] =	ssyncset.done $0x0  }
0xb4: {  	p1 =	sne.s32 s28, s12;
	s3 =	sshrl.u32 @!p0 s7, $0x3;
	[sflag:s18] =	ssyncadd.s32 $0xFFFFD900  }
0xb5: {  	[hbm:s11], [sflag:s0] =	dma.local @!p0 [spmem:s3], $0x100  }
.Ltmp3:
0xb6: {  	_ = 	snop;
	(pc) =	sbr.rel @p1 .LBB2_1-.Ltmp3, $4  }
0xb7: {  	s0 =	simm.s32 @!p0 $0x3  }
0xb8: {  	_ =	swait.ge @!p0 [sflag:s0], $0x100  }
0xb9: {  	[sflag:s0] =	ssyncset.done @!p0 $0x0  }
0xba: {  	[sflag:s0] =	ssyncadd.s32 @!p0 $0xFFFFFF00  }
0xbb: {  	_ =	sfence.sel $0x180000  }
0xbc: {  	[bflag:$0x0] =	sbarrier.arrive $0xFFFF  }
0xbd: {  	_ =	strace $0x9000004A  }
0xbe: {  	s0 =	stileid.u32;
	[bflag:$0x2] =	sbarrier.arrive $0xFFFF  }
0xbf: {  	p0 =	sne.s32 s0, $0x0;
	s0 =	rddreg [dreg:$0x4]  }
0xc0: {  	s0 =	sadd.s32 @!p0 $0x100000, s0  }
0xc1: {  	[sflag:s0] =	ssyncadd.tile.s32 @!p0 $0x1;
	_ =	shalt  }
.Lfunc_end2:
_tile_overlayer_lowered:
.L_overlay_start_2:
0xc2: {  	(tag) =	ssettag $0x2  }
0xc3: {  	s0 =	rddreg [dreg:$0x0];
	s2 =	stileid.u32  }
0xc4: {  	s1 =	rddreg [dreg:$0x1];
	p0 =	sne.s32 s2, $0x0  }
0xc5: {  	s3 =	rddreg [dreg:$0x2];
	[bflag:$0x3] =	sbarrier.arrive $0xFFFF;
	s2 =	simm.s32 @!p0 $0x1C03  }
0xc6: {  	[timem:s3], [sflag:s2] =	dma.local @!p0 [hbm:s0], s1  }
0xc7: {  	s0 =	simm.s32 @!p0 $0x3  }
0xc8: {  	_ =	swait.ge @!p0 [sflag:s0], s1  }
0xc9: {  	s1 =	ssub.s32 @!p0 $0x0, s1;
	[sflag:s0] =	ssyncset.done @!p0 $0x0  }
0xca: {  	[sflag:s0] =	ssyncadd.s32 @!p0 s1  }
0xcb: {  	[bflag:$0x3] =	sbarrier.arrive $0xFFFF  }
0xcc: {  	_ =	shalt  }

// kernel: _run.18.cloned.1.call-start
scs
__scs_entry_jumppad:
0x0: {  	(pc) =	sbr.rel $0x88, $3  }
0x1: {  	(tag) =	ssettag $0x0;
	lr =	simm.s32 $0x1  }
0x2: {  	[smem:$0x3F94] =	sst lr;
	_ =	strace $0xD0000000  }
0x3: {  	_ = 	snop  }
0x4: {  	_ = 	snop  }
0x5: {  	_ = 	snop  }
0x6: {  	_ = 	snop  }
0x7: {  	_ = 	snop  }
__scs_overlays_trampoline_lowered:
0x8: {  	[smem:$0x3FA3] =	sst s0  }
0x9: {  	[smem:$0x3FA4] =	sst s1  }
0xa: {  	[smem:$0x3FA5] =	sst s2  }
0xb: {  	[smem:$0x3FA6] =	sst s3  }
0xc: {  	[smem:$0x3FA7] =	sst s4  }
0xd: {  	[smem:$0x3FA8] =	sst s5  }
0xe: {  	[smem:$0x3FA9] =	sst s6  }
0xf: {  	[smem:$0x3FAA] =	sst s7  }
0x10: {  	[smem:$0x3FAB] =	sst s8  }
0x11: {  	[smem:$0x3FAC] =	sst s9;
	s0 =	simm.s32 @!p0 $0x0  }
0x12: {  	s1 =	sld [smem:$0x3F92];
	s0 =	simm.s32 @p0 $0x1  }
0x13: {  	[smem:$0x3FAD] =	sst s0;
	s0 =	simm.s32 @!p1 $0x0  }
0x14: {  	s2 =	sld [smem:$0x3F91];
	s0 =	simm.s32 @p1 $0x1  }
0x15: {  	[smem:$0x3FAE] =	sst s0;
	s0 =	simm.s32 @!p2 $0x0  }
0x16: {  	s3 =	sld [smem:$0x3FDB];
	s0 =	simm.s32 @p2 $0x1  }
0x17: {  	s4 =	simm.s32 $0x1BF5;
	[smem:$0x3FB0] =	sst s0  }
0x18: {  	s0 =	sld [smem:$0x3F93];
	_ =	swait.ge [sflag:s4], $0x0  }
0x19: {  	s7 =	sld [smem:$0x3F94]  }
0x1a: {  	s8 =	sadd.s32 $0xFFFFE003, lr  }
0x1b: {  	s9 =	sadd.s32 $0xFFFFFEF7, lr;
	s5 =	simm.s32 $0xFFFFFFFF;
	p2 =	slt.u32 s8, $0xFFFFF086  }
0x1c: {  	p1 =	slt.u32 s9, $0xF7A;
	s5 =	simm.s32 @!p2 $0x0  }
0x1d: {  	s5 =	simm.s32 @p1 $0x1;
	p0 =	seq.s32 s7, s2  }
0x1e: {  	s7 =	smul.u32 @!p0 $0xF7A, s2;
	p2 =	seq.s32 @!p0 s5, $0x0  }
0x1f: {  	s9 =	smul.u32 $0xF7A, s1;
	s8 =	simm.s32 @!p0 $0x1BF5;
	p2 =	por !p2, p0  }
0x20: {  	[sflag:s8] =	ssyncset.s32 @!p0 $0xFFFFF086;
	s6 =	sadd.s32 @!p0 s3, s7;
	s7 =	simm.s32 @!p0 $0x108  }
0x21: {  	s3 =	sadd.s32 s3, s9;
	s6 =	sadd.s32 @!p0 $0x88, s6;
	s7 =	simm.s32 @p2 $0x1082  }
0x22: {  	[simem:s7], [sflag:s8] =	dma.local @!p0 [hbm:s6], $0xF7A  }
0x23: {  	s9 =	sor.u32 $0xD0000000, s2;
	s6 =	simm.s32 $0x108;
	_ =	swait.ge @!p0 [sflag:s8], $0x0  }
0x24: {  	s3 =	sadd.s32 $0x88, s3;
	s6 =	simm.s32 @!p1 $0x1082;
	[sflag:s4] =	ssyncset.s32 $0xFFFFF086  }
0x25: {  	[simem:s6], [sflag:s4] =	dma.local [hbm:s3], $0xF7A  }
0x26: {  	[smem:$0x3F94] =	sst s1;
	(tag) =	ssettag s2;
	_ =	strace s9  }
0x27: {  	s1 =	sld [smem:$0x3FA4]  }
0x28: {  	s2 =	sld [smem:$0x3FA5]  }
0x29: {  	s4 =	sld [smem:$0x3FA7]  }
0x2a: {  	p0 =	seq.s32 s5, $0x0;
	s5 =	sld [smem:$0x3FA8]  }
0x2b: {  	s6 =	sld [smem:$0x3FA9]  }
0x2c: {  	s7 =	sld [smem:$0x3FAA]  }
0x2d: {  	s3 =	simm.s32 $0x108;
	s8 =	sld [smem:$0x3FAB]  }
0x2e: {  	s3 =	simm.s32 @!p0 $0x1082;
	s9 =	sld [smem:$0x3FAC]  }
0x2f: {  	lr =	sadd.s32 s0, s3;
	s0 =	sld [smem:$0x3FA3]  }
0x30: {  	s3 =	sld [smem:$0x3FA6]  }
0x31: {  	[smem:$0x3FAF] =	sst s10  }
0x32: {  	s10 =	sld [smem:$0x3FAD];
	_ =	sdelay $0x3  }
0x33: {  	p0 =	seq.s32 s10, $0x1;
	s10 =	sld [smem:$0x3FAF];
	_ =	sdelay $0x3  }
0x34: {  	[smem:$0x3FAF] =	sst s10  }
0x35: {  	s10 =	sld [smem:$0x3FAE];
	_ =	sdelay $0x3  }
0x36: {  	p1 =	seq.s32 s10, $0x1;
	s10 =	sld [smem:$0x3FAF];
	_ =	sdelay $0x3  }
0x37: {  	[smem:$0x3FAF] =	sst s10  }
0x38: {  	s10 =	sld [smem:$0x3FB0]  }
0x39: {  	_ = 	snop;
	(pc) =	sbr.ind lr, $3  }
0x3a: {  	_ = 	snop  }
0x3b: {  	_ = 	snop  }
0x3c: {  	p2 =	seq.s32 s10, $0x1;
	s10 =	sld [smem:$0x3FAF]  }
0x3d: {  	_ =	shalt  }
0x3e: {  	_ =	shalt  }
0x3f: {  	_ =	shalt  }
0x40: {  	_ =	shalt  }
0x41: {  	_ =	shalt  }
0x42: {  	_ =	shalt  }
0x43: {  	_ =	shalt  }
0x44: {  	_ =	shalt  }
0x45: {  	_ =	shalt  }
0x46: {  	_ =	shalt  }
0x47: {  	_ =	shalt  }
0x48: {  	_ =	shalt  }
0x49: {  	_ =	shalt  }
0x4a: {  	_ =	shalt  }
0x4b: {  	_ =	shalt  }
0x4c: {  	_ =	shalt  }
0x4d: {  	_ =	shalt  }
0x4e: {  	_ =	shalt  }
0x4f: {  	_ =	shalt  }
0x50: {  	_ =	shalt  }
0x51: {  	_ =	shalt  }
0x52: {  	_ =	shalt  }
0x53: {  	_ =	shalt  }
0x54: {  	_ =	shalt  }
0x55: {  	_ =	shalt  }
0x56: {  	_ =	shalt  }
0x57: {  	_ =	shalt  }
0x58: {  	_ =	shalt  }
0x59: {  	_ =	shalt  }
0x5a: {  	_ =	shalt  }
0x5b: {  	_ =	shalt  }
0x5c: {  	_ =	shalt  }
0x5d: {  	_ =	shalt  }
0x5e: {  	_ =	shalt  }
0x5f: {  	_ =	shalt  }
0x60: {  	_ =	shalt  }
0x61: {  	_ =	shalt  }
0x62: {  	_ =	shalt  }
0x63: {  	_ =	shalt  }
0x64: {  	_ =	shalt  }
0x65: {  	_ =	shalt  }
0x66: {  	_ =	shalt  }
0x67: {  	_ =	shalt  }
0x68: {  	_ =	shalt  }
0x69: {  	_ =	shalt  }
0x6a: {  	_ =	shalt  }
0x6b: {  	_ =	shalt  }
0x6c: {  	_ =	shalt  }
0x6d: {  	_ =	shalt  }
0x6e: {  	_ =	shalt  }
0x6f: {  	_ =	shalt  }
0x70: {  	_ =	shalt  }
0x71: {  	_ =	shalt  }
0x72: {  	_ =	shalt  }
0x73: {  	_ =	shalt  }
0x74: {  	_ =	shalt  }
0x75: {  	_ =	shalt  }
0x76: {  	_ =	shalt  }
0x77: {  	_ =	shalt  }
0x78: {  	_ =	shalt  }
0x79: {  	_ =	shalt  }
0x7a: {  	_ =	shalt  }
0x7b: {  	_ =	shalt  }
0x7c: {  	_ =	shalt  }
0x7d: {  	_ =	shalt  }
0x7e: {  	_ =	shalt  }
0x7f: {  	_ =	shalt  }
0x80: {  	_ =	shalt  }
0x81: {  	_ =	shalt  }
0x82: {  	_ =	shalt  }
0x83: {  	_ =	shalt  }
0x84: {  	_ =	shalt  }
0x85: {  	_ =	shalt  }
0x86: {  	_ =	shalt  }
0x87: {  	_ =	shalt  }
.Lfunc_end0:
.L_simem_size_0:
called_computation.2_lowered:
.L_overlay_start_0:
0x88: {  	s2 =	sld [smem:$0x3FD9]  }
0x89: {  	s3 =	sld [smem:$0x3FFE];
	_ =	sdelay $0x1  }
0x8a: {  	s1 =	srdreg.scid  }
0x8b: {  	s0 =	sand.u32 $0x1, s1  }
0x8c: {  	s17 =	sshll.u32 s0, $0xA;
	s2 =	sadd.s32 s3, s2  }
0x8d: {  	s2 =	sadd.s32 s2, s17  }
0x8e: {  	[smem:$0x3FBB] =	sst s2  }
0x8f: {  	_ = 	snop  }
0x90: {  	s2 =	sld [smem:$0x3FC8]  }
0x91: {  	s18 =	sld [smem:$0x3FC7];
	(tm) =	ssettm $0x1  }
0x92: {  	s4 =	sld [smem:$0x3FFB];
	_ =	sdelay $0x3  }
0x93: {  	_ =	strace s4  }
0x94: {  	s4 =	sld [smem:$0x3FFC];
	_ =	sdelay $0x3  }
0x95: {  	_ =	strace s4  }
0x96: {  	s4 =	sld [smem:$0x3FFD];
	_ =	sdelay $0x3  }
0x97: {  	_ =	strace s4  }
0x98: {  	_ =	strace $0x8FFFFFFF  }
0x99: {  	s19 =	sld [smem:$0x3FDB];
	_ =	sdelay $0x1  }
0x9a: {  	s5 =	simm.s32 $_scs_section_size  }
0x9b: {  	s6 =	simm.s32 $_size__tile_overlayer_lowered;
	s7 =	simm.s32 $_tile_overlayer_lowered  }
0x9c: {  	s22 =	simm.s32 $0x1BFF;
	s21 =	sshll.u32 s7, $0x1;
	s4 =	sadd.s32 s5, s19  }
0x9d: {  	s8 =	simm.s32 $0x0;
	s20 =	sshll.u32 s6, $0x1;
	s6 =	sadd.s32 s21, s4  }
0x9e: {  	[timem:s8], [sflag:s22] =	dma.local [hbm:s6], s20  }
0x9f: {  	_ =	swait.ge [sflag:s22], s20  }
0xa0: {  	s5 =	ssub.s32 $0x0, s20;
	[sflag:s22] =	ssyncset.done $0x0  }
0xa1: {  	[sflag:s22] =	ssyncadd.s32 s5;
	_ =	sdelay $0x1  }
0xa2: {  	s23 =	simm.s32 $0x1B8B  }
0xa3: {  	_ =	swait.ge [sflag:s23], $0x1  }
0xa4: {  	[sflag:s23] =	ssyncset.done $0x0  }
0xa5: {  	s25 =	simm.s32 $0x1B8E;
	s24 =	sld [smem:$0x3FFE];
	[sflag:s23] =	ssyncadd.s32 $0xFFFFFFFF  }
0xa6: {  	s26 =	simm.s32 $execute0_lowered;
	[smem:$0x3FD2] =	sst s25  }
0xa7: {  	s6 =	sshll.u32 s26, $0x1;
	_ =	strace $0x8000004C;
	[dreg:$0x1] =	wrdreg $0xFFFFFFFF  }
0xa8: {  	s28 =	simm.s32 $_size_execute0_lowered;
	s4 =	sadd.s32 s4, s6;
	[dreg:$0x0] =	wrdreg $0x0  }
0xa9: {  	s6 =	sshll.u32 s28, $0x1;
	[dreg:$0x2] =	wrdreg s4  }
0xaa: {  	[dreg:$0x3] =	wrdreg s6  }
0xab: {  	[dreg:$0x4] =	wrdreg $0xC0  }
0xac: {  	_ =	task [dreg:s8], $0x5FFFF  }
0xad: {  	[dreg:$0x1] =	wrdreg $0xFFFFFFFF  }
0xae: {  	[dreg:$0x0] =	wrdreg $0x60  }
0xaf: {  	[dreg:$0x2] =	wrdreg s24  }
0xb0: {  	[dreg:$0x3] =	wrdreg s2  }
0xb1: {  	[dreg:$0x4] =	wrdreg s18  }
0xb2: {  	[dreg:$0x5] =	wrdreg $0x5A000  }
0xb3: {  	[dreg:$0x6] =	wrdreg $0x9  }
0xb4: {  	_ =	task.clear_ibuf [dreg:s8], $0x7FFFF;
	_ =	strace $0x9000004C  }
0xb5: {  	s29 =	simm.s32 $0x9;
	_ =	strace $0x8000004E  }
0xb6: {  	_ =	swait.ge [sflag:s29], $0x1  }
0xb7: {  	[sflag:s29] =	ssyncadd.s32 $0xFFFFFFFF  }
0xb8: {  	_ =	strace $0x9000004E  }
0xb9: {  	_ =	sfence  }
0xba: {  	s30 =	sld [smem:$0x0];
	_ =	sdelay $0x2  }
0xbb: {  	s31 =	sshll.u32 s1, $0xD;
	s1 =	sshrl.u32 s1, $0x2  }
0xbc: {  	s3 =	sand.u32 $0x4000, s31;
	s1 =	sadd.s32 s1, s30  }
0xbd: {  	s0 =	sor.u32 s3, s0;
	s1 =	sshll.u32 s1, $0x11  }
0xbe: {  	s0 =	sor.u32 s1, s0  }
0xbf: {  	s0 =	sadd.s32 $0x8F2B, s0  }
0xc0: {  	[sflag:s0] =	ssyncadd.remote.s32 $0x1  }
0xc1: {  	_ =	sfence.sel $0xFFFF  }
0xc2: {  	[dreg:$0x0] =	wrdreg $0xFFFFFFFF;
	(pc) =	sbr.abs _section_cstart, $3  }
0xc3: {  	[dreg:$0x1] =	wrdreg $0xFFFFFFFF  }
0xc4: {  	_ =	task.clear_ibuf [dreg:s8], $0x2FFFF;
	_ =	strace $0x9FFFFFFF  }
0xc5: {  	(tm) =	ssettm $0x7FFFFFFF  }
tec
execute0_lowered:
.L_overlay_start_1:
0x0: {  	(tag) =	ssettag $0x1  }
0x1: {  	s0 =	rddreg [dreg:$0x0]  }
0x2: {  	s1 =	rddreg [dreg:$0x1]  }
0x3: {  	s16 =	rddreg [dreg:$0x2]  }
0x4: {  	s2 =	rddreg [dreg:$0x3]  }
0x5: {  	s4 =	simm.s32 $0x0;
	s6 =	srdreg.scid;
	s3 =	stileid.u32  }
0x6: {  	s18 =	simm.s32 $0x3;
	s19 =	simm.s32 $0x50;
	s20 =	simm.s32 $0x200  }
0x7: {  	s21 =	simm.s32 $0x80;
	s22 =	simm.s32 $0x2A00;
	s28 =	simm.s32 $0x0  }
0x8: {  	[smem:$0x7FF] =	sst s4;
	s5 =	sadd.s32 $0x4000, s0;
	s8 =	smul.u32 $0x4E000, s3  }
0x9: {  	s9 =	sand.u32 $0x1, s6;
	s23 =	sshll.u32 s3, $0x1;
	s13 =	smul.u32 $0x13800, s3  }
0xa: {  	s0 =	sadd.s32 $0x2B200, s0;
	s14 =	smul.u32 $0x4E20, s3;
	p0 =	sne.s32 s3, $0xF  }
0xb: {  	_ =	strace $0x8000004D;
	s7 =	ssub.s32 $0x2, s9;
	s25 =	smul.u32 $0x138800, s9  }
0xc: {  	s6 =	sor.u32 s9, s23;
	s15 =	smul.u32 $0x2710, s9;
	s23 =	simm.s32 $0x100  }
0xd: {  	s10 =	sshrl.u32 s7, $0x1;
	s11 =	smul.u32 $0x2710, s6;
	s24 =	sshrl.u32 s8, $0x2  }
0xe: {  	s12 =	ssub.s32 s7, s10;
	s6 =	sadd.s32 s24, s2;
	s7 =	sadd.s32 $0x138000, s2  }
0xf: {  	s13 =	sadd.s32 s13, s25;
	s30 =	sshrl.u32 s25, $0x3;
	s14 =	sadd.s32 s15, s14  }
0x10: {  	s24 =	simm.s32 $0x1;
	s25 =	simm.s32 $0x180;
	s11 =	sshrl.u32 s11, $0x3  }
0x11: {  	s29 =	sshrl.u32 s13, $0x3;
	s12 =	smax.u32 s12, $0x1;
	s31 =	sadd.s32 $0x50, s14  }
0x12: {  	s13 =	sadd.s32 $0xA0, s14;
	s17 =	sshrl.u32 s14, $0x3;
	s26 =	sadd.s32 s1, s11  }
0x13: {  	s11 =	sadd.s32 s16, s11;
	s10 =	sadd.s32 s0, s29;
	s0 =	sadd.s32 s0, s30  }
0x14: {  	s9 =	sadd.s32 $0x4D8, s11;
	s11 =	sadd.s32 $0x27000, s0;
	s0 =	sshrl.u32 s31, $0x3  }
0x15: {  	[dreg:$0x5] =	wrdreg s26;
	s26 =	simm.s32 $0x2;
	s14 =	sadd.s32 s0, s16  }
0x16: {  	v0 =	vimm.f32 $0.0e+00;
	s15 =	sadd.s32 s0, s1;
	s16 =	sadd.s32 s17, s16;
	s17 =	simm.s32 $0x5200  }
.LBB2_1:
0x17: {  	s29 =	simm.s32 $0x0;
	s30 =	simm.s32 $0x200  }
.LBB2_2:
0x18: {  	p1 =	sne.s32 s30, $0x1E00;
	[tilespmem:s29+$0x5270] =	vst v0  }
0x19: {  	[tilespmem:s29+$0x5200] =	vst v0  }
0x1a: {  	[tilespmem:s29+$0x5210] =	vst v0  }
.Ltmp0:
0x1b: {  	[tilespmem:s29+$0x5220] =	vst v0;
	(pc) =	sbr.rel @p1 .LBB2_2-.Ltmp0, $4  }
0x1c: {  	[tilespmem:s29+$0x5230] =	vst v0  }
0x1d: {  	[tilespmem:s29+$0x5240] =	vst v0  }
0x1e: {  	[tilespmem:s29+$0x5250] =	vst v0  }
0x1f: {  	[tilespmem:s29+$0x5260] =	vst v0;
	s29 =	sshra.s32 s30, $0x2;
	s30 =	sadd.s32 $0x200, s30  }
0x20: {  	[tilespmem:s29+$0x5270] =	vst v0  }
0x21: {  	[tilespmem:s29+$0x5200] =	vst v0  }
0x22: {  	[tilespmem:s29+$0x5210] =	vst v0  }
0x23: {  	[tilespmem:s29+$0x5220] =	vst v0  }
0x24: {  	[tilespmem:s29+$0x5230] =	vst v0  }
0x25: {  	[tilespmem:s29+$0x5240] =	vst v0  }
0x26: {  	[tilespmem:s29+$0x5250] =	vst v0  }
0x27: {  	[tilespmem:s29+$0x5260] =	vst v0;
	s0 =	sadd.s32 $0x0, s6  }
0x28: {  	[spmem:s0] =	stream.linear.scatter [tilespmem:s17], [sflag:$0x3], $0x800, $0x38;
	[tilespmem:$0x19280] =	vst v63  }
0x29: {  	s29 =	simm.s32 $0x2000;
	_ =	swait.ge [sflag:s18], $0x800  }
.LBB2_4:
0x2a: {  	s0 =	sshra.s32 s29, $0x2;
	[sflag:s18] =	ssyncset.done $0x0;
	p1 =	sne.s32 s29, $0x4C000  }
.Ltmp1:
0x2b: {  	s0 =	sadd.s32 s0, s6;
	[sflag:s18] =	ssyncadd.s32 $0xFFFFF800;
	(pc) =	sbr.rel @p1 .LBB2_4-.Ltmp1, $3  }
0x2c: {  	[spmem:s0] =	stream.linear.scatter [tilespmem:s17], [sflag:$0x3], $0x800, $0x38;
	[tilespmem:$0x19280] =	vst v63  }
0x2d: {  	s29 =	sadd.s32 $0x2000, s29;
	_ =	sdelay $0x1  }
0x2e: {  	_ =	swait.ge [sflag:s18], $0x800  }
0x2f: {  	[sflag:s18] =	ssyncset.done $0x0  }
0x30: {  	s0 =	simm.s32 @!p0 $0x5200;
	[sflag:s18] =	ssyncadd.s32 $0xFFFFF800  }
0x31: {  	[spmem:s7] =	stream.linear.scatter @!p0 [tilespmem:s0], [sflag:$0x3], $0x800, $0x38;
	[tilespmem:$0x19280] =	vst v63  }
0x32: {  	s0 =	simm.s32 @!p0 $0x3  }
0x33: {  	_ =	swait.ge @!p0 [sflag:s0], $0x800  }
0x34: {  	[sflag:s0] =	ssyncset.done @!p0 $0x0  }
0x35: {  	[sflag:s0] =	ssyncadd.s32 @!p0 $0xFFFFF800  }
0x36: {  	[bflag:$0x0] =	sbarrier.arrive $0xFFFF  }
0x37: {  	s8 =	simm.s32 $0x0;
	s3 =	rddreg [dreg:$0x5]  }
0x38: {  	[tilespmem:s8], [sflag:$0x3] =	stream.linear.gather [hbm4b:s3+s8], $0x50, $0x38;
	[tilespmem:$0x19280] =	vst v63  }
0x39: {  	_ =	swait.ge [sflag:s18], $0x50  }
0x3a: {  	[sflag:s18] =	ssyncset.done $0x0  }
0x3b: {  	[sflag:s18] =	ssyncadd.s32 $0xFFFFFFB0  }
0x3c: {  	[tilespmem:s20], [sflag:$0x1] =	stream.indirect.gather [hbm4b:s5+s19], $0x80, s8, s19, $0xb8;
	[tilespmem:$0x19280] =	vst v63  }
0x3d: {  	s3 =	sadd.s32 $0x0, s15  }
0x3e: {  	[tilespmem:s21], [sflag:$0x3] =	stream.linear.gather [hbm4b:s3+s4], $0x50, $0x38;
	[tilespmem:$0x19280] =	vst v63  }
0x3f: {  	_ =	swait.ge [sflag:s18], $0x50  }
0x40: {  	[sflag:s18] =	ssyncset.done $0x0  }
0x41: {  	[sflag:s18] =	ssyncadd.s32 $0xFFFFFFB0  }
0x42: {  	[tilespmem:s22], [sflag:$0x2] =	stream.indirect.gather [hbm4b:s5+s19], $0x80, s21, s19, $0xb8;
	[tilespmem:$0x19280] =	vst v63  }
0x43: {  	s8 =	sadd.s32 $0x0, s16  }
0x44: {  	[tilespmem:s23], [sflag:$0x3] =	stream.linear.gather [hbm4b:s8+s4], $0x50, $0x38;
	[tilespmem:$0x19280] =	vst v63  }
0x45: {  	_ =	swait.ge [sflag:s18], $0x50  }
0x46: {  	[sflag:s18] =	ssyncset.done $0x0  }
0x47: {  	[sflag:s18] =	ssyncadd.s32 $0xFFFFFFB0  }
0x48: {  	_ =	swait.ge [sflag:s24], $0x2800  }
0x49: {  	[sflag:s24] =	ssyncset.done $0x0  }
0x4a: {  	[sflag:s24] =	ssyncadd.s32 $0xFFFFD800  }
0x4b: {  	[spmem:s2] =	stream.indirect.scatter.add.f32 [tilespmem:s20], [sflag:$0x3], $0x80, s23, s19, $0xb8;
	[tilespmem:$0x19280] =	vst v63  }
0x4c: {  	_ =	swait.ge [sflag:s18], $0x2800  }
0x4d: {  	s3 =	sshrl.u32 s13, $0x3;
	[sflag:s18] =	ssyncset.done $0x0  }
0x4e: {  	s0 =	sadd.s32 s1, s3;
	[sflag:s18] =	ssyncadd.s32 $0xFFFFD800  }
0x4f: {  	[tilespmem:s4], [sflag:$0x3] =	stream.linear.gather [hbm4b:s0+s4], $0x50, $0x38;
	[tilespmem:$0x19280] =	vst v63  }
0x50: {  	_ =	swait.ge [sflag:s18], $0x50  }
0x51: {  	[sflag:s18] =	ssyncset.done $0x0  }
0x52: {  	[sflag:s18] =	ssyncadd.s32 $0xFFFFFFB0  }
0x53: {  	[tilespmem:s20], [sflag:$0x1] =	stream.indirect.gather [hbm4b:s5+s19], $0x80, s4, s19, $0xb8;
	[tilespmem:$0x19280] =	vst v63  }
0x54: {  	s8 =	sadd.s32 $0x0, s14  }
0x55: {  	[tilespmem:s25], [sflag:$0x3] =	stream.linear.gather [hbm4b:s8+s4], $0x50, $0x38;
	[tilespmem:$0x19280] =	vst v63  }
0x56: {  	_ =	swait.ge [sflag:s18], $0x50  }
0x57: {  	[sflag:s18] =	ssyncset.done $0x0  }
0x58: {  	[sflag:s18] =	ssyncadd.s32 $0xFFFFFFB0  }
0x59: {  	_ =	swait.ge [sflag:s26], $0x2800  }
0x5a: {  	[sflag:s26] =	ssyncset.done $0x0  }
0x5b: {  	[sflag:s26] =	ssyncadd.s32 $0xFFFFD800  }
0x5c: {  	[spmem:s2] =	stream.indirect.scatter.add.f32 [tilespmem:s22], [sflag:$0x3], $0x80, s25, s19, $0xb8;
	[tilespmem:$0x19280] =	vst v63  }
0x5d: {  	s29 =	simm.s32 $0x14;
	_ =	swait.ge [sflag:s18], $0x2800  }
0x5e: {  	s31 =	simm.s32 $0x28;
	s30 =	sadd.s32 $0xA0, s13;
	[sflag:s18] =	ssyncset.done $0x0  }
.LBB2_6:
0x5f: {  	s3 =	sadd.s32 s29, s15  }
0x60: {  	[sflag:s18] =	ssyncadd.s32 $0xFFFFD800;
	s8 =	smov.u32 s31;
	s0 =	sadd.s32 $0x14, s31  }
0x61: {  	[tilespmem:s21], [sflag:$0x3] =	stream.linear.gather [hbm4b:s3+s4], $0x50, $0x38;
	[tilespmem:$0x19280] =	vst v63  }
0x62: {  	p1 =	sne.s32 s31, $0x4C4;
	_ =	swait.ge [sflag:s18], $0x50  }
0x63: {  	[sflag:s18] =	ssyncset.done $0x0  }
0x64: {  	[sflag:s18] =	ssyncadd.s32 $0xFFFFFFB0  }
0x65: {  	[tilespmem:s22], [sflag:$0x2] =	stream.indirect.gather [hbm4b:s5+s19], $0x80, s21, s19, $0xb8;
	[tilespmem:$0x19280] =	vst v63  }
0x66: {  	s3 =	sadd.s32 s29, s16  }
0x67: {  	[tilespmem:s23], [sflag:$0x3] =	stream.linear.gather [hbm4b:s3+s4], $0x50, $0x38;
	[tilespmem:$0x19280] =	vst v63  }
0x68: {  	_ =	swait.ge [sflag:s18], $0x50  }
0x69: {  	[sflag:s18] =	ssyncset.done $0x0  }
0x6a: {  	[sflag:s18] =	ssyncadd.s32 $0xFFFFFFB0  }
0x6b: {  	_ =	swait.ge [sflag:s24], $0x2800  }
0x6c: {  	[sflag:s24] =	ssyncset.done $0x0  }
0x6d: {  	[sflag:s24] =	ssyncadd.s32 $0xFFFFD800  }
0x6e: {  	[spmem:s2] =	stream.indirect.scatter.add.f32 [tilespmem:s20], [sflag:$0x3], $0x80, s23, s19, $0xb8;
	[tilespmem:$0x19280] =	vst v63  }
0x6f: {  	_ =	swait.ge [sflag:s18], $0x2800  }
0x70: {  	s3 =	sshrl.u32 s30, $0x3;
	[sflag:s18] =	ssyncset.done $0x0  }
0x71: {  	s3 =	sadd.s32 s1, s3;
	[sflag:s18] =	ssyncadd.s32 $0xFFFFD800  }
0x72: {  	[tilespmem:s4], [sflag:$0x3] =	stream.linear.gather [hbm4b:s3+s4], $0x50, $0x38;
	[tilespmem:$0x19280] =	vst v63  }
0x73: {  	_ =	swait.ge [sflag:s18], $0x50  }
0x74: {  	[sflag:s18] =	ssyncset.done $0x0  }
0x75: {  	[sflag:s18] =	ssyncadd.s32 $0xFFFFFFB0  }
0x76: {  	[tilespmem:s20], [sflag:$0x1] =	stream.indirect.gather [hbm4b:s5+s19], $0x80, s4, s19, $0xb8;
	[tilespmem:$0x19280] =	vst v63  }
0x77: {  	s3 =	sadd.s32 s29, s14;
	s29 =	smov.u32 s8  }
0x78: {  	[tilespmem:s25], [sflag:$0x3] =	stream.linear.gather [hbm4b:s3+s4], $0x50, $0x38;
	[tilespmem:$0x19280] =	vst v63  }
0x79: {  	_ =	swait.ge [sflag:s18], $0x50  }
0x7a: {  	[sflag:s18] =	ssyncset.done $0x0  }
0x7b: {  	[sflag:s18] =	ssyncadd.s32 $0xFFFFFFB0  }
0x7c: {  	_ =	swait.ge [sflag:s26], $0x2800  }
.Ltmp2:
0x7d: {  	[sflag:s26] =	ssyncset.done $0x0;
	(pc) =	sbr.rel @p1 .LBB2_6-.Ltmp2, $4  }
0x7e: {  	[sflag:s26] =	ssyncadd.s32 $0xFFFFD800  }
0x7f: {  	[spmem:s2] =	stream.indirect.scatter.add.f32 [tilespmem:s22], [sflag:$0x3], $0x80, s25, s19, $0xb8;
	[tilespmem:$0x19280] =	vst v63  }
0x80: {  	_ =	swait.ge [sflag:s18], $0x2800  }
0x81: {  	s31 =	smov.u32 s0;
	s30 =	sadd.s32 $0xA0, s30;
	[sflag:s18] =	ssyncset.done $0x0  }
0x82: {  	s0 =	sadd.s32 s29, s15;
	[sflag:s18] =	ssyncadd.s32 $0xFFFFD800  }
0x83: {  	[tilespmem:s21], [sflag:$0x3] =	stream.linear.gather [hbm4b:s0+s4], $0x50, $0x38;
	[tilespmem:$0x19280] =	vst v63  }
0x84: {  	_ =	swait.ge [sflag:s18], $0x50  }
0x85: {  	[sflag:s18] =	ssyncset.done $0x0  }
0x86: {  	[sflag:s18] =	ssyncadd.s32 $0xFFFFFFB0  }
0x87: {  	[tilespmem:s22], [sflag:$0x2] =	stream.indirect.gather [hbm4b:s5+s19], $0x80, s21, s19, $0xb8;
	[tilespmem:$0x19280] =	vst v63  }
0x88: {  	s3 =	sadd.s32 s29, s16  }
0x89: {  	[tilespmem:s23], [sflag:$0x3] =	stream.linear.gather [hbm4b:s3+s4], $0x50, $0x38;
	[tilespmem:$0x19280] =	vst v63  }
0x8a: {  	_ =	swait.ge [sflag:s18], $0x50  }
0x8b: {  	[sflag:s18] =	ssyncset.done $0x0  }
0x8c: {  	[sflag:s18] =	ssyncadd.s32 $0xFFFFFFB0  }
0x8d: {  	_ =	swait.ge [sflag:s24], $0x2800  }
0x8e: {  	[sflag:s24] =	ssyncset.done $0x0  }
0x8f: {  	[sflag:s24] =	ssyncadd.s32 $0xFFFFD800  }
0x90: {  	[spmem:s2] =	stream.indirect.scatter.add.f32 [tilespmem:s20], [sflag:$0x3], $0x80, s23, s19, $0xb8;
	[tilespmem:$0x19280] =	vst v63  }
0x91: {  	_ =	swait.ge [sflag:s18], $0x2800  }
0x92: {  	s8 =	sshrl.u32 s30, $0x3;
	[sflag:s18] =	ssyncset.done $0x0  }
0x93: {  	s0 =	sadd.s32 s1, s8;
	[sflag:s18] =	ssyncadd.s32 $0xFFFFD800  }
0x94: {  	[tilespmem:s4], [sflag:$0x3] =	stream.linear.gather [hbm4b:s0+s4], $0x50, $0x38;
	[tilespmem:$0x19280] =	vst v63  }
0x95: {  	_ =	swait.ge [sflag:s18], $0x50  }
0x96: {  	[sflag:s18] =	ssyncset.done $0x0  }
0x97: {  	[sflag:s18] =	ssyncadd.s32 $0xFFFFFFB0  }
0x98: {  	[tilespmem:s20], [sflag:$0x1] =	stream.indirect.gather [hbm4b:s5+s19], $0x80, s4, s19, $0xb8;
	[tilespmem:$0x19280] =	vst v63  }
0x99: {  	s30 =	sadd.s32 s29, s14  }
0x9a: {  	[tilespmem:s25], [sflag:$0x3] =	stream.linear.gather [hbm4b:s30+s4], $0x50, $0x38;
	[tilespmem:$0x19280] =	vst v63  }
0x9b: {  	_ =	swait.ge [sflag:s18], $0x50  }
0x9c: {  	[sflag:s18] =	ssyncset.done $0x0  }
0x9d: {  	[sflag:s18] =	ssyncadd.s32 $0xFFFFFFB0  }
0x9e: {  	_ =	swait.ge [sflag:s26], $0x2800  }
0x9f: {  	[sflag:s26] =	ssyncset.done $0x0  }
0xa0: {  	[sflag:s26] =	ssyncadd.s32 $0xFFFFD800  }
0xa1: {  	[spmem:s2] =	stream.indirect.scatter.add.f32 [tilespmem:s22], [sflag:$0x3], $0x80, s25, s19, $0xb8;
	[tilespmem:$0x19280] =	vst v63  }
0xa2: {  	_ =	swait.ge [sflag:s18], $0x2800  }
0xa3: {  	[sflag:s18] =	ssyncset.done $0x0  }
0xa4: {  	[sflag:s18] =	ssyncadd.s32 $0xFFFFD800  }
0xa5: {  	[tilespmem:s23], [sflag:$0x3] =	stream.linear.gather [hbm4b:s9+s4], $0x50, $0x38;
	[tilespmem:$0x19280] =	vst v63  }
0xa6: {  	_ =	swait.ge [sflag:s18], $0x50  }
0xa7: {  	[sflag:s18] =	ssyncset.done $0x0  }
0xa8: {  	[sflag:s18] =	ssyncadd.s32 $0xFFFFFFB0  }
0xa9: {  	_ =	swait.ge [sflag:s24], $0x2800  }
0xaa: {  	[sflag:s24] =	ssyncset.done $0x0  }
0xab: {  	[sflag:s24] =	ssyncadd.s32 $0xFFFFD800  }
0xac: {  	[spmem:s2] =	stream.indirect.scatter.add.f32 [tilespmem:s20], [sflag:$0x3], $0x80, s23, s19, $0xb8;
	[tilespmem:$0x19280] =	vst v63  }
0xad: {  	_ =	swait.ge [sflag:s18], $0x2800  }
0xae: {  	s31 =	stileid.u32;
	[sflag:s18] =	ssyncset.done $0x0  }
0xaf: {  	s0 =	sshll.u32 s31, $0x6;
	[sflag:s18] =	ssyncadd.s32 $0xFFFFD800  }
0xb0: {  	s3 =	sshrl.u32 s6, $0x3;
	s0 =	sor.u32 $0x1C03, s0;
	[bflag:$0x0] =	sbarrier.arrive $0xFFFF  }
0xb1: {  	[hbm:s10], [sflag:s0] =	dma.local [spmem:s3], $0x2700  }
0xb2: {  	_ =	swait.ge [sflag:s18], $0x2700  }
0xb3: {  	s28 =	sadd.s32 $0x1, s28;
	[sflag:s18] =	ssyncset.done $0x0  }
0xb4: {  	p1 =	sne.s32 s28, s12;
	s3 =	sshrl.u32 @!p0 s7, $0x3;
	[sflag:s18] =	ssyncadd.s32 $0xFFFFD900  }
0xb5: {  	[hbm:s11], [sflag:s0] =	dma.local @!p0 [spmem:s3], $0x100  }
.Ltmp3:
0xb6: {  	_ = 	snop;
	(pc) =	sbr.rel @p1 .LBB2_1-.Ltmp3, $4  }
0xb7: {  	s0 =	simm.s32 @!p0 $0x3  }
0xb8: {  	_ =	swait.ge @!p0 [sflag:s0], $0x100  }
0xb9: {  	[sflag:s0] =	ssyncset.done @!p0 $0x0  }
0xba: {  	[sflag:s0] =	ssyncadd.s32 @!p0 $0xFFFFFF00  }
0xbb: {  	_ =	sfence.sel $0x180000  }
0xbc: {  	[bflag:$0x0] =	sbarrier.arrive $0xFFFF  }
0xbd: {  	_ =	strace $0x9000004D  }
0xbe: {  	s0 =	stileid.u32;
	[bflag:$0x2] =	sbarrier.arrive $0xFFFF  }
0xbf: {  	p0 =	sne.s32 s0, $0x0;
	s0 =	rddreg [dreg:$0x4]  }
0xc0: {  	s0 =	sadd.s32 @!p0 $0x100000, s0  }
0xc1: {  	[sflag:s0] =	ssyncadd.tile.s32 @!p0 $0x1;
	_ =	shalt  }
.Lfunc_end2:
_tile_overlayer_lowered:
.L_overlay_start_2:
0xc2: {  	(tag) =	ssettag $0x2  }
0xc3: {  	s0 =	rddreg [dreg:$0x0];
	s2 =	stileid.u32  }
0xc4: {  	s1 =	rddreg [dreg:$0x1];
	p0 =	sne.s32 s2, $0x0  }
0xc5: {  	s3 =	rddreg [dreg:$0x2];
	[bflag:$0x3] =	sbarrier.arrive $0xFFFF;
	s2 =	simm.s32 @!p0 $0x1C03  }
0xc6: {  	[timem:s3], [sflag:s2] =	dma.local @!p0 [hbm:s0], s1  }
0xc7: {  	s0 =	simm.s32 @!p0 $0x3  }
0xc8: {  	_ =	swait.ge @!p0 [sflag:s0], s1  }
0xc9: {  	s1 =	ssub.s32 @!p0 $0x0, s1;
	[sflag:s0] =	ssyncset.done @!p0 $0x0  }
0xca: {  	[sflag:s0] =	ssyncadd.s32 @!p0 s1  }
0xcb: {  	[bflag:$0x3] =	sbarrier.arrive $0xFFFF  }
0xcc: {  	_ =	shalt  }

// kernel: _run.21.cloned.1.call-start
scs
__scs_entry_jumppad:
0x0: {  	(pc) =	sbr.rel $0x88, $3  }
0x1: {  	(tag) =	ssettag $0x0;
	lr =	simm.s32 $0x1  }
0x2: {  	[smem:$0x3F94] =	sst lr;
	_ =	strace $0xD0000000  }
0x3: {  	_ = 	snop  }
0x4: {  	_ = 	snop  }
0x5: {  	_ = 	snop  }
0x6: {  	_ = 	snop  }
0x7: {  	_ = 	snop  }
__scs_overlays_trampoline_lowered:
0x8: {  	[smem:$0x3FA3] =	sst s0  }
0x9: {  	[smem:$0x3FA4] =	sst s1  }
0xa: {  	[smem:$0x3FA5] =	sst s2  }
0xb: {  	[smem:$0x3FA6] =	sst s3  }
0xc: {  	[smem:$0x3FA7] =	sst s4  }
0xd: {  	[smem:$0x3FA8] =	sst s5  }
0xe: {  	[smem:$0x3FA9] =	sst s6  }
0xf: {  	[smem:$0x3FAA] =	sst s7  }
0x10: {  	[smem:$0x3FAB] =	sst s8  }
0x11: {  	[smem:$0x3FAC] =	sst s9;
	s0 =	simm.s32 @!p0 $0x0  }
0x12: {  	s1 =	sld [smem:$0x3F92];
	s0 =	simm.s32 @p0 $0x1  }
0x13: {  	[smem:$0x3FAD] =	sst s0;
	s0 =	simm.s32 @!p1 $0x0  }
0x14: {  	s2 =	sld [smem:$0x3F91];
	s0 =	simm.s32 @p1 $0x1  }
0x15: {  	[smem:$0x3FAE] =	sst s0;
	s0 =	simm.s32 @!p2 $0x0  }
0x16: {  	s3 =	sld [smem:$0x3FDB];
	s0 =	simm.s32 @p2 $0x1  }
0x17: {  	s4 =	simm.s32 $0x1BF5;
	[smem:$0x3FB0] =	sst s0  }
0x18: {  	s0 =	sld [smem:$0x3F93];
	_ =	swait.ge [sflag:s4], $0x0  }
0x19: {  	s7 =	sld [smem:$0x3F94]  }
0x1a: {  	s8 =	sadd.s32 $0xFFFFE003, lr  }
0x1b: {  	s9 =	sadd.s32 $0xFFFFFEF7, lr;
	s5 =	simm.s32 $0xFFFFFFFF;
	p2 =	slt.u32 s8, $0xFFFFF086  }
0x1c: {  	p1 =	slt.u32 s9, $0xF7A;
	s5 =	simm.s32 @!p2 $0x0  }
0x1d: {  	s5 =	simm.s32 @p1 $0x1;
	p0 =	seq.s32 s7, s2  }
0x1e: {  	s7 =	smul.u32 @!p0 $0xF7A, s2;
	p2 =	seq.s32 @!p0 s5, $0x0  }
0x1f: {  	s9 =	smul.u32 $0xF7A, s1;
	s8 =	simm.s32 @!p0 $0x1BF5;
	p2 =	por !p2, p0  }
0x20: {  	[sflag:s8] =	ssyncset.s32 @!p0 $0xFFFFF086;
	s6 =	sadd.s32 @!p0 s3, s7;
	s7 =	simm.s32 @!p0 $0x108  }
0x21: {  	s3 =	sadd.s32 s3, s9;
	s6 =	sadd.s32 @!p0 $0x88, s6;
	s7 =	simm.s32 @p2 $0x1082  }
0x22: {  	[simem:s7], [sflag:s8] =	dma.local @!p0 [hbm:s6], $0xF7A  }
0x23: {  	s9 =	sor.u32 $0xD0000000, s2;
	s6 =	simm.s32 $0x108;
	_ =	swait.ge @!p0 [sflag:s8], $0x0  }
0x24: {  	s3 =	sadd.s32 $0x88, s3;
	s6 =	simm.s32 @!p1 $0x1082;
	[sflag:s4] =	ssyncset.s32 $0xFFFFF086  }
0x25: {  	[simem:s6], [sflag:s4] =	dma.local [hbm:s3], $0xF7A  }
0x26: {  	[smem:$0x3F94] =	sst s1;
	(tag) =	ssettag s2;
	_ =	strace s9  }
0x27: {  	s1 =	sld [smem:$0x3FA4]  }
0x28: {  	s2 =	sld [smem:$0x3FA5]  }
0x29: {  	s4 =	sld [smem:$0x3FA7]  }
0x2a: {  	p0 =	seq.s32 s5, $0x0;
	s5 =	sld [smem:$0x3FA8]  }
0x2b: {  	s6 =	sld [smem:$0x3FA9]  }
0x2c: {  	s7 =	sld [smem:$0x3FAA]  }
0x2d: {  	s3 =	simm.s32 $0x108;
	s8 =	sld [smem:$0x3FAB]  }
0x2e: {  	s3 =	simm.s32 @!p0 $0x1082;
	s9 =	sld [smem:$0x3FAC]  }
0x2f: {  	lr =	sadd.s32 s0, s3;
	s0 =	sld [smem:$0x3FA3]  }
0x30: {  	s3 =	sld [smem:$0x3FA6]  }
0x31: {  	[smem:$0x3FAF] =	sst s10  }
0x32: {  	s10 =	sld [smem:$0x3FAD];
	_ =	sdelay $0x3  }
0x33: {  	p0 =	seq.s32 s10, $0x1;
	s10 =	sld [smem:$0x3FAF];
	_ =	sdelay $0x3  }
0x34: {  	[smem:$0x3FAF] =	sst s10  }
0x35: {  	s10 =	sld [smem:$0x3FAE];
	_ =	sdelay $0x3  }
0x36: {  	p1 =	seq.s32 s10, $0x1;
	s10 =	sld [smem:$0x3FAF];
	_ =	sdelay $0x3  }
0x37: {  	[smem:$0x3FAF] =	sst s10  }
0x38: {  	s10 =	sld [smem:$0x3FB0]  }
0x39: {  	_ = 	snop;
	(pc) =	sbr.ind lr, $3  }
0x3a: {  	_ = 	snop  }
0x3b: {  	_ = 	snop  }
0x3c: {  	p2 =	seq.s32 s10, $0x1;
	s10 =	sld [smem:$0x3FAF]  }
0x3d: {  	_ =	shalt  }
0x3e: {  	_ =	shalt  }
0x3f: {  	_ =	shalt  }
0x40: {  	_ =	shalt  }
0x41: {  	_ =	shalt  }
0x42: {  	_ =	shalt  }
0x43: {  	_ =	shalt  }
0x44: {  	_ =	shalt  }
0x45: {  	_ =	shalt  }
0x46: {  	_ =	shalt  }
0x47: {  	_ =	shalt  }
0x48: {  	_ =	shalt  }
0x49: {  	_ =	shalt  }
0x4a: {  	_ =	shalt  }
0x4b: {  	_ =	shalt  }
0x4c: {  	_ =	shalt  }
0x4d: {  	_ =	shalt  }
0x4e: {  	_ =	shalt  }
0x4f: {  	_ =	shalt  }
0x50: {  	_ =	shalt  }
0x51: {  	_ =	shalt  }
0x52: {  	_ =	shalt  }
0x53: {  	_ =	shalt  }
0x54: {  	_ =	shalt  }
0x55: {  	_ =	shalt  }
0x56: {  	_ =	shalt  }
0x57: {  	_ =	shalt  }
0x58: {  	_ =	shalt  }
0x59: {  	_ =	shalt  }
0x5a: {  	_ =	shalt  }
0x5b: {  	_ =	shalt  }
0x5c: {  	_ =	shalt  }
0x5d: {  	_ =	shalt  }
0x5e: {  	_ =	shalt  }
0x5f: {  	_ =	shalt  }
0x60: {  	_ =	shalt  }
0x61: {  	_ =	shalt  }
0x62: {  	_ =	shalt  }
0x63: {  	_ =	shalt  }
0x64: {  	_ =	shalt  }
0x65: {  	_ =	shalt  }
0x66: {  	_ =	shalt  }
0x67: {  	_ =	shalt  }
0x68: {  	_ =	shalt  }
0x69: {  	_ =	shalt  }
0x6a: {  	_ =	shalt  }
0x6b: {  	_ =	shalt  }
0x6c: {  	_ =	shalt  }
0x6d: {  	_ =	shalt  }
0x6e: {  	_ =	shalt  }
0x6f: {  	_ =	shalt  }
0x70: {  	_ =	shalt  }
0x71: {  	_ =	shalt  }
0x72: {  	_ =	shalt  }
0x73: {  	_ =	shalt  }
0x74: {  	_ =	shalt  }
0x75: {  	_ =	shalt  }
0x76: {  	_ =	shalt  }
0x77: {  	_ =	shalt  }
0x78: {  	_ =	shalt  }
0x79: {  	_ =	shalt  }
0x7a: {  	_ =	shalt  }
0x7b: {  	_ =	shalt  }
0x7c: {  	_ =	shalt  }
0x7d: {  	_ =	shalt  }
0x7e: {  	_ =	shalt  }
0x7f: {  	_ =	shalt  }
0x80: {  	_ =	shalt  }
0x81: {  	_ =	shalt  }
0x82: {  	_ =	shalt  }
0x83: {  	_ =	shalt  }
0x84: {  	_ =	shalt  }
0x85: {  	_ =	shalt  }
0x86: {  	_ =	shalt  }
0x87: {  	_ =	shalt  }
.Lfunc_end0:
.L_simem_size_0:
called_computation.3_lowered:
.L_overlay_start_0:
0x88: {  	s2 =	sld [smem:$0x3FD9]  }
0x89: {  	s3 =	sld [smem:$0x3FFE];
	_ =	sdelay $0x1  }
0x8a: {  	s1 =	srdreg.scid  }
0x8b: {  	s0 =	sand.u32 $0x1, s1  }
0x8c: {  	s17 =	sshll.u32 s0, $0xA;
	s2 =	sadd.s32 s3, s2  }
0x8d: {  	s2 =	sadd.s32 s2, s17  }
0x8e: {  	[smem:$0x3FBB] =	sst s2  }
0x8f: {  	_ = 	snop  }
0x90: {  	s2 =	sld [smem:$0x3FC8]  }
0x91: {  	s18 =	sld [smem:$0x3FC7];
	(tm) =	ssettm $0x1  }
0x92: {  	s4 =	sld [smem:$0x3FFB];
	_ =	sdelay $0x3  }
0x93: {  	_ =	strace s4  }
0x94: {  	s4 =	sld [smem:$0x3FFC];
	_ =	sdelay $0x3  }
0x95: {  	_ =	strace s4  }
0x96: {  	s4 =	sld [smem:$0x3FFD];
	_ =	sdelay $0x3  }
0x97: {  	_ =	strace s4  }
0x98: {  	_ =	strace $0x8FFFFFFF  }
0x99: {  	s19 =	sld [smem:$0x3FDB];
	_ =	sdelay $0x1  }
0x9a: {  	s5 =	simm.s32 $_scs_section_size  }
0x9b: {  	s6 =	simm.s32 $_size__tile_overlayer_lowered;
	s7 =	simm.s32 $_tile_overlayer_lowered  }
0x9c: {  	s22 =	simm.s32 $0x1BFF;
	s21 =	sshll.u32 s7, $0x1;
	s4 =	sadd.s32 s5, s19  }
0x9d: {  	s8 =	simm.s32 $0x0;
	s20 =	sshll.u32 s6, $0x1;
	s6 =	sadd.s32 s21, s4  }
0x9e: {  	[timem:s8], [sflag:s22] =	dma.local [hbm:s6], s20  }
0x9f: {  	_ =	swait.ge [sflag:s22], s20  }
0xa0: {  	s5 =	ssub.s32 $0x0, s20;
	[sflag:s22] =	ssyncset.done $0x0  }
0xa1: {  	[sflag:s22] =	ssyncadd.s32 s5;
	_ =	sdelay $0x1  }
0xa2: {  	s23 =	simm.s32 $0x1B8B  }
0xa3: {  	_ =	swait.ge [sflag:s23], $0x1  }
0xa4: {  	[sflag:s23] =	ssyncset.done $0x0  }
0xa5: {  	s25 =	simm.s32 $0x1B8E;
	s24 =	sld [smem:$0x3FFE];
	[sflag:s23] =	ssyncadd.s32 $0xFFFFFFFF  }
0xa6: {  	s26 =	simm.s32 $execute0_lowered;
	[smem:$0x3FD2] =	sst s25  }
0xa7: {  	s6 =	sshll.u32 s26, $0x1;
	_ =	strace $0x8000004F;
	[dreg:$0x1] =	wrdreg $0xFFFFFFFF  }
0xa8: {  	s28 =	simm.s32 $_size_execute0_lowered;
	s4 =	sadd.s32 s4, s6;
	[dreg:$0x0] =	wrdreg $0x0  }
0xa9: {  	s6 =	sshll.u32 s28, $0x1;
	[dreg:$0x2] =	wrdreg s4  }
0xaa: {  	[dreg:$0x3] =	wrdreg s6  }
0xab: {  	[dreg:$0x4] =	wrdreg $0xC0  }
0xac: {  	_ =	task [dreg:s8], $0x5FFFF  }
0xad: {  	[dreg:$0x1] =	wrdreg $0xFFFFFFFF  }
0xae: {  	[dreg:$0x0] =	wrdreg $0x60  }
0xaf: {  	[dreg:$0x2] =	wrdreg s24  }
0xb0: {  	[dreg:$0x3] =	wrdreg s2  }
0xb1: {  	[dreg:$0x4] =	wrdreg s18  }
0xb2: {  	[dreg:$0x5] =	wrdreg $0x5A000  }
0xb3: {  	[dreg:$0x6] =	wrdreg $0x9  }
0xb4: {  	_ =	task.clear_ibuf [dreg:s8], $0x7FFFF;
	_ =	strace $0x9000004F  }
0xb5: {  	s29 =	simm.s32 $0x9;
	_ =	strace $0x80000051  }
0xb6: {  	_ =	swait.ge [sflag:s29], $0x1  }
0xb7: {  	[sflag:s29] =	ssyncadd.s32 $0xFFFFFFFF  }
0xb8: {  	_ =	strace $0x90000051  }
0xb9: {  	_ =	sfence  }
0xba: {  	s30 =	sld [smem:$0x0];
	_ =	sdelay $0x2  }
0xbb: {  	s31 =	sshll.u32 s1, $0xD;
	s1 =	sshrl.u32 s1, $0x2  }
0xbc: {  	s3 =	sand.u32 $0x4000, s31;
	s1 =	sadd.s32 s1, s30  }
0xbd: {  	s0 =	sor.u32 s3, s0;
	s1 =	sshll.u32 s1, $0x11  }
0xbe: {  	s0 =	sor.u32 s1, s0  }
0xbf: {  	s0 =	sadd.s32 $0x8F2B, s0  }
0xc0: {  	[sflag:s0] =	ssyncadd.remote.s32 $0x1  }
0xc1: {  	_ =	sfence.sel $0xFFFF  }
0xc2: {  	[dreg:$0x0] =	wrdreg $0xFFFFFFFF;
	(pc) =	sbr.abs _section_cstart, $3  }
0xc3: {  	[dreg:$0x1] =	wrdreg $0xFFFFFFFF  }
0xc4: {  	_ =	task.clear_ibuf [dreg:s8], $0x2FFFF;
	_ =	strace $0x9FFFFFFF  }
0xc5: {  	(tm) =	ssettm $0x7FFFFFFF  }
tec
execute0_lowered:
.L_overlay_start_1:
0x0: {  	(tag) =	ssettag $0x1  }
0x1: {  	s0 =	rddreg [dreg:$0x0]  }
0x2: {  	s1 =	rddreg [dreg:$0x1]  }
0x3: {  	s16 =	rddreg [dreg:$0x2]  }
0x4: {  	s2 =	rddreg [dreg:$0x3]  }
0x5: {  	s4 =	simm.s32 $0x0;
	s6 =	srdreg.scid;
	s3 =	stileid.u32  }
0x6: {  	s18 =	simm.s32 $0x3;
	s19 =	simm.s32 $0x50;
	s20 =	simm.s32 $0x200  }
0x7: {  	s21 =	simm.s32 $0x80;
	s22 =	simm.s32 $0x2A00;
	s28 =	simm.s32 $0x0  }
0x8: {  	[smem:$0x7FF] =	sst s4;
	s5 =	sadd.s32 $0x4000, s0;
	s8 =	smul.u32 $0x4E000, s3  }
0x9: {  	s9 =	sand.u32 $0x1, s6;
	s23 =	sshll.u32 s3, $0x1;
	s13 =	smul.u32 $0x13800, s3  }
0xa: {  	s0 =	sadd.s32 $0x2B200, s0;
	s14 =	smul.u32 $0x4E20, s3;
	p0 =	sne.s32 s3, $0xF  }
0xb: {  	_ =	strace $0x80000050;
	s7 =	ssub.s32 $0x2, s9;
	s25 =	smul.u32 $0x138800, s9  }
0xc: {  	s6 =	sor.u32 s9, s23;
	s15 =	smul.u32 $0x2710, s9;
	s23 =	simm.s32 $0x100  }
0xd: {  	s10 =	sshrl.u32 s7, $0x1;
	s11 =	smul.u32 $0x2710, s6;
	s24 =	sshrl.u32 s8, $0x2  }
0xe: {  	s12 =	ssub.s32 s7, s10;
	s6 =	sadd.s32 s24, s2;
	s7 =	sadd.s32 $0x138000, s2  }
0xf: {  	s13 =	sadd.s32 s13, s25;
	s30 =	sshrl.u32 s25, $0x3;
	s14 =	sadd.s32 s15, s14  }
0x10: {  	s24 =	simm.s32 $0x1;
	s25 =	simm.s32 $0x180;
	s11 =	sshrl.u32 s11, $0x3  }
0x11: {  	s29 =	sshrl.u32 s13, $0x3;
	s12 =	smax.u32 s12, $0x1;
	s31 =	sadd.s32 $0x50, s14  }
0x12: {  	s13 =	sadd.s32 $0xA0, s14;
	s17 =	sshrl.u32 s14, $0x3;
	s26 =	sadd.s32 s1, s11  }
0x13: {  	s11 =	sadd.s32 s16, s11;
	s10 =	sadd.s32 s0, s29;
	s0 =	sadd.s32 s0, s30  }
0x14: {  	s9 =	sadd.s32 $0x4D8, s11;
	s11 =	sadd.s32 $0x27000, s0;
	s0 =	sshrl.u32 s31, $0x3  }
0x15: {  	[dreg:$0x5] =	wrdreg s26;
	s26 =	simm.s32 $0x2;
	s14 =	sadd.s32 s0, s16  }
0x16: {  	v0 =	vimm.f32 $0.0e+00;
	s15 =	sadd.s32 s0, s1;
	s16 =	sadd.s32 s17, s16;
	s17 =	simm.s32 $0x5200  }
.LBB2_1:
0x17: {  	s29 =	simm.s32 $0x0;
	s30 =	simm.s32 $0x200  }
.LBB2_2:
0x18: {  	p1 =	sne.s32 s30, $0x1E00;
	[tilespmem:s29+$0x5270] =	vst v0  }
0x19: {  	[tilespmem:s29+$0x5200] =	vst v0  }
0x1a: {  	[tilespmem:s29+$0x5210] =	vst v0  }
.Ltmp0:
0x1b: {  	[tilespmem:s29+$0x5220] =	vst v0;
	(pc) =	sbr.rel @p1 .LBB2_2-.Ltmp0, $4  }
0x1c: {  	[tilespmem:s29+$0x5230] =	vst v0  }
0x1d: {  	[tilespmem:s29+$0x5240] =	vst v0  }
0x1e: {  	[tilespmem:s29+$0x5250] =	vst v0  }
0x1f: {  	[tilespmem:s29+$0x5260] =	vst v0;
	s29 =	sshra.s32 s30, $0x2;
	s30 =	sadd.s32 $0x200, s30  }
0x20: {  	[tilespmem:s29+$0x5270] =	vst v0  }
0x21: {  	[tilespmem:s29+$0x5200] =	vst v0  }
0x22: {  	[tilespmem:s29+$0x5210] =	vst v0  }
0x23: {  	[tilespmem:s29+$0x5220] =	vst v0  }
0x24: {  	[tilespmem:s29+$0x5230] =	vst v0  }
0x25: {  	[tilespmem:s29+$0x5240] =	vst v0  }
0x26: {  	[tilespmem:s29+$0x5250] =	vst v0  }
0x27: {  	[tilespmem:s29+$0x5260] =	vst v0;
	s0 =	sadd.s32 $0x0, s6  }
0x28: {  	[spmem:s0] =	stream.linear.scatter [tilespmem:s17], [sflag:$0x3], $0x800, $0x38;
	[tilespmem:$0x19280] =	vst v63  }
0x29: {  	s29 =	simm.s32 $0x2000;
	_ =	swait.ge [sflag:s18], $0x800  }
.LBB2_4:
0x2a: {  	s0 =	sshra.s32 s29, $0x2;
	[sflag:s18] =	ssyncset.done $0x0;
	p1 =	sne.s32 s29, $0x4C000  }
.Ltmp1:
0x2b: {  	s0 =	sadd.s32 s0, s6;
	[sflag:s18] =	ssyncadd.s32 $0xFFFFF800;
	(pc) =	sbr.rel @p1 .LBB2_4-.Ltmp1, $3  }
0x2c: {  	[spmem:s0] =	stream.linear.scatter [tilespmem:s17], [sflag:$0x3], $0x800, $0x38;
	[tilespmem:$0x19280] =	vst v63  }
0x2d: {  	s29 =	sadd.s32 $0x2000, s29;
	_ =	sdelay $0x1  }
0x2e: {  	_ =	swait.ge [sflag:s18], $0x800  }
0x2f: {  	[sflag:s18] =	ssyncset.done $0x0  }
0x30: {  	s0 =	simm.s32 @!p0 $0x5200;
	[sflag:s18] =	ssyncadd.s32 $0xFFFFF800  }
0x31: {  	[spmem:s7] =	stream.linear.scatter @!p0 [tilespmem:s0], [sflag:$0x3], $0x800, $0x38;
	[tilespmem:$0x19280] =	vst v63  }
0x32: {  	s0 =	simm.s32 @!p0 $0x3  }
0x33: {  	_ =	swait.ge @!p0 [sflag:s0], $0x800  }
0x34: {  	[sflag:s0] =	ssyncset.done @!p0 $0x0  }
0x35: {  	[sflag:s0] =	ssyncadd.s32 @!p0 $0xFFFFF800  }
0x36: {  	[bflag:$0x0] =	sbarrier.arrive $0xFFFF  }
0x37: {  	s8 =	simm.s32 $0x0;
	s3 =	rddreg [dreg:$0x5]  }
0x38: {  	[tilespmem:s8], [sflag:$0x3] =	stream.linear.gather [hbm4b:s3+s8], $0x50, $0x38;
	[tilespmem:$0x19280] =	vst v63  }
0x39: {  	_ =	swait.ge [sflag:s18], $0x50  }
0x3a: {  	[sflag:s18] =	ssyncset.done $0x0  }
0x3b: {  	[sflag:s18] =	ssyncadd.s32 $0xFFFFFFB0  }
0x3c: {  	[tilespmem:s20], [sflag:$0x1] =	stream.indirect.gather [hbm4b:s5+s19], $0x80, s8, s19, $0xb8;
	[tilespmem:$0x19280] =	vst v63  }
0x3d: {  	s3 =	sadd.s32 $0x0, s15  }
0x3e: {  	[tilespmem:s21], [sflag:$0x3] =	stream.linear.gather [hbm4b:s3+s4], $0x50, $0x38;
	[tilespmem:$0x19280] =	vst v63  }
0x3f: {  	_ =	swait.ge [sflag:s18], $0x50  }
0x40: {  	[sflag:s18] =	ssyncset.done $0x0  }
0x41: {  	[sflag:s18] =	ssyncadd.s32 $0xFFFFFFB0  }
0x42: {  	[tilespmem:s22], [sflag:$0x2] =	stream.indirect.gather [hbm4b:s5+s19], $0x80, s21, s19, $0xb8;
	[tilespmem:$0x19280] =	vst v63  }
0x43: {  	s8 =	sadd.s32 $0x0, s16  }
0x44: {  	[tilespmem:s23], [sflag:$0x3] =	stream.linear.gather [hbm4b:s8+s4], $0x50, $0x38;
	[tilespmem:$0x19280] =	vst v63  }
0x45: {  	_ =	swait.ge [sflag:s18], $0x50  }
0x46: {  	[sflag:s18] =	ssyncset.done $0x0  }
0x47: {  	[sflag:s18] =	ssyncadd.s32 $0xFFFFFFB0  }
0x48: {  	_ =	swait.ge [sflag:s24], $0x2800  }
0x49: {  	[sflag:s24] =	ssyncset.done $0x0  }
0x4a: {  	[sflag:s24] =	ssyncadd.s32 $0xFFFFD800  }
0x4b: {  	[spmem:s2] =	stream.indirect.scatter.add.f32 [tilespmem:s20], [sflag:$0x3], $0x80, s23, s19, $0xb8;
	[tilespmem:$0x19280] =	vst v63  }
0x4c: {  	_ =	swait.ge [sflag:s18], $0x2800  }
0x4d: {  	s3 =	sshrl.u32 s13, $0x3;
	[sflag:s18] =	ssyncset.done $0x0  }
0x4e: {  	s0 =	sadd.s32 s1, s3;
	[sflag:s18] =	ssyncadd.s32 $0xFFFFD800  }
0x4f: {  	[tilespmem:s4], [sflag:$0x3] =	stream.linear.gather [hbm4b:s0+s4], $0x50, $0x38;
	[tilespmem:$0x19280] =	vst v63  }
0x50: {  	_ =	swait.ge [sflag:s18], $0x50  }
0x51: {  	[sflag:s18] =	ssyncset.done $0x0  }
0x52: {  	[sflag:s18] =	ssyncadd.s32 $0xFFFFFFB0  }
0x53: {  	[tilespmem:s20], [sflag:$0x1] =	stream.indirect.gather [hbm4b:s5+s19], $0x80, s4, s19, $0xb8;
	[tilespmem:$0x19280] =	vst v63  }
0x54: {  	s8 =	sadd.s32 $0x0, s14  }
0x55: {  	[tilespmem:s25], [sflag:$0x3] =	stream.linear.gather [hbm4b:s8+s4], $0x50, $0x38;
	[tilespmem:$0x19280] =	vst v63  }
0x56: {  	_ =	swait.ge [sflag:s18], $0x50  }
0x57: {  	[sflag:s18] =	ssyncset.done $0x0  }
0x58: {  	[sflag:s18] =	ssyncadd.s32 $0xFFFFFFB0  }
0x59: {  	_ =	swait.ge [sflag:s26], $0x2800  }
0x5a: {  	[sflag:s26] =	ssyncset.done $0x0  }
0x5b: {  	[sflag:s26] =	ssyncadd.s32 $0xFFFFD800  }
0x5c: {  	[spmem:s2] =	stream.indirect.scatter.add.f32 [tilespmem:s22], [sflag:$0x3], $0x80, s25, s19, $0xb8;
	[tilespmem:$0x19280] =	vst v63  }
0x5d: {  	s29 =	simm.s32 $0x14;
	_ =	swait.ge [sflag:s18], $0x2800  }
0x5e: {  	s31 =	simm.s32 $0x28;
	s30 =	sadd.s32 $0xA0, s13;
	[sflag:s18] =	ssyncset.done $0x0  }
.LBB2_6:
0x5f: {  	s3 =	sadd.s32 s29, s15  }
0x60: {  	[sflag:s18] =	ssyncadd.s32 $0xFFFFD800;
	s8 =	smov.u32 s31;
	s0 =	sadd.s32 $0x14, s31  }
0x61: {  	[tilespmem:s21], [sflag:$0x3] =	stream.linear.gather [hbm4b:s3+s4], $0x50, $0x38;
	[tilespmem:$0x19280] =	vst v63  }
0x62: {  	p1 =	sne.s32 s31, $0x4C4;
	_ =	swait.ge [sflag:s18], $0x50  }
0x63: {  	[sflag:s18] =	ssyncset.done $0x0  }
0x64: {  	[sflag:s18] =	ssyncadd.s32 $0xFFFFFFB0  }
0x65: {  	[tilespmem:s22], [sflag:$0x2] =	stream.indirect.gather [hbm4b:s5+s19], $0x80, s21, s19, $0xb8;
	[tilespmem:$0x19280] =	vst v63  }
0x66: {  	s3 =	sadd.s32 s29, s16  }
0x67: {  	[tilespmem:s23], [sflag:$0x3] =	stream.linear.gather [hbm4b:s3+s4], $0x50, $0x38;
	[tilespmem:$0x19280] =	vst v63  }
0x68: {  	_ =	swait.ge [sflag:s18], $0x50  }
0x69: {  	[sflag:s18] =	ssyncset.done $0x0  }
0x6a: {  	[sflag:s18] =	ssyncadd.s32 $0xFFFFFFB0  }
0x6b: {  	_ =	swait.ge [sflag:s24], $0x2800  }
0x6c: {  	[sflag:s24] =	ssyncset.done $0x0  }
0x6d: {  	[sflag:s24] =	ssyncadd.s32 $0xFFFFD800  }
0x6e: {  	[spmem:s2] =	stream.indirect.scatter.add.f32 [tilespmem:s20], [sflag:$0x3], $0x80, s23, s19, $0xb8;
	[tilespmem:$0x19280] =	vst v63  }
0x6f: {  	_ =	swait.ge [sflag:s18], $0x2800  }
0x70: {  	s3 =	sshrl.u32 s30, $0x3;
	[sflag:s18] =	ssyncset.done $0x0  }
0x71: {  	s3 =	sadd.s32 s1, s3;
	[sflag:s18] =	ssyncadd.s32 $0xFFFFD800  }
0x72: {  	[tilespmem:s4], [sflag:$0x3] =	stream.linear.gather [hbm4b:s3+s4], $0x50, $0x38;
	[tilespmem:$0x19280] =	vst v63  }
0x73: {  	_ =	swait.ge [sflag:s18], $0x50  }
0x74: {  	[sflag:s18] =	ssyncset.done $0x0  }
0x75: {  	[sflag:s18] =	ssyncadd.s32 $0xFFFFFFB0  }
0x76: {  	[tilespmem:s20], [sflag:$0x1] =	stream.indirect.gather [hbm4b:s5+s19], $0x80, s4, s19, $0xb8;
	[tilespmem:$0x19280] =	vst v63  }
0x77: {  	s3 =	sadd.s32 s29, s14;
	s29 =	smov.u32 s8  }
0x78: {  	[tilespmem:s25], [sflag:$0x3] =	stream.linear.gather [hbm4b:s3+s4], $0x50, $0x38;
	[tilespmem:$0x19280] =	vst v63  }
0x79: {  	_ =	swait.ge [sflag:s18], $0x50  }
0x7a: {  	[sflag:s18] =	ssyncset.done $0x0  }
0x7b: {  	[sflag:s18] =	ssyncadd.s32 $0xFFFFFFB0  }
0x7c: {  	_ =	swait.ge [sflag:s26], $0x2800  }
.Ltmp2:
0x7d: {  	[sflag:s26] =	ssyncset.done $0x0;
	(pc) =	sbr.rel @p1 .LBB2_6-.Ltmp2, $4  }
0x7e: {  	[sflag:s26] =	ssyncadd.s32 $0xFFFFD800  }
0x7f: {  	[spmem:s2] =	stream.indirect.scatter.add.f32 [tilespmem:s22], [sflag:$0x3], $0x80, s25, s19, $0xb8;
	[tilespmem:$0x19280] =	vst v63  }
0x80: {  	_ =	swait.ge [sflag:s18], $0x2800  }
0x81: {  	s31 =	smov.u32 s0;
	s30 =	sadd.s32 $0xA0, s30;
	[sflag:s18] =	ssyncset.done $0x0  }
0x82: {  	s0 =	sadd.s32 s29, s15;
	[sflag:s18] =	ssyncadd.s32 $0xFFFFD800  }
0x83: {  	[tilespmem:s21], [sflag:$0x3] =	stream.linear.gather [hbm4b:s0+s4], $0x50, $0x38;
	[tilespmem:$0x19280] =	vst v63  }
0x84: {  	_ =	swait.ge [sflag:s18], $0x50  }
0x85: {  	[sflag:s18] =	ssyncset.done $0x0  }
0x86: {  	[sflag:s18] =	ssyncadd.s32 $0xFFFFFFB0  }
0x87: {  	[tilespmem:s22], [sflag:$0x2] =	stream.indirect.gather [hbm4b:s5+s19], $0x80, s21, s19, $0xb8;
	[tilespmem:$0x19280] =	vst v63  }
0x88: {  	s3 =	sadd.s32 s29, s16  }
0x89: {  	[tilespmem:s23], [sflag:$0x3] =	stream.linear.gather [hbm4b:s3+s4], $0x50, $0x38;
	[tilespmem:$0x19280] =	vst v63  }
0x8a: {  	_ =	swait.ge [sflag:s18], $0x50  }
0x8b: {  	[sflag:s18] =	ssyncset.done $0x0  }
0x8c: {  	[sflag:s18] =	ssyncadd.s32 $0xFFFFFFB0  }
0x8d: {  	_ =	swait.ge [sflag:s24], $0x2800  }
0x8e: {  	[sflag:s24] =	ssyncset.done $0x0  }
0x8f: {  	[sflag:s24] =	ssyncadd.s32 $0xFFFFD800  }
0x90: {  	[spmem:s2] =	stream.indirect.scatter.add.f32 [tilespmem:s20], [sflag:$0x3], $0x80, s23, s19, $0xb8;
	[tilespmem:$0x19280] =	vst v63  }
0x91: {  	_ =	swait.ge [sflag:s18], $0x2800  }
0x92: {  	s8 =	sshrl.u32 s30, $0x3;
	[sflag:s18] =	ssyncset.done $0x0  }
0x93: {  	s0 =	sadd.s32 s1, s8;
	[sflag:s18] =	ssyncadd.s32 $0xFFFFD800  }
0x94: {  	[tilespmem:s4], [sflag:$0x3] =	stream.linear.gather [hbm4b:s0+s4], $0x50, $0x38;
	[tilespmem:$0x19280] =	vst v63  }
0x95: {  	_ =	swait.ge [sflag:s18], $0x50  }
0x96: {  	[sflag:s18] =	ssyncset.done $0x0  }
0x97: {  	[sflag:s18] =	ssyncadd.s32 $0xFFFFFFB0  }
0x98: {  	[tilespmem:s20], [sflag:$0x1] =	stream.indirect.gather [hbm4b:s5+s19], $0x80, s4, s19, $0xb8;
	[tilespmem:$0x19280] =	vst v63  }
0x99: {  	s30 =	sadd.s32 s29, s14  }
0x9a: {  	[tilespmem:s25], [sflag:$0x3] =	stream.linear.gather [hbm4b:s30+s4], $0x50, $0x38;
	[tilespmem:$0x19280] =	vst v63  }
0x9b: {  	_ =	swait.ge [sflag:s18], $0x50  }
0x9c: {  	[sflag:s18] =	ssyncset.done $0x0  }
0x9d: {  	[sflag:s18] =	ssyncadd.s32 $0xFFFFFFB0  }
0x9e: {  	_ =	swait.ge [sflag:s26], $0x2800  }
0x9f: {  	[sflag:s26] =	ssyncset.done $0x0  }
0xa0: {  	[sflag:s26] =	ssyncadd.s32 $0xFFFFD800  }
0xa1: {  	[spmem:s2] =	stream.indirect.scatter.add.f32 [tilespmem:s22], [sflag:$0x3], $0x80, s25, s19, $0xb8;
	[tilespmem:$0x19280] =	vst v63  }
0xa2: {  	_ =	swait.ge [sflag:s18], $0x2800  }
0xa3: {  	[sflag:s18] =	ssyncset.done $0x0  }
0xa4: {  	[sflag:s18] =	ssyncadd.s32 $0xFFFFD800  }
0xa5: {  	[tilespmem:s23], [sflag:$0x3] =	stream.linear.gather [hbm4b:s9+s4], $0x50, $0x38;
	[tilespmem:$0x19280] =	vst v63  }
0xa6: {  	_ =	swait.ge [sflag:s18], $0x50  }
0xa7: {  	[sflag:s18] =	ssyncset.done $0x0  }
0xa8: {  	[sflag:s18] =	ssyncadd.s32 $0xFFFFFFB0  }
0xa9: {  	_ =	swait.ge [sflag:s24], $0x2800  }
0xaa: {  	[sflag:s24] =	ssyncset.done $0x0  }
0xab: {  	[sflag:s24] =	ssyncadd.s32 $0xFFFFD800  }
0xac: {  	[spmem:s2] =	stream.indirect.scatter.add.f32 [tilespmem:s20], [sflag:$0x3], $0x80, s23, s19, $0xb8;
	[tilespmem:$0x19280] =	vst v63  }
0xad: {  	_ =	swait.ge [sflag:s18], $0x2800  }
0xae: {  	s31 =	stileid.u32;
	[sflag:s18] =	ssyncset.done $0x0  }
0xaf: {  	s0 =	sshll.u32 s31, $0x6;
	[sflag:s18] =	ssyncadd.s32 $0xFFFFD800  }
0xb0: {  	s3 =	sshrl.u32 s6, $0x3;
	s0 =	sor.u32 $0x1C03, s0;
	[bflag:$0x0] =	sbarrier.arrive $0xFFFF  }
0xb1: {  	[hbm:s10], [sflag:s0] =	dma.local [spmem:s3], $0x2700  }
0xb2: {  	_ =	swait.ge [sflag:s18], $0x2700  }
0xb3: {  	s28 =	sadd.s32 $0x1, s28;
	[sflag:s18] =	ssyncset.done $0x0  }
0xb4: {  	p1 =	sne.s32 s28, s12;
	s3 =	sshrl.u32 @!p0 s7, $0x3;
	[sflag:s18] =	ssyncadd.s32 $0xFFFFD900  }
0xb5: {  	[hbm:s11], [sflag:s0] =	dma.local @!p0 [spmem:s3], $0x100  }
.Ltmp3:
0xb6: {  	_ = 	snop;
	(pc) =	sbr.rel @p1 .LBB2_1-.Ltmp3, $4  }
0xb7: {  	s0 =	simm.s32 @!p0 $0x3  }
0xb8: {  	_ =	swait.ge @!p0 [sflag:s0], $0x100  }
0xb9: {  	[sflag:s0] =	ssyncset.done @!p0 $0x0  }
0xba: {  	[sflag:s0] =	ssyncadd.s32 @!p0 $0xFFFFFF00  }
0xbb: {  	_ =	sfence.sel $0x180000  }
0xbc: {  	[bflag:$0x0] =	sbarrier.arrive $0xFFFF  }
0xbd: {  	_ =	strace $0x90000050  }
0xbe: {  	s0 =	stileid.u32;
	[bflag:$0x2] =	sbarrier.arrive $0xFFFF  }
0xbf: {  	p0 =	sne.s32 s0, $0x0;
	s0 =	rddreg [dreg:$0x4]  }
0xc0: {  	s0 =	sadd.s32 @!p0 $0x100000, s0  }
0xc1: {  	[sflag:s0] =	ssyncadd.tile.s32 @!p0 $0x1;
	_ =	shalt  }
.Lfunc_end2:
_tile_overlayer_lowered:
.L_overlay_start_2:
0xc2: {  	(tag) =	ssettag $0x2  }
0xc3: {  	s0 =	rddreg [dreg:$0x0];
	s2 =	stileid.u32  }
0xc4: {  	s1 =	rddreg [dreg:$0x1];
	p0 =	sne.s32 s2, $0x0  }
0xc5: {  	s3 =	rddreg [dreg:$0x2];
	[bflag:$0x3] =	sbarrier.arrive $0xFFFF;
	s2 =	simm.s32 @!p0 $0x1C03  }
0xc6: {  	[timem:s3], [sflag:s2] =	dma.local @!p0 [hbm:s0], s1  }
0xc7: {  	s0 =	simm.s32 @!p0 $0x3  }
0xc8: {  	_ =	swait.ge @!p0 [sflag:s0], s1  }
0xc9: {  	s1 =	ssub.s32 @!p0 $0x0, s1;
	[sflag:s0] =	ssyncset.done @!p0 $0x0  }
0xca: {  	[sflag:s0] =	ssyncadd.s32 @!p0 s1  }
0xcb: {  	[bflag:$0x3] =	sbarrier.arrive $0xFFFF  }
0xcc: {  	_ =	shalt  }

// kernel: _run.24.cloned.1.call-start
scs
__scs_entry_jumppad:
0x0: {  	(pc) =	sbr.rel $0x88, $3  }
0x1: {  	(tag) =	ssettag $0x0;
	lr =	simm.s32 $0x1  }
0x2: {  	[smem:$0x3F94] =	sst lr;
	_ =	strace $0xD0000000  }
0x3: {  	_ = 	snop  }
0x4: {  	_ = 	snop  }
0x5: {  	_ = 	snop  }
0x6: {  	_ = 	snop  }
0x7: {  	_ = 	snop  }
__scs_overlays_trampoline_lowered:
0x8: {  	[smem:$0x3FA3] =	sst s0  }
0x9: {  	[smem:$0x3FA4] =	sst s1  }
0xa: {  	[smem:$0x3FA5] =	sst s2  }
0xb: {  	[smem:$0x3FA6] =	sst s3  }
0xc: {  	[smem:$0x3FA7] =	sst s4  }
0xd: {  	[smem:$0x3FA8] =	sst s5  }
0xe: {  	[smem:$0x3FA9] =	sst s6  }
0xf: {  	[smem:$0x3FAA] =	sst s7  }
0x10: {  	[smem:$0x3FAB] =	sst s8  }
0x11: {  	[smem:$0x3FAC] =	sst s9;
	s0 =	simm.s32 @!p0 $0x0  }
0x12: {  	s1 =	sld [smem:$0x3F92];
	s0 =	simm.s32 @p0 $0x1  }
0x13: {  	[smem:$0x3FAD] =	sst s0;
	s0 =	simm.s32 @!p1 $0x0  }
0x14: {  	s2 =	sld [smem:$0x3F91];
	s0 =	simm.s32 @p1 $0x1  }
0x15: {  	[smem:$0x3FAE] =	sst s0;
	s0 =	simm.s32 @!p2 $0x0  }
0x16: {  	s3 =	sld [smem:$0x3FDB];
	s0 =	simm.s32 @p2 $0x1  }
0x17: {  	s4 =	simm.s32 $0x1BF5;
	[smem:$0x3FB0] =	sst s0  }
0x18: {  	s0 =	sld [smem:$0x3F93];
	_ =	swait.ge [sflag:s4], $0x0  }
0x19: {  	s7 =	sld [smem:$0x3F94]  }
0x1a: {  	s8 =	sadd.s32 $0xFFFFE003, lr  }
0x1b: {  	s9 =	sadd.s32 $0xFFFFFEF7, lr;
	s5 =	simm.s32 $0xFFFFFFFF;
	p2 =	slt.u32 s8, $0xFFFFF086  }
0x1c: {  	p1 =	slt.u32 s9, $0xF7A;
	s5 =	simm.s32 @!p2 $0x0  }
0x1d: {  	s5 =	simm.s32 @p1 $0x1;
	p0 =	seq.s32 s7, s2  }
0x1e: {  	s7 =	smul.u32 @!p0 $0xF7A, s2;
	p2 =	seq.s32 @!p0 s5, $0x0  }
0x1f: {  	s9 =	smul.u32 $0xF7A, s1;
	s8 =	simm.s32 @!p0 $0x1BF5;
	p2 =	por !p2, p0  }
0x20: {  	[sflag:s8] =	ssyncset.s32 @!p0 $0xFFFFF086;
	s6 =	sadd.s32 @!p0 s3, s7;
	s7 =	simm.s32 @!p0 $0x108  }
0x21: {  	s3 =	sadd.s32 s3, s9;
	s6 =	sadd.s32 @!p0 $0x88, s6;
	s7 =	simm.s32 @p2 $0x1082  }
0x22: {  	[simem:s7], [sflag:s8] =	dma.local @!p0 [hbm:s6], $0xF7A  }
0x23: {  	s9 =	sor.u32 $0xD0000000, s2;
	s6 =	simm.s32 $0x108;
	_ =	swait.ge @!p0 [sflag:s8], $0x0  }
0x24: {  	s3 =	sadd.s32 $0x88, s3;
	s6 =	simm.s32 @!p1 $0x1082;
	[sflag:s4] =	ssyncset.s32 $0xFFFFF086  }
0x25: {  	[simem:s6], [sflag:s4] =	dma.local [hbm:s3], $0xF7A  }
0x26: {  	[smem:$0x3F94] =	sst s1;
	(tag) =	ssettag s2;
	_ =	strace s9  }
0x27: {  	s1 =	sld [smem:$0x3FA4]  }
0x28: {  	s2 =	sld [smem:$0x3FA5]  }
0x29: {  	s4 =	sld [smem:$0x3FA7]  }
0x2a: {  	p0 =	seq.s32 s5, $0x0;
	s5 =	sld [smem:$0x3FA8]  }
0x2b: {  	s6 =	sld [smem:$0x3FA9]  }
0x2c: {  	s7 =	sld [smem:$0x3FAA]  }
0x2d: {  	s3 =	simm.s32 $0x108;
	s8 =	sld [smem:$0x3FAB]  }
0x2e: {  	s3 =	simm.s32 @!p0 $0x1082;
	s9 =	sld [smem:$0x3FAC]  }
0x2f: {  	lr =	sadd.s32 s0, s3;
	s0 =	sld [smem:$0x3FA3]  }
0x30: {  	s3 =	sld [smem:$0x3FA6]  }
0x31: {  	[smem:$0x3FAF] =	sst s10  }
0x32: {  	s10 =	sld [smem:$0x3FAD];
	_ =	sdelay $0x3  }
0x33: {  	p0 =	seq.s32 s10, $0x1;
	s10 =	sld [smem:$0x3FAF];
	_ =	sdelay $0x3  }
0x34: {  	[smem:$0x3FAF] =	sst s10  }
0x35: {  	s10 =	sld [smem:$0x3FAE];
	_ =	sdelay $0x3  }
0x36: {  	p1 =	seq.s32 s10, $0x1;
	s10 =	sld [smem:$0x3FAF];
	_ =	sdelay $0x3  }
0x37: {  	[smem:$0x3FAF] =	sst s10  }
0x38: {  	s10 =	sld [smem:$0x3FB0]  }
0x39: {  	_ = 	snop;
	(pc) =	sbr.ind lr, $3  }
0x3a: {  	_ = 	snop  }
0x3b: {  	_ = 	snop  }
0x3c: {  	p2 =	seq.s32 s10, $0x1;
	s10 =	sld [smem:$0x3FAF]  }
0x3d: {  	_ =	shalt  }
0x3e: {  	_ =	shalt  }
0x3f: {  	_ =	shalt  }
0x40: {  	_ =	shalt  }
0x41: {  	_ =	shalt  }
0x42: {  	_ =	shalt  }
0x43: {  	_ =	shalt  }
0x44: {  	_ =	shalt  }
0x45: {  	_ =	shalt  }
0x46: {  	_ =	shalt  }
0x47: {  	_ =	shalt  }
0x48: {  	_ =	shalt  }
0x49: {  	_ =	shalt  }
0x4a: {  	_ =	shalt  }
0x4b: {  	_ =	shalt  }
0x4c: {  	_ =	shalt  }
0x4d: {  	_ =	shalt  }
0x4e: {  	_ =	shalt  }
0x4f: {  	_ =	shalt  }
0x50: {  	_ =	shalt  }
0x51: {  	_ =	shalt  }
0x52: {  	_ =	shalt  }
0x53: {  	_ =	shalt  }
0x54: {  	_ =	shalt  }
0x55: {  	_ =	shalt  }
0x56: {  	_ =	shalt  }
0x57: {  	_ =	shalt  }
0x58: {  	_ =	shalt  }
0x59: {  	_ =	shalt  }
0x5a: {  	_ =	shalt  }
0x5b: {  	_ =	shalt  }
0x5c: {  	_ =	shalt  }
0x5d: {  	_ =	shalt  }
0x5e: {  	_ =	shalt  }
0x5f: {  	_ =	shalt  }
0x60: {  	_ =	shalt  }
0x61: {  	_ =	shalt  }
0x62: {  	_ =	shalt  }
0x63: {  	_ =	shalt  }
0x64: {  	_ =	shalt  }
0x65: {  	_ =	shalt  }
0x66: {  	_ =	shalt  }
0x67: {  	_ =	shalt  }
0x68: {  	_ =	shalt  }
0x69: {  	_ =	shalt  }
0x6a: {  	_ =	shalt  }
0x6b: {  	_ =	shalt  }
0x6c: {  	_ =	shalt  }
0x6d: {  	_ =	shalt  }
0x6e: {  	_ =	shalt  }
0x6f: {  	_ =	shalt  }
0x70: {  	_ =	shalt  }
0x71: {  	_ =	shalt  }
0x72: {  	_ =	shalt  }
0x73: {  	_ =	shalt  }
0x74: {  	_ =	shalt  }
0x75: {  	_ =	shalt  }
0x76: {  	_ =	shalt  }
0x77: {  	_ =	shalt  }
0x78: {  	_ =	shalt  }
0x79: {  	_ =	shalt  }
0x7a: {  	_ =	shalt  }
0x7b: {  	_ =	shalt  }
0x7c: {  	_ =	shalt  }
0x7d: {  	_ =	shalt  }
0x7e: {  	_ =	shalt  }
0x7f: {  	_ =	shalt  }
0x80: {  	_ =	shalt  }
0x81: {  	_ =	shalt  }
0x82: {  	_ =	shalt  }
0x83: {  	_ =	shalt  }
0x84: {  	_ =	shalt  }
0x85: {  	_ =	shalt  }
0x86: {  	_ =	shalt  }
0x87: {  	_ =	shalt  }
.Lfunc_end0:
.L_simem_size_0:
called_computation.4_lowered:
.L_overlay_start_0:
0x88: {  	s2 =	sld [smem:$0x3FD9]  }
0x89: {  	s3 =	sld [smem:$0x3FFE];
	_ =	sdelay $0x1  }
0x8a: {  	s1 =	srdreg.scid  }
0x8b: {  	s0 =	sand.u32 $0x1, s1  }
0x8c: {  	s17 =	sshll.u32 s0, $0xA;
	s2 =	sadd.s32 s3, s2  }
0x8d: {  	s2 =	sadd.s32 s2, s17  }
0x8e: {  	[smem:$0x3FBB] =	sst s2  }
0x8f: {  	_ = 	snop  }
0x90: {  	s2 =	sld [smem:$0x3FC8]  }
0x91: {  	s18 =	sld [smem:$0x3FC7];
	(tm) =	ssettm $0x1  }
0x92: {  	s4 =	sld [smem:$0x3FFB];
	_ =	sdelay $0x3  }
0x93: {  	_ =	strace s4  }
0x94: {  	s4 =	sld [smem:$0x3FFC];
	_ =	sdelay $0x3  }
0x95: {  	_ =	strace s4  }
0x96: {  	s4 =	sld [smem:$0x3FFD];
	_ =	sdelay $0x3  }
0x97: {  	_ =	strace s4  }
0x98: {  	_ =	strace $0x8FFFFFFF  }
0x99: {  	s19 =	sld [smem:$0x3FDB];
	_ =	sdelay $0x1  }
0x9a: {  	s5 =	simm.s32 $_scs_section_size  }
0x9b: {  	s6 =	simm.s32 $_size__tile_overlayer_lowered;
	s7 =	simm.s32 $_tile_overlayer_lowered  }
0x9c: {  	s22 =	simm.s32 $0x1BFF;
	s21 =	sshll.u32 s7, $0x1;
	s4 =	sadd.s32 s5, s19  }
0x9d: {  	s8 =	simm.s32 $0x0;
	s20 =	sshll.u32 s6, $0x1;
	s6 =	sadd.s32 s21, s4  }
0x9e: {  	[timem:s8], [sflag:s22] =	dma.local [hbm:s6], s20  }
0x9f: {  	_ =	swait.ge [sflag:s22], s20  }
0xa0: {  	s5 =	ssub.s32 $0x0, s20;
	[sflag:s22] =	ssyncset.done $0x0  }
0xa1: {  	[sflag:s22] =	ssyncadd.s32 s5;
	_ =	sdelay $0x1  }
0xa2: {  	s23 =	simm.s32 $0x1B8B  }
0xa3: {  	_ =	swait.ge [sflag:s23], $0x1  }
0xa4: {  	[sflag:s23] =	ssyncset.done $0x0  }
0xa5: {  	s25 =	simm.s32 $0x1B8E;
	s24 =	sld [smem:$0x3FFE];
	[sflag:s23] =	ssyncadd.s32 $0xFFFFFFFF  }
0xa6: {  	s26 =	simm.s32 $execute0_lowered;
	[smem:$0x3FD2] =	sst s25  }
0xa7: {  	s6 =	sshll.u32 s26, $0x1;
	_ =	strace $0x80000052;
	[dreg:$0x1] =	wrdreg $0xFFFFFFFF  }
0xa8: {  	s28 =	simm.s32 $_size_execute0_lowered;
	s4 =	sadd.s32 s4, s6;
	[dreg:$0x0] =	wrdreg $0x0  }
0xa9: {  	s6 =	sshll.u32 s28, $0x1;
	[dreg:$0x2] =	wrdreg s4  }
0xaa: {  	[dreg:$0x3] =	wrdreg s6  }
0xab: {  	[dreg:$0x4] =	wrdreg $0xC0  }
0xac: {  	_ =	task [dreg:s8], $0x5FFFF  }
0xad: {  	[dreg:$0x1] =	wrdreg $0xFFFFFFFF  }
0xae: {  	[dreg:$0x0] =	wrdreg $0x60  }
0xaf: {  	[dreg:$0x2] =	wrdreg s24  }
0xb0: {  	[dreg:$0x3] =	wrdreg s2  }
0xb1: {  	[dreg:$0x4] =	wrdreg s18  }
0xb2: {  	[dreg:$0x5] =	wrdreg $0x5A000  }
0xb3: {  	[dreg:$0x6] =	wrdreg $0x9  }
0xb4: {  	_ =	task.clear_ibuf [dreg:s8], $0x7FFFF;
	_ =	strace $0x90000052  }
0xb5: {  	s29 =	simm.s32 $0x9;
	_ =	strace $0x80000054  }
0xb6: {  	_ =	swait.ge [sflag:s29], $0x1  }
0xb7: {  	[sflag:s29] =	ssyncadd.s32 $0xFFFFFFFF  }
0xb8: {  	_ =	strace $0x90000054  }
0xb9: {  	_ =	sfence  }
0xba: {  	s30 =	sld [smem:$0x0];
	_ =	sdelay $0x2  }
0xbb: {  	s31 =	sshll.u32 s1, $0xD;
	s1 =	sshrl.u32 s1, $0x2  }
0xbc: {  	s3 =	sand.u32 $0x4000, s31;
	s1 =	sadd.s32 s1, s30  }
0xbd: {  	s0 =	sor.u32 s3, s0;
	s1 =	sshll.u32 s1, $0x11  }
0xbe: {  	s0 =	sor.u32 s1, s0  }
0xbf: {  	s0 =	sadd.s32 $0x8F2B, s0  }
0xc0: {  	[sflag:s0] =	ssyncadd.remote.s32 $0x1  }
0xc1: {  	_ =	sfence.sel $0xFFFF  }
0xc2: {  	[dreg:$0x0] =	wrdreg $0xFFFFFFFF;
	(pc) =	sbr.abs _section_cstart, $3  }
0xc3: {  	[dreg:$0x1] =	wrdreg $0xFFFFFFFF  }
0xc4: {  	_ =	task.clear_ibuf [dreg:s8], $0x2FFFF;
	_ =	strace $0x9FFFFFFF  }
0xc5: {  	(tm) =	ssettm $0x7FFFFFFF  }
tec
execute0_lowered:
.L_overlay_start_1:
0x0: {  	(tag) =	ssettag $0x1  }
0x1: {  	s0 =	rddreg [dreg:$0x0]  }
0x2: {  	s1 =	rddreg [dreg:$0x1]  }
0x3: {  	s16 =	rddreg [dreg:$0x2]  }
0x4: {  	s2 =	rddreg [dreg:$0x3]  }
0x5: {  	s4 =	simm.s32 $0x0;
	s6 =	srdreg.scid;
	s3 =	stileid.u32  }
0x6: {  	s18 =	simm.s32 $0x3;
	s19 =	simm.s32 $0x50;
	s20 =	simm.s32 $0x200  }
0x7: {  	s21 =	simm.s32 $0x80;
	s22 =	simm.s32 $0x2A00;
	s28 =	simm.s32 $0x0  }
0x8: {  	[smem:$0x7FF] =	sst s4;
	s5 =	sadd.s32 $0x4000, s0;
	s8 =	smul.u32 $0x4E000, s3  }
0x9: {  	s9 =	sand.u32 $0x1, s6;
	s23 =	sshll.u32 s3, $0x1;
	s13 =	smul.u32 $0x13800, s3  }
0xa: {  	s0 =	sadd.s32 $0x2B200, s0;
	s14 =	smul.u32 $0x4E20, s3;
	p0 =	sne.s32 s3, $0xF  }
0xb: {  	_ =	strace $0x80000053;
	s7 =	ssub.s32 $0x2, s9;
	s25 =	smul.u32 $0x138800, s9  }
0xc: {  	s6 =	sor.u32 s9, s23;
	s15 =	smul.u32 $0x2710, s9;
	s23 =	simm.s32 $0x100  }
0xd: {  	s10 =	sshrl.u32 s7, $0x1;
	s11 =	smul.u32 $0x2710, s6;
	s24 =	sshrl.u32 s8, $0x2  }
0xe: {  	s12 =	ssub.s32 s7, s10;
	s6 =	sadd.s32 s24, s2;
	s7 =	sadd.s32 $0x138000, s2  }
0xf: {  	s13 =	sadd.s32 s13, s25;
	s30 =	sshrl.u32 s25, $0x3;
	s14 =	sadd.s32 s15, s14  }
0x10: {  	s24 =	simm.s32 $0x1;
	s25 =	simm.s32 $0x180;
	s11 =	sshrl.u32 s11, $0x3  }
0x11: {  	s29 =	sshrl.u32 s13, $0x3;
	s12 =	smax.u32 s12, $0x1;
	s31 =	sadd.s32 $0x50, s14  }
0x12: {  	s13 =	sadd.s32 $0xA0, s14;
	s17 =	sshrl.u32 s14, $0x3;
	s26 =	sadd.s32 s1, s11  }
0x13: {  	s11 =	sadd.s32 s16, s11;
	s10 =	sadd.s32 s0, s29;
	s0 =	sadd.s32 s0, s30  }
0x14: {  	s9 =	sadd.s32 $0x4D8, s11;
	s11 =	sadd.s32 $0x27000, s0;
	s0 =	sshrl.u32 s31, $0x3  }
0x15: {  	[dreg:$0x5] =	wrdreg s26;
	s26 =	simm.s32 $0x2;
	s14 =	sadd.s32 s0, s16  }
0x16: {  	v0 =	vimm.f32 $0.0e+00;
	s15 =	sadd.s32 s0, s1;
	s16 =	sadd.s32 s17, s16;
	s17 =	simm.s32 $0x5200  }
.LBB2_1:
0x17: {  	s29 =	simm.s32 $0x0;
	s30 =	simm.s32 $0x200  }
.LBB2_2:
0x18: {  	p1 =	sne.s32 s30, $0x1E00;
	[tilespmem:s29+$0x5270] =	vst v0  }
0x19: {  	[tilespmem:s29+$0x5200] =	vst v0  }
0x1a: {  	[tilespmem:s29+$0x5210] =	vst v0  }
.Ltmp0:
0x1b: {  	[tilespmem:s29+$0x5220] =	vst v0;
	(pc) =	sbr.rel @p1 .LBB2_2-.Ltmp0, $4  }
0x1c: {  	[tilespmem:s29+$0x5230] =	vst v0  }
0x1d: {  	[tilespmem:s29+$0x5240] =	vst v0  }
0x1e: {  	[tilespmem:s29+$0x5250] =	vst v0  }
0x1f: {  	[tilespmem:s29+$0x5260] =	vst v0;
	s29 =	sshra.s32 s30, $0x2;
	s30 =	sadd.s32 $0x200, s30  }
0x20: {  	[tilespmem:s29+$0x5270] =	vst v0  }
0x21: {  	[tilespmem:s29+$0x5200] =	vst v0  }
0x22: {  	[tilespmem:s29+$0x5210] =	vst v0  }
0x23: {  	[tilespmem:s29+$0x5220] =	vst v0  }
0x24: {  	[tilespmem:s29+$0x5230] =	vst v0  }
0x25: {  	[tilespmem:s29+$0x5240] =	vst v0  }
0x26: {  	[tilespmem:s29+$0x5250] =	vst v0  }
0x27: {  	[tilespmem:s29+$0x5260] =	vst v0;
	s0 =	sadd.s32 $0x0, s6  }
0x28: {  	[spmem:s0] =	stream.linear.scatter [tilespmem:s17], [sflag:$0x3], $0x800, $0x38;
	[tilespmem:$0x19280] =	vst v63  }
0x29: {  	s29 =	simm.s32 $0x2000;
	_ =	swait.ge [sflag:s18], $0x800  }
.LBB2_4:
0x2a: {  	s0 =	sshra.s32 s29, $0x2;
	[sflag:s18] =	ssyncset.done $0x0;
	p1 =	sne.s32 s29, $0x4C000  }
.Ltmp1:
0x2b: {  	s0 =	sadd.s32 s0, s6;
	[sflag:s18] =	ssyncadd.s32 $0xFFFFF800;
	(pc) =	sbr.rel @p1 .LBB2_4-.Ltmp1, $3  }
0x2c: {  	[spmem:s0] =	stream.linear.scatter [tilespmem:s17], [sflag:$0x3], $0x800, $0x38;
	[tilespmem:$0x19280] =	vst v63  }
0x2d: {  	s29 =	sadd.s32 $0x2000, s29;
	_ =	sdelay $0x1  }
0x2e: {  	_ =	swait.ge [sflag:s18], $0x800  }
0x2f: {  	[sflag:s18] =	ssyncset.done $0x0  }
0x30: {  	s0 =	simm.s32 @!p0 $0x5200;
	[sflag:s18] =	ssyncadd.s32 $0xFFFFF800  }
0x31: {  	[spmem:s7] =	stream.linear.scatter @!p0 [tilespmem:s0], [sflag:$0x3], $0x800, $0x38;
	[tilespmem:$0x19280] =	vst v63  }
0x32: {  	s0 =	simm.s32 @!p0 $0x3  }
0x33: {  	_ =	swait.ge @!p0 [sflag:s0], $0x800  }
0x34: {  	[sflag:s0] =	ssyncset.done @!p0 $0x0  }
0x35: {  	[sflag:s0] =	ssyncadd.s32 @!p0 $0xFFFFF800  }
0x36: {  	[bflag:$0x0] =	sbarrier.arrive $0xFFFF  }
0x37: {  	s8 =	simm.s32 $0x0;
	s3 =	rddreg [dreg:$0x5]  }
0x38: {  	[tilespmem:s8], [sflag:$0x3] =	stream.linear.gather [hbm4b:s3+s8], $0x50, $0x38;
	[tilespmem:$0x19280] =	vst v63  }
0x39: {  	_ =	swait.ge [sflag:s18], $0x50  }
0x3a: {  	[sflag:s18] =	ssyncset.done $0x0  }
0x3b: {  	[sflag:s18] =	ssyncadd.s32 $0xFFFFFFB0  }
0x3c: {  	[tilespmem:s20], [sflag:$0x1] =	stream.indirect.gather [hbm4b:s5+s19], $0x80, s8, s19, $0xb8;
	[tilespmem:$0x19280] =	vst v63  }
0x3d: {  	s3 =	sadd.s32 $0x0, s15  }
0x3e: {  	[tilespmem:s21], [sflag:$0x3] =	stream.linear.gather [hbm4b:s3+s4], $0x50, $0x38;
	[tilespmem:$0x19280] =	vst v63  }
0x3f: {  	_ =	swait.ge [sflag:s18], $0x50  }
0x40: {  	[sflag:s18] =	ssyncset.done $0x0  }
0x41: {  	[sflag:s18] =	ssyncadd.s32 $0xFFFFFFB0  }
0x42: {  	[tilespmem:s22], [sflag:$0x2] =	stream.indirect.gather [hbm4b:s5+s19], $0x80, s21, s19, $0xb8;
	[tilespmem:$0x19280] =	vst v63  }
0x43: {  	s8 =	sadd.s32 $0x0, s16  }
0x44: {  	[tilespmem:s23], [sflag:$0x3] =	stream.linear.gather [hbm4b:s8+s4], $0x50, $0x38;
	[tilespmem:$0x19280] =	vst v63  }
0x45: {  	_ =	swait.ge [sflag:s18], $0x50  }
0x46: {  	[sflag:s18] =	ssyncset.done $0x0  }
0x47: {  	[sflag:s18] =	ssyncadd.s32 $0xFFFFFFB0  }
0x48: {  	_ =	swait.ge [sflag:s24], $0x2800  }
0x49: {  	[sflag:s24] =	ssyncset.done $0x0  }
0x4a: {  	[sflag:s24] =	ssyncadd.s32 $0xFFFFD800  }
0x4b: {  	[spmem:s2] =	stream.indirect.scatter.add.f32 [tilespmem:s20], [sflag:$0x3], $0x80, s23, s19, $0xb8;
	[tilespmem:$0x19280] =	vst v63  }
0x4c: {  	_ =	swait.ge [sflag:s18], $0x2800  }
0x4d: {  	s3 =	sshrl.u32 s13, $0x3;
	[sflag:s18] =	ssyncset.done $0x0  }
0x4e: {  	s0 =	sadd.s32 s1, s3;
	[sflag:s18] =	ssyncadd.s32 $0xFFFFD800  }
0x4f: {  	[tilespmem:s4], [sflag:$0x3] =	stream.linear.gather [hbm4b:s0+s4], $0x50, $0x38;
	[tilespmem:$0x19280] =	vst v63  }
0x50: {  	_ =	swait.ge [sflag:s18], $0x50  }
0x51: {  	[sflag:s18] =	ssyncset.done $0x0  }
0x52: {  	[sflag:s18] =	ssyncadd.s32 $0xFFFFFFB0  }
0x53: {  	[tilespmem:s20], [sflag:$0x1] =	stream.indirect.gather [hbm4b:s5+s19], $0x80, s4, s19, $0xb8;
	[tilespmem:$0x19280] =	vst v63  }
0x54: {  	s8 =	sadd.s32 $0x0, s14  }
0x55: {  	[tilespmem:s25], [sflag:$0x3] =	stream.linear.gather [hbm4b:s8+s4], $0x50, $0x38;
	[tilespmem:$0x19280] =	vst v63  }
0x56: {  	_ =	swait.ge [sflag:s18], $0x50  }
0x57: {  	[sflag:s18] =	ssyncset.done $0x0  }
0x58: {  	[sflag:s18] =	ssyncadd.s32 $0xFFFFFFB0  }
0x59: {  	_ =	swait.ge [sflag:s26], $0x2800  }
0x5a: {  	[sflag:s26] =	ssyncset.done $0x0  }
0x5b: {  	[sflag:s26] =	ssyncadd.s32 $0xFFFFD800  }
0x5c: {  	[spmem:s2] =	stream.indirect.scatter.add.f32 [tilespmem:s22], [sflag:$0x3], $0x80, s25, s19, $0xb8;
	[tilespmem:$0x19280] =	vst v63  }
0x5d: {  	s29 =	simm.s32 $0x14;
	_ =	swait.ge [sflag:s18], $0x2800  }
0x5e: {  	s31 =	simm.s32 $0x28;
	s30 =	sadd.s32 $0xA0, s13;
	[sflag:s18] =	ssyncset.done $0x0  }
.LBB2_6:
0x5f: {  	s3 =	sadd.s32 s29, s15  }
0x60: {  	[sflag:s18] =	ssyncadd.s32 $0xFFFFD800;
	s8 =	smov.u32 s31;
	s0 =	sadd.s32 $0x14, s31  }
0x61: {  	[tilespmem:s21], [sflag:$0x3] =	stream.linear.gather [hbm4b:s3+s4], $0x50, $0x38;
	[tilespmem:$0x19280] =	vst v63  }
0x62: {  	p1 =	sne.s32 s31, $0x4C4;
	_ =	swait.ge [sflag:s18], $0x50  }
0x63: {  	[sflag:s18] =	ssyncset.done $0x0  }
0x64: {  	[sflag:s18] =	ssyncadd.s32 $0xFFFFFFB0  }
0x65: {  	[tilespmem:s22], [sflag:$0x2] =	stream.indirect.gather [hbm4b:s5+s19], $0x80, s21, s19, $0xb8;
	[tilespmem:$0x19280] =	vst v63  }
0x66: {  	s3 =	sadd.s32 s29, s16  }
0x67: {  	[tilespmem:s23], [sflag:$0x3] =	stream.linear.gather [hbm4b:s3+s4], $0x50, $0x38;
	[tilespmem:$0x19280] =	vst v63  }
0x68: {  	_ =	swait.ge [sflag:s18], $0x50  }
0x69: {  	[sflag:s18] =	ssyncset.done $0x0  }
0x6a: {  	[sflag:s18] =	ssyncadd.s32 $0xFFFFFFB0  }
0x6b: {  	_ =	swait.ge [sflag:s24], $0x2800  }
0x6c: {  	[sflag:s24] =	ssyncset.done $0x0  }
0x6d: {  	[sflag:s24] =	ssyncadd.s32 $0xFFFFD800  }
0x6e: {  	[spmem:s2] =	stream.indirect.scatter.add.f32 [tilespmem:s20], [sflag:$0x3], $0x80, s23, s19, $0xb8;
	[tilespmem:$0x19280] =	vst v63  }
0x6f: {  	_ =	swait.ge [sflag:s18], $0x2800  }
0x70: {  	s3 =	sshrl.u32 s30, $0x3;
	[sflag:s18] =	ssyncset.done $0x0  }
0x71: {  	s3 =	sadd.s32 s1, s3;
	[sflag:s18] =	ssyncadd.s32 $0xFFFFD800  }
0x72: {  	[tilespmem:s4], [sflag:$0x3] =	stream.linear.gather [hbm4b:s3+s4], $0x50, $0x38;
	[tilespmem:$0x19280] =	vst v63  }
0x73: {  	_ =	swait.ge [sflag:s18], $0x50  }
0x74: {  	[sflag:s18] =	ssyncset.done $0x0  }
0x75: {  	[sflag:s18] =	ssyncadd.s32 $0xFFFFFFB0  }
0x76: {  	[tilespmem:s20], [sflag:$0x1] =	stream.indirect.gather [hbm4b:s5+s19], $0x80, s4, s19, $0xb8;
	[tilespmem:$0x19280] =	vst v63  }
0x77: {  	s3 =	sadd.s32 s29, s14;
	s29 =	smov.u32 s8  }
0x78: {  	[tilespmem:s25], [sflag:$0x3] =	stream.linear.gather [hbm4b:s3+s4], $0x50, $0x38;
	[tilespmem:$0x19280] =	vst v63  }
0x79: {  	_ =	swait.ge [sflag:s18], $0x50  }
0x7a: {  	[sflag:s18] =	ssyncset.done $0x0  }
0x7b: {  	[sflag:s18] =	ssyncadd.s32 $0xFFFFFFB0  }
0x7c: {  	_ =	swait.ge [sflag:s26], $0x2800  }
.Ltmp2:
0x7d: {  	[sflag:s26] =	ssyncset.done $0x0;
	(pc) =	sbr.rel @p1 .LBB2_6-.Ltmp2, $4  }
0x7e: {  	[sflag:s26] =	ssyncadd.s32 $0xFFFFD800  }
0x7f: {  	[spmem:s2] =	stream.indirect.scatter.add.f32 [tilespmem:s22], [sflag:$0x3], $0x80, s25, s19, $0xb8;
	[tilespmem:$0x19280] =	vst v63  }
0x80: {  	_ =	swait.ge [sflag:s18], $0x2800  }
0x81: {  	s31 =	smov.u32 s0;
	s30 =	sadd.s32 $0xA0, s30;
	[sflag:s18] =	ssyncset.done $0x0  }
0x82: {  	s0 =	sadd.s32 s29, s15;
	[sflag:s18] =	ssyncadd.s32 $0xFFFFD800  }
0x83: {  	[tilespmem:s21], [sflag:$0x3] =	stream.linear.gather [hbm4b:s0+s4], $0x50, $0x38;
	[tilespmem:$0x19280] =	vst v63  }
0x84: {  	_ =	swait.ge [sflag:s18], $0x50  }
0x85: {  	[sflag:s18] =	ssyncset.done $0x0  }
0x86: {  	[sflag:s18] =	ssyncadd.s32 $0xFFFFFFB0  }
0x87: {  	[tilespmem:s22], [sflag:$0x2] =	stream.indirect.gather [hbm4b:s5+s19], $0x80, s21, s19, $0xb8;
	[tilespmem:$0x19280] =	vst v63  }
0x88: {  	s3 =	sadd.s32 s29, s16  }
0x89: {  	[tilespmem:s23], [sflag:$0x3] =	stream.linear.gather [hbm4b:s3+s4], $0x50, $0x38;
	[tilespmem:$0x19280] =	vst v63  }
0x8a: {  	_ =	swait.ge [sflag:s18], $0x50  }
0x8b: {  	[sflag:s18] =	ssyncset.done $0x0  }
0x8c: {  	[sflag:s18] =	ssyncadd.s32 $0xFFFFFFB0  }
0x8d: {  	_ =	swait.ge [sflag:s24], $0x2800  }
0x8e: {  	[sflag:s24] =	ssyncset.done $0x0  }
0x8f: {  	[sflag:s24] =	ssyncadd.s32 $0xFFFFD800  }
0x90: {  	[spmem:s2] =	stream.indirect.scatter.add.f32 [tilespmem:s20], [sflag:$0x3], $0x80, s23, s19, $0xb8;
	[tilespmem:$0x19280] =	vst v63  }
0x91: {  	_ =	swait.ge [sflag:s18], $0x2800  }
0x92: {  	s8 =	sshrl.u32 s30, $0x3;
	[sflag:s18] =	ssyncset.done $0x0  }
0x93: {  	s0 =	sadd.s32 s1, s8;
	[sflag:s18] =	ssyncadd.s32 $0xFFFFD800  }
0x94: {  	[tilespmem:s4], [sflag:$0x3] =	stream.linear.gather [hbm4b:s0+s4], $0x50, $0x38;
	[tilespmem:$0x19280] =	vst v63  }
0x95: {  	_ =	swait.ge [sflag:s18], $0x50  }
0x96: {  	[sflag:s18] =	ssyncset.done $0x0  }
0x97: {  	[sflag:s18] =	ssyncadd.s32 $0xFFFFFFB0  }
0x98: {  	[tilespmem:s20], [sflag:$0x1] =	stream.indirect.gather [hbm4b:s5+s19], $0x80, s4, s19, $0xb8;
	[tilespmem:$0x19280] =	vst v63  }
0x99: {  	s30 =	sadd.s32 s29, s14  }
0x9a: {  	[tilespmem:s25], [sflag:$0x3] =	stream.linear.gather [hbm4b:s30+s4], $0x50, $0x38;
	[tilespmem:$0x19280] =	vst v63  }
0x9b: {  	_ =	swait.ge [sflag:s18], $0x50  }
0x9c: {  	[sflag:s18] =	ssyncset.done $0x0  }
0x9d: {  	[sflag:s18] =	ssyncadd.s32 $0xFFFFFFB0  }
0x9e: {  	_ =	swait.ge [sflag:s26], $0x2800  }
0x9f: {  	[sflag:s26] =	ssyncset.done $0x0  }
0xa0: {  	[sflag:s26] =	ssyncadd.s32 $0xFFFFD800  }
0xa1: {  	[spmem:s2] =	stream.indirect.scatter.add.f32 [tilespmem:s22], [sflag:$0x3], $0x80, s25, s19, $0xb8;
	[tilespmem:$0x19280] =	vst v63  }
0xa2: {  	_ =	swait.ge [sflag:s18], $0x2800  }
0xa3: {  	[sflag:s18] =	ssyncset.done $0x0  }
0xa4: {  	[sflag:s18] =	ssyncadd.s32 $0xFFFFD800  }
0xa5: {  	[tilespmem:s23], [sflag:$0x3] =	stream.linear.gather [hbm4b:s9+s4], $0x50, $0x38;
	[tilespmem:$0x19280] =	vst v63  }
0xa6: {  	_ =	swait.ge [sflag:s18], $0x50  }
0xa7: {  	[sflag:s18] =	ssyncset.done $0x0  }
0xa8: {  	[sflag:s18] =	ssyncadd.s32 $0xFFFFFFB0  }
0xa9: {  	_ =	swait.ge [sflag:s24], $0x2800  }
0xaa: {  	[sflag:s24] =	ssyncset.done $0x0  }
0xab: {  	[sflag:s24] =	ssyncadd.s32 $0xFFFFD800  }
0xac: {  	[spmem:s2] =	stream.indirect.scatter.add.f32 [tilespmem:s20], [sflag:$0x3], $0x80, s23, s19, $0xb8;
	[tilespmem:$0x19280] =	vst v63  }
0xad: {  	_ =	swait.ge [sflag:s18], $0x2800  }
0xae: {  	s31 =	stileid.u32;
	[sflag:s18] =	ssyncset.done $0x0  }
0xaf: {  	s0 =	sshll.u32 s31, $0x6;
	[sflag:s18] =	ssyncadd.s32 $0xFFFFD800  }
0xb0: {  	s3 =	sshrl.u32 s6, $0x3;
	s0 =	sor.u32 $0x1C03, s0;
	[bflag:$0x0] =	sbarrier.arrive $0xFFFF  }
0xb1: {  	[hbm:s10], [sflag:s0] =	dma.local [spmem:s3], $0x2700  }
0xb2: {  	_ =	swait.ge [sflag:s18], $0x2700  }
0xb3: {  	s28 =	sadd.s32 $0x1, s28;
	[sflag:s18] =	ssyncset.done $0x0  }
0xb4: {  	p1 =	sne.s32 s28, s12;
	s3 =	sshrl.u32 @!p0 s7, $0x3;
	[sflag:s18] =	ssyncadd.s32 $0xFFFFD900  }
0xb5: {  	[hbm:s11], [sflag:s0] =	dma.local @!p0 [spmem:s3], $0x100  }
.Ltmp3:
0xb6: {  	_ = 	snop;
	(pc) =	sbr.rel @p1 .LBB2_1-.Ltmp3, $4  }
0xb7: {  	s0 =	simm.s32 @!p0 $0x3  }
0xb8: {  	_ =	swait.ge @!p0 [sflag:s0], $0x100  }
0xb9: {  	[sflag:s0] =	ssyncset.done @!p0 $0x0  }
0xba: {  	[sflag:s0] =	ssyncadd.s32 @!p0 $0xFFFFFF00  }
0xbb: {  	_ =	sfence.sel $0x180000  }
0xbc: {  	[bflag:$0x0] =	sbarrier.arrive $0xFFFF  }
0xbd: {  	_ =	strace $0x90000053  }
0xbe: {  	s0 =	stileid.u32;
	[bflag:$0x2] =	sbarrier.arrive $0xFFFF  }
0xbf: {  	p0 =	sne.s32 s0, $0x0;
	s0 =	rddreg [dreg:$0x4]  }
0xc0: {  	s0 =	sadd.s32 @!p0 $0x100000, s0  }
0xc1: {  	[sflag:s0] =	ssyncadd.tile.s32 @!p0 $0x1;
	_ =	shalt  }
.Lfunc_end2:
_tile_overlayer_lowered:
.L_overlay_start_2:
0xc2: {  	(tag) =	ssettag $0x2  }
0xc3: {  	s0 =	rddreg [dreg:$0x0];
	s2 =	stileid.u32  }
0xc4: {  	s1 =	rddreg [dreg:$0x1];
	p0 =	sne.s32 s2, $0x0  }
0xc5: {  	s3 =	rddreg [dreg:$0x2];
	[bflag:$0x3] =	sbarrier.arrive $0xFFFF;
	s2 =	simm.s32 @!p0 $0x1C03  }
0xc6: {  	[timem:s3], [sflag:s2] =	dma.local @!p0 [hbm:s0], s1  }
0xc7: {  	s0 =	simm.s32 @!p0 $0x3  }
0xc8: {  	_ =	swait.ge @!p0 [sflag:s0], s1  }
0xc9: {  	s1 =	ssub.s32 @!p0 $0x0, s1;
	[sflag:s0] =	ssyncset.done @!p0 $0x0  }
0xca: {  	[sflag:s0] =	ssyncadd.s32 @!p0 s1  }
0xcb: {  	[bflag:$0x3] =	sbarrier.arrive $0xFFFF  }
0xcc: {  	_ =	shalt  }

</sc_bundles>
